<compile_context>
chip_gen: v7x
topology: tpu7x:2x2x1
jax: 0.10.2.dev20260603
libtpu: 0.0.44.dev20260713+nightly
codegen_flags: <defaults>
</compile_context>

<pallas_src>
import functools

import jax
import jax.numpy as jnp
from jax import lax
from jax.experimental import pallas as pl
from jax.experimental.pallas import tpu as pltpu
from jax.experimental.pallas import tpu_sc as plsc

_B = 16384
_D = 32
_NU = 1000000
_NI = 100000
_NC = 2
_NS = 16
_NW = _NC * _NS
_BPW = _B // _NW
_CH = 128
_NQ = _BPW // _CH


def _sc_body(users, items, u_bias1, i_bias1, u_emb2, i_emb2, out,
             uidx, iidx, ub, ib,
             urb0, urb1, irb0, irb1, outv,
             semb, semu0, semu1, semi0, semi1):
    wid = lax.axis_index("s") * _NC + lax.axis_index("c")
    base = wid * _BPW

    pltpu.sync_copy(users.at[pl.ds(base, _BPW)], uidx)
    pltpu.sync_copy(items.at[pl.ds(base, _BPW)], iidx)

    bcopies = []
    for j in range(_NQ):
        s = pl.ds(j * _CH, _CH)
        bcopies.append(pltpu.async_copy(u_bias1.at[uidx.at[s]], ub.at[s], semb))
        bcopies.append(pltpu.async_copy(i_bias1.at[iidx.at[s]], ib.at[s], semb))

    ubufs = (urb0, urb1)
    ibufs = (irb0, irb1)
    usems = (semu0, semu1)
    isems = (semi0, semi1)

    def fire(q):
        s = pl.ds(q * _CH, _CH)
        return (
            pltpu.async_copy(u_emb2.at[uidx.at[s]], ubufs[q % 2], usems[q % 2]),
            pltpu.async_copy(i_emb2.at[iidx.at[s]], ibufs[q % 2], isems[q % 2]),
        )

    lane = lax.iota(jnp.int32, 16)
    dvec = jnp.zeros((16,), jnp.int32)
    pending = fire(0)
    for q in range(_NQ):
        nxt = fire(q + 1) if q + 1 < _NQ else None
        for c in pending:
            c.wait()
        pending = nxt
        bufu = ubufs[q % 2]
        bufi = ibufs[q % 2]

        def group(g, carry):
            gb = q * _CH + g * 16
            s = pl.ds(gb, 16)
            rowv = g * 16 + lane
            acc = jnp.zeros((16,), jnp.float32)
            for d in range(_D):
                uv = plsc.load_gather(bufu, [rowv, dvec + d])
                iv = plsc.load_gather(bufi, [rowv, dvec + d])
                acc = acc + uv * iv
            outv[s] = acc
            return carry

        lax.fori_loop(0, _CH // 16, group, 0)

    for c in bcopies:
        c.wait()
    for k in range(_BPW // 16):
        s = pl.ds(k * 16, 16)
        outv[s] = outv[s] + ub[s] + ib[s]

    pltpu.sync_copy(outv, out.at[pl.ds(base, _BPW)])


_mesh = plsc.VectorSubcoreMesh(core_axis_name="c", subcore_axis_name="s")

_score = functools.partial(
    pl.kernel,
    mesh=_mesh,
    compiler_params=pltpu.CompilerParams(needs_layout_passes=False,
                                         use_tc_tiling_on_sc=True),
    out_type=jax.ShapeDtypeStruct((_B,), jnp.float32),
    scratch_types=[
        pltpu.VMEM((_BPW,), jnp.int32),
        pltpu.VMEM((_BPW,), jnp.int32),
        pltpu.VMEM((_BPW,), jnp.float32),
        pltpu.VMEM((_BPW,), jnp.float32),
        pltpu.VMEM((_CH, 128), jnp.float32),
        pltpu.VMEM((_CH, 128), jnp.float32),
        pltpu.VMEM((_CH, 128), jnp.float32),
        pltpu.VMEM((_CH, 128), jnp.float32),
        pltpu.VMEM((_BPW,), jnp.float32),
        pltpu.SemaphoreType.DMA,
        pltpu.SemaphoreType.DMA,
        pltpu.SemaphoreType.DMA,
        pltpu.SemaphoreType.DMA,
        pltpu.SemaphoreType.DMA,
    ],
)(_sc_body)


@jax.jit
def kernel(users, items, u_bias_w, i_bias_w, u_embed_w, i_embed_w):
    return _score(users.astype(jnp.int32), items.astype(jnp.int32),
                  u_bias_w[:, 0], i_bias_w[:, 0],
                  jnp.pad(u_embed_w, ((0, 0), (0, 128 - _D))),
                  jnp.pad(i_embed_w, ((0, 0), (0, 128 - _D))))

# --- scband reference (transcript-rebuilt; emitter-appended) ---
"""Pipeline reference for scband-game-net-44719199486220 (READ-ONLY COPY).

The authoritative reference and input builder live on the scoring server;
editing this copy changes nothing except your own understanding.
"""

import jax, jax.numpy as jnp
import numpy as np

B = 16384
NU = 1000000
NI = 100000
D = 32


def setup_inputs(seed: int = 0) -> dict:
    key = jax.random.key(seed)
    ku, ki, k1, k2, k3, k4 = jax.random.split(key, 6)
    users = jax.random.randint(ku, (B,), 0, NU, dtype=jnp.int64 if jax.config.read('jax_enable_x64') else jnp.int32)
    items = jax.random.randint(ki, (B,), 0, NI, dtype=jnp.int64 if jax.config.read('jax_enable_x64') else jnp.int32)
    # learned parameters (mirroring GameNet init: weights scaled by 0.05, biases squared)
    u_bias_w = jnp.square(jax.random.normal(k1, (NU, 1), dtype=jnp.float32) * 0.05)
    i_bias_w = jnp.square(jax.random.normal(k2, (NI, 1), dtype=jnp.float32) * 0.05)
    u_embed_w = jax.random.normal(k3, (NU, D), dtype=jnp.float32) * 0.05
    i_embed_w = jax.random.normal(k4, (NI, D), dtype=jnp.float32) * 0.05
    return {
        'users': users,
        'items': items,
        'u_bias_w': u_bias_w,
        'i_bias_w': i_bias_w,
        'u_embed_w': u_embed_w,
        'i_embed_w': i_embed_w,
    }


def reference(users, items, u_bias_w, i_bias_w, u_embed_w, i_embed_w):
    # user representation
    ub = jnp.take(u_bias_w, users, axis=0).reshape(users.shape)
    uvec = jnp.take(u_embed_w, users, axis=0)
    # item representation (n_devs == 0 and use_genres is False, so no EmbeddingBag path)
    ib = jnp.take(i_bias_w, items, axis=0).reshape(items.shape)
    ivec = jnp.take(i_embed_w, items, axis=0)
    # score = ib + ub + vecdot(uvec, ivec)
    score = ib + ub + jnp.sum(uvec * ivec, axis=-1)
    return score

if __name__ == "__main__":
    import jax
    _d = setup_inputs()
    print(jax.jit(kernel)(*tuple(_d.values())))

</pallas_src>

<mosaic_0001>
#map = affine_map<(d0, d1) -> (0)>
#map1 = affine_map<(d0, d1) -> (0, 0)>
module attributes {stable_mosaic.version = 14 : i64} {
  func.func @_sc_body(%arg0: i32, %arg1: i32, %arg2: memref<16384xi32, #tpu.memory_space<hbm>>, %arg3: memref<16384xi32, #tpu.memory_space<hbm>>, %arg4: memref<1000000xf32, #tpu.memory_space<hbm>>, %arg5: memref<100000xf32, #tpu.memory_space<hbm>>, %arg6: memref<1000000x128xf32, #tpu.memory_space<hbm>>, %arg7: memref<100000x128xf32, #tpu.memory_space<hbm>>, %arg8: memref<16384xf32, #tpu.memory_space<hbm>>, %arg9: memref<512xi32, #tpu.memory_space<vmem>>, %arg10: memref<512xi32, #tpu.memory_space<vmem>>, %arg11: memref<512xf32, #tpu.memory_space<vmem>>, %arg12: memref<512xf32, #tpu.memory_space<vmem>>, %arg13: memref<128x128xf32, #tpu.memory_space<vmem>>, %arg14: memref<128x128xf32, #tpu.memory_space<vmem>>, %arg15: memref<128x128xf32, #tpu.memory_space<vmem>>, %arg16: memref<128x128xf32, #tpu.memory_space<vmem>>, %arg17: memref<512xf32, #tpu.memory_space<vmem>>, %arg18: memref<!tpu.dma_semaphore, #tpu.memory_space<semaphore_mem>>, %arg19: memref<!tpu.dma_semaphore, #tpu.memory_space<semaphore_mem>>, %arg20: memref<!tpu.dma_semaphore, #tpu.memory_space<semaphore_mem>>, %arg21: memref<!tpu.dma_semaphore, #tpu.memory_space<semaphore_mem>>, %arg22: memref<!tpu.dma_semaphore, #tpu.memory_space<semaphore_mem>>) attributes {dimension_semantics = [#tpu.dimension_semantics<core_parallel>, #tpu.dimension_semantics<subcore_parallel>], iteration_bounds = array<i64: 2, 16>, scalar_prefetch = 0 : i64, scratch_operands = 14 : i64, tpu.core_type = #tpu.core_type<sc_vector_subcore>, window_params = [{transform_indices = #map}, {transform_indices = #map}, {transform_indices = #map}, {transform_indices = #map}, {transform_indices = #map1}, {transform_indices = #map1}, {transform_indices = #map}]} {
    %mul3A = arith.constant 2 : i32
    %mul3A_0 = arith.muli %arg1, %mul3A : i32
    %add3A = arith.addi %mul3A_0, %arg0 : i32
    %mul3A_1 = arith.constant 512 : i32
    %mul3A_2 = arith.muli %add3A, %mul3A_1 : i32
    "tpu.region"() ({
      %run_scoped3A = tpu.sem_alloc : memref<!tpu.dma_semaphore, #tpu.memory_space<semaphore_mem>>
      %dma_start3A_519 = tpu.memref_slice %arg2[%mul3A_2] : memref<16384xi32, #tpu.memory_space<hbm>> -> memref<512xi32, #tpu.memory_space<hbm>>
      %dma_start3A_520 = tpu.memref_slice %arg2[%mul3A_2] : memref<16384xi32, #tpu.memory_space<hbm>> -> memref<512xi32, #tpu.memory_space<hbm>>
      tpu.enqueue_dma source(%dma_start3A_520 : memref<512xi32, #tpu.memory_space<hbm>>) target(%arg9 : memref<512xi32, #tpu.memory_space<vmem>>) target_semaphore(%run_scoped3A : memref<!tpu.dma_semaphore, #tpu.memory_space<semaphore_mem>>)
      %dma_wait3A_521 = tpu.memref_slice %arg2[%mul3A_2] : memref<16384xi32, #tpu.memory_space<hbm>> -> memref<512xi32, #tpu.memory_space<hbm>>
      %dma_wait3A_522 = tpu.memref_slice %arg2[%mul3A_2] : memref<16384xi32, #tpu.memory_space<hbm>> -> memref<512xi32, #tpu.memory_space<hbm>>
      tpu.wait_dma2 semaphore(%run_scoped3A : memref<!tpu.dma_semaphore, #tpu.memory_space<semaphore_mem>>) src(%dma_wait3A_522 : memref<512xi32, #tpu.memory_space<hbm>>) dst(%arg9 : memref<512xi32, #tpu.memory_space<vmem>>)
      tpu.yield
    }) : () -> ()
    "tpu.region"() ({
      %run_scoped3A = tpu.sem_alloc : memref<!tpu.dma_semaphore, #tpu.memory_space<semaphore_mem>>
      %dma_start3A_519 = tpu.memref_slice %arg3[%mul3A_2] : memref<16384xi32, #tpu.memory_space<hbm>> -> memref<512xi32, #tpu.memory_space<hbm>>
      %dma_start3A_520 = tpu.memref_slice %arg3[%mul3A_2] : memref<16384xi32, #tpu.memory_space<hbm>> -> memref<512xi32, #tpu.memory_space<hbm>>
      tpu.enqueue_dma source(%dma_start3A_520 : memref<512xi32, #tpu.memory_space<hbm>>) target(%arg10 : memref<512xi32, #tpu.memory_space<vmem>>) target_semaphore(%run_scoped3A : memref<!tpu.dma_semaphore, #tpu.memory_space<semaphore_mem>>)
      %dma_wait3A_521 = tpu.memref_slice %arg3[%mul3A_2] : memref<16384xi32, #tpu.memory_space<hbm>> -> memref<512xi32, #tpu.memory_space<hbm>>
      %dma_wait3A_522 = tpu.memref_slice %arg3[%mul3A_2] : memref<16384xi32, #tpu.memory_space<hbm>> -> memref<512xi32, #tpu.memory_space<hbm>>
      tpu.wait_dma2 semaphore(%run_scoped3A : memref<!tpu.dma_semaphore, #tpu.memory_space<semaphore_mem>>) src(%dma_wait3A_522 : memref<512xi32, #tpu.memory_space<hbm>>) dst(%arg10 : memref<512xi32, #tpu.memory_space<vmem>>)
      tpu.yield
    }) : () -> ()
    %dma_start3A = arith.constant 0 : i32
    %dma_start3A_3 = tpu.memref_slice %arg11[%dma_start3A] : memref<512xf32, #tpu.memory_space<vmem>> -> memref<128xf32, #tpu.memory_space<vmem>>
    %dma_start3A_4 = arith.constant 0 : i32
    %dma_start3A_5 = tpu.memref_slice %arg9[%dma_start3A_4] : memref<512xi32, #tpu.memory_space<vmem>> -> memref<128xi32, #tpu.memory_space<vmem>>
    %dma_start3A_6 = arith.constant 0 : i32
    %dma_start3A_7 = tpu.memref_slice %arg4[%dma_start3A_6] : memref<1000000xf32, #tpu.memory_space<hbm>> -> memref<1000000xf32, #tpu.memory_space<hbm>>
    tpu.enqueue_indirect_dma source(%dma_start3A_7 : memref<1000000xf32, #tpu.memory_space<hbm>>) target(%dma_start3A_3 : memref<128xf32, #tpu.memory_space<vmem>>) offsets(%dma_start3A_5 : memref<128xi32, #tpu.memory_space<vmem>>) semaphore(%arg18 : memref<!tpu.dma_semaphore, #tpu.memory_space<semaphore_mem>>)
    %dma_start3A_8 = arith.constant 0 : i32
    %dma_start3A_9 = tpu.memref_slice %arg12[%dma_start3A_8] : memref<512xf32, #tpu.memory_space<vmem>> -> memref<128xf32, #tpu.memory_space<vmem>>
    %dma_start3A_10 = arith.constant 0 : i32
    %dma_start3A_11 = tpu.memref_slice %arg10[%dma_start3A_10] : memref<512xi32, #tpu.memory_space<vmem>> -> memref<128xi32, #tpu.memory_space<vmem>>
    %dma_start3A_12 = arith.constant 0 : i32
    %dma_start3A_13 = tpu.memref_slice %arg5[%dma_start3A_12] : memref<100000xf32, #tpu.memory_space<hbm>> -> memref<100000xf32, #tpu.memory_space<hbm>>
    tpu.enqueue_indirect_dma source(%dma_start3A_13 : memref<100000xf32, #tpu.memory_space<hbm>>) target(%dma_start3A_9 : memref<128xf32, #tpu.memory_space<vmem>>) offsets(%dma_start3A_11 : memref<128xi32, #tpu.memory_space<vmem>>) semaphore(%arg18 : memref<!tpu.dma_semaphore, #tpu.memory_space<semaphore_mem>>)
    %dma_start3A_14 = arith.constant 128 : i32
    %dma_start3A_15 = tpu.memref_slice %arg11[%dma_start3A_14] : memref<512xf32, #tpu.memory_space<vmem>> -> memref<128xf32, #tpu.memory_space<vmem>>
    %dma_start3A_16 = arith.constant 128 : i32
    %dma_start3A_17 = tpu.memref_slice %arg9[%dma_start3A_16] : memref<512xi32, #tpu.memory_space<vmem>> -> memref<128xi32, #tpu.memory_space<vmem>>
    %dma_start3A_18 = arith.constant 0 : i32
    %dma_start3A_19 = tpu.memref_slice %arg4[%dma_start3A_18] : memref<1000000xf32, #tpu.memory_space<hbm>> -> memref<1000000xf32, #tpu.memory_space<hbm>>
    tpu.enqueue_indirect_dma source(%dma_start3A_19 : memref<1000000xf32, #tpu.memory_space<hbm>>) target(%dma_start3A_15 : memref<128xf32, #tpu.memory_space<vmem>>) offsets(%dma_start3A_17 : memref<128xi32, #tpu.memory_space<vmem>>) semaphore(%arg18 : memref<!tpu.dma_semaphore, #tpu.memory_space<semaphore_mem>>)
    %dma_start3A_20 = arith.constant 128 : i32
    %dma_start3A_21 = tpu.memref_slice %arg12[%dma_start3A_20] : memref<512xf32, #tpu.memory_space<vmem>> -> memref<128xf32, #tpu.memory_space<vmem>>
    %dma_start3A_22 = arith.constant 128 : i32
    %dma_start3A_23 = tpu.memref_slice %arg10[%dma_start3A_22] : memref<512xi32, #tpu.memory_space<vmem>> -> memref<128xi32, #tpu.memory_space<vmem>>
    %dma_start3A_24 = arith.constant 0 : i32
    %dma_start3A_25 = tpu.memref_slice %arg5[%dma_start3A_24] : memref<100000xf32, #tpu.memory_space<hbm>> -> memref<100000xf32, #tpu.memory_space<hbm>>
    tpu.enqueue_indirect_dma source(%dma_start3A_25 : memref<100000xf32, #tpu.memory_space<hbm>>) target(%dma_start3A_21 : memref<128xf32, #tpu.memory_space<vmem>>) offsets(%dma_start3A_23 : memref<128xi32, #tpu.memory_space<vmem>>) semaphore(%arg18 : memref<!tpu.dma_semaphore, #tpu.memory_space<semaphore_mem>>)
    %dma_start3A_26 = arith.constant 256 : i32
    %dma_start3A_27 = tpu.memref_slice %arg11[%dma_start3A_26] : memref<512xf32, #tpu.memory_space<vmem>> -> memref<128xf32, #tpu.memory_space<vmem>>
    %dma_start3A_28 = arith.constant 256 : i32
    %dma_start3A_29 = tpu.memref_slice %arg9[%dma_start3A_28] : memref<512xi32, #tpu.memory_space<vmem>> -> memref<128xi32, #tpu.memory_space<vmem>>
    %dma_start3A_30 = arith.constant 0 : i32
    %dma_start3A_31 = tpu.memref_slice %arg4[%dma_start3A_30] : memref<1000000xf32, #tpu.memory_space<hbm>> -> memref<1000000xf32, #tpu.memory_space<hbm>>
    tpu.enqueue_indirect_dma source(%dma_start3A_31 : memref<1000000xf32, #tpu.memory_space<hbm>>) target(%dma_start3A_27 : memref<128xf32, #tpu.memory_space<vmem>>) offsets(%dma_start3A_29 : memref<128xi32, #tpu.memory_space<vmem>>) semaphore(%arg18 : memref<!tpu.dma_semaphore, #tpu.memory_space<semaphore_mem>>)
    %dma_start3A_32 = arith.constant 256 : i32
    %dma_start3A_33 = tpu.memref_slice %arg12[%dma_start3A_32] : memref<512xf32, #tpu.memory_space<vmem>> -> memref<128xf32, #tpu.memory_space<vmem>>
    %dma_start3A_34 = arith.constant 256 : i32
    %dma_start3A_35 = tpu.memref_slice %arg10[%dma_start3A_34] : memref<512xi32, #tpu.memory_space<vmem>> -> memref<128xi32, #tpu.memory_space<vmem>>
    %dma_start3A_36 = arith.constant 0 : i32
    %dma_start3A_37 = tpu.memref_slice %arg5[%dma_start3A_36] : memref<100000xf32, #tpu.memory_space<hbm>> -> memref<100000xf32, #tpu.memory_space<hbm>>
    tpu.enqueue_indirect_dma source(%dma_start3A_37 : memref<100000xf32, #tpu.memory_space<hbm>>) target(%dma_start3A_33 : memref<128xf32, #tpu.memory_space<vmem>>) offsets(%dma_start3A_35 : memref<128xi32, #tpu.memory_space<vmem>>) semaphore(%arg18 : memref<!tpu.dma_semaphore, #tpu.memory_space<semaphore_mem>>)
    %dma_start3A_38 = arith.constant 384 : i32
    %dma_start3A_39 = tpu.memref_slice %arg11[%dma_start3A_38] : memref<512xf32, #tpu.memory_space<vmem>> -> memref<128xf32, #tpu.memory_space<vmem>>
    %dma_start3A_40 = arith.constant 384 : i32
    %dma_start3A_41 = tpu.memref_slice %arg9[%dma_start3A_40] : memref<512xi32, #tpu.memory_space<vmem>> -> memref<128xi32, #tpu.memory_space<vmem>>
    %dma_start3A_42 = arith.constant 0 : i32
    %dma_start3A_43 = tpu.memref_slice %arg4[%dma_start3A_42] : memref<1000000xf32, #tpu.memory_space<hbm>> -> memref<1000000xf32, #tpu.memory_space<hbm>>
    tpu.enqueue_indirect_dma source(%dma_start3A_43 : memref<1000000xf32, #tpu.memory_space<hbm>>) target(%dma_start3A_39 : memref<128xf32, #tpu.memory_space<vmem>>) offsets(%dma_start3A_41 : memref<128xi32, #tpu.memory_space<vmem>>) semaphore(%arg18 : memref<!tpu.dma_semaphore, #tpu.memory_space<semaphore_mem>>)
    %dma_start3A_44 = arith.constant 384 : i32
    %dma_start3A_45 = tpu.memref_slice %arg12[%dma_start3A_44] : memref<512xf32, #tpu.memory_space<vmem>> -> memref<128xf32, #tpu.memory_space<vmem>>
    %dma_start3A_46 = arith.constant 384 : i32
    %dma_start3A_47 = tpu.memref_slice %arg10[%dma_start3A_46] : memref<512xi32, #tpu.memory_space<vmem>> -> memref<128xi32, #tpu.memory_space<vmem>>
    %dma_start3A_48 = arith.constant 0 : i32
    %dma_start3A_49 = tpu.memref_slice %arg5[%dma_start3A_48] : memref<100000xf32, #tpu.memory_space<hbm>> -> memref<100000xf32, #tpu.memory_space<hbm>>
    tpu.enqueue_indirect_dma source(%dma_start3A_49 : memref<100000xf32, #tpu.memory_space<hbm>>) target(%dma_start3A_45 : memref<128xf32, #tpu.memory_space<vmem>>) offsets(%dma_start3A_47 : memref<128xi32, #tpu.memory_space<vmem>>) semaphore(%arg18 : memref<!tpu.dma_semaphore, #tpu.memory_space<semaphore_mem>>)
    %iota3A = tpu.iota {dimensions = array<i32: 0>} : vector<16xi32>
    %broadcast_in_dim3A = arith.constant 0 : i32
    %broadcast_in_dim3A_50 = vector.broadcast %broadcast_in_dim3A : i32 to vector<16xi32>
    %dma_start3A_51 = arith.constant 0 : i32
    %dma_start3A_52 = tpu.memref_slice %arg9[%dma_start3A_51] : memref<512xi32, #tpu.memory_space<vmem>> -> memref<128xi32, #tpu.memory_space<vmem>>
    %dma_start3A_53 = arith.constant 0 : i32
    %dma_start3A_54 = arith.constant 0 : i32
    %dma_start3A_55 = tpu.memref_slice %arg6[%dma_start3A_53, %dma_start3A_54] : memref<1000000x128xf32, #tpu.memory_space<hbm>> -> memref<1000000x128xf32, #tpu.memory_space<hbm>>
    tpu.enqueue_indirect_dma source(%dma_start3A_55 : memref<1000000x128xf32, #tpu.memory_space<hbm>>) target(%arg13 : memref<128x128xf32, #tpu.memory_space<vmem>>) offsets(%dma_start3A_52 : memref<128xi32, #tpu.memory_space<vmem>>) semaphore(%arg19 : memref<!tpu.dma_semaphore, #tpu.memory_space<semaphore_mem>>)
    %dma_start3A_56 = arith.constant 0 : i32
    %dma_start3A_57 = tpu.memref_slice %arg10[%dma_start3A_56] : memref<512xi32, #tpu.memory_space<vmem>> -> memref<128xi32, #tpu.memory_space<vmem>>
    %dma_start3A_58 = arith.constant 0 : i32
    %dma_start3A_59 = arith.constant 0 : i32
    %dma_start3A_60 = tpu.memref_slice %arg7[%dma_start3A_58, %dma_start3A_59] : memref<100000x128xf32, #tpu.memory_space<hbm>> -> memref<100000x128xf32, #tpu.memory_space<hbm>>
    tpu.enqueue_indirect_dma source(%dma_start3A_60 : memref<100000x128xf32, #tpu.memory_space<hbm>>) target(%arg15 : memref<128x128xf32, #tpu.memory_space<vmem>>) offsets(%dma_start3A_57 : memref<128xi32, #tpu.memory_space<vmem>>) semaphore(%arg21 : memref<!tpu.dma_semaphore, #tpu.memory_space<semaphore_mem>>)
    %dma_start3A_61 = arith.constant 128 : i32
    %dma_start3A_62 = tpu.memref_slice %arg9[%dma_start3A_61] : memref<512xi32, #tpu.memory_space<vmem>> -> memref<128xi32, #tpu.memory_space<vmem>>
    %dma_start3A_63 = arith.constant 0 : i32
    %dma_start3A_64 = arith.constant 0 : i32
    %dma_start3A_65 = tpu.memref_slice %arg6[%dma_start3A_63, %dma_start3A_64] : memref<1000000x128xf32, #tpu.memory_space<hbm>> -> memref<1000000x128xf32, #tpu.memory_space<hbm>>
    tpu.enqueue_indirect_dma source(%dma_start3A_65 : memref<1000000x128xf32, #tpu.memory_space<hbm>>) target(%arg14 : memref<128x128xf32, #tpu.memory_space<vmem>>) offsets(%dma_start3A_62 : memref<128xi32, #tpu.memory_space<vmem>>) semaphore(%arg20 : memref<!tpu.dma_semaphore, #tpu.memory_space<semaphore_mem>>)
    %dma_start3A_66 = arith.constant 128 : i32
    %dma_start3A_67 = tpu.memref_slice %arg10[%dma_start3A_66] : memref<512xi32, #tpu.memory_space<vmem>> -> memref<128xi32, #tpu.memory_space<vmem>>
    %dma_start3A_68 = arith.constant 0 : i32
    %dma_start3A_69 = arith.constant 0 : i32
    %dma_start3A_70 = tpu.memref_slice %arg7[%dma_start3A_68, %dma_start3A_69] : memref<100000x128xf32, #tpu.memory_space<hbm>> -> memref<100000x128xf32, #tpu.memory_space<hbm>>
    tpu.enqueue_indirect_dma source(%dma_start3A_70 : memref<100000x128xf32, #tpu.memory_space<hbm>>) target(%arg16 : memref<128x128xf32, #tpu.memory_space<vmem>>) offsets(%dma_start3A_67 : memref<128xi32, #tpu.memory_space<vmem>>) semaphore(%arg22 : memref<!tpu.dma_semaphore, #tpu.memory_space<semaphore_mem>>)
    %dma_wait3A = arith.constant 0 : i32
    %dma_wait3A_71 = tpu.memref_slice %arg9[%dma_wait3A] : memref<512xi32, #tpu.memory_space<vmem>> -> memref<128xi32, #tpu.memory_space<vmem>>
    %dma_wait3A_72 = arith.constant 0 : i32
    %dma_wait3A_73 = arith.constant 0 : i32
    %dma_wait3A_74 = tpu.memref_slice %arg6[%dma_wait3A_72, %dma_wait3A_73] : memref<1000000x128xf32, #tpu.memory_space<hbm>> -> memref<1000000x128xf32, #tpu.memory_space<hbm>>
    tpu.wait_indirect_dma semaphore(%arg19 : memref<!tpu.dma_semaphore, #tpu.memory_space<semaphore_mem>>) src(%dma_wait3A_74 : memref<1000000x128xf32, #tpu.memory_space<hbm>>) dst(%arg13 : memref<128x128xf32, #tpu.memory_space<vmem>>)
    %dma_wait3A_75 = arith.constant 0 : i32
    %dma_wait3A_76 = tpu.memref_slice %arg10[%dma_wait3A_75] : memref<512xi32, #tpu.memory_space<vmem>> -> memref<128xi32, #tpu.memory_space<vmem>>
    %dma_wait3A_77 = arith.constant 0 : i32
    %dma_wait3A_78 = arith.constant 0 : i32
    %dma_wait3A_79 = tpu.memref_slice %arg7[%dma_wait3A_77, %dma_wait3A_78] : memref<100000x128xf32, #tpu.memory_space<hbm>> -> memref<100000x128xf32, #tpu.memory_space<hbm>>
    tpu.wait_indirect_dma semaphore(%arg21 : memref<!tpu.dma_semaphore, #tpu.memory_space<semaphore_mem>>) src(%dma_wait3A_79 : memref<100000x128xf32, #tpu.memory_space<hbm>>) dst(%arg15 : memref<128x128xf32, #tpu.memory_space<vmem>>)
    %scan3A = arith.constant 0 : i32
    %scan3A_80 = arith.constant 0 : i32
    %scan3A_81 = arith.constant 8 : i32
    %scan3A_82 = arith.addi %scan3A_80, %scan3A_81 : i32
    %scan3A_83 = arith.constant 1 : i32
    scf.for %scan3A_519 = %scan3A_80 to %scan3A_82 step %scan3A_83  : i32 {
      %mul3A_520 = arith.constant 16 : i32
      %mul3A_521 = arith.muli %scan3A_519, %mul3A_520 : i32
      %add3A_522 = arith.constant 0 : i32
      %add3A_523 = arith.addi %add3A_522, %mul3A_521 : i32
      %mul3A_524 = arith.constant 16 : i32
      %mul3A_525 = arith.muli %scan3A_519, %mul3A_524 : i32
      %add3A_526 = vector.broadcast %mul3A_525 : i32 to vector<16xi32>
      %add3A_527 = arith.addi %add3A_526, %iota3A : vector<16xi32>
      %broadcast_in_dim3A_528 = arith.constant 0.000000e+00 : f32
      %broadcast_in_dim3A_529 = vector.broadcast %broadcast_in_dim3A_528 : f32 to vector<16xf32>
      %add3A_530 = arith.constant 0 : i32
      %add3A_531 = vector.broadcast %add3A_530 : i32 to vector<16xi32>
      %add3A_532 = arith.addi %broadcast_in_dim3A_50, %add3A_531 : vector<16xi32>
      %gather3A = tpu.vector_load_idx %arg13[%add3A_527, %add3A_532] : memref<128x128xf32, #tpu.memory_space<vmem>>[vector<16xi32>, vector<16xi32>], vector<16xf32>,
      %add3A_533 = arith.constant 0 : i32
      %add3A_534 = vector.broadcast %add3A_533 : i32 to vector<16xi32>
      %add3A_535 = arith.addi %broadcast_in_dim3A_50, %add3A_534 : vector<16xi32>
      %gather3A_536 = tpu.vector_load_idx %arg15[%add3A_527, %add3A_535] : memref<128x128xf32, #tpu.memory_space<vmem>>[vector<16xi32>, vector<16xi32>], vector<16xf32>,
      %mul3A_537 = arith.mulf %gather3A, %gather3A_536 : vector<16xf32>
      %add3A_538 = arith.addf %broadcast_in_dim3A_529, %mul3A_537 : vector<16xf32>
      %add3A_539 = arith.constant 1 : i32
      %add3A_540 = vector.broadcast %add3A_539 : i32 to vector<16xi32>
      %add3A_541 = arith.addi %broadcast_in_dim3A_50, %add3A_540 : vector<16xi32>
      %gather3A_542 = tpu.vector_load_idx %arg13[%add3A_527, %add3A_541] : memref<128x128xf32, #tpu.memory_space<vmem>>[vector<16xi32>, vector<16xi32>], vector<16xf32>,
      %add3A_543 = arith.constant 1 : i32
      %add3A_544 = vector.broadcast %add3A_543 : i32 to vector<16xi32>
      %add3A_545 = arith.addi %broadcast_in_dim3A_50, %add3A_544 : vector<16xi32>
      %gather3A_546 = tpu.vector_load_idx %arg15[%add3A_527, %add3A_545] : memref<128x128xf32, #tpu.memory_space<vmem>>[vector<16xi32>, vector<16xi32>], vector<16xf32>,
      %mul3A_547 = arith.mulf %gather3A_542, %gather3A_546 : vector<16xf32>
      %add3A_548 = arith.addf %add3A_538, %mul3A_547 : vector<16xf32>
      %add3A_549 = arith.constant 2 : i32
      %add3A_550 = vector.broadcast %add3A_549 : i32 to vector<16xi32>
      %add3A_551 = arith.addi %broadcast_in_dim3A_50, %add3A_550 : vector<16xi32>
      %gather3A_552 = tpu.vector_load_idx %arg13[%add3A_527, %add3A_551] : memref<128x128xf32, #tpu.memory_space<vmem>>[vector<16xi32>, vector<16xi32>], vector<16xf32>,
      %add3A_553 = arith.constant 2 : i32
      %add3A_554 = vector.broadcast %add3A_553 : i32 to vector<16xi32>
      %add3A_555 = arith.addi %broadcast_in_dim3A_50, %add3A_554 : vector<16xi32>
      %gather3A_556 = tpu.vector_load_idx %arg15[%add3A_527, %add3A_555] : memref<128x128xf32, #tpu.memory_space<vmem>>[vector<16xi32>, vector<16xi32>], vector<16xf32>,
      %mul3A_557 = arith.mulf %gather3A_552, %gather3A_556 : vector<16xf32>
      %add3A_558 = arith.addf %add3A_548, %mul3A_557 : vector<16xf32>
      %add3A_559 = arith.constant 3 : i32
      %add3A_560 = vector.broadcast %add3A_559 : i32 to vector<16xi32>
      %add3A_561 = arith.addi %broadcast_in_dim3A_50, %add3A_560 : vector<16xi32>
      %gather3A_562 = tpu.vector_load_idx %arg13[%add3A_527, %add3A_561] : memref<128x128xf32, #tpu.memory_space<vmem>>[vector<16xi32>, vector<16xi32>], vector<16xf32>,
      %add3A_563 = arith.constant 3 : i32
      %add3A_564 = vector.broadcast %add3A_563 : i32 to vector<16xi32>
      %add3A_565 = arith.addi %broadcast_in_dim3A_50, %add3A_564 : vector<16xi32>
      %gather3A_566 = tpu.vector_load_idx %arg15[%add3A_527, %add3A_565] : memref<128x128xf32, #tpu.memory_space<vmem>>[vector<16xi32>, vector<16xi32>], vector<16xf32>,
      %mul3A_567 = arith.mulf %gather3A_562, %gather3A_566 : vector<16xf32>
      %add3A_568 = arith.addf %add3A_558, %mul3A_567 : vector<16xf32>
      %add3A_569 = arith.constant 4 : i32
      %add3A_570 = vector.broadcast %add3A_569 : i32 to vector<16xi32>
      %add3A_571 = arith.addi %broadcast_in_dim3A_50, %add3A_570 : vector<16xi32>
      %gather3A_572 = tpu.vector_load_idx %arg13[%add3A_527, %add3A_571] : memref<128x128xf32, #tpu.memory_space<vmem>>[vector<16xi32>, vector<16xi32>], vector<16xf32>,
      %add3A_573 = arith.constant 4 : i32
      %add3A_574 = vector.broadcast %add3A_573 : i32 to vector<16xi32>
      %add3A_575 = arith.addi %broadcast_in_dim3A_50, %add3A_574 : vector<16xi32>
      %gather3A_576 = tpu.vector_load_idx %arg15[%add3A_527, %add3A_575] : memref<128x128xf32, #tpu.memory_space<vmem>>[vector<16xi32>, vector<16xi32>], vector<16xf32>,
      %mul3A_577 = arith.mulf %gather3A_572, %gather3A_576 : vector<16xf32>
      %add3A_578 = arith.addf %add3A_568, %mul3A_577 : vector<16xf32>
      %add3A_579 = arith.constant 5 : i32
      %add3A_580 = vector.broadcast %add3A_579 : i32 to vector<16xi32>
      %add3A_581 = arith.addi %broadcast_in_dim3A_50, %add3A_580 : vector<16xi32>
      %gather3A_582 = tpu.vector_load_idx %arg13[%add3A_527, %add3A_581] : memref<128x128xf32, #tpu.memory_space<vmem>>[vector<16xi32>, vector<16xi32>], vector<16xf32>,
      %add3A_583 = arith.constant 5 : i32
      %add3A_584 = vector.broadcast %add3A_583 : i32 to vector<16xi32>
      %add3A_585 = arith.addi %broadcast_in_dim3A_50, %add3A_584 : vector<16xi32>
      %gather3A_586 = tpu.vector_load_idx %arg15[%add3A_527, %add3A_585] : memref<128x128xf32, #tpu.memory_space<vmem>>[vector<16xi32>, vector<16xi32>], vector<16xf32>,
      %mul3A_587 = arith.mulf %gather3A_582, %gather3A_586 : vector<16xf32>
      %add3A_588 = arith.addf %add3A_578, %mul3A_587 : vector<16xf32>
      %add3A_589 = arith.constant 6 : i32
      %add3A_590 = vector.broadcast %add3A_589 : i32 to vector<16xi32>
      %add3A_591 = arith.addi %broadcast_in_dim3A_50, %add3A_590 : vector<16xi32>
      %gather3A_592 = tpu.vector_load_idx %arg13[%add3A_527, %add3A_591] : memref<128x128xf32, #tpu.memory_space<vmem>>[vector<16xi32>, vector<16xi32>], vector<16xf32>,
      %add3A_593 = arith.constant 6 : i32
      %add3A_594 = vector.broadcast %add3A_593 : i32 to vector<16xi32>
      %add3A_595 = arith.addi %broadcast_in_dim3A_50, %add3A_594 : vector<16xi32>
      %gather3A_596 = tpu.vector_load_idx %arg15[%add3A_527, %add3A_595] : memref<128x128xf32, #tpu.memory_space<vmem>>[vector<16xi32>, vector<16xi32>], vector<16xf32>,
      %mul3A_597 = arith.mulf %gather3A_592, %gather3A_596 : vector<16xf32>
      %add3A_598 = arith.addf %add3A_588, %mul3A_597 : vector<16xf32>
      %add3A_599 = arith.constant 7 : i32
      %add3A_600 = vector.broadcast %add3A_599 : i32 to vector<16xi32>
      %add3A_601 = arith.addi %broadcast_in_dim3A_50, %add3A_600 : vector<16xi32>
      %gather3A_602 = tpu.vector_load_idx %arg13[%add3A_527, %add3A_601] : memref<128x128xf32, #tpu.memory_space<vmem>>[vector<16xi32>, vector<16xi32>], vector<16xf32>,
      %add3A_603 = arith.constant 7 : i32
      %add3A_604 = vector.broadcast %add3A_603 : i32 to vector<16xi32>
      %add3A_605 = arith.addi %broadcast_in_dim3A_50, %add3A_604 : vector<16xi32>
      %gather3A_606 = tpu.vector_load_idx %arg15[%add3A_527, %add3A_605] : memref<128x128xf32, #tpu.memory_space<vmem>>[vector<16xi32>, vector<16xi32>], vector<16xf32>,
      %mul3A_607 = arith.mulf %gather3A_602, %gather3A_606 : vector<16xf32>
      %add3A_608 = arith.addf %add3A_598, %mul3A_607 : vector<16xf32>
      %add3A_609 = arith.constant 8 : i32
      %add3A_610 = vector.broadcast %add3A_609 : i32 to vector<16xi32>
      %add3A_611 = arith.addi %broadcast_in_dim3A_50, %add3A_610 : vector<16xi32>
      %gather3A_612 = tpu.vector_load_idx %arg13[%add3A_527, %add3A_611] : memref<128x128xf32, #tpu.memory_space<vmem>>[vector<16xi32>, vector<16xi32>], vector<16xf32>,
      %add3A_613 = arith.constant 8 : i32
      %add3A_614 = vector.broadcast %add3A_613 : i32 to vector<16xi32>
      %add3A_615 = arith.addi %broadcast_in_dim3A_50, %add3A_614 : vector<16xi32>
      %gather3A_616 = tpu.vector_load_idx %arg15[%add3A_527, %add3A_615] : memref<128x128xf32, #tpu.memory_space<vmem>>[vector<16xi32>, vector<16xi32>], vector<16xf32>,
      %mul3A_617 = arith.mulf %gather3A_612, %gather3A_616 : vector<16xf32>
      %add3A_618 = arith.addf %add3A_608, %mul3A_617 : vector<16xf32>
      %add3A_619 = arith.constant 9 : i32
      %add3A_620 = vector.broadcast %add3A_619 : i32 to vector<16xi32>
      %add3A_621 = arith.addi %broadcast_in_dim3A_50, %add3A_620 : vector<16xi32>
      %gather3A_622 = tpu.vector_load_idx %arg13[%add3A_527, %add3A_621] : memref<128x128xf32, #tpu.memory_space<vmem>>[vector<16xi32>, vector<16xi32>], vector<16xf32>,
      %add3A_623 = arith.constant 9 : i32
      %add3A_624 = vector.broadcast %add3A_623 : i32 to vector<16xi32>
      %add3A_625 = arith.addi %broadcast_in_dim3A_50, %add3A_624 : vector<16xi32>
      %gather3A_626 = tpu.vector_load_idx %arg15[%add3A_527, %add3A_625] : memref<128x128xf32, #tpu.memory_space<vmem>>[vector<16xi32>, vector<16xi32>], vector<16xf32>,
      %mul3A_627 = arith.mulf %gather3A_622, %gather3A_626 : vector<16xf32>
      %add3A_628 = arith.addf %add3A_618, %mul3A_627 : vector<16xf32>
      %add3A_629 = arith.constant 10 : i32
      %add3A_630 = vector.broadcast %add3A_629 : i32 to vector<16xi32>
      %add3A_631 = arith.addi %broadcast_in_dim3A_50, %add3A_630 : vector<16xi32>
      %gather3A_632 = tpu.vector_load_idx %arg13[%add3A_527, %add3A_631] : memref<128x128xf32, #tpu.memory_space<vmem>>[vector<16xi32>, vector<16xi32>], vector<16xf32>,
      %add3A_633 = arith.constant 10 : i32
      %add3A_634 = vector.broadcast %add3A_633 : i32 to vector<16xi32>
      %add3A_635 = arith.addi %broadcast_in_dim3A_50, %add3A_634 : vector<16xi32>
      %gather3A_636 = tpu.vector_load_idx %arg15[%add3A_527, %add3A_635] : memref<128x128xf32, #tpu.memory_space<vmem>>[vector<16xi32>, vector<16xi32>], vector<16xf32>,
      %mul3A_637 = arith.mulf %gather3A_632, %gather3A_636 : vector<16xf32>
      %add3A_638 = arith.addf %add3A_628, %mul3A_637 : vector<16xf32>
      %add3A_639 = arith.constant 11 : i32
      %add3A_640 = vector.broadcast %add3A_639 : i32 to vector<16xi32>
      %add3A_641 = arith.addi %broadcast_in_dim3A_50, %add3A_640 : vector<16xi32>
      %gather3A_642 = tpu.vector_load_idx %arg13[%add3A_527, %add3A_641] : memref<128x128xf32, #tpu.memory_space<vmem>>[vector<16xi32>, vector<16xi32>], vector<16xf32>,
      %add3A_643 = arith.constant 11 : i32
      %add3A_644 = vector.broadcast %add3A_643 : i32 to vector<16xi32>
      %add3A_645 = arith.addi %broadcast_in_dim3A_50, %add3A_644 : vector<16xi32>
      %gather3A_646 = tpu.vector_load_idx %arg15[%add3A_527, %add3A_645] : memref<128x128xf32, #tpu.memory_space<vmem>>[vector<16xi32>, vector<16xi32>], vector<16xf32>,
      %mul3A_647 = arith.mulf %gather3A_642, %gather3A_646 : vector<16xf32>
      %add3A_648 = arith.addf %add3A_638, %mul3A_647 : vector<16xf32>
      %add3A_649 = arith.constant 12 : i32
      %add3A_650 = vector.broadcast %add3A_649 : i32 to vector<16xi32>
      %add3A_651 = arith.addi %broadcast_in_dim3A_50, %add3A_650 : vector<16xi32>
      %gather3A_652 = tpu.vector_load_idx %arg13[%add3A_527, %add3A_651] : memref<128x128xf32, #tpu.memory_space<vmem>>[vector<16xi32>, vector<16xi32>], vector<16xf32>,
      %add3A_653 = arith.constant 12 : i32
      %add3A_654 = vector.broadcast %add3A_653 : i32 to vector<16xi32>
      %add3A_655 = arith.addi %broadcast_in_dim3A_50, %add3A_654 : vector<16xi32>
      %gather3A_656 = tpu.vector_load_idx %arg15[%add3A_527, %add3A_655] : memref<128x128xf32, #tpu.memory_space<vmem>>[vector<16xi32>, vector<16xi32>], vector<16xf32>,
      %mul3A_657 = arith.mulf %gather3A_652, %gather3A_656 : vector<16xf32>
      %add3A_658 = arith.addf %add3A_648, %mul3A_657 : vector<16xf32>
      %add3A_659 = arith.constant 13 : i32
      %add3A_660 = vector.broadcast %add3A_659 : i32 to vector<16xi32>
      %add3A_661 = arith.addi %broadcast_in_dim3A_50, %add3A_660 : vector<16xi32>
      %gather3A_662 = tpu.vector_load_idx %arg13[%add3A_527, %add3A_661] : memref<128x128xf32, #tpu.memory_space<vmem>>[vector<16xi32>, vector<16xi32>], vector<16xf32>,
      %add3A_663 = arith.constant 13 : i32
      %add3A_664 = vector.broadcast %add3A_663 : i32 to vector<16xi32>
      %add3A_665 = arith.addi %broadcast_in_dim3A_50, %add3A_664 : vector<16xi32>
      %gather3A_666 = tpu.vector_load_idx %arg15[%add3A_527, %add3A_665] : memref<128x128xf32, #tpu.memory_space<vmem>>[vector<16xi32>, vector<16xi32>], vector<16xf32>,
      %mul3A_667 = arith.mulf %gather3A_662, %gather3A_666 : vector<16xf32>
      %add3A_668 = arith.addf %add3A_658, %mul3A_667 : vector<16xf32>
      %add3A_669 = arith.constant 14 : i32
      %add3A_670 = vector.broadcast %add3A_669 : i32 to vector<16xi32>
      %add3A_671 = arith.addi %broadcast_in_dim3A_50, %add3A_670 : vector<16xi32>
      %gather3A_672 = tpu.vector_load_idx %arg13[%add3A_527, %add3A_671] : memref<128x128xf32, #tpu.memory_space<vmem>>[vector<16xi32>, vector<16xi32>], vector<16xf32>,
      %add3A_673 = arith.constant 14 : i32
      %add3A_674 = vector.broadcast %add3A_673 : i32 to vector<16xi32>
      %add3A_675 = arith.addi %broadcast_in_dim3A_50, %add3A_674 : vector<16xi32>
      %gather3A_676 = tpu.vector_load_idx %arg15[%add3A_527, %add3A_675] : memref<128x128xf32, #tpu.memory_space<vmem>>[vector<16xi32>, vector<16xi32>], vector<16xf32>,
      %mul3A_677 = arith.mulf %gather3A_672, %gather3A_676 : vector<16xf32>
      %add3A_678 = arith.addf %add3A_668, %mul3A_677 : vector<16xf32>
      %add3A_679 = arith.constant 15 : i32
      %add3A_680 = vector.broadcast %add3A_679 : i32 to vector<16xi32>
      %add3A_681 = arith.addi %broadcast_in_dim3A_50, %add3A_680 : vector<16xi32>
      %gather3A_682 = tpu.vector_load_idx %arg13[%add3A_527, %add3A_681] : memref<128x128xf32, #tpu.memory_space<vmem>>[vector<16xi32>, vector<16xi32>], vector<16xf32>,
      %add3A_683 = arith.constant 15 : i32
      %add3A_684 = vector.broadcast %add3A_683 : i32 to vector<16xi32>
      %add3A_685 = arith.addi %broadcast_in_dim3A_50, %add3A_684 : vector<16xi32>
      %gather3A_686 = tpu.vector_load_idx %arg15[%add3A_527, %add3A_685] : memref<128x128xf32, #tpu.memory_space<vmem>>[vector<16xi32>, vector<16xi32>], vector<16xf32>,
      %mul3A_687 = arith.mulf %gather3A_682, %gather3A_686 : vector<16xf32>
      %add3A_688 = arith.addf %add3A_678, %mul3A_687 : vector<16xf32>
      %add3A_689 = arith.constant 16 : i32
      %add3A_690 = vector.broadcast %add3A_689 : i32 to vector<16xi32>
      %add3A_691 = arith.addi %broadcast_in_dim3A_50, %add3A_690 : vector<16xi32>
      %gather3A_692 = tpu.vector_load_idx %arg13[%add3A_527, %add3A_691] : memref<128x128xf32, #tpu.memory_space<vmem>>[vector<16xi32>, vector<16xi32>], vector<16xf32>,
      %add3A_693 = arith.constant 16 : i32
      %add3A_694 = vector.broadcast %add3A_693 : i32 to vector<16xi32>
      %add3A_695 = arith.addi %broadcast_in_dim3A_50, %add3A_694 : vector<16xi32>
      %gather3A_696 = tpu.vector_load_idx %arg15[%add3A_527, %add3A_695] : memref<128x128xf32, #tpu.memory_space<vmem>>[vector<16xi32>, vector<16xi32>], vector<16xf32>,
      %mul3A_697 = arith.mulf %gather3A_692, %gather3A_696 : vector<16xf32>
      %add3A_698 = arith.addf %add3A_688, %mul3A_697 : vector<16xf32>
      %add3A_699 = arith.constant 17 : i32
      %add3A_700 = vector.broadcast %add3A_699 : i32 to vector<16xi32>
      %add3A_701 = arith.addi %broadcast_in_dim3A_50, %add3A_700 : vector<16xi32>
      %gather3A_702 = tpu.vector_load_idx %arg13[%add3A_527, %add3A_701] : memref<128x128xf32, #tpu.memory_space<vmem>>[vector<16xi32>, vector<16xi32>], vector<16xf32>,
      %add3A_703 = arith.constant 17 : i32
      %add3A_704 = vector.broadcast %add3A_703 : i32 to vector<16xi32>
      %add3A_705 = arith.addi %broadcast_in_dim3A_50, %add3A_704 : vector<16xi32>
      %gather3A_706 = tpu.vector_load_idx %arg15[%add3A_527, %add3A_705] : memref<128x128xf32, #tpu.memory_space<vmem>>[vector<16xi32>, vector<16xi32>], vector<16xf32>,
      %mul3A_707 = arith.mulf %gather3A_702, %gather3A_706 : vector<16xf32>
      %add3A_708 = arith.addf %add3A_698, %mul3A_707 : vector<16xf32>
      %add3A_709 = arith.constant 18 : i32
      %add3A_710 = vector.broadcast %add3A_709 : i32 to vector<16xi32>
      %add3A_711 = arith.addi %broadcast_in_dim3A_50, %add3A_710 : vector<16xi32>
      %gather3A_712 = tpu.vector_load_idx %arg13[%add3A_527, %add3A_711] : memref<128x128xf32, #tpu.memory_space<vmem>>[vector<16xi32>, vector<16xi32>], vector<16xf32>,
      %add3A_713 = arith.constant 18 : i32
      %add3A_714 = vector.broadcast %add3A_713 : i32 to vector<16xi32>
      %add3A_715 = arith.addi %broadcast_in_dim3A_50, %add3A_714 : vector<16xi32>
      %gather3A_716 = tpu.vector_load_idx %arg15[%add3A_527, %add3A_715] : memref<128x128xf32, #tpu.memory_space<vmem>>[vector<16xi32>, vector<16xi32>], vector<16xf32>,
      %mul3A_717 = arith.mulf %gather3A_712, %gather3A_716 : vector<16xf32>
      %add3A_718 = arith.addf %add3A_708, %mul3A_717 : vector<16xf32>
      %add3A_719 = arith.constant 19 : i32
      %add3A_720 = vector.broadcast %add3A_719 : i32 to vector<16xi32>
      %add3A_721 = arith.addi %broadcast_in_dim3A_50, %add3A_720 : vector<16xi32>
      %gather3A_722 = tpu.vector_load_idx %arg13[%add3A_527, %add3A_721] : memref<128x128xf32, #tpu.memory_space<vmem>>[vector<16xi32>, vector<16xi32>], vector<16xf32>,
      %add3A_723 = arith.constant 19 : i32
      %add3A_724 = vector.broadcast %add3A_723 : i32 to vector<16xi32>
      %add3A_725 = arith.addi %broadcast_in_dim3A_50, %add3A_724 : vector<16xi32>
      %gather3A_726 = tpu.vector_load_idx %arg15[%add3A_527, %add3A_725] : memref<128x128xf32, #tpu.memory_space<vmem>>[vector<16xi32>, vector<16xi32>], vector<16xf32>,
      %mul3A_727 = arith.mulf %gather3A_722, %gather3A_726 : vector<16xf32>
      %add3A_728 = arith.addf %add3A_718, %mul3A_727 : vector<16xf32>
      %add3A_729 = arith.constant 20 : i32
      %add3A_730 = vector.broadcast %add3A_729 : i32 to vector<16xi32>
      %add3A_731 = arith.addi %broadcast_in_dim3A_50, %add3A_730 : vector<16xi32>
      %gather3A_732 = tpu.vector_load_idx %arg13[%add3A_527, %add3A_731] : memref<128x128xf32, #tpu.memory_space<vmem>>[vector<16xi32>, vector<16xi32>], vector<16xf32>,
      %add3A_733 = arith.constant 20 : i32
      %add3A_734 = vector.broadcast %add3A_733 : i32 to vector<16xi32>
      %add3A_735 = arith.addi %broadcast_in_dim3A_50, %add3A_734 : vector<16xi32>
      %gather3A_736 = tpu.vector_load_idx %arg15[%add3A_527, %add3A_735] : memref<128x128xf32, #tpu.memory_space<vmem>>[vector<16xi32>, vector<16xi32>], vector<16xf32>,
      %mul3A_737 = arith.mulf %gather3A_732, %gather3A_736 : vector<16xf32>
      %add3A_738 = arith.addf %add3A_728, %mul3A_737 : vector<16xf32>
      %add3A_739 = arith.constant 21 : i32
      %add3A_740 = vector.broadcast %add3A_739 : i32 to vector<16xi32>
      %add3A_741 = arith.addi %broadcast_in_dim3A_50, %add3A_740 : vector<16xi32>
      %gather3A_742 = tpu.vector_load_idx %arg13[%add3A_527, %add3A_741] : memref<128x128xf32, #tpu.memory_space<vmem>>[vector<16xi32>, vector<16xi32>], vector<16xf32>,
      %add3A_743 = arith.constant 21 : i32
      %add3A_744 = vector.broadcast %add3A_743 : i32 to vector<16xi32>
      %add3A_745 = arith.addi %broadcast_in_dim3A_50, %add3A_744 : vector<16xi32>
      %gather3A_746 = tpu.vector_load_idx %arg15[%add3A_527, %add3A_745] : memref<128x128xf32, #tpu.memory_space<vmem>>[vector<16xi32>, vector<16xi32>], vector<16xf32>,
      %mul3A_747 = arith.mulf %gather3A_742, %gather3A_746 : vector<16xf32>
      %add3A_748 = arith.addf %add3A_738, %mul3A_747 : vector<16xf32>
      %add3A_749 = arith.constant 22 : i32
      %add3A_750 = vector.broadcast %add3A_749 : i32 to vector<16xi32>
      %add3A_751 = arith.addi %broadcast_in_dim3A_50, %add3A_750 : vector<16xi32>
      %gather3A_752 = tpu.vector_load_idx %arg13[%add3A_527, %add3A_751] : memref<128x128xf32, #tpu.memory_space<vmem>>[vector<16xi32>, vector<16xi32>], vector<16xf32>,
      %add3A_753 = arith.constant 22 : i32
      %add3A_754 = vector.broadcast %add3A_753 : i32 to vector<16xi32>
      %add3A_755 = arith.addi %broadcast_in_dim3A_50, %add3A_754 : vector<16xi32>
      %gather3A_756 = tpu.vector_load_idx %arg15[%add3A_527, %add3A_755] : memref<128x128xf32, #tpu.memory_space<vmem>>[vector<16xi32>, vector<16xi32>], vector<16xf32>,
      %mul3A_757 = arith.mulf %gather3A_752, %gather3A_756 : vector<16xf32>
      %add3A_758 = arith.addf %add3A_748, %mul3A_757 : vector<16xf32>
      %add3A_759 = arith.constant 23 : i32
      %add3A_760 = vector.broadcast %add3A_759 : i32 to vector<16xi32>
      %add3A_761 = arith.addi %broadcast_in_dim3A_50, %add3A_760 : vector<16xi32>
      %gather3A_762 = tpu.vector_load_idx %arg13[%add3A_527, %add3A_761] : memref<128x128xf32, #tpu.memory_space<vmem>>[vector<16xi32>, vector<16xi32>], vector<16xf32>,
      %add3A_763 = arith.constant 23 : i32
      %add3A_764 = vector.broadcast %add3A_763 : i32 to vector<16xi32>
      %add3A_765 = arith.addi %broadcast_in_dim3A_50, %add3A_764 : vector<16xi32>
      %gather3A_766 = tpu.vector_load_idx %arg15[%add3A_527, %add3A_765] : memref<128x128xf32, #tpu.memory_space<vmem>>[vector<16xi32>, vector<16xi32>], vector<16xf32>,
      %mul3A_767 = arith.mulf %gather3A_762, %gather3A_766 : vector<16xf32>
      %add3A_768 = arith.addf %add3A_758, %mul3A_767 : vector<16xf32>
      %add3A_769 = arith.constant 24 : i32
      %add3A_770 = vector.broadcast %add3A_769 : i32 to vector<16xi32>
      %add3A_771 = arith.addi %broadcast_in_dim3A_50, %add3A_770 : vector<16xi32>
      %gather3A_772 = tpu.vector_load_idx %arg13[%add3A_527, %add3A_771] : memref<128x128xf32, #tpu.memory_space<vmem>>[vector<16xi32>, vector<16xi32>], vector<16xf32>,
      %add3A_773 = arith.constant 24 : i32
      %add3A_774 = vector.broadcast %add3A_773 : i32 to vector<16xi32>
      %add3A_775 = arith.addi %broadcast_in_dim3A_50, %add3A_774 : vector<16xi32>
      %gather3A_776 = tpu.vector_load_idx %arg15[%add3A_527, %add3A_775] : memref<128x128xf32, #tpu.memory_space<vmem>>[vector<16xi32>, vector<16xi32>], vector<16xf32>,
      %mul3A_777 = arith.mulf %gather3A_772, %gather3A_776 : vector<16xf32>
      %add3A_778 = arith.addf %add3A_768, %mul3A_777 : vector<16xf32>
      %add3A_779 = arith.constant 25 : i32
      %add3A_780 = vector.broadcast %add3A_779 : i32 to vector<16xi32>
      %add3A_781 = arith.addi %broadcast_in_dim3A_50, %add3A_780 : vector<16xi32>
      %gather3A_782 = tpu.vector_load_idx %arg13[%add3A_527, %add3A_781] : memref<128x128xf32, #tpu.memory_space<vmem>>[vector<16xi32>, vector<16xi32>], vector<16xf32>,
      %add3A_783 = arith.constant 25 : i32
      %add3A_784 = vector.broadcast %add3A_783 : i32 to vector<16xi32>
      %add3A_785 = arith.addi %broadcast_in_dim3A_50, %add3A_784 : vector<16xi32>
      %gather3A_786 = tpu.vector_load_idx %arg15[%add3A_527, %add3A_785] : memref<128x128xf32, #tpu.memory_space<vmem>>[vector<16xi32>, vector<16xi32>], vector<16xf32>,
      %mul3A_787 = arith.mulf %gather3A_782, %gather3A_786 : vector<16xf32>
      %add3A_788 = arith.addf %add3A_778, %mul3A_787 : vector<16xf32>
      %add3A_789 = arith.constant 26 : i32
      %add3A_790 = vector.broadcast %add3A_789 : i32 to vector<16xi32>
      %add3A_791 = arith.addi %broadcast_in_dim3A_50, %add3A_790 : vector<16xi32>
      %gather3A_792 = tpu.vector_load_idx %arg13[%add3A_527, %add3A_791] : memref<128x128xf32, #tpu.memory_space<vmem>>[vector<16xi32>, vector<16xi32>], vector<16xf32>,
      %add3A_793 = arith.constant 26 : i32
      %add3A_794 = vector.broadcast %add3A_793 : i32 to vector<16xi32>
      %add3A_795 = arith.addi %broadcast_in_dim3A_50, %add3A_794 : vector<16xi32>
      %gather3A_796 = tpu.vector_load_idx %arg15[%add3A_527, %add3A_795] : memref<128x128xf32, #tpu.memory_space<vmem>>[vector<16xi32>, vector<16xi32>], vector<16xf32>,
      %mul3A_797 = arith.mulf %gather3A_792, %gather3A_796 : vector<16xf32>
      %add3A_798 = arith.addf %add3A_788, %mul3A_797 : vector<16xf32>
      %add3A_799 = arith.constant 27 : i32
      %add3A_800 = vector.broadcast %add3A_799 : i32 to vector<16xi32>
      %add3A_801 = arith.addi %broadcast_in_dim3A_50, %add3A_800 : vector<16xi32>
      %gather3A_802 = tpu.vector_load_idx %arg13[%add3A_527, %add3A_801] : memref<128x128xf32, #tpu.memory_space<vmem>>[vector<16xi32>, vector<16xi32>], vector<16xf32>,
      %add3A_803 = arith.constant 27 : i32
      %add3A_804 = vector.broadcast %add3A_803 : i32 to vector<16xi32>
      %add3A_805 = arith.addi %broadcast_in_dim3A_50, %add3A_804 : vector<16xi32>
      %gather3A_806 = tpu.vector_load_idx %arg15[%add3A_527, %add3A_805] : memref<128x128xf32, #tpu.memory_space<vmem>>[vector<16xi32>, vector<16xi32>], vector<16xf32>,
      %mul3A_807 = arith.mulf %gather3A_802, %gather3A_806 : vector<16xf32>
      %add3A_808 = arith.addf %add3A_798, %mul3A_807 : vector<16xf32>
      %add3A_809 = arith.constant 28 : i32
      %add3A_810 = vector.broadcast %add3A_809 : i32 to vector<16xi32>
      %add3A_811 = arith.addi %broadcast_in_dim3A_50, %add3A_810 : vector<16xi32>
      %gather3A_812 = tpu.vector_load_idx %arg13[%add3A_527, %add3A_811] : memref<128x128xf32, #tpu.memory_space<vmem>>[vector<16xi32>, vector<16xi32>], vector<16xf32>,
      %add3A_813 = arith.constant 28 : i32
      %add3A_814 = vector.broadcast %add3A_813 : i32 to vector<16xi32>
      %add3A_815 = arith.addi %broadcast_in_dim3A_50, %add3A_814 : vector<16xi32>
      %gather3A_816 = tpu.vector_load_idx %arg15[%add3A_527, %add3A_815] : memref<128x128xf32, #tpu.memory_space<vmem>>[vector<16xi32>, vector<16xi32>], vector<16xf32>,
      %mul3A_817 = arith.mulf %gather3A_812, %gather3A_816 : vector<16xf32>
      %add3A_818 = arith.addf %add3A_808, %mul3A_817 : vector<16xf32>
      %add3A_819 = arith.constant 29 : i32
      %add3A_820 = vector.broadcast %add3A_819 : i32 to vector<16xi32>
      %add3A_821 = arith.addi %broadcast_in_dim3A_50, %add3A_820 : vector<16xi32>
      %gather3A_822 = tpu.vector_load_idx %arg13[%add3A_527, %add3A_821] : memref<128x128xf32, #tpu.memory_space<vmem>>[vector<16xi32>, vector<16xi32>], vector<16xf32>,
      %add3A_823 = arith.constant 29 : i32
      %add3A_824 = vector.broadcast %add3A_823 : i32 to vector<16xi32>
      %add3A_825 = arith.addi %broadcast_in_dim3A_50, %add3A_824 : vector<16xi32>
      %gather3A_826 = tpu.vector_load_idx %arg15[%add3A_527, %add3A_825] : memref<128x128xf32, #tpu.memory_space<vmem>>[vector<16xi32>, vector<16xi32>], vector<16xf32>,
      %mul3A_827 = arith.mulf %gather3A_822, %gather3A_826 : vector<16xf32>
      %add3A_828 = arith.addf %add3A_818, %mul3A_827 : vector<16xf32>
      %add3A_829 = arith.constant 30 : i32
      %add3A_830 = vector.broadcast %add3A_829 : i32 to vector<16xi32>
      %add3A_831 = arith.addi %broadcast_in_dim3A_50, %add3A_830 : vector<16xi32>
      %gather3A_832 = tpu.vector_load_idx %arg13[%add3A_527, %add3A_831] : memref<128x128xf32, #tpu.memory_space<vmem>>[vector<16xi32>, vector<16xi32>], vector<16xf32>,
      %add3A_833 = arith.constant 30 : i32
      %add3A_834 = vector.broadcast %add3A_833 : i32 to vector<16xi32>
      %add3A_835 = arith.addi %broadcast_in_dim3A_50, %add3A_834 : vector<16xi32>
      %gather3A_836 = tpu.vector_load_idx %arg15[%add3A_527, %add3A_835] : memref<128x128xf32, #tpu.memory_space<vmem>>[vector<16xi32>, vector<16xi32>], vector<16xf32>,
      %mul3A_837 = arith.mulf %gather3A_832, %gather3A_836 : vector<16xf32>
      %add3A_838 = arith.addf %add3A_828, %mul3A_837 : vector<16xf32>
      %add3A_839 = arith.constant 31 : i32
      %add3A_840 = vector.broadcast %add3A_839 : i32 to vector<16xi32>
      %add3A_841 = arith.addi %broadcast_in_dim3A_50, %add3A_840 : vector<16xi32>
      %gather3A_842 = tpu.vector_load_idx %arg13[%add3A_527, %add3A_841] : memref<128x128xf32, #tpu.memory_space<vmem>>[vector<16xi32>, vector<16xi32>], vector<16xf32>,
      %add3A_843 = arith.constant 31 : i32
      %add3A_844 = vector.broadcast %add3A_843 : i32 to vector<16xi32>
      %add3A_845 = arith.addi %broadcast_in_dim3A_50, %add3A_844 : vector<16xi32>
      %gather3A_846 = tpu.vector_load_idx %arg15[%add3A_527, %add3A_845] : memref<128x128xf32, #tpu.memory_space<vmem>>[vector<16xi32>, vector<16xi32>], vector<16xf32>,
      %mul3A_847 = arith.mulf %gather3A_842, %gather3A_846 : vector<16xf32>
      %add3A_848 = arith.addf %add3A_838, %mul3A_847 : vector<16xf32>
      %swap3A_849 = arith.index_cast %add3A_523 : i32 to index
      %swap3A_850 = tpu.vector_load %arg17[%swap3A_849] {strides = array<i32>} : memref<512xf32, #tpu.memory_space<vmem>>, vector<16xf32>,
      tpu.vector_store %arg17[%swap3A_849], %add3A_848 {strides = array<i32>} : memref<512xf32, #tpu.memory_space<vmem>>, vector<16xf32>,
    }
    %scan3A_84 = arith.constant 8 : i32
    %dma_start3A_85 = arith.constant 256 : i32
    %dma_start3A_86 = tpu.memref_slice %arg9[%dma_start3A_85] : memref<512xi32, #tpu.memory_space<vmem>> -> memref<128xi32, #tpu.memory_space<vmem>>
    %dma_start3A_87 = arith.constant 0 : i32
    %dma_start3A_88 = arith.constant 0 : i32
    %dma_start3A_89 = tpu.memref_slice %arg6[%dma_start3A_87, %dma_start3A_88] : memref<1000000x128xf32, #tpu.memory_space<hbm>> -> memref<1000000x128xf32, #tpu.memory_space<hbm>>
    tpu.enqueue_indirect_dma source(%dma_start3A_89 : memref<1000000x128xf32, #tpu.memory_space<hbm>>) target(%arg13 : memref<128x128xf32, #tpu.memory_space<vmem>>) offsets(%dma_start3A_86 : memref<128xi32, #tpu.memory_space<vmem>>) semaphore(%arg19 : memref<!tpu.dma_semaphore, #tpu.memory_space<semaphore_mem>>)
    %dma_start3A_90 = arith.constant 256 : i32
    %dma_start3A_91 = tpu.memref_slice %arg10[%dma_start3A_90] : memref<512xi32, #tpu.memory_space<vmem>> -> memref<128xi32, #tpu.memory_space<vmem>>
    %dma_start3A_92 = arith.constant 0 : i32
    %dma_start3A_93 = arith.constant 0 : i32
    %dma_start3A_94 = tpu.memref_slice %arg7[%dma_start3A_92, %dma_start3A_93] : memref<100000x128xf32, #tpu.memory_space<hbm>> -> memref<100000x128xf32, #tpu.memory_space<hbm>>
    tpu.enqueue_indirect_dma source(%dma_start3A_94 : memref<100000x128xf32, #tpu.memory_space<hbm>>) target(%arg15 : memref<128x128xf32, #tpu.memory_space<vmem>>) offsets(%dma_start3A_91 : memref<128xi32, #tpu.memory_space<vmem>>) semaphore(%arg21 : memref<!tpu.dma_semaphore, #tpu.memory_space<semaphore_mem>>)
    %dma_wait3A_95 = arith.constant 128 : i32
    %dma_wait3A_96 = tpu.memref_slice %arg9[%dma_wait3A_95] : memref<512xi32, #tpu.memory_space<vmem>> -> memref<128xi32, #tpu.memory_space<vmem>>
    %dma_wait3A_97 = arith.constant 0 : i32
    %dma_wait3A_98 = arith.constant 0 : i32
    %dma_wait3A_99 = tpu.memref_slice %arg6[%dma_wait3A_97, %dma_wait3A_98] : memref<1000000x128xf32, #tpu.memory_space<hbm>> -> memref<1000000x128xf32, #tpu.memory_space<hbm>>
    tpu.wait_indirect_dma semaphore(%arg20 : memref<!tpu.dma_semaphore, #tpu.memory_space<semaphore_mem>>) src(%dma_wait3A_99 : memref<1000000x128xf32, #tpu.memory_space<hbm>>) dst(%arg14 : memref<128x128xf32, #tpu.memory_space<vmem>>)
    %dma_wait3A_100 = arith.constant 128 : i32
    %dma_wait3A_101 = tpu.memref_slice %arg10[%dma_wait3A_100] : memref<512xi32, #tpu.memory_space<vmem>> -> memref<128xi32, #tpu.memory_space<vmem>>
    %dma_wait3A_102 = arith.constant 0 : i32
    %dma_wait3A_103 = arith.constant 0 : i32
    %dma_wait3A_104 = tpu.memref_slice %arg7[%dma_wait3A_102, %dma_wait3A_103] : memref<100000x128xf32, #tpu.memory_space<hbm>> -> memref<100000x128xf32, #tpu.memory_space<hbm>>
    tpu.wait_indirect_dma semaphore(%arg22 : memref<!tpu.dma_semaphore, #tpu.memory_space<semaphore_mem>>) src(%dma_wait3A_104 : memref<100000x128xf32, #tpu.memory_space<hbm>>) dst(%arg16 : memref<128x128xf32, #tpu.memory_space<vmem>>)
    %scan3A_105 = arith.constant 0 : i32
    %scan3A_106 = arith.constant 0 : i32
    %scan3A_107 = arith.constant 8 : i32
    %scan3A_108 = arith.addi %scan3A_106, %scan3A_107 : i32
    %scan3A_109 = arith.constant 1 : i32
    scf.for %scan3A_519 = %scan3A_106 to %scan3A_108 step %scan3A_109  : i32 {
      %mul3A_520 = arith.constant 16 : i32
      %mul3A_521 = arith.muli %scan3A_519, %mul3A_520 : i32
      %add3A_522 = arith.constant 128 : i32
      %add3A_523 = arith.addi %add3A_522, %mul3A_521 : i32
      %mul3A_524 = arith.constant 16 : i32
      %mul3A_525 = arith.muli %scan3A_519, %mul3A_524 : i32
      %add3A_526 = vector.broadcast %mul3A_525 : i32 to vector<16xi32>
      %add3A_527 = arith.addi %add3A_526, %iota3A : vector<16xi32>
      %broadcast_in_dim3A_528 = arith.constant 0.000000e+00 : f32
      %broadcast_in_dim3A_529 = vector.broadcast %broadcast_in_dim3A_528 : f32 to vector<16xf32>
      %add3A_530 = arith.constant 0 : i32
      %add3A_531 = vector.broadcast %add3A_530 : i32 to vector<16xi32>
      %add3A_532 = arith.addi %broadcast_in_dim3A_50, %add3A_531 : vector<16xi32>
      %gather3A = tpu.vector_load_idx %arg14[%add3A_527, %add3A_532] : memref<128x128xf32, #tpu.memory_space<vmem>>[vector<16xi32>, vector<16xi32>], vector<16xf32>,
      %add3A_533 = arith.constant 0 : i32
      %add3A_534 = vector.broadcast %add3A_533 : i32 to vector<16xi32>
      %add3A_535 = arith.addi %broadcast_in_dim3A_50, %add3A_534 : vector<16xi32>
      %gather3A_536 = tpu.vector_load_idx %arg16[%add3A_527, %add3A_535] : memref<128x128xf32, #tpu.memory_space<vmem>>[vector<16xi32>, vector<16xi32>], vector<16xf32>,
      %mul3A_537 = arith.mulf %gather3A, %gather3A_536 : vector<16xf32>
      %add3A_538 = arith.addf %broadcast_in_dim3A_529, %mul3A_537 : vector<16xf32>
      %add3A_539 = arith.constant 1 : i32
      %add3A_540 = vector.broadcast %add3A_539 : i32 to vector<16xi32>
      %add3A_541 = arith.addi %broadcast_in_dim3A_50, %add3A_540 : vector<16xi32>
      %gather3A_542 = tpu.vector_load_idx %arg14[%add3A_527, %add3A_541] : memref<128x128xf32, #tpu.memory_space<vmem>>[vector<16xi32>, vector<16xi32>], vector<16xf32>,
      %add3A_543 = arith.constant 1 : i32
      %add3A_544 = vector.broadcast %add3A_543 : i32 to vector<16xi32>
      %add3A_545 = arith.addi %broadcast_in_dim3A_50, %add3A_544 : vector<16xi32>
      %gather3A_546 = tpu.vector_load_idx %arg16[%add3A_527, %add3A_545] : memref<128x128xf32, #tpu.memory_space<vmem>>[vector<16xi32>, vector<16xi32>], vector<16xf32>,
      %mul3A_547 = arith.mulf %gather3A_542, %gather3A_546 : vector<16xf32>
      %add3A_548 = arith.addf %add3A_538, %mul3A_547 : vector<16xf32>
      %add3A_549 = arith.constant 2 : i32
      %add3A_550 = vector.broadcast %add3A_549 : i32 to vector<16xi32>
      %add3A_551 = arith.addi %broadcast_in_dim3A_50, %add3A_550 : vector<16xi32>
      %gather3A_552 = tpu.vector_load_idx %arg14[%add3A_527, %add3A_551] : memref<128x128xf32, #tpu.memory_space<vmem>>[vector<16xi32>, vector<16xi32>], vector<16xf32>,
      %add3A_553 = arith.constant 2 : i32
      %add3A_554 = vector.broadcast %add3A_553 : i32 to vector<16xi32>
      %add3A_555 = arith.addi %broadcast_in_dim3A_50, %add3A_554 : vector<16xi32>
      %gather3A_556 = tpu.vector_load_idx %arg16[%add3A_527, %add3A_555] : memref<128x128xf32, #tpu.memory_space<vmem>>[vector<16xi32>, vector<16xi32>], vector<16xf32>,
      %mul3A_557 = arith.mulf %gather3A_552, %gather3A_556 : vector<16xf32>
      %add3A_558 = arith.addf %add3A_548, %mul3A_557 : vector<16xf32>
      %add3A_559 = arith.constant 3 : i32
      %add3A_560 = vector.broadcast %add3A_559 : i32 to vector<16xi32>
      %add3A_561 = arith.addi %broadcast_in_dim3A_50, %add3A_560 : vector<16xi32>
      %gather3A_562 = tpu.vector_load_idx %arg14[%add3A_527, %add3A_561] : memref<128x128xf32, #tpu.memory_space<vmem>>[vector<16xi32>, vector<16xi32>], vector<16xf32>,
      %add3A_563 = arith.constant 3 : i32
      %add3A_564 = vector.broadcast %add3A_563 : i32 to vector<16xi32>
      %add3A_565 = arith.addi %broadcast_in_dim3A_50, %add3A_564 : vector<16xi32>
      %gather3A_566 = tpu.vector_load_idx %arg16[%add3A_527, %add3A_565] : memref<128x128xf32, #tpu.memory_space<vmem>>[vector<16xi32>, vector<16xi32>], vector<16xf32>,
      %mul3A_567 = arith.mulf %gather3A_562, %gather3A_566 : vector<16xf32>
      %add3A_568 = arith.addf %add3A_558, %mul3A_567 : vector<16xf32>
      %add3A_569 = arith.constant 4 : i32
      %add3A_570 = vector.broadcast %add3A_569 : i32 to vector<16xi32>
      %add3A_571 = arith.addi %broadcast_in_dim3A_50, %add3A_570 : vector<16xi32>
      %gather3A_572 = tpu.vector_load_idx %arg14[%add3A_527, %add3A_571] : memref<128x128xf32, #tpu.memory_space<vmem>>[vector<16xi32>, vector<16xi32>], vector<16xf32>,
      %add3A_573 = arith.constant 4 : i32
      %add3A_574 = vector.broadcast %add3A_573 : i32 to vector<16xi32>
      %add3A_575 = arith.addi %broadcast_in_dim3A_50, %add3A_574 : vector<16xi32>
      %gather3A_576 = tpu.vector_load_idx %arg16[%add3A_527, %add3A_575] : memref<128x128xf32, #tpu.memory_space<vmem>>[vector<16xi32>, vector<16xi32>], vector<16xf32>,
      %mul3A_577 = arith.mulf %gather3A_572, %gather3A_576 : vector<16xf32>
      %add3A_578 = arith.addf %add3A_568, %mul3A_577 : vector<16xf32>
      %add3A_579 = arith.constant 5 : i32
      %add3A_580 = vector.broadcast %add3A_579 : i32 to vector<16xi32>
      %add3A_581 = arith.addi %broadcast_in_dim3A_50, %add3A_580 : vector<16xi32>
      %gather3A_582 = tpu.vector_load_idx %arg14[%add3A_527, %add3A_581] : memref<128x128xf32, #tpu.memory_space<vmem>>[vector<16xi32>, vector<16xi32>], vector<16xf32>,
      %add3A_583 = arith.constant 5 : i32
      %add3A_584 = vector.broadcast %add3A_583 : i32 to vector<16xi32>
      %add3A_585 = arith.addi %broadcast_in_dim3A_50, %add3A_584 : vector<16xi32>
      %gather3A_586 = tpu.vector_load_idx %arg16[%add3A_527, %add3A_585] : memref<128x128xf32, #tpu.memory_space<vmem>>[vector<16xi32>, vector<16xi32>], vector<16xf32>,
      %mul3A_587 = arith.mulf %gather3A_582, %gather3A_586 : vector<16xf32>
      %add3A_588 = arith.addf %add3A_578, %mul3A_587 : vector<16xf32>
      %add3A_589 = arith.constant 6 : i32
      %add3A_590 = vector.broadcast %add3A_589 : i32 to vector<16xi32>
      %add3A_591 = arith.addi %broadcast_in_dim3A_50, %add3A_590 : vector<16xi32>
      %gather3A_592 = tpu.vector_load_idx %arg14[%add3A_527, %add3A_591] : memref<128x128xf32, #tpu.memory_space<vmem>>[vector<16xi32>, vector<16xi32>], vector<16xf32>,
      %add3A_593 = arith.constant 6 : i32
      %add3A_594 = vector.broadcast %add3A_593 : i32 to vector<16xi32>
      %add3A_595 = arith.addi %broadcast_in_dim3A_50, %add3A_594 : vector<16xi32>
      %gather3A_596 = tpu.vector_load_idx %arg16[%add3A_527, %add3A_595] : memref<128x128xf32, #tpu.memory_space<vmem>>[vector<16xi32>, vector<16xi32>], vector<16xf32>,
      %mul3A_597 = arith.mulf %gather3A_592, %gather3A_596 : vector<16xf32>
      %add3A_598 = arith.addf %add3A_588, %mul3A_597 : vector<16xf32>
      %add3A_599 = arith.constant 7 : i32
      %add3A_600 = vector.broadcast %add3A_599 : i32 to vector<16xi32>
      %add3A_601 = arith.addi %broadcast_in_dim3A_50, %add3A_600 : vector<16xi32>
      %gather3A_602 = tpu.vector_load_idx %arg14[%add3A_527, %add3A_601] : memref<128x128xf32, #tpu.memory_space<vmem>>[vector<16xi32>, vector<16xi32>], vector<16xf32>,
      %add3A_603 = arith.constant 7 : i32
      %add3A_604 = vector.broadcast %add3A_603 : i32 to vector<16xi32>
      %add3A_605 = arith.addi %broadcast_in_dim3A_50, %add3A_604 : vector<16xi32>
      %gather3A_606 = tpu.vector_load_idx %arg16[%add3A_527, %add3A_605] : memref<128x128xf32, #tpu.memory_space<vmem>>[vector<16xi32>, vector<16xi32>], vector<16xf32>,
      %mul3A_607 = arith.mulf %gather3A_602, %gather3A_606 : vector<16xf32>
      %add3A_608 = arith.addf %add3A_598, %mul3A_607 : vector<16xf32>
      %add3A_609 = arith.constant 8 : i32
      %add3A_610 = vector.broadcast %add3A_609 : i32 to vector<16xi32>
      %add3A_611 = arith.addi %broadcast_in_dim3A_50, %add3A_610 : vector<16xi32>
      %gather3A_612 = tpu.vector_load_idx %arg14[%add3A_527, %add3A_611] : memref<128x128xf32, #tpu.memory_space<vmem>>[vector<16xi32>, vector<16xi32>], vector<16xf32>,
      %add3A_613 = arith.constant 8 : i32
      %add3A_614 = vector.broadcast %add3A_613 : i32 to vector<16xi32>
      %add3A_615 = arith.addi %broadcast_in_dim3A_50, %add3A_614 : vector<16xi32>
      %gather3A_616 = tpu.vector_load_idx %arg16[%add3A_527, %add3A_615] : memref<128x128xf32, #tpu.memory_space<vmem>>[vector<16xi32>, vector<16xi32>], vector<16xf32>,
      %mul3A_617 = arith.mulf %gather3A_612, %gather3A_616 : vector<16xf32>
      %add3A_618 = arith.addf %add3A_608, %mul3A_617 : vector<16xf32>
      %add3A_619 = arith.constant 9 : i32
      %add3A_620 = vector.broadcast %add3A_619 : i32 to vector<16xi32>
      %add3A_621 = arith.addi %broadcast_in_dim3A_50, %add3A_620 : vector<16xi32>
      %gather3A_622 = tpu.vector_load_idx %arg14[%add3A_527, %add3A_621] : memref<128x128xf32, #tpu.memory_space<vmem>>[vector<16xi32>, vector<16xi32>], vector<16xf32>,
      %add3A_623 = arith.constant 9 : i32
      %add3A_624 = vector.broadcast %add3A_623 : i32 to vector<16xi32>
      %add3A_625 = arith.addi %broadcast_in_dim3A_50, %add3A_624 : vector<16xi32>
      %gather3A_626 = tpu.vector_load_idx %arg16[%add3A_527, %add3A_625] : memref<128x128xf32, #tpu.memory_space<vmem>>[vector<16xi32>, vector<16xi32>], vector<16xf32>,
      %mul3A_627 = arith.mulf %gather3A_622, %gather3A_626 : vector<16xf32>
      %add3A_628 = arith.addf %add3A_618, %mul3A_627 : vector<16xf32>
      %add3A_629 = arith.constant 10 : i32
      %add3A_630 = vector.broadcast %add3A_629 : i32 to vector<16xi32>
      %add3A_631 = arith.addi %broadcast_in_dim3A_50, %add3A_630 : vector<16xi32>
      %gather3A_632 = tpu.vector_load_idx %arg14[%add3A_527, %add3A_631] : memref<128x128xf32, #tpu.memory_space<vmem>>[vector<16xi32>, vector<16xi32>], vector<16xf32>,
      %add3A_633 = arith.constant 10 : i32
      %add3A_634 = vector.broadcast %add3A_633 : i32 to vector<16xi32>
      %add3A_635 = arith.addi %broadcast_in_dim3A_50, %add3A_634 : vector<16xi32>
      %gather3A_636 = tpu.vector_load_idx %arg16[%add3A_527, %add3A_635] : memref<128x128xf32, #tpu.memory_space<vmem>>[vector<16xi32>, vector<16xi32>], vector<16xf32>,
      %mul3A_637 = arith.mulf %gather3A_632, %gather3A_636 : vector<16xf32>
      %add3A_638 = arith.addf %add3A_628, %mul3A_637 : vector<16xf32>
      %add3A_639 = arith.constant 11 : i32
      %add3A_640 = vector.broadcast %add3A_639 : i32 to vector<16xi32>
      %add3A_641 = arith.addi %broadcast_in_dim3A_50, %add3A_640 : vector<16xi32>
      %gather3A_642 = tpu.vector_load_idx %arg14[%add3A_527, %add3A_641] : memref<128x128xf32, #tpu.memory_space<vmem>>[vector<16xi32>, vector<16xi32>], vector<16xf32>,
      %add3A_643 = arith.constant 11 : i32
      %add3A_644 = vector.broadcast %add3A_643 : i32 to vector<16xi32>
      %add3A_645 = arith.addi %broadcast_in_dim3A_50, %add3A_644 : vector<16xi32>
      %gather3A_646 = tpu.vector_load_idx %arg16[%add3A_527, %add3A_645] : memref<128x128xf32, #tpu.memory_space<vmem>>[vector<16xi32>, vector<16xi32>], vector<16xf32>,
      %mul3A_647 = arith.mulf %gather3A_642, %gather3A_646 : vector<16xf32>
      %add3A_648 = arith.addf %add3A_638, %mul3A_647 : vector<16xf32>
      %add3A_649 = arith.constant 12 : i32
      %add3A_650 = vector.broadcast %add3A_649 : i32 to vector<16xi32>
      %add3A_651 = arith.addi %broadcast_in_dim3A_50, %add3A_650 : vector<16xi32>
      %gather3A_652 = tpu.vector_load_idx %arg14[%add3A_527, %add3A_651] : memref<128x128xf32, #tpu.memory_space<vmem>>[vector<16xi32>, vector<16xi32>], vector<16xf32>,
      %add3A_653 = arith.constant 12 : i32
      %add3A_654 = vector.broadcast %add3A_653 : i32 to vector<16xi32>
      %add3A_655 = arith.addi %broadcast_in_dim3A_50, %add3A_654 : vector<16xi32>
      %gather3A_656 = tpu.vector_load_idx %arg16[%add3A_527, %add3A_655] : memref<128x128xf32, #tpu.memory_space<vmem>>[vector<16xi32>, vector<16xi32>], vector<16xf32>,
      %mul3A_657 = arith.mulf %gather3A_652, %gather3A_656 : vector<16xf32>
      %add3A_658 = arith.addf %add3A_648, %mul3A_657 : vector<16xf32>
      %add3A_659 = arith.constant 13 : i32
      %add3A_660 = vector.broadcast %add3A_659 : i32 to vector<16xi32>
      %add3A_661 = arith.addi %broadcast_in_dim3A_50, %add3A_660 : vector<16xi32>
      %gather3A_662 = tpu.vector_load_idx %arg14[%add3A_527, %add3A_661] : memref<128x128xf32, #tpu.memory_space<vmem>>[vector<16xi32>, vector<16xi32>], vector<16xf32>,
      %add3A_663 = arith.constant 13 : i32
      %add3A_664 = vector.broadcast %add3A_663 : i32 to vector<16xi32>
      %add3A_665 = arith.addi %broadcast_in_dim3A_50, %add3A_664 : vector<16xi32>
      %gather3A_666 = tpu.vector_load_idx %arg16[%add3A_527, %add3A_665] : memref<128x128xf32, #tpu.memory_space<vmem>>[vector<16xi32>, vector<16xi32>], vector<16xf32>,
      %mul3A_667 = arith.mulf %gather3A_662, %gather3A_666 : vector<16xf32>
      %add3A_668 = arith.addf %add3A_658, %mul3A_667 : vector<16xf32>
      %add3A_669 = arith.constant 14 : i32
      %add3A_670 = vector.broadcast %add3A_669 : i32 to vector<16xi32>
      %add3A_671 = arith.addi %broadcast_in_dim3A_50, %add3A_670 : vector<16xi32>
      %gather3A_672 = tpu.vector_load_idx %arg14[%add3A_527, %add3A_671] : memref<128x128xf32, #tpu.memory_space<vmem>>[vector<16xi32>, vector<16xi32>], vector<16xf32>,
      %add3A_673 = arith.constant 14 : i32
      %add3A_674 = vector.broadcast %add3A_673 : i32 to vector<16xi32>
      %add3A_675 = arith.addi %broadcast_in_dim3A_50, %add3A_674 : vector<16xi32>
      %gather3A_676 = tpu.vector_load_idx %arg16[%add3A_527, %add3A_675] : memref<128x128xf32, #tpu.memory_space<vmem>>[vector<16xi32>, vector<16xi32>], vector<16xf32>,
      %mul3A_677 = arith.mulf %gather3A_672, %gather3A_676 : vector<16xf32>
      %add3A_678 = arith.addf %add3A_668, %mul3A_677 : vector<16xf32>
      %add3A_679 = arith.constant 15 : i32
      %add3A_680 = vector.broadcast %add3A_679 : i32 to vector<16xi32>
      %add3A_681 = arith.addi %broadcast_in_dim3A_50, %add3A_680 : vector<16xi32>
      %gather3A_682 = tpu.vector_load_idx %arg14[%add3A_527, %add3A_681] : memref<128x128xf32, #tpu.memory_space<vmem>>[vector<16xi32>, vector<16xi32>], vector<16xf32>,
      %add3A_683 = arith.constant 15 : i32
      %add3A_684 = vector.broadcast %add3A_683 : i32 to vector<16xi32>
      %add3A_685 = arith.addi %broadcast_in_dim3A_50, %add3A_684 : vector<16xi32>
      %gather3A_686 = tpu.vector_load_idx %arg16[%add3A_527, %add3A_685] : memref<128x128xf32, #tpu.memory_space<vmem>>[vector<16xi32>, vector<16xi32>], vector<16xf32>,
      %mul3A_687 = arith.mulf %gather3A_682, %gather3A_686 : vector<16xf32>
      %add3A_688 = arith.addf %add3A_678, %mul3A_687 : vector<16xf32>
      %add3A_689 = arith.constant 16 : i32
      %add3A_690 = vector.broadcast %add3A_689 : i32 to vector<16xi32>
      %add3A_691 = arith.addi %broadcast_in_dim3A_50, %add3A_690 : vector<16xi32>
      %gather3A_692 = tpu.vector_load_idx %arg14[%add3A_527, %add3A_691] : memref<128x128xf32, #tpu.memory_space<vmem>>[vector<16xi32>, vector<16xi32>], vector<16xf32>,
      %add3A_693 = arith.constant 16 : i32
      %add3A_694 = vector.broadcast %add3A_693 : i32 to vector<16xi32>
      %add3A_695 = arith.addi %broadcast_in_dim3A_50, %add3A_694 : vector<16xi32>
      %gather3A_696 = tpu.vector_load_idx %arg16[%add3A_527, %add3A_695] : memref<128x128xf32, #tpu.memory_space<vmem>>[vector<16xi32>, vector<16xi32>], vector<16xf32>,
      %mul3A_697 = arith.mulf %gather3A_692, %gather3A_696 : vector<16xf32>
      %add3A_698 = arith.addf %add3A_688, %mul3A_697 : vector<16xf32>
      %add3A_699 = arith.constant 17 : i32
      %add3A_700 = vector.broadcast %add3A_699 : i32 to vector<16xi32>
      %add3A_701 = arith.addi %broadcast_in_dim3A_50, %add3A_700 : vector<16xi32>
      %gather3A_702 = tpu.vector_load_idx %arg14[%add3A_527, %add3A_701] : memref<128x128xf32, #tpu.memory_space<vmem>>[vector<16xi32>, vector<16xi32>], vector<16xf32>,
      %add3A_703 = arith.constant 17 : i32
      %add3A_704 = vector.broadcast %add3A_703 : i32 to vector<16xi32>
      %add3A_705 = arith.addi %broadcast_in_dim3A_50, %add3A_704 : vector<16xi32>
      %gather3A_706 = tpu.vector_load_idx %arg16[%add3A_527, %add3A_705] : memref<128x128xf32, #tpu.memory_space<vmem>>[vector<16xi32>, vector<16xi32>], vector<16xf32>,
      %mul3A_707 = arith.mulf %gather3A_702, %gather3A_706 : vector<16xf32>
      %add3A_708 = arith.addf %add3A_698, %mul3A_707 : vector<16xf32>
      %add3A_709 = arith.constant 18 : i32
      %add3A_710 = vector.broadcast %add3A_709 : i32 to vector<16xi32>
      %add3A_711 = arith.addi %broadcast_in_dim3A_50, %add3A_710 : vector<16xi32>
      %gather3A_712 = tpu.vector_load_idx %arg14[%add3A_527, %add3A_711] : memref<128x128xf32, #tpu.memory_space<vmem>>[vector<16xi32>, vector<16xi32>], vector<16xf32>,
      %add3A_713 = arith.constant 18 : i32
      %add3A_714 = vector.broadcast %add3A_713 : i32 to vector<16xi32>
      %add3A_715 = arith.addi %broadcast_in_dim3A_50, %add3A_714 : vector<16xi32>
      %gather3A_716 = tpu.vector_load_idx %arg16[%add3A_527, %add3A_715] : memref<128x128xf32, #tpu.memory_space<vmem>>[vector<16xi32>, vector<16xi32>], vector<16xf32>,
      %mul3A_717 = arith.mulf %gather3A_712, %gather3A_716 : vector<16xf32>
      %add3A_718 = arith.addf %add3A_708, %mul3A_717 : vector<16xf32>
      %add3A_719 = arith.constant 19 : i32
      %add3A_720 = vector.broadcast %add3A_719 : i32 to vector<16xi32>
      %add3A_721 = arith.addi %broadcast_in_dim3A_50, %add3A_720 : vector<16xi32>
      %gather3A_722 = tpu.vector_load_idx %arg14[%add3A_527, %add3A_721] : memref<128x128xf32, #tpu.memory_space<vmem>>[vector<16xi32>, vector<16xi32>], vector<16xf32>,
      %add3A_723 = arith.constant 19 : i32
      %add3A_724 = vector.broadcast %add3A_723 : i32 to vector<16xi32>
      %add3A_725 = arith.addi %broadcast_in_dim3A_50, %add3A_724 : vector<16xi32>
      %gather3A_726 = tpu.vector_load_idx %arg16[%add3A_527, %add3A_725] : memref<128x128xf32, #tpu.memory_space<vmem>>[vector<16xi32>, vector<16xi32>], vector<16xf32>,
      %mul3A_727 = arith.mulf %gather3A_722, %gather3A_726 : vector<16xf32>
      %add3A_728 = arith.addf %add3A_718, %mul3A_727 : vector<16xf32>
      %add3A_729 = arith.constant 20 : i32
      %add3A_730 = vector.broadcast %add3A_729 : i32 to vector<16xi32>
      %add3A_731 = arith.addi %broadcast_in_dim3A_50, %add3A_730 : vector<16xi32>
      %gather3A_732 = tpu.vector_load_idx %arg14[%add3A_527, %add3A_731] : memref<128x128xf32, #tpu.memory_space<vmem>>[vector<16xi32>, vector<16xi32>], vector<16xf32>,
      %add3A_733 = arith.constant 20 : i32
      %add3A_734 = vector.broadcast %add3A_733 : i32 to vector<16xi32>
      %add3A_735 = arith.addi %broadcast_in_dim3A_50, %add3A_734 : vector<16xi32>
      %gather3A_736 = tpu.vector_load_idx %arg16[%add3A_527, %add3A_735] : memref<128x128xf32, #tpu.memory_space<vmem>>[vector<16xi32>, vector<16xi32>], vector<16xf32>,
      %mul3A_737 = arith.mulf %gather3A_732, %gather3A_736 : vector<16xf32>
      %add3A_738 = arith.addf %add3A_728, %mul3A_737 : vector<16xf32>
      %add3A_739 = arith.constant 21 : i32
      %add3A_740 = vector.broadcast %add3A_739 : i32 to vector<16xi32>
      %add3A_741 = arith.addi %broadcast_in_dim3A_50, %add3A_740 : vector<16xi32>
      %gather3A_742 = tpu.vector_load_idx %arg14[%add3A_527, %add3A_741] : memref<128x128xf32, #tpu.memory_space<vmem>>[vector<16xi32>, vector<16xi32>], vector<16xf32>,
      %add3A_743 = arith.constant 21 : i32
      %add3A_744 = vector.broadcast %add3A_743 : i32 to vector<16xi32>
      %add3A_745 = arith.addi %broadcast_in_dim3A_50, %add3A_744 : vector<16xi32>
      %gather3A_746 = tpu.vector_load_idx %arg16[%add3A_527, %add3A_745] : memref<128x128xf32, #tpu.memory_space<vmem>>[vector<16xi32>, vector<16xi32>], vector<16xf32>,
      %mul3A_747 = arith.mulf %gather3A_742, %gather3A_746 : vector<16xf32>
      %add3A_748 = arith.addf %add3A_738, %mul3A_747 : vector<16xf32>
      %add3A_749 = arith.constant 22 : i32
      %add3A_750 = vector.broadcast %add3A_749 : i32 to vector<16xi32>
      %add3A_751 = arith.addi %broadcast_in_dim3A_50, %add3A_750 : vector<16xi32>
      %gather3A_752 = tpu.vector_load_idx %arg14[%add3A_527, %add3A_751] : memref<128x128xf32, #tpu.memory_space<vmem>>[vector<16xi32>, vector<16xi32>], vector<16xf32>,
      %add3A_753 = arith.constant 22 : i32
      %add3A_754 = vector.broadcast %add3A_753 : i32 to vector<16xi32>
      %add3A_755 = arith.addi %broadcast_in_dim3A_50, %add3A_754 : vector<16xi32>
      %gather3A_756 = tpu.vector_load_idx %arg16[%add3A_527, %add3A_755] : memref<128x128xf32, #tpu.memory_space<vmem>>[vector<16xi32>, vector<16xi32>], vector<16xf32>,
      %mul3A_757 = arith.mulf %gather3A_752, %gather3A_756 : vector<16xf32>
      %add3A_758 = arith.addf %add3A_748, %mul3A_757 : vector<16xf32>
      %add3A_759 = arith.constant 23 : i32
      %add3A_760 = vector.broadcast %add3A_759 : i32 to vector<16xi32>
      %add3A_761 = arith.addi %broadcast_in_dim3A_50, %add3A_760 : vector<16xi32>
      %gather3A_762 = tpu.vector_load_idx %arg14[%add3A_527, %add3A_761] : memref<128x128xf32, #tpu.memory_space<vmem>>[vector<16xi32>, vector<16xi32>], vector<16xf32>,
      %add3A_763 = arith.constant 23 : i32
      %add3A_764 = vector.broadcast %add3A_763 : i32 to vector<16xi32>
      %add3A_765 = arith.addi %broadcast_in_dim3A_50, %add3A_764 : vector<16xi32>
      %gather3A_766 = tpu.vector_load_idx %arg16[%add3A_527, %add3A_765] : memref<128x128xf32, #tpu.memory_space<vmem>>[vector<16xi32>, vector<16xi32>], vector<16xf32>,
      %mul3A_767 = arith.mulf %gather3A_762, %gather3A_766 : vector<16xf32>
      %add3A_768 = arith.addf %add3A_758, %mul3A_767 : vector<16xf32>
      %add3A_769 = arith.constant 24 : i32
      %add3A_770 = vector.broadcast %add3A_769 : i32 to vector<16xi32>
      %add3A_771 = arith.addi %broadcast_in_dim3A_50, %add3A_770 : vector<16xi32>
      %gather3A_772 = tpu.vector_load_idx %arg14[%add3A_527, %add3A_771] : memref<128x128xf32, #tpu.memory_space<vmem>>[vector<16xi32>, vector<16xi32>], vector<16xf32>,
      %add3A_773 = arith.constant 24 : i32
      %add3A_774 = vector.broadcast %add3A_773 : i32 to vector<16xi32>
      %add3A_775 = arith.addi %broadcast_in_dim3A_50, %add3A_774 : vector<16xi32>
      %gather3A_776 = tpu.vector_load_idx %arg16[%add3A_527, %add3A_775] : memref<128x128xf32, #tpu.memory_space<vmem>>[vector<16xi32>, vector<16xi32>], vector<16xf32>,
      %mul3A_777 = arith.mulf %gather3A_772, %gather3A_776 : vector<16xf32>
      %add3A_778 = arith.addf %add3A_768, %mul3A_777 : vector<16xf32>
      %add3A_779 = arith.constant 25 : i32
      %add3A_780 = vector.broadcast %add3A_779 : i32 to vector<16xi32>
      %add3A_781 = arith.addi %broadcast_in_dim3A_50, %add3A_780 : vector<16xi32>
      %gather3A_782 = tpu.vector_load_idx %arg14[%add3A_527, %add3A_781] : memref<128x128xf32, #tpu.memory_space<vmem>>[vector<16xi32>, vector<16xi32>], vector<16xf32>,
      %add3A_783 = arith.constant 25 : i32
      %add3A_784 = vector.broadcast %add3A_783 : i32 to vector<16xi32>
      %add3A_785 = arith.addi %broadcast_in_dim3A_50, %add3A_784 : vector<16xi32>
      %gather3A_786 = tpu.vector_load_idx %arg16[%add3A_527, %add3A_785] : memref<128x128xf32, #tpu.memory_space<vmem>>[vector<16xi32>, vector<16xi32>], vector<16xf32>,
      %mul3A_787 = arith.mulf %gather3A_782, %gather3A_786 : vector<16xf32>
      %add3A_788 = arith.addf %add3A_778, %mul3A_787 : vector<16xf32>
      %add3A_789 = arith.constant 26 : i32
      %add3A_790 = vector.broadcast %add3A_789 : i32 to vector<16xi32>
      %add3A_791 = arith.addi %broadcast_in_dim3A_50, %add3A_790 : vector<16xi32>
      %gather3A_792 = tpu.vector_load_idx %arg14[%add3A_527, %add3A_791] : memref<128x128xf32, #tpu.memory_space<vmem>>[vector<16xi32>, vector<16xi32>], vector<16xf32>,
      %add3A_793 = arith.constant 26 : i32
      %add3A_794 = vector.broadcast %add3A_793 : i32 to vector<16xi32>
      %add3A_795 = arith.addi %broadcast_in_dim3A_50, %add3A_794 : vector<16xi32>
      %gather3A_796 = tpu.vector_load_idx %arg16[%add3A_527, %add3A_795] : memref<128x128xf32, #tpu.memory_space<vmem>>[vector<16xi32>, vector<16xi32>], vector<16xf32>,
      %mul3A_797 = arith.mulf %gather3A_792, %gather3A_796 : vector<16xf32>
      %add3A_798 = arith.addf %add3A_788, %mul3A_797 : vector<16xf32>
      %add3A_799 = arith.constant 27 : i32
      %add3A_800 = vector.broadcast %add3A_799 : i32 to vector<16xi32>
      %add3A_801 = arith.addi %broadcast_in_dim3A_50, %add3A_800 : vector<16xi32>
      %gather3A_802 = tpu.vector_load_idx %arg14[%add3A_527, %add3A_801] : memref<128x128xf32, #tpu.memory_space<vmem>>[vector<16xi32>, vector<16xi32>], vector<16xf32>,
      %add3A_803 = arith.constant 27 : i32
      %add3A_804 = vector.broadcast %add3A_803 : i32 to vector<16xi32>
      %add3A_805 = arith.addi %broadcast_in_dim3A_50, %add3A_804 : vector<16xi32>
      %gather3A_806 = tpu.vector_load_idx %arg16[%add3A_527, %add3A_805] : memref<128x128xf32, #tpu.memory_space<vmem>>[vector<16xi32>, vector<16xi32>], vector<16xf32>,
      %mul3A_807 = arith.mulf %gather3A_802, %gather3A_806 : vector<16xf32>
      %add3A_808 = arith.addf %add3A_798, %mul3A_807 : vector<16xf32>
      %add3A_809 = arith.constant 28 : i32
      %add3A_810 = vector.broadcast %add3A_809 : i32 to vector<16xi32>
      %add3A_811 = arith.addi %broadcast_in_dim3A_50, %add3A_810 : vector<16xi32>
      %gather3A_812 = tpu.vector_load_idx %arg14[%add3A_527, %add3A_811] : memref<128x128xf32, #tpu.memory_space<vmem>>[vector<16xi32>, vector<16xi32>], vector<16xf32>,
      %add3A_813 = arith.constant 28 : i32
      %add3A_814 = vector.broadcast %add3A_813 : i32 to vector<16xi32>
      %add3A_815 = arith.addi %broadcast_in_dim3A_50, %add3A_814 : vector<16xi32>
      %gather3A_816 = tpu.vector_load_idx %arg16[%add3A_527, %add3A_815] : memref<128x128xf32, #tpu.memory_space<vmem>>[vector<16xi32>, vector<16xi32>], vector<16xf32>,
      %mul3A_817 = arith.mulf %gather3A_812, %gather3A_816 : vector<16xf32>
      %add3A_818 = arith.addf %add3A_808, %mul3A_817 : vector<16xf32>
      %add3A_819 = arith.constant 29 : i32
      %add3A_820 = vector.broadcast %add3A_819 : i32 to vector<16xi32>
      %add3A_821 = arith.addi %broadcast_in_dim3A_50, %add3A_820 : vector<16xi32>
      %gather3A_822 = tpu.vector_load_idx %arg14[%add3A_527, %add3A_821] : memref<128x128xf32, #tpu.memory_space<vmem>>[vector<16xi32>, vector<16xi32>], vector<16xf32>,
      %add3A_823 = arith.constant 29 : i32
      %add3A_824 = vector.broadcast %add3A_823 : i32 to vector<16xi32>
      %add3A_825 = arith.addi %broadcast_in_dim3A_50, %add3A_824 : vector<16xi32>
      %gather3A_826 = tpu.vector_load_idx %arg16[%add3A_527, %add3A_825] : memref<128x128xf32, #tpu.memory_space<vmem>>[vector<16xi32>, vector<16xi32>], vector<16xf32>,
      %mul3A_827 = arith.mulf %gather3A_822, %gather3A_826 : vector<16xf32>
      %add3A_828 = arith.addf %add3A_818, %mul3A_827 : vector<16xf32>
      %add3A_829 = arith.constant 30 : i32
      %add3A_830 = vector.broadcast %add3A_829 : i32 to vector<16xi32>
      %add3A_831 = arith.addi %broadcast_in_dim3A_50, %add3A_830 : vector<16xi32>
      %gather3A_832 = tpu.vector_load_idx %arg14[%add3A_527, %add3A_831] : memref<128x128xf32, #tpu.memory_space<vmem>>[vector<16xi32>, vector<16xi32>], vector<16xf32>,
      %add3A_833 = arith.constant 30 : i32
      %add3A_834 = vector.broadcast %add3A_833 : i32 to vector<16xi32>
      %add3A_835 = arith.addi %broadcast_in_dim3A_50, %add3A_834 : vector<16xi32>
      %gather3A_836 = tpu.vector_load_idx %arg16[%add3A_527, %add3A_835] : memref<128x128xf32, #tpu.memory_space<vmem>>[vector<16xi32>, vector<16xi32>], vector<16xf32>,
      %mul3A_837 = arith.mulf %gather3A_832, %gather3A_836 : vector<16xf32>
      %add3A_838 = arith.addf %add3A_828, %mul3A_837 : vector<16xf32>
      %add3A_839 = arith.constant 31 : i32
      %add3A_840 = vector.broadcast %add3A_839 : i32 to vector<16xi32>
      %add3A_841 = arith.addi %broadcast_in_dim3A_50, %add3A_840 : vector<16xi32>
      %gather3A_842 = tpu.vector_load_idx %arg14[%add3A_527, %add3A_841] : memref<128x128xf32, #tpu.memory_space<vmem>>[vector<16xi32>, vector<16xi32>], vector<16xf32>,
      %add3A_843 = arith.constant 31 : i32
      %add3A_844 = vector.broadcast %add3A_843 : i32 to vector<16xi32>
      %add3A_845 = arith.addi %broadcast_in_dim3A_50, %add3A_844 : vector<16xi32>
      %gather3A_846 = tpu.vector_load_idx %arg16[%add3A_527, %add3A_845] : memref<128x128xf32, #tpu.memory_space<vmem>>[vector<16xi32>, vector<16xi32>], vector<16xf32>,
      %mul3A_847 = arith.mulf %gather3A_842, %gather3A_846 : vector<16xf32>
      %add3A_848 = arith.addf %add3A_838, %mul3A_847 : vector<16xf32>
      %swap3A_849 = arith.index_cast %add3A_523 : i32 to index
      %swap3A_850 = tpu.vector_load %arg17[%swap3A_849] {strides = array<i32>} : memref<512xf32, #tpu.memory_space<vmem>>, vector<16xf32>,
      tpu.vector_store %arg17[%swap3A_849], %add3A_848 {strides = array<i32>} : memref<512xf32, #tpu.memory_space<vmem>>, vector<16xf32>,
    }
    %scan3A_110 = arith.constant 8 : i32
    %dma_start3A_111 = arith.constant 384 : i32
    %dma_start3A_112 = tpu.memref_slice %arg9[%dma_start3A_111] : memref<512xi32, #tpu.memory_space<vmem>> -> memref<128xi32, #tpu.memory_space<vmem>>
    %dma_start3A_113 = arith.constant 0 : i32
    %dma_start3A_114 = arith.constant 0 : i32
    %dma_start3A_115 = tpu.memref_slice %arg6[%dma_start3A_113, %dma_start3A_114] : memref<1000000x128xf32, #tpu.memory_space<hbm>> -> memref<1000000x128xf32, #tpu.memory_space<hbm>>
    tpu.enqueue_indirect_dma source(%dma_start3A_115 : memref<1000000x128xf32, #tpu.memory_space<hbm>>) target(%arg14 : memref<128x128xf32, #tpu.memory_space<vmem>>) offsets(%dma_start3A_112 : memref<128xi32, #tpu.memory_space<vmem>>) semaphore(%arg20 : memref<!tpu.dma_semaphore, #tpu.memory_space<semaphore_mem>>)
    %dma_start3A_116 = arith.constant 384 : i32
    %dma_start3A_117 = tpu.memref_slice %arg10[%dma_start3A_116] : memref<512xi32, #tpu.memory_space<vmem>> -> memref<128xi32, #tpu.memory_space<vmem>>
    %dma_start3A_118 = arith.constant 0 : i32
    %dma_start3A_119 = arith.constant 0 : i32
    %dma_start3A_120 = tpu.memref_slice %arg7[%dma_start3A_118, %dma_start3A_119] : memref<100000x128xf32, #tpu.memory_space<hbm>> -> memref<100000x128xf32, #tpu.memory_space<hbm>>
    tpu.enqueue_indirect_dma source(%dma_start3A_120 : memref<100000x128xf32, #tpu.memory_space<hbm>>) target(%arg16 : memref<128x128xf32, #tpu.memory_space<vmem>>) offsets(%dma_start3A_117 : memref<128xi32, #tpu.memory_space<vmem>>) semaphore(%arg22 : memref<!tpu.dma_semaphore, #tpu.memory_space<semaphore_mem>>)
    %dma_wait3A_121 = arith.constant 256 : i32
    %dma_wait3A_122 = tpu.memref_slice %arg9[%dma_wait3A_121] : memref<512xi32, #tpu.memory_space<vmem>> -> memref<128xi32, #tpu.memory_space<vmem>>
    %dma_wait3A_123 = arith.constant 0 : i32
    %dma_wait3A_124 = arith.constant 0 : i32
    %dma_wait3A_125 = tpu.memref_slice %arg6[%dma_wait3A_123, %dma_wait3A_124] : memref<1000000x128xf32, #tpu.memory_space<hbm>> -> memref<1000000x128xf32, #tpu.memory_space<hbm>>
    tpu.wait_indirect_dma semaphore(%arg19 : memref<!tpu.dma_semaphore, #tpu.memory_space<semaphore_mem>>) src(%dma_wait3A_125 : memref<1000000x128xf32, #tpu.memory_space<hbm>>) dst(%arg13 : memref<128x128xf32, #tpu.memory_space<vmem>>)
    %dma_wait3A_126 = arith.constant 256 : i32
    %dma_wait3A_127 = tpu.memref_slice %arg10[%dma_wait3A_126] : memref<512xi32, #tpu.memory_space<vmem>> -> memref<128xi32, #tpu.memory_space<vmem>>
    %dma_wait3A_128 = arith.constant 0 : i32
    %dma_wait3A_129 = arith.constant 0 : i32
    %dma_wait3A_130 = tpu.memref_slice %arg7[%dma_wait3A_128, %dma_wait3A_129] : memref<100000x128xf32, #tpu.memory_space<hbm>> -> memref<100000x128xf32, #tpu.memory_space<hbm>>
    tpu.wait_indirect_dma semaphore(%arg21 : memref<!tpu.dma_semaphore, #tpu.memory_space<semaphore_mem>>) src(%dma_wait3A_130 : memref<100000x128xf32, #tpu.memory_space<hbm>>) dst(%arg15 : memref<128x128xf32, #tpu.memory_space<vmem>>)
    %scan3A_131 = arith.constant 0 : i32
    %scan3A_132 = arith.constant 0 : i32
    %scan3A_133 = arith.constant 8 : i32
    %scan3A_134 = arith.addi %scan3A_132, %scan3A_133 : i32
    %scan3A_135 = arith.constant 1 : i32
    scf.for %scan3A_519 = %scan3A_132 to %scan3A_134 step %scan3A_135  : i32 {
      %mul3A_520 = arith.constant 16 : i32
      %mul3A_521 = arith.muli %scan3A_519, %mul3A_520 : i32
      %add3A_522 = arith.constant 256 : i32
      %add3A_523 = arith.addi %add3A_522, %mul3A_521 : i32
      %mul3A_524 = arith.constant 16 : i32
      %mul3A_525 = arith.muli %scan3A_519, %mul3A_524 : i32
      %add3A_526 = vector.broadcast %mul3A_525 : i32 to vector<16xi32>
      %add3A_527 = arith.addi %add3A_526, %iota3A : vector<16xi32>
      %broadcast_in_dim3A_528 = arith.constant 0.000000e+00 : f32
      %broadcast_in_dim3A_529 = vector.broadcast %broadcast_in_dim3A_528 : f32 to vector<16xf32>
      %add3A_530 = arith.constant 0 : i32
      %add3A_531 = vector.broadcast %add3A_530 : i32 to vector<16xi32>
      %add3A_532 = arith.addi %broadcast_in_dim3A_50, %add3A_531 : vector<16xi32>
      %gather3A = tpu.vector_load_idx %arg13[%add3A_527, %add3A_532] : memref<128x128xf32, #tpu.memory_space<vmem>>[vector<16xi32>, vector<16xi32>], vector<16xf32>,
      %add3A_533 = arith.constant 0 : i32
      %add3A_534 = vector.broadcast %add3A_533 : i32 to vector<16xi32>
      %add3A_535 = arith.addi %broadcast_in_dim3A_50, %add3A_534 : vector<16xi32>
      %gather3A_536 = tpu.vector_load_idx %arg15[%add3A_527, %add3A_535] : memref<128x128xf32, #tpu.memory_space<vmem>>[vector<16xi32>, vector<16xi32>], vector<16xf32>,
      %mul3A_537 = arith.mulf %gather3A, %gather3A_536 : vector<16xf32>
      %add3A_538 = arith.addf %broadcast_in_dim3A_529, %mul3A_537 : vector<16xf32>
      %add3A_539 = arith.constant 1 : i32
      %add3A_540 = vector.broadcast %add3A_539 : i32 to vector<16xi32>
      %add3A_541 = arith.addi %broadcast_in_dim3A_50, %add3A_540 : vector<16xi32>
      %gather3A_542 = tpu.vector_load_idx %arg13[%add3A_527, %add3A_541] : memref<128x128xf32, #tpu.memory_space<vmem>>[vector<16xi32>, vector<16xi32>], vector<16xf32>,
      %add3A_543 = arith.constant 1 : i32
      %add3A_544 = vector.broadcast %add3A_543 : i32 to vector<16xi32>
      %add3A_545 = arith.addi %broadcast_in_dim3A_50, %add3A_544 : vector<16xi32>
      %gather3A_546 = tpu.vector_load_idx %arg15[%add3A_527, %add3A_545] : memref<128x128xf32, #tpu.memory_space<vmem>>[vector<16xi32>, vector<16xi32>], vector<16xf32>,
      %mul3A_547 = arith.mulf %gather3A_542, %gather3A_546 : vector<16xf32>
      %add3A_548 = arith.addf %add3A_538, %mul3A_547 : vector<16xf32>
      %add3A_549 = arith.constant 2 : i32
      %add3A_550 = vector.broadcast %add3A_549 : i32 to vector<16xi32>
      %add3A_551 = arith.addi %broadcast_in_dim3A_50, %add3A_550 : vector<16xi32>
      %gather3A_552 = tpu.vector_load_idx %arg13[%add3A_527, %add3A_551] : memref<128x128xf32, #tpu.memory_space<vmem>>[vector<16xi32>, vector<16xi32>], vector<16xf32>,
      %add3A_553 = arith.constant 2 : i32
      %add3A_554 = vector.broadcast %add3A_553 : i32 to vector<16xi32>
      %add3A_555 = arith.addi %broadcast_in_dim3A_50, %add3A_554 : vector<16xi32>
      %gather3A_556 = tpu.vector_load_idx %arg15[%add3A_527, %add3A_555] : memref<128x128xf32, #tpu.memory_space<vmem>>[vector<16xi32>, vector<16xi32>], vector<16xf32>,
      %mul3A_557 = arith.mulf %gather3A_552, %gather3A_556 : vector<16xf32>
      %add3A_558 = arith.addf %add3A_548, %mul3A_557 : vector<16xf32>
      %add3A_559 = arith.constant 3 : i32
      %add3A_560 = vector.broadcast %add3A_559 : i32 to vector<16xi32>
      %add3A_561 = arith.addi %broadcast_in_dim3A_50, %add3A_560 : vector<16xi32>
      %gather3A_562 = tpu.vector_load_idx %arg13[%add3A_527, %add3A_561] : memref<128x128xf32, #tpu.memory_space<vmem>>[vector<16xi32>, vector<16xi32>], vector<16xf32>,
      %add3A_563 = arith.constant 3 : i32
      %add3A_564 = vector.broadcast %add3A_563 : i32 to vector<16xi32>
      %add3A_565 = arith.addi %broadcast_in_dim3A_50, %add3A_564 : vector<16xi32>
      %gather3A_566 = tpu.vector_load_idx %arg15[%add3A_527, %add3A_565] : memref<128x128xf32, #tpu.memory_space<vmem>>[vector<16xi32>, vector<16xi32>], vector<16xf32>,
      %mul3A_567 = arith.mulf %gather3A_562, %gather3A_566 : vector<16xf32>
      %add3A_568 = arith.addf %add3A_558, %mul3A_567 : vector<16xf32>
      %add3A_569 = arith.constant 4 : i32
      %add3A_570 = vector.broadcast %add3A_569 : i32 to vector<16xi32>
      %add3A_571 = arith.addi %broadcast_in_dim3A_50, %add3A_570 : vector<16xi32>
      %gather3A_572 = tpu.vector_load_idx %arg13[%add3A_527, %add3A_571] : memref<128x128xf32, #tpu.memory_space<vmem>>[vector<16xi32>, vector<16xi32>], vector<16xf32>,
      %add3A_573 = arith.constant 4 : i32
      %add3A_574 = vector.broadcast %add3A_573 : i32 to vector<16xi32>
      %add3A_575 = arith.addi %broadcast_in_dim3A_50, %add3A_574 : vector<16xi32>
      %gather3A_576 = tpu.vector_load_idx %arg15[%add3A_527, %add3A_575] : memref<128x128xf32, #tpu.memory_space<vmem>>[vector<16xi32>, vector<16xi32>], vector<16xf32>,
      %mul3A_577 = arith.mulf %gather3A_572, %gather3A_576 : vector<16xf32>
      %add3A_578 = arith.addf %add3A_568, %mul3A_577 : vector<16xf32>
      %add3A_579 = arith.constant 5 : i32
      %add3A_580 = vector.broadcast %add3A_579 : i32 to vector<16xi32>
      %add3A_581 = arith.addi %broadcast_in_dim3A_50, %add3A_580 : vector<16xi32>
      %gather3A_582 = tpu.vector_load_idx %arg13[%add3A_527, %add3A_581] : memref<128x128xf32, #tpu.memory_space<vmem>>[vector<16xi32>, vector<16xi32>], vector<16xf32>,
      %add3A_583 = arith.constant 5 : i32
      %add3A_584 = vector.broadcast %add3A_583 : i32 to vector<16xi32>
      %add3A_585 = arith.addi %broadcast_in_dim3A_50, %add3A_584 : vector<16xi32>
      %gather3A_586 = tpu.vector_load_idx %arg15[%add3A_527, %add3A_585] : memref<128x128xf32, #tpu.memory_space<vmem>>[vector<16xi32>, vector<16xi32>], vector<16xf32>,
      %mul3A_587 = arith.mulf %gather3A_582, %gather3A_586 : vector<16xf32>
      %add3A_588 = arith.addf %add3A_578, %mul3A_587 : vector<16xf32>
      %add3A_589 = arith.constant 6 : i32
      %add3A_590 = vector.broadcast %add3A_589 : i32 to vector<16xi32>
      %add3A_591 = arith.addi %broadcast_in_dim3A_50, %add3A_590 : vector<16xi32>
      %gather3A_592 = tpu.vector_load_idx %arg13[%add3A_527, %add3A_591] : memref<128x128xf32, #tpu.memory_space<vmem>>[vector<16xi32>, vector<16xi32>], vector<16xf32>,
      %add3A_593 = arith.constant 6 : i32
      %add3A_594 = vector.broadcast %add3A_593 : i32 to vector<16xi32>
      %add3A_595 = arith.addi %broadcast_in_dim3A_50, %add3A_594 : vector<16xi32>
      %gather3A_596 = tpu.vector_load_idx %arg15[%add3A_527, %add3A_595] : memref<128x128xf32, #tpu.memory_space<vmem>>[vector<16xi32>, vector<16xi32>], vector<16xf32>,
      %mul3A_597 = arith.mulf %gather3A_592, %gather3A_596 : vector<16xf32>
      %add3A_598 = arith.addf %add3A_588, %mul3A_597 : vector<16xf32>
      %add3A_599 = arith.constant 7 : i32
      %add3A_600 = vector.broadcast %add3A_599 : i32 to vector<16xi32>
      %add3A_601 = arith.addi %broadcast_in_dim3A_50, %add3A_600 : vector<16xi32>
      %gather3A_602 = tpu.vector_load_idx %arg13[%add3A_527, %add3A_601] : memref<128x128xf32, #tpu.memory_space<vmem>>[vector<16xi32>, vector<16xi32>], vector<16xf32>,
      %add3A_603 = arith.constant 7 : i32
      %add3A_604 = vector.broadcast %add3A_603 : i32 to vector<16xi32>
      %add3A_605 = arith.addi %broadcast_in_dim3A_50, %add3A_604 : vector<16xi32>
      %gather3A_606 = tpu.vector_load_idx %arg15[%add3A_527, %add3A_605] : memref<128x128xf32, #tpu.memory_space<vmem>>[vector<16xi32>, vector<16xi32>], vector<16xf32>,
      %mul3A_607 = arith.mulf %gather3A_602, %gather3A_606 : vector<16xf32>
      %add3A_608 = arith.addf %add3A_598, %mul3A_607 : vector<16xf32>
      %add3A_609 = arith.constant 8 : i32
      %add3A_610 = vector.broadcast %add3A_609 : i32 to vector<16xi32>
      %add3A_611 = arith.addi %broadcast_in_dim3A_50, %add3A_610 : vector<16xi32>
      %gather3A_612 = tpu.vector_load_idx %arg13[%add3A_527, %add3A_611] : memref<128x128xf32, #tpu.memory_space<vmem>>[vector<16xi32>, vector<16xi32>], vector<16xf32>,
      %add3A_613 = arith.constant 8 : i32
      %add3A_614 = vector.broadcast %add3A_613 : i32 to vector<16xi32>
      %add3A_615 = arith.addi %broadcast_in_dim3A_50, %add3A_614 : vector<16xi32>
      %gather3A_616 = tpu.vector_load_idx %arg15[%add3A_527, %add3A_615] : memref<128x128xf32, #tpu.memory_space<vmem>>[vector<16xi32>, vector<16xi32>], vector<16xf32>,
      %mul3A_617 = arith.mulf %gather3A_612, %gather3A_616 : vector<16xf32>
      %add3A_618 = arith.addf %add3A_608, %mul3A_617 : vector<16xf32>
      %add3A_619 = arith.constant 9 : i32
      %add3A_620 = vector.broadcast %add3A_619 : i32 to vector<16xi32>
      %add3A_621 = arith.addi %broadcast_in_dim3A_50, %add3A_620 : vector<16xi32>
      %gather3A_622 = tpu.vector_load_idx %arg13[%add3A_527, %add3A_621] : memref<128x128xf32, #tpu.memory_space<vmem>>[vector<16xi32>, vector<16xi32>], vector<16xf32>,
      %add3A_623 = arith.constant 9 : i32
      %add3A_624 = vector.broadcast %add3A_623 : i32 to vector<16xi32>
      %add3A_625 = arith.addi %broadcast_in_dim3A_50, %add3A_624 : vector<16xi32>
      %gather3A_626 = tpu.vector_load_idx %arg15[%add3A_527, %add3A_625] : memref<128x128xf32, #tpu.memory_space<vmem>>[vector<16xi32>, vector<16xi32>], vector<16xf32>,
      %mul3A_627 = arith.mulf %gather3A_622, %gather3A_626 : vector<16xf32>
      %add3A_628 = arith.addf %add3A_618, %mul3A_627 : vector<16xf32>
      %add3A_629 = arith.constant 10 : i32
      %add3A_630 = vector.broadcast %add3A_629 : i32 to vector<16xi32>
      %add3A_631 = arith.addi %broadcast_in_dim3A_50, %add3A_630 : vector<16xi32>
      %gather3A_632 = tpu.vector_load_idx %arg13[%add3A_527, %add3A_631] : memref<128x128xf32, #tpu.memory_space<vmem>>[vector<16xi32>, vector<16xi32>], vector<16xf32>,
      %add3A_633 = arith.constant 10 : i32
      %add3A_634 = vector.broadcast %add3A_633 : i32 to vector<16xi32>
      %add3A_635 = arith.addi %broadcast_in_dim3A_50, %add3A_634 : vector<16xi32>
      %gather3A_636 = tpu.vector_load_idx %arg15[%add3A_527, %add3A_635] : memref<128x128xf32, #tpu.memory_space<vmem>>[vector<16xi32>, vector<16xi32>], vector<16xf32>,
      %mul3A_637 = arith.mulf %gather3A_632, %gather3A_636 : vector<16xf32>
      %add3A_638 = arith.addf %add3A_628, %mul3A_637 : vector<16xf32>
      %add3A_639 = arith.constant 11 : i32
      %add3A_640 = vector.broadcast %add3A_639 : i32 to vector<16xi32>
      %add3A_641 = arith.addi %broadcast_in_dim3A_50, %add3A_640 : vector<16xi32>
      %gather3A_642 = tpu.vector_load_idx %arg13[%add3A_527, %add3A_641] : memref<128x128xf32, #tpu.memory_space<vmem>>[vector<16xi32>, vector<16xi32>], vector<16xf32>,
      %add3A_643 = arith.constant 11 : i32
      %add3A_644 = vector.broadcast %add3A_643 : i32 to vector<16xi32>
      %add3A_645 = arith.addi %broadcast_in_dim3A_50, %add3A_644 : vector<16xi32>
      %gather3A_646 = tpu.vector_load_idx %arg15[%add3A_527, %add3A_645] : memref<128x128xf32, #tpu.memory_space<vmem>>[vector<16xi32>, vector<16xi32>], vector<16xf32>,
      %mul3A_647 = arith.mulf %gather3A_642, %gather3A_646 : vector<16xf32>
      %add3A_648 = arith.addf %add3A_638, %mul3A_647 : vector<16xf32>
      %add3A_649 = arith.constant 12 : i32
      %add3A_650 = vector.broadcast %add3A_649 : i32 to vector<16xi32>
      %add3A_651 = arith.addi %broadcast_in_dim3A_50, %add3A_650 : vector<16xi32>
      %gather3A_652 = tpu.vector_load_idx %arg13[%add3A_527, %add3A_651] : memref<128x128xf32, #tpu.memory_space<vmem>>[vector<16xi32>, vector<16xi32>], vector<16xf32>,
      %add3A_653 = arith.constant 12 : i32
      %add3A_654 = vector.broadcast %add3A_653 : i32 to vector<16xi32>
      %add3A_655 = arith.addi %broadcast_in_dim3A_50, %add3A_654 : vector<16xi32>
      %gather3A_656 = tpu.vector_load_idx %arg15[%add3A_527, %add3A_655] : memref<128x128xf32, #tpu.memory_space<vmem>>[vector<16xi32>, vector<16xi32>], vector<16xf32>,
      %mul3A_657 = arith.mulf %gather3A_652, %gather3A_656 : vector<16xf32>
      %add3A_658 = arith.addf %add3A_648, %mul3A_657 : vector<16xf32>
      %add3A_659 = arith.constant 13 : i32
      %add3A_660 = vector.broadcast %add3A_659 : i32 to vector<16xi32>
      %add3A_661 = arith.addi %broadcast_in_dim3A_50, %add3A_660 : vector<16xi32>
      %gather3A_662 = tpu.vector_load_idx %arg13[%add3A_527, %add3A_661] : memref<128x128xf32, #tpu.memory_space<vmem>>[vector<16xi32>, vector<16xi32>], vector<16xf32>,
      %add3A_663 = arith.constant 13 : i32
      %add3A_664 = vector.broadcast %add3A_663 : i32 to vector<16xi32>
      %add3A_665 = arith.addi %broadcast_in_dim3A_50, %add3A_664 : vector<16xi32>
      %gather3A_666 = tpu.vector_load_idx %arg15[%add3A_527, %add3A_665] : memref<128x128xf32, #tpu.memory_space<vmem>>[vector<16xi32>, vector<16xi32>], vector<16xf32>,
      %mul3A_667 = arith.mulf %gather3A_662, %gather3A_666 : vector<16xf32>
      %add3A_668 = arith.addf %add3A_658, %mul3A_667 : vector<16xf32>
      %add3A_669 = arith.constant 14 : i32
      %add3A_670 = vector.broadcast %add3A_669 : i32 to vector<16xi32>
      %add3A_671 = arith.addi %broadcast_in_dim3A_50, %add3A_670 : vector<16xi32>
      %gather3A_672 = tpu.vector_load_idx %arg13[%add3A_527, %add3A_671] : memref<128x128xf32, #tpu.memory_space<vmem>>[vector<16xi32>, vector<16xi32>], vector<16xf32>,
      %add3A_673 = arith.constant 14 : i32
      %add3A_674 = vector.broadcast %add3A_673 : i32 to vector<16xi32>
      %add3A_675 = arith.addi %broadcast_in_dim3A_50, %add3A_674 : vector<16xi32>
      %gather3A_676 = tpu.vector_load_idx %arg15[%add3A_527, %add3A_675] : memref<128x128xf32, #tpu.memory_space<vmem>>[vector<16xi32>, vector<16xi32>], vector<16xf32>,
      %mul3A_677 = arith.mulf %gather3A_672, %gather3A_676 : vector<16xf32>
      %add3A_678 = arith.addf %add3A_668, %mul3A_677 : vector<16xf32>
      %add3A_679 = arith.constant 15 : i32
      %add3A_680 = vector.broadcast %add3A_679 : i32 to vector<16xi32>
      %add3A_681 = arith.addi %broadcast_in_dim3A_50, %add3A_680 : vector<16xi32>
      %gather3A_682 = tpu.vector_load_idx %arg13[%add3A_527, %add3A_681] : memref<128x128xf32, #tpu.memory_space<vmem>>[vector<16xi32>, vector<16xi32>], vector<16xf32>,
      %add3A_683 = arith.constant 15 : i32
      %add3A_684 = vector.broadcast %add3A_683 : i32 to vector<16xi32>
      %add3A_685 = arith.addi %broadcast_in_dim3A_50, %add3A_684 : vector<16xi32>
      %gather3A_686 = tpu.vector_load_idx %arg15[%add3A_527, %add3A_685] : memref<128x128xf32, #tpu.memory_space<vmem>>[vector<16xi32>, vector<16xi32>], vector<16xf32>,
      %mul3A_687 = arith.mulf %gather3A_682, %gather3A_686 : vector<16xf32>
      %add3A_688 = arith.addf %add3A_678, %mul3A_687 : vector<16xf32>
      %add3A_689 = arith.constant 16 : i32
      %add3A_690 = vector.broadcast %add3A_689 : i32 to vector<16xi32>
      %add3A_691 = arith.addi %broadcast_in_dim3A_50, %add3A_690 : vector<16xi32>
      %gather3A_692 = tpu.vector_load_idx %arg13[%add3A_527, %add3A_691] : memref<128x128xf32, #tpu.memory_space<vmem>>[vector<16xi32>, vector<16xi32>], vector<16xf32>,
      %add3A_693 = arith.constant 16 : i32
      %add3A_694 = vector.broadcast %add3A_693 : i32 to vector<16xi32>
      %add3A_695 = arith.addi %broadcast_in_dim3A_50, %add3A_694 : vector<16xi32>
      %gather3A_696 = tpu.vector_load_idx %arg15[%add3A_527, %add3A_695] : memref<128x128xf32, #tpu.memory_space<vmem>>[vector<16xi32>, vector<16xi32>], vector<16xf32>,
      %mul3A_697 = arith.mulf %gather3A_692, %gather3A_696 : vector<16xf32>
      %add3A_698 = arith.addf %add3A_688, %mul3A_697 : vector<16xf32>
      %add3A_699 = arith.constant 17 : i32
      %add3A_700 = vector.broadcast %add3A_699 : i32 to vector<16xi32>
      %add3A_701 = arith.addi %broadcast_in_dim3A_50, %add3A_700 : vector<16xi32>
      %gather3A_702 = tpu.vector_load_idx %arg13[%add3A_527, %add3A_701] : memref<128x128xf32, #tpu.memory_space<vmem>>[vector<16xi32>, vector<16xi32>], vector<16xf32>,
      %add3A_703 = arith.constant 17 : i32
      %add3A_704 = vector.broadcast %add3A_703 : i32 to vector<16xi32>
      %add3A_705 = arith.addi %broadcast_in_dim3A_50, %add3A_704 : vector<16xi32>
      %gather3A_706 = tpu.vector_load_idx %arg15[%add3A_527, %add3A_705] : memref<128x128xf32, #tpu.memory_space<vmem>>[vector<16xi32>, vector<16xi32>], vector<16xf32>,
      %mul3A_707 = arith.mulf %gather3A_702, %gather3A_706 : vector<16xf32>
      %add3A_708 = arith.addf %add3A_698, %mul3A_707 : vector<16xf32>
      %add3A_709 = arith.constant 18 : i32
      %add3A_710 = vector.broadcast %add3A_709 : i32 to vector<16xi32>
      %add3A_711 = arith.addi %broadcast_in_dim3A_50, %add3A_710 : vector<16xi32>
      %gather3A_712 = tpu.vector_load_idx %arg13[%add3A_527, %add3A_711] : memref<128x128xf32, #tpu.memory_space<vmem>>[vector<16xi32>, vector<16xi32>], vector<16xf32>,
      %add3A_713 = arith.constant 18 : i32
      %add3A_714 = vector.broadcast %add3A_713 : i32 to vector<16xi32>
      %add3A_715 = arith.addi %broadcast_in_dim3A_50, %add3A_714 : vector<16xi32>
      %gather3A_716 = tpu.vector_load_idx %arg15[%add3A_527, %add3A_715] : memref<128x128xf32, #tpu.memory_space<vmem>>[vector<16xi32>, vector<16xi32>], vector<16xf32>,
      %mul3A_717 = arith.mulf %gather3A_712, %gather3A_716 : vector<16xf32>
      %add3A_718 = arith.addf %add3A_708, %mul3A_717 : vector<16xf32>
      %add3A_719 = arith.constant 19 : i32
      %add3A_720 = vector.broadcast %add3A_719 : i32 to vector<16xi32>
      %add3A_721 = arith.addi %broadcast_in_dim3A_50, %add3A_720 : vector<16xi32>
      %gather3A_722 = tpu.vector_load_idx %arg13[%add3A_527, %add3A_721] : memref<128x128xf32, #tpu.memory_space<vmem>>[vector<16xi32>, vector<16xi32>], vector<16xf32>,
      %add3A_723 = arith.constant 19 : i32
      %add3A_724 = vector.broadcast %add3A_723 : i32 to vector<16xi32>
      %add3A_725 = arith.addi %broadcast_in_dim3A_50, %add3A_724 : vector<16xi32>
      %gather3A_726 = tpu.vector_load_idx %arg15[%add3A_527, %add3A_725] : memref<128x128xf32, #tpu.memory_space<vmem>>[vector<16xi32>, vector<16xi32>], vector<16xf32>,
      %mul3A_727 = arith.mulf %gather3A_722, %gather3A_726 : vector<16xf32>
      %add3A_728 = arith.addf %add3A_718, %mul3A_727 : vector<16xf32>
      %add3A_729 = arith.constant 20 : i32
      %add3A_730 = vector.broadcast %add3A_729 : i32 to vector<16xi32>
      %add3A_731 = arith.addi %broadcast_in_dim3A_50, %add3A_730 : vector<16xi32>
      %gather3A_732 = tpu.vector_load_idx %arg13[%add3A_527, %add3A_731] : memref<128x128xf32, #tpu.memory_space<vmem>>[vector<16xi32>, vector<16xi32>], vector<16xf32>,
      %add3A_733 = arith.constant 20 : i32
      %add3A_734 = vector.broadcast %add3A_733 : i32 to vector<16xi32>
      %add3A_735 = arith.addi %broadcast_in_dim3A_50, %add3A_734 : vector<16xi32>
      %gather3A_736 = tpu.vector_load_idx %arg15[%add3A_527, %add3A_735] : memref<128x128xf32, #tpu.memory_space<vmem>>[vector<16xi32>, vector<16xi32>], vector<16xf32>,
      %mul3A_737 = arith.mulf %gather3A_732, %gather3A_736 : vector<16xf32>
      %add3A_738 = arith.addf %add3A_728, %mul3A_737 : vector<16xf32>
      %add3A_739 = arith.constant 21 : i32
      %add3A_740 = vector.broadcast %add3A_739 : i32 to vector<16xi32>
      %add3A_741 = arith.addi %broadcast_in_dim3A_50, %add3A_740 : vector<16xi32>
      %gather3A_742 = tpu.vector_load_idx %arg13[%add3A_527, %add3A_741] : memref<128x128xf32, #tpu.memory_space<vmem>>[vector<16xi32>, vector<16xi32>], vector<16xf32>,
      %add3A_743 = arith.constant 21 : i32
      %add3A_744 = vector.broadcast %add3A_743 : i32 to vector<16xi32>
      %add3A_745 = arith.addi %broadcast_in_dim3A_50, %add3A_744 : vector<16xi32>
      %gather3A_746 = tpu.vector_load_idx %arg15[%add3A_527, %add3A_745] : memref<128x128xf32, #tpu.memory_space<vmem>>[vector<16xi32>, vector<16xi32>], vector<16xf32>,
      %mul3A_747 = arith.mulf %gather3A_742, %gather3A_746 : vector<16xf32>
      %add3A_748 = arith.addf %add3A_738, %mul3A_747 : vector<16xf32>
      %add3A_749 = arith.constant 22 : i32
      %add3A_750 = vector.broadcast %add3A_749 : i32 to vector<16xi32>
      %add3A_751 = arith.addi %broadcast_in_dim3A_50, %add3A_750 : vector<16xi32>
      %gather3A_752 = tpu.vector_load_idx %arg13[%add3A_527, %add3A_751] : memref<128x128xf32, #tpu.memory_space<vmem>>[vector<16xi32>, vector<16xi32>], vector<16xf32>,
      %add3A_753 = arith.constant 22 : i32
      %add3A_754 = vector.broadcast %add3A_753 : i32 to vector<16xi32>
      %add3A_755 = arith.addi %broadcast_in_dim3A_50, %add3A_754 : vector<16xi32>
      %gather3A_756 = tpu.vector_load_idx %arg15[%add3A_527, %add3A_755] : memref<128x128xf32, #tpu.memory_space<vmem>>[vector<16xi32>, vector<16xi32>], vector<16xf32>,
      %mul3A_757 = arith.mulf %gather3A_752, %gather3A_756 : vector<16xf32>
      %add3A_758 = arith.addf %add3A_748, %mul3A_757 : vector<16xf32>
      %add3A_759 = arith.constant 23 : i32
      %add3A_760 = vector.broadcast %add3A_759 : i32 to vector<16xi32>
      %add3A_761 = arith.addi %broadcast_in_dim3A_50, %add3A_760 : vector<16xi32>
      %gather3A_762 = tpu.vector_load_idx %arg13[%add3A_527, %add3A_761] : memref<128x128xf32, #tpu.memory_space<vmem>>[vector<16xi32>, vector<16xi32>], vector<16xf32>,
      %add3A_763 = arith.constant 23 : i32
      %add3A_764 = vector.broadcast %add3A_763 : i32 to vector<16xi32>
      %add3A_765 = arith.addi %broadcast_in_dim3A_50, %add3A_764 : vector<16xi32>
      %gather3A_766 = tpu.vector_load_idx %arg15[%add3A_527, %add3A_765] : memref<128x128xf32, #tpu.memory_space<vmem>>[vector<16xi32>, vector<16xi32>], vector<16xf32>,
      %mul3A_767 = arith.mulf %gather3A_762, %gather3A_766 : vector<16xf32>
      %add3A_768 = arith.addf %add3A_758, %mul3A_767 : vector<16xf32>
      %add3A_769 = arith.constant 24 : i32
      %add3A_770 = vector.broadcast %add3A_769 : i32 to vector<16xi32>
      %add3A_771 = arith.addi %broadcast_in_dim3A_50, %add3A_770 : vector<16xi32>
      %gather3A_772 = tpu.vector_load_idx %arg13[%add3A_527, %add3A_771] : memref<128x128xf32, #tpu.memory_space<vmem>>[vector<16xi32>, vector<16xi32>], vector<16xf32>,
      %add3A_773 = arith.constant 24 : i32
      %add3A_774 = vector.broadcast %add3A_773 : i32 to vector<16xi32>
      %add3A_775 = arith.addi %broadcast_in_dim3A_50, %add3A_774 : vector<16xi32>
      %gather3A_776 = tpu.vector_load_idx %arg15[%add3A_527, %add3A_775] : memref<128x128xf32, #tpu.memory_space<vmem>>[vector<16xi32>, vector<16xi32>], vector<16xf32>,
      %mul3A_777 = arith.mulf %gather3A_772, %gather3A_776 : vector<16xf32>
      %add3A_778 = arith.addf %add3A_768, %mul3A_777 : vector<16xf32>
      %add3A_779 = arith.constant 25 : i32
      %add3A_780 = vector.broadcast %add3A_779 : i32 to vector<16xi32>
      %add3A_781 = arith.addi %broadcast_in_dim3A_50, %add3A_780 : vector<16xi32>
      %gather3A_782 = tpu.vector_load_idx %arg13[%add3A_527, %add3A_781] : memref<128x128xf32, #tpu.memory_space<vmem>>[vector<16xi32>, vector<16xi32>], vector<16xf32>,
      %add3A_783 = arith.constant 25 : i32
      %add3A_784 = vector.broadcast %add3A_783 : i32 to vector<16xi32>
      %add3A_785 = arith.addi %broadcast_in_dim3A_50, %add3A_784 : vector<16xi32>
      %gather3A_786 = tpu.vector_load_idx %arg15[%add3A_527, %add3A_785] : memref<128x128xf32, #tpu.memory_space<vmem>>[vector<16xi32>, vector<16xi32>], vector<16xf32>,
      %mul3A_787 = arith.mulf %gather3A_782, %gather3A_786 : vector<16xf32>
      %add3A_788 = arith.addf %add3A_778, %mul3A_787 : vector<16xf32>
      %add3A_789 = arith.constant 26 : i32
      %add3A_790 = vector.broadcast %add3A_789 : i32 to vector<16xi32>
      %add3A_791 = arith.addi %broadcast_in_dim3A_50, %add3A_790 : vector<16xi32>
      %gather3A_792 = tpu.vector_load_idx %arg13[%add3A_527, %add3A_791] : memref<128x128xf32, #tpu.memory_space<vmem>>[vector<16xi32>, vector<16xi32>], vector<16xf32>,
      %add3A_793 = arith.constant 26 : i32
      %add3A_794 = vector.broadcast %add3A_793 : i32 to vector<16xi32>
      %add3A_795 = arith.addi %broadcast_in_dim3A_50, %add3A_794 : vector<16xi32>
      %gather3A_796 = tpu.vector_load_idx %arg15[%add3A_527, %add3A_795] : memref<128x128xf32, #tpu.memory_space<vmem>>[vector<16xi32>, vector<16xi32>], vector<16xf32>,
      %mul3A_797 = arith.mulf %gather3A_792, %gather3A_796 : vector<16xf32>
      %add3A_798 = arith.addf %add3A_788, %mul3A_797 : vector<16xf32>
      %add3A_799 = arith.constant 27 : i32
      %add3A_800 = vector.broadcast %add3A_799 : i32 to vector<16xi32>
      %add3A_801 = arith.addi %broadcast_in_dim3A_50, %add3A_800 : vector<16xi32>
      %gather3A_802 = tpu.vector_load_idx %arg13[%add3A_527, %add3A_801] : memref<128x128xf32, #tpu.memory_space<vmem>>[vector<16xi32>, vector<16xi32>], vector<16xf32>,
      %add3A_803 = arith.constant 27 : i32
      %add3A_804 = vector.broadcast %add3A_803 : i32 to vector<16xi32>
      %add3A_805 = arith.addi %broadcast_in_dim3A_50, %add3A_804 : vector<16xi32>
      %gather3A_806 = tpu.vector_load_idx %arg15[%add3A_527, %add3A_805] : memref<128x128xf32, #tpu.memory_space<vmem>>[vector<16xi32>, vector<16xi32>], vector<16xf32>,
      %mul3A_807 = arith.mulf %gather3A_802, %gather3A_806 : vector<16xf32>
      %add3A_808 = arith.addf %add3A_798, %mul3A_807 : vector<16xf32>
      %add3A_809 = arith.constant 28 : i32
      %add3A_810 = vector.broadcast %add3A_809 : i32 to vector<16xi32>
      %add3A_811 = arith.addi %broadcast_in_dim3A_50, %add3A_810 : vector<16xi32>
      %gather3A_812 = tpu.vector_load_idx %arg13[%add3A_527, %add3A_811] : memref<128x128xf32, #tpu.memory_space<vmem>>[vector<16xi32>, vector<16xi32>], vector<16xf32>,
      %add3A_813 = arith.constant 28 : i32
      %add3A_814 = vector.broadcast %add3A_813 : i32 to vector<16xi32>
      %add3A_815 = arith.addi %broadcast_in_dim3A_50, %add3A_814 : vector<16xi32>
      %gather3A_816 = tpu.vector_load_idx %arg15[%add3A_527, %add3A_815] : memref<128x128xf32, #tpu.memory_space<vmem>>[vector<16xi32>, vector<16xi32>], vector<16xf32>,
      %mul3A_817 = arith.mulf %gather3A_812, %gather3A_816 : vector<16xf32>
      %add3A_818 = arith.addf %add3A_808, %mul3A_817 : vector<16xf32>
      %add3A_819 = arith.constant 29 : i32
      %add3A_820 = vector.broadcast %add3A_819 : i32 to vector<16xi32>
      %add3A_821 = arith.addi %broadcast_in_dim3A_50, %add3A_820 : vector<16xi32>
      %gather3A_822 = tpu.vector_load_idx %arg13[%add3A_527, %add3A_821] : memref<128x128xf32, #tpu.memory_space<vmem>>[vector<16xi32>, vector<16xi32>], vector<16xf32>,
      %add3A_823 = arith.constant 29 : i32
      %add3A_824 = vector.broadcast %add3A_823 : i32 to vector<16xi32>
      %add3A_825 = arith.addi %broadcast_in_dim3A_50, %add3A_824 : vector<16xi32>
      %gather3A_826 = tpu.vector_load_idx %arg15[%add3A_527, %add3A_825] : memref<128x128xf32, #tpu.memory_space<vmem>>[vector<16xi32>, vector<16xi32>], vector<16xf32>,
      %mul3A_827 = arith.mulf %gather3A_822, %gather3A_826 : vector<16xf32>
      %add3A_828 = arith.addf %add3A_818, %mul3A_827 : vector<16xf32>
      %add3A_829 = arith.constant 30 : i32
      %add3A_830 = vector.broadcast %add3A_829 : i32 to vector<16xi32>
      %add3A_831 = arith.addi %broadcast_in_dim3A_50, %add3A_830 : vector<16xi32>
      %gather3A_832 = tpu.vector_load_idx %arg13[%add3A_527, %add3A_831] : memref<128x128xf32, #tpu.memory_space<vmem>>[vector<16xi32>, vector<16xi32>], vector<16xf32>,
      %add3A_833 = arith.constant 30 : i32
      %add3A_834 = vector.broadcast %add3A_833 : i32 to vector<16xi32>
      %add3A_835 = arith.addi %broadcast_in_dim3A_50, %add3A_834 : vector<16xi32>
      %gather3A_836 = tpu.vector_load_idx %arg15[%add3A_527, %add3A_835] : memref<128x128xf32, #tpu.memory_space<vmem>>[vector<16xi32>, vector<16xi32>], vector<16xf32>,
      %mul3A_837 = arith.mulf %gather3A_832, %gather3A_836 : vector<16xf32>
      %add3A_838 = arith.addf %add3A_828, %mul3A_837 : vector<16xf32>
      %add3A_839 = arith.constant 31 : i32
      %add3A_840 = vector.broadcast %add3A_839 : i32 to vector<16xi32>
      %add3A_841 = arith.addi %broadcast_in_dim3A_50, %add3A_840 : vector<16xi32>
      %gather3A_842 = tpu.vector_load_idx %arg13[%add3A_527, %add3A_841] : memref<128x128xf32, #tpu.memory_space<vmem>>[vector<16xi32>, vector<16xi32>], vector<16xf32>,
      %add3A_843 = arith.constant 31 : i32
      %add3A_844 = vector.broadcast %add3A_843 : i32 to vector<16xi32>
      %add3A_845 = arith.addi %broadcast_in_dim3A_50, %add3A_844 : vector<16xi32>
      %gather3A_846 = tpu.vector_load_idx %arg15[%add3A_527, %add3A_845] : memref<128x128xf32, #tpu.memory_space<vmem>>[vector<16xi32>, vector<16xi32>], vector<16xf32>,
      %mul3A_847 = arith.mulf %gather3A_842, %gather3A_846 : vector<16xf32>
      %add3A_848 = arith.addf %add3A_838, %mul3A_847 : vector<16xf32>
      %swap3A_849 = arith.index_cast %add3A_523 : i32 to index
      %swap3A_850 = tpu.vector_load %arg17[%swap3A_849] {strides = array<i32>} : memref<512xf32, #tpu.memory_space<vmem>>, vector<16xf32>,
      tpu.vector_store %arg17[%swap3A_849], %add3A_848 {strides = array<i32>} : memref<512xf32, #tpu.memory_space<vmem>>, vector<16xf32>,
    }
    %scan3A_136 = arith.constant 8 : i32
    %dma_wait3A_137 = arith.constant 384 : i32
    %dma_wait3A_138 = tpu.memref_slice %arg9[%dma_wait3A_137] : memref<512xi32, #tpu.memory_space<vmem>> -> memref<128xi32, #tpu.memory_space<vmem>>
    %dma_wait3A_139 = arith.constant 0 : i32
    %dma_wait3A_140 = arith.constant 0 : i32
    %dma_wait3A_141 = tpu.memref_slice %arg6[%dma_wait3A_139, %dma_wait3A_140] : memref<1000000x128xf32, #tpu.memory_space<hbm>> -> memref<1000000x128xf32, #tpu.memory_space<hbm>>
    tpu.wait_indirect_dma semaphore(%arg20 : memref<!tpu.dma_semaphore, #tpu.memory_space<semaphore_mem>>) src(%dma_wait3A_141 : memref<1000000x128xf32, #tpu.memory_space<hbm>>) dst(%arg14 : memref<128x128xf32, #tpu.memory_space<vmem>>)
    %dma_wait3A_142 = arith.constant 384 : i32
    %dma_wait3A_143 = tpu.memref_slice %arg10[%dma_wait3A_142] : memref<512xi32, #tpu.memory_space<vmem>> -> memref<128xi32, #tpu.memory_space<vmem>>
    %dma_wait3A_144 = arith.constant 0 : i32
    %dma_wait3A_145 = arith.constant 0 : i32
    %dma_wait3A_146 = tpu.memref_slice %arg7[%dma_wait3A_144, %dma_wait3A_145] : memref<100000x128xf32, #tpu.memory_space<hbm>> -> memref<100000x128xf32, #tpu.memory_space<hbm>>
    tpu.wait_indirect_dma semaphore(%arg22 : memref<!tpu.dma_semaphore, #tpu.memory_space<semaphore_mem>>) src(%dma_wait3A_146 : memref<100000x128xf32, #tpu.memory_space<hbm>>) dst(%arg16 : memref<128x128xf32, #tpu.memory_space<vmem>>)
    %scan3A_147 = arith.constant 0 : i32
    %scan3A_148 = arith.constant 0 : i32
    %scan3A_149 = arith.constant 8 : i32
    %scan3A_150 = arith.addi %scan3A_148, %scan3A_149 : i32
    %scan3A_151 = arith.constant 1 : i32
    scf.for %scan3A_519 = %scan3A_148 to %scan3A_150 step %scan3A_151  : i32 {
      %mul3A_520 = arith.constant 16 : i32
      %mul3A_521 = arith.muli %scan3A_519, %mul3A_520 : i32
      %add3A_522 = arith.constant 384 : i32
      %add3A_523 = arith.addi %add3A_522, %mul3A_521 : i32
      %mul3A_524 = arith.constant 16 : i32
      %mul3A_525 = arith.muli %scan3A_519, %mul3A_524 : i32
      %add3A_526 = vector.broadcast %mul3A_525 : i32 to vector<16xi32>
      %add3A_527 = arith.addi %add3A_526, %iota3A : vector<16xi32>
      %broadcast_in_dim3A_528 = arith.constant 0.000000e+00 : f32
      %broadcast_in_dim3A_529 = vector.broadcast %broadcast_in_dim3A_528 : f32 to vector<16xf32>
      %add3A_530 = arith.constant 0 : i32
      %add3A_531 = vector.broadcast %add3A_530 : i32 to vector<16xi32>
      %add3A_532 = arith.addi %broadcast_in_dim3A_50, %add3A_531 : vector<16xi32>
      %gather3A = tpu.vector_load_idx %arg14[%add3A_527, %add3A_532] : memref<128x128xf32, #tpu.memory_space<vmem>>[vector<16xi32>, vector<16xi32>], vector<16xf32>,
      %add3A_533 = arith.constant 0 : i32
      %add3A_534 = vector.broadcast %add3A_533 : i32 to vector<16xi32>
      %add3A_535 = arith.addi %broadcast_in_dim3A_50, %add3A_534 : vector<16xi32>
      %gather3A_536 = tpu.vector_load_idx %arg16[%add3A_527, %add3A_535] : memref<128x128xf32, #tpu.memory_space<vmem>>[vector<16xi32>, vector<16xi32>], vector<16xf32>,
      %mul3A_537 = arith.mulf %gather3A, %gather3A_536 : vector<16xf32>
      %add3A_538 = arith.addf %broadcast_in_dim3A_529, %mul3A_537 : vector<16xf32>
      %add3A_539 = arith.constant 1 : i32
      %add3A_540 = vector.broadcast %add3A_539 : i32 to vector<16xi32>
      %add3A_541 = arith.addi %broadcast_in_dim3A_50, %add3A_540 : vector<16xi32>
      %gather3A_542 = tpu.vector_load_idx %arg14[%add3A_527, %add3A_541] : memref<128x128xf32, #tpu.memory_space<vmem>>[vector<16xi32>, vector<16xi32>], vector<16xf32>,
      %add3A_543 = arith.constant 1 : i32
      %add3A_544 = vector.broadcast %add3A_543 : i32 to vector<16xi32>
      %add3A_545 = arith.addi %broadcast_in_dim3A_50, %add3A_544 : vector<16xi32>
      %gather3A_546 = tpu.vector_load_idx %arg16[%add3A_527, %add3A_545] : memref<128x128xf32, #tpu.memory_space<vmem>>[vector<16xi32>, vector<16xi32>], vector<16xf32>,
      %mul3A_547 = arith.mulf %gather3A_542, %gather3A_546 : vector<16xf32>
      %add3A_548 = arith.addf %add3A_538, %mul3A_547 : vector<16xf32>
      %add3A_549 = arith.constant 2 : i32
      %add3A_550 = vector.broadcast %add3A_549 : i32 to vector<16xi32>
      %add3A_551 = arith.addi %broadcast_in_dim3A_50, %add3A_550 : vector<16xi32>
      %gather3A_552 = tpu.vector_load_idx %arg14[%add3A_527, %add3A_551] : memref<128x128xf32, #tpu.memory_space<vmem>>[vector<16xi32>, vector<16xi32>], vector<16xf32>,
      %add3A_553 = arith.constant 2 : i32
      %add3A_554 = vector.broadcast %add3A_553 : i32 to vector<16xi32>
      %add3A_555 = arith.addi %broadcast_in_dim3A_50, %add3A_554 : vector<16xi32>
      %gather3A_556 = tpu.vector_load_idx %arg16[%add3A_527, %add3A_555] : memref<128x128xf32, #tpu.memory_space<vmem>>[vector<16xi32>, vector<16xi32>], vector<16xf32>,
      %mul3A_557 = arith.mulf %gather3A_552, %gather3A_556 : vector<16xf32>
      %add3A_558 = arith.addf %add3A_548, %mul3A_557 : vector<16xf32>
      %add3A_559 = arith.constant 3 : i32
      %add3A_560 = vector.broadcast %add3A_559 : i32 to vector<16xi32>
      %add3A_561 = arith.addi %broadcast_in_dim3A_50, %add3A_560 : vector<16xi32>
      %gather3A_562 = tpu.vector_load_idx %arg14[%add3A_527, %add3A_561] : memref<128x128xf32, #tpu.memory_space<vmem>>[vector<16xi32>, vector<16xi32>], vector<16xf32>,
      %add3A_563 = arith.constant 3 : i32
      %add3A_564 = vector.broadcast %add3A_563 : i32 to vector<16xi32>
      %add3A_565 = arith.addi %broadcast_in_dim3A_50, %add3A_564 : vector<16xi32>
      %gather3A_566 = tpu.vector_load_idx %arg16[%add3A_527, %add3A_565] : memref<128x128xf32, #tpu.memory_space<vmem>>[vector<16xi32>, vector<16xi32>], vector<16xf32>,
      %mul3A_567 = arith.mulf %gather3A_562, %gather3A_566 : vector<16xf32>
      %add3A_568 = arith.addf %add3A_558, %mul3A_567 : vector<16xf32>
      %add3A_569 = arith.constant 4 : i32
      %add3A_570 = vector.broadcast %add3A_569 : i32 to vector<16xi32>
      %add3A_571 = arith.addi %broadcast_in_dim3A_50, %add3A_570 : vector<16xi32>
      %gather3A_572 = tpu.vector_load_idx %arg14[%add3A_527, %add3A_571] : memref<128x128xf32, #tpu.memory_space<vmem>>[vector<16xi32>, vector<16xi32>], vector<16xf32>,
      %add3A_573 = arith.constant 4 : i32
      %add3A_574 = vector.broadcast %add3A_573 : i32 to vector<16xi32>
      %add3A_575 = arith.addi %broadcast_in_dim3A_50, %add3A_574 : vector<16xi32>
      %gather3A_576 = tpu.vector_load_idx %arg16[%add3A_527, %add3A_575] : memref<128x128xf32, #tpu.memory_space<vmem>>[vector<16xi32>, vector<16xi32>], vector<16xf32>,
      %mul3A_577 = arith.mulf %gather3A_572, %gather3A_576 : vector<16xf32>
      %add3A_578 = arith.addf %add3A_568, %mul3A_577 : vector<16xf32>
      %add3A_579 = arith.constant 5 : i32
      %add3A_580 = vector.broadcast %add3A_579 : i32 to vector<16xi32>
      %add3A_581 = arith.addi %broadcast_in_dim3A_50, %add3A_580 : vector<16xi32>
      %gather3A_582 = tpu.vector_load_idx %arg14[%add3A_527, %add3A_581] : memref<128x128xf32, #tpu.memory_space<vmem>>[vector<16xi32>, vector<16xi32>], vector<16xf32>,
      %add3A_583 = arith.constant 5 : i32
      %add3A_584 = vector.broadcast %add3A_583 : i32 to vector<16xi32>
      %add3A_585 = arith.addi %broadcast_in_dim3A_50, %add3A_584 : vector<16xi32>
      %gather3A_586 = tpu.vector_load_idx %arg16[%add3A_527, %add3A_585] : memref<128x128xf32, #tpu.memory_space<vmem>>[vector<16xi32>, vector<16xi32>], vector<16xf32>,
      %mul3A_587 = arith.mulf %gather3A_582, %gather3A_586 : vector<16xf32>
      %add3A_588 = arith.addf %add3A_578, %mul3A_587 : vector<16xf32>
      %add3A_589 = arith.constant 6 : i32
      %add3A_590 = vector.broadcast %add3A_589 : i32 to vector<16xi32>
      %add3A_591 = arith.addi %broadcast_in_dim3A_50, %add3A_590 : vector<16xi32>
      %gather3A_592 = tpu.vector_load_idx %arg14[%add3A_527, %add3A_591] : memref<128x128xf32, #tpu.memory_space<vmem>>[vector<16xi32>, vector<16xi32>], vector<16xf32>,
      %add3A_593 = arith.constant 6 : i32
      %add3A_594 = vector.broadcast %add3A_593 : i32 to vector<16xi32>
      %add3A_595 = arith.addi %broadcast_in_dim3A_50, %add3A_594 : vector<16xi32>
      %gather3A_596 = tpu.vector_load_idx %arg16[%add3A_527, %add3A_595] : memref<128x128xf32, #tpu.memory_space<vmem>>[vector<16xi32>, vector<16xi32>], vector<16xf32>,
      %mul3A_597 = arith.mulf %gather3A_592, %gather3A_596 : vector<16xf32>
      %add3A_598 = arith.addf %add3A_588, %mul3A_597 : vector<16xf32>
      %add3A_599 = arith.constant 7 : i32
      %add3A_600 = vector.broadcast %add3A_599 : i32 to vector<16xi32>
      %add3A_601 = arith.addi %broadcast_in_dim3A_50, %add3A_600 : vector<16xi32>
      %gather3A_602 = tpu.vector_load_idx %arg14[%add3A_527, %add3A_601] : memref<128x128xf32, #tpu.memory_space<vmem>>[vector<16xi32>, vector<16xi32>], vector<16xf32>,
      %add3A_603 = arith.constant 7 : i32
      %add3A_604 = vector.broadcast %add3A_603 : i32 to vector<16xi32>
      %add3A_605 = arith.addi %broadcast_in_dim3A_50, %add3A_604 : vector<16xi32>
      %gather3A_606 = tpu.vector_load_idx %arg16[%add3A_527, %add3A_605] : memref<128x128xf32, #tpu.memory_space<vmem>>[vector<16xi32>, vector<16xi32>], vector<16xf32>,
      %mul3A_607 = arith.mulf %gather3A_602, %gather3A_606 : vector<16xf32>
      %add3A_608 = arith.addf %add3A_598, %mul3A_607 : vector<16xf32>
      %add3A_609 = arith.constant 8 : i32
      %add3A_610 = vector.broadcast %add3A_609 : i32 to vector<16xi32>
      %add3A_611 = arith.addi %broadcast_in_dim3A_50, %add3A_610 : vector<16xi32>
      %gather3A_612 = tpu.vector_load_idx %arg14[%add3A_527, %add3A_611] : memref<128x128xf32, #tpu.memory_space<vmem>>[vector<16xi32>, vector<16xi32>], vector<16xf32>,
      %add3A_613 = arith.constant 8 : i32
      %add3A_614 = vector.broadcast %add3A_613 : i32 to vector<16xi32>
      %add3A_615 = arith.addi %broadcast_in_dim3A_50, %add3A_614 : vector<16xi32>
      %gather3A_616 = tpu.vector_load_idx %arg16[%add3A_527, %add3A_615] : memref<128x128xf32, #tpu.memory_space<vmem>>[vector<16xi32>, vector<16xi32>], vector<16xf32>,
      %mul3A_617 = arith.mulf %gather3A_612, %gather3A_616 : vector<16xf32>
      %add3A_618 = arith.addf %add3A_608, %mul3A_617 : vector<16xf32>
      %add3A_619 = arith.constant 9 : i32
      %add3A_620 = vector.broadcast %add3A_619 : i32 to vector<16xi32>
      %add3A_621 = arith.addi %broadcast_in_dim3A_50, %add3A_620 : vector<16xi32>
      %gather3A_622 = tpu.vector_load_idx %arg14[%add3A_527, %add3A_621] : memref<128x128xf32, #tpu.memory_space<vmem>>[vector<16xi32>, vector<16xi32>], vector<16xf32>,
      %add3A_623 = arith.constant 9 : i32
      %add3A_624 = vector.broadcast %add3A_623 : i32 to vector<16xi32>
      %add3A_625 = arith.addi %broadcast_in_dim3A_50, %add3A_624 : vector<16xi32>
      %gather3A_626 = tpu.vector_load_idx %arg16[%add3A_527, %add3A_625] : memref<128x128xf32, #tpu.memory_space<vmem>>[vector<16xi32>, vector<16xi32>], vector<16xf32>,
      %mul3A_627 = arith.mulf %gather3A_622, %gather3A_626 : vector<16xf32>
      %add3A_628 = arith.addf %add3A_618, %mul3A_627 : vector<16xf32>
      %add3A_629 = arith.constant 10 : i32
      %add3A_630 = vector.broadcast %add3A_629 : i32 to vector<16xi32>
      %add3A_631 = arith.addi %broadcast_in_dim3A_50, %add3A_630 : vector<16xi32>
      %gather3A_632 = tpu.vector_load_idx %arg14[%add3A_527, %add3A_631] : memref<128x128xf32, #tpu.memory_space<vmem>>[vector<16xi32>, vector<16xi32>], vector<16xf32>,
      %add3A_633 = arith.constant 10 : i32
      %add3A_634 = vector.broadcast %add3A_633 : i32 to vector<16xi32>
      %add3A_635 = arith.addi %broadcast_in_dim3A_50, %add3A_634 : vector<16xi32>
      %gather3A_636 = tpu.vector_load_idx %arg16[%add3A_527, %add3A_635] : memref<128x128xf32, #tpu.memory_space<vmem>>[vector<16xi32>, vector<16xi32>], vector<16xf32>,
      %mul3A_637 = arith.mulf %gather3A_632, %gather3A_636 : vector<16xf32>
      %add3A_638 = arith.addf %add3A_628, %mul3A_637 : vector<16xf32>
      %add3A_639 = arith.constant 11 : i32
      %add3A_640 = vector.broadcast %add3A_639 : i32 to vector<16xi32>
      %add3A_641 = arith.addi %broadcast_in_dim3A_50, %add3A_640 : vector<16xi32>
      %gather3A_642 = tpu.vector_load_idx %arg14[%add3A_527, %add3A_641] : memref<128x128xf32, #tpu.memory_space<vmem>>[vector<16xi32>, vector<16xi32>], vector<16xf32>,
      %add3A_643 = arith.constant 11 : i32
      %add3A_644 = vector.broadcast %add3A_643 : i32 to vector<16xi32>
      %add3A_645 = arith.addi %broadcast_in_dim3A_50, %add3A_644 : vector<16xi32>
      %gather3A_646 = tpu.vector_load_idx %arg16[%add3A_527, %add3A_645] : memref<128x128xf32, #tpu.memory_space<vmem>>[vector<16xi32>, vector<16xi32>], vector<16xf32>,
      %mul3A_647 = arith.mulf %gather3A_642, %gather3A_646 : vector<16xf32>
      %add3A_648 = arith.addf %add3A_638, %mul3A_647 : vector<16xf32>
      %add3A_649 = arith.constant 12 : i32
      %add3A_650 = vector.broadcast %add3A_649 : i32 to vector<16xi32>
      %add3A_651 = arith.addi %broadcast_in_dim3A_50, %add3A_650 : vector<16xi32>
      %gather3A_652 = tpu.vector_load_idx %arg14[%add3A_527, %add3A_651] : memref<128x128xf32, #tpu.memory_space<vmem>>[vector<16xi32>, vector<16xi32>], vector<16xf32>,
      %add3A_653 = arith.constant 12 : i32
      %add3A_654 = vector.broadcast %add3A_653 : i32 to vector<16xi32>
      %add3A_655 = arith.addi %broadcast_in_dim3A_50, %add3A_654 : vector<16xi32>
      %gather3A_656 = tpu.vector_load_idx %arg16[%add3A_527, %add3A_655] : memref<128x128xf32, #tpu.memory_space<vmem>>[vector<16xi32>, vector<16xi32>], vector<16xf32>,
      %mul3A_657 = arith.mulf %gather3A_652, %gather3A_656 : vector<16xf32>
      %add3A_658 = arith.addf %add3A_648, %mul3A_657 : vector<16xf32>
      %add3A_659 = arith.constant 13 : i32
      %add3A_660 = vector.broadcast %add3A_659 : i32 to vector<16xi32>
      %add3A_661 = arith.addi %broadcast_in_dim3A_50, %add3A_660 : vector<16xi32>
      %gather3A_662 = tpu.vector_load_idx %arg14[%add3A_527, %add3A_661] : memref<128x128xf32, #tpu.memory_space<vmem>>[vector<16xi32>, vector<16xi32>], vector<16xf32>,
      %add3A_663 = arith.constant 13 : i32
      %add3A_664 = vector.broadcast %add3A_663 : i32 to vector<16xi32>
      %add3A_665 = arith.addi %broadcast_in_dim3A_50, %add3A_664 : vector<16xi32>
      %gather3A_666 = tpu.vector_load_idx %arg16[%add3A_527, %add3A_665] : memref<128x128xf32, #tpu.memory_space<vmem>>[vector<16xi32>, vector<16xi32>], vector<16xf32>,
      %mul3A_667 = arith.mulf %gather3A_662, %gather3A_666 : vector<16xf32>
      %add3A_668 = arith.addf %add3A_658, %mul3A_667 : vector<16xf32>
      %add3A_669 = arith.constant 14 : i32
      %add3A_670 = vector.broadcast %add3A_669 : i32 to vector<16xi32>
      %add3A_671 = arith.addi %broadcast_in_dim3A_50, %add3A_670 : vector<16xi32>
      %gather3A_672 = tpu.vector_load_idx %arg14[%add3A_527, %add3A_671] : memref<128x128xf32, #tpu.memory_space<vmem>>[vector<16xi32>, vector<16xi32>], vector<16xf32>,
      %add3A_673 = arith.constant 14 : i32
      %add3A_674 = vector.broadcast %add3A_673 : i32 to vector<16xi32>
      %add3A_675 = arith.addi %broadcast_in_dim3A_50, %add3A_674 : vector<16xi32>
      %gather3A_676 = tpu.vector_load_idx %arg16[%add3A_527, %add3A_675] : memref<128x128xf32, #tpu.memory_space<vmem>>[vector<16xi32>, vector<16xi32>], vector<16xf32>,
      %mul3A_677 = arith.mulf %gather3A_672, %gather3A_676 : vector<16xf32>
      %add3A_678 = arith.addf %add3A_668, %mul3A_677 : vector<16xf32>
      %add3A_679 = arith.constant 15 : i32
      %add3A_680 = vector.broadcast %add3A_679 : i32 to vector<16xi32>
      %add3A_681 = arith.addi %broadcast_in_dim3A_50, %add3A_680 : vector<16xi32>
      %gather3A_682 = tpu.vector_load_idx %arg14[%add3A_527, %add3A_681] : memref<128x128xf32, #tpu.memory_space<vmem>>[vector<16xi32>, vector<16xi32>], vector<16xf32>,
      %add3A_683 = arith.constant 15 : i32
      %add3A_684 = vector.broadcast %add3A_683 : i32 to vector<16xi32>
      %add3A_685 = arith.addi %broadcast_in_dim3A_50, %add3A_684 : vector<16xi32>
      %gather3A_686 = tpu.vector_load_idx %arg16[%add3A_527, %add3A_685] : memref<128x128xf32, #tpu.memory_space<vmem>>[vector<16xi32>, vector<16xi32>], vector<16xf32>,
      %mul3A_687 = arith.mulf %gather3A_682, %gather3A_686 : vector<16xf32>
      %add3A_688 = arith.addf %add3A_678, %mul3A_687 : vector<16xf32>
      %add3A_689 = arith.constant 16 : i32
      %add3A_690 = vector.broadcast %add3A_689 : i32 to vector<16xi32>
      %add3A_691 = arith.addi %broadcast_in_dim3A_50, %add3A_690 : vector<16xi32>
      %gather3A_692 = tpu.vector_load_idx %arg14[%add3A_527, %add3A_691] : memref<128x128xf32, #tpu.memory_space<vmem>>[vector<16xi32>, vector<16xi32>], vector<16xf32>,
      %add3A_693 = arith.constant 16 : i32
      %add3A_694 = vector.broadcast %add3A_693 : i32 to vector<16xi32>
      %add3A_695 = arith.addi %broadcast_in_dim3A_50, %add3A_694 : vector<16xi32>
      %gather3A_696 = tpu.vector_load_idx %arg16[%add3A_527, %add3A_695] : memref<128x128xf32, #tpu.memory_space<vmem>>[vector<16xi32>, vector<16xi32>], vector<16xf32>,
      %mul3A_697 = arith.mulf %gather3A_692, %gather3A_696 : vector<16xf32>
      %add3A_698 = arith.addf %add3A_688, %mul3A_697 : vector<16xf32>
      %add3A_699 = arith.constant 17 : i32
      %add3A_700 = vector.broadcast %add3A_699 : i32 to vector<16xi32>
      %add3A_701 = arith.addi %broadcast_in_dim3A_50, %add3A_700 : vector<16xi32>
      %gather3A_702 = tpu.vector_load_idx %arg14[%add3A_527, %add3A_701] : memref<128x128xf32, #tpu.memory_space<vmem>>[vector<16xi32>, vector<16xi32>], vector<16xf32>,
      %add3A_703 = arith.constant 17 : i32
      %add3A_704 = vector.broadcast %add3A_703 : i32 to vector<16xi32>
      %add3A_705 = arith.addi %broadcast_in_dim3A_50, %add3A_704 : vector<16xi32>
      %gather3A_706 = tpu.vector_load_idx %arg16[%add3A_527, %add3A_705] : memref<128x128xf32, #tpu.memory_space<vmem>>[vector<16xi32>, vector<16xi32>], vector<16xf32>,
      %mul3A_707 = arith.mulf %gather3A_702, %gather3A_706 : vector<16xf32>
      %add3A_708 = arith.addf %add3A_698, %mul3A_707 : vector<16xf32>
      %add3A_709 = arith.constant 18 : i32
      %add3A_710 = vector.broadcast %add3A_709 : i32 to vector<16xi32>
      %add3A_711 = arith.addi %broadcast_in_dim3A_50, %add3A_710 : vector<16xi32>
      %gather3A_712 = tpu.vector_load_idx %arg14[%add3A_527, %add3A_711] : memref<128x128xf32, #tpu.memory_space<vmem>>[vector<16xi32>, vector<16xi32>], vector<16xf32>,
      %add3A_713 = arith.constant 18 : i32
      %add3A_714 = vector.broadcast %add3A_713 : i32 to vector<16xi32>
      %add3A_715 = arith.addi %broadcast_in_dim3A_50, %add3A_714 : vector<16xi32>
      %gather3A_716 = tpu.vector_load_idx %arg16[%add3A_527, %add3A_715] : memref<128x128xf32, #tpu.memory_space<vmem>>[vector<16xi32>, vector<16xi32>], vector<16xf32>,
      %mul3A_717 = arith.mulf %gather3A_712, %gather3A_716 : vector<16xf32>
      %add3A_718 = arith.addf %add3A_708, %mul3A_717 : vector<16xf32>
      %add3A_719 = arith.constant 19 : i32
      %add3A_720 = vector.broadcast %add3A_719 : i32 to vector<16xi32>
      %add3A_721 = arith.addi %broadcast_in_dim3A_50, %add3A_720 : vector<16xi32>
      %gather3A_722 = tpu.vector_load_idx %arg14[%add3A_527, %add3A_721] : memref<128x128xf32, #tpu.memory_space<vmem>>[vector<16xi32>, vector<16xi32>], vector<16xf32>,
      %add3A_723 = arith.constant 19 : i32
      %add3A_724 = vector.broadcast %add3A_723 : i32 to vector<16xi32>
      %add3A_725 = arith.addi %broadcast_in_dim3A_50, %add3A_724 : vector<16xi32>
      %gather3A_726 = tpu.vector_load_idx %arg16[%add3A_527, %add3A_725] : memref<128x128xf32, #tpu.memory_space<vmem>>[vector<16xi32>, vector<16xi32>], vector<16xf32>,
      %mul3A_727 = arith.mulf %gather3A_722, %gather3A_726 : vector<16xf32>
      %add3A_728 = arith.addf %add3A_718, %mul3A_727 : vector<16xf32>
      %add3A_729 = arith.constant 20 : i32
      %add3A_730 = vector.broadcast %add3A_729 : i32 to vector<16xi32>
      %add3A_731 = arith.addi %broadcast_in_dim3A_50, %add3A_730 : vector<16xi32>
      %gather3A_732 = tpu.vector_load_idx %arg14[%add3A_527, %add3A_731] : memref<128x128xf32, #tpu.memory_space<vmem>>[vector<16xi32>, vector<16xi32>], vector<16xf32>,
      %add3A_733 = arith.constant 20 : i32
      %add3A_734 = vector.broadcast %add3A_733 : i32 to vector<16xi32>
      %add3A_735 = arith.addi %broadcast_in_dim3A_50, %add3A_734 : vector<16xi32>
      %gather3A_736 = tpu.vector_load_idx %arg16[%add3A_527, %add3A_735] : memref<128x128xf32, #tpu.memory_space<vmem>>[vector<16xi32>, vector<16xi32>], vector<16xf32>,
      %mul3A_737 = arith.mulf %gather3A_732, %gather3A_736 : vector<16xf32>
      %add3A_738 = arith.addf %add3A_728, %mul3A_737 : vector<16xf32>
      %add3A_739 = arith.constant 21 : i32
      %add3A_740 = vector.broadcast %add3A_739 : i32 to vector<16xi32>
      %add3A_741 = arith.addi %broadcast_in_dim3A_50, %add3A_740 : vector<16xi32>
      %gather3A_742 = tpu.vector_load_idx %arg14[%add3A_527, %add3A_741] : memref<128x128xf32, #tpu.memory_space<vmem>>[vector<16xi32>, vector<16xi32>], vector<16xf32>,
      %add3A_743 = arith.constant 21 : i32
      %add3A_744 = vector.broadcast %add3A_743 : i32 to vector<16xi32>
      %add3A_745 = arith.addi %broadcast_in_dim3A_50, %add3A_744 : vector<16xi32>
      %gather3A_746 = tpu.vector_load_idx %arg16[%add3A_527, %add3A_745] : memref<128x128xf32, #tpu.memory_space<vmem>>[vector<16xi32>, vector<16xi32>], vector<16xf32>,
      %mul3A_747 = arith.mulf %gather3A_742, %gather3A_746 : vector<16xf32>
      %add3A_748 = arith.addf %add3A_738, %mul3A_747 : vector<16xf32>
      %add3A_749 = arith.constant 22 : i32
      %add3A_750 = vector.broadcast %add3A_749 : i32 to vector<16xi32>
      %add3A_751 = arith.addi %broadcast_in_dim3A_50, %add3A_750 : vector<16xi32>
      %gather3A_752 = tpu.vector_load_idx %arg14[%add3A_527, %add3A_751] : memref<128x128xf32, #tpu.memory_space<vmem>>[vector<16xi32>, vector<16xi32>], vector<16xf32>,
      %add3A_753 = arith.constant 22 : i32
      %add3A_754 = vector.broadcast %add3A_753 : i32 to vector<16xi32>
      %add3A_755 = arith.addi %broadcast_in_dim3A_50, %add3A_754 : vector<16xi32>
      %gather3A_756 = tpu.vector_load_idx %arg16[%add3A_527, %add3A_755] : memref<128x128xf32, #tpu.memory_space<vmem>>[vector<16xi32>, vector<16xi32>], vector<16xf32>,
      %mul3A_757 = arith.mulf %gather3A_752, %gather3A_756 : vector<16xf32>
      %add3A_758 = arith.addf %add3A_748, %mul3A_757 : vector<16xf32>
      %add3A_759 = arith.constant 23 : i32
      %add3A_760 = vector.broadcast %add3A_759 : i32 to vector<16xi32>
      %add3A_761 = arith.addi %broadcast_in_dim3A_50, %add3A_760 : vector<16xi32>
      %gather3A_762 = tpu.vector_load_idx %arg14[%add3A_527, %add3A_761] : memref<128x128xf32, #tpu.memory_space<vmem>>[vector<16xi32>, vector<16xi32>], vector<16xf32>,
      %add3A_763 = arith.constant 23 : i32
      %add3A_764 = vector.broadcast %add3A_763 : i32 to vector<16xi32>
      %add3A_765 = arith.addi %broadcast_in_dim3A_50, %add3A_764 : vector<16xi32>
      %gather3A_766 = tpu.vector_load_idx %arg16[%add3A_527, %add3A_765] : memref<128x128xf32, #tpu.memory_space<vmem>>[vector<16xi32>, vector<16xi32>], vector<16xf32>,
      %mul3A_767 = arith.mulf %gather3A_762, %gather3A_766 : vector<16xf32>
      %add3A_768 = arith.addf %add3A_758, %mul3A_767 : vector<16xf32>
      %add3A_769 = arith.constant 24 : i32
      %add3A_770 = vector.broadcast %add3A_769 : i32 to vector<16xi32>
      %add3A_771 = arith.addi %broadcast_in_dim3A_50, %add3A_770 : vector<16xi32>
      %gather3A_772 = tpu.vector_load_idx %arg14[%add3A_527, %add3A_771] : memref<128x128xf32, #tpu.memory_space<vmem>>[vector<16xi32>, vector<16xi32>], vector<16xf32>,
      %add3A_773 = arith.constant 24 : i32
      %add3A_774 = vector.broadcast %add3A_773 : i32 to vector<16xi32>
      %add3A_775 = arith.addi %broadcast_in_dim3A_50, %add3A_774 : vector<16xi32>
      %gather3A_776 = tpu.vector_load_idx %arg16[%add3A_527, %add3A_775] : memref<128x128xf32, #tpu.memory_space<vmem>>[vector<16xi32>, vector<16xi32>], vector<16xf32>,
      %mul3A_777 = arith.mulf %gather3A_772, %gather3A_776 : vector<16xf32>
      %add3A_778 = arith.addf %add3A_768, %mul3A_777 : vector<16xf32>
      %add3A_779 = arith.constant 25 : i32
      %add3A_780 = vector.broadcast %add3A_779 : i32 to vector<16xi32>
      %add3A_781 = arith.addi %broadcast_in_dim3A_50, %add3A_780 : vector<16xi32>
      %gather3A_782 = tpu.vector_load_idx %arg14[%add3A_527, %add3A_781] : memref<128x128xf32, #tpu.memory_space<vmem>>[vector<16xi32>, vector<16xi32>], vector<16xf32>,
      %add3A_783 = arith.constant 25 : i32
      %add3A_784 = vector.broadcast %add3A_783 : i32 to vector<16xi32>
      %add3A_785 = arith.addi %broadcast_in_dim3A_50, %add3A_784 : vector<16xi32>
      %gather3A_786 = tpu.vector_load_idx %arg16[%add3A_527, %add3A_785] : memref<128x128xf32, #tpu.memory_space<vmem>>[vector<16xi32>, vector<16xi32>], vector<16xf32>,
      %mul3A_787 = arith.mulf %gather3A_782, %gather3A_786 : vector<16xf32>
      %add3A_788 = arith.addf %add3A_778, %mul3A_787 : vector<16xf32>
      %add3A_789 = arith.constant 26 : i32
      %add3A_790 = vector.broadcast %add3A_789 : i32 to vector<16xi32>
      %add3A_791 = arith.addi %broadcast_in_dim3A_50, %add3A_790 : vector<16xi32>
      %gather3A_792 = tpu.vector_load_idx %arg14[%add3A_527, %add3A_791] : memref<128x128xf32, #tpu.memory_space<vmem>>[vector<16xi32>, vector<16xi32>], vector<16xf32>,
      %add3A_793 = arith.constant 26 : i32
      %add3A_794 = vector.broadcast %add3A_793 : i32 to vector<16xi32>
      %add3A_795 = arith.addi %broadcast_in_dim3A_50, %add3A_794 : vector<16xi32>
      %gather3A_796 = tpu.vector_load_idx %arg16[%add3A_527, %add3A_795] : memref<128x128xf32, #tpu.memory_space<vmem>>[vector<16xi32>, vector<16xi32>], vector<16xf32>,
      %mul3A_797 = arith.mulf %gather3A_792, %gather3A_796 : vector<16xf32>
      %add3A_798 = arith.addf %add3A_788, %mul3A_797 : vector<16xf32>
      %add3A_799 = arith.constant 27 : i32
      %add3A_800 = vector.broadcast %add3A_799 : i32 to vector<16xi32>
      %add3A_801 = arith.addi %broadcast_in_dim3A_50, %add3A_800 : vector<16xi32>
      %gather3A_802 = tpu.vector_load_idx %arg14[%add3A_527, %add3A_801] : memref<128x128xf32, #tpu.memory_space<vmem>>[vector<16xi32>, vector<16xi32>], vector<16xf32>,
      %add3A_803 = arith.constant 27 : i32
      %add3A_804 = vector.broadcast %add3A_803 : i32 to vector<16xi32>
      %add3A_805 = arith.addi %broadcast_in_dim3A_50, %add3A_804 : vector<16xi32>
      %gather3A_806 = tpu.vector_load_idx %arg16[%add3A_527, %add3A_805] : memref<128x128xf32, #tpu.memory_space<vmem>>[vector<16xi32>, vector<16xi32>], vector<16xf32>,
      %mul3A_807 = arith.mulf %gather3A_802, %gather3A_806 : vector<16xf32>
      %add3A_808 = arith.addf %add3A_798, %mul3A_807 : vector<16xf32>
      %add3A_809 = arith.constant 28 : i32
      %add3A_810 = vector.broadcast %add3A_809 : i32 to vector<16xi32>
      %add3A_811 = arith.addi %broadcast_in_dim3A_50, %add3A_810 : vector<16xi32>
      %gather3A_812 = tpu.vector_load_idx %arg14[%add3A_527, %add3A_811] : memref<128x128xf32, #tpu.memory_space<vmem>>[vector<16xi32>, vector<16xi32>], vector<16xf32>,
      %add3A_813 = arith.constant 28 : i32
      %add3A_814 = vector.broadcast %add3A_813 : i32 to vector<16xi32>
      %add3A_815 = arith.addi %broadcast_in_dim3A_50, %add3A_814 : vector<16xi32>
      %gather3A_816 = tpu.vector_load_idx %arg16[%add3A_527, %add3A_815] : memref<128x128xf32, #tpu.memory_space<vmem>>[vector<16xi32>, vector<16xi32>], vector<16xf32>,
      %mul3A_817 = arith.mulf %gather3A_812, %gather3A_816 : vector<16xf32>
      %add3A_818 = arith.addf %add3A_808, %mul3A_817 : vector<16xf32>
      %add3A_819 = arith.constant 29 : i32
      %add3A_820 = vector.broadcast %add3A_819 : i32 to vector<16xi32>
      %add3A_821 = arith.addi %broadcast_in_dim3A_50, %add3A_820 : vector<16xi32>
      %gather3A_822 = tpu.vector_load_idx %arg14[%add3A_527, %add3A_821] : memref<128x128xf32, #tpu.memory_space<vmem>>[vector<16xi32>, vector<16xi32>], vector<16xf32>,
      %add3A_823 = arith.constant 29 : i32
      %add3A_824 = vector.broadcast %add3A_823 : i32 to vector<16xi32>
      %add3A_825 = arith.addi %broadcast_in_dim3A_50, %add3A_824 : vector<16xi32>
      %gather3A_826 = tpu.vector_load_idx %arg16[%add3A_527, %add3A_825] : memref<128x128xf32, #tpu.memory_space<vmem>>[vector<16xi32>, vector<16xi32>], vector<16xf32>,
      %mul3A_827 = arith.mulf %gather3A_822, %gather3A_826 : vector<16xf32>
      %add3A_828 = arith.addf %add3A_818, %mul3A_827 : vector<16xf32>
      %add3A_829 = arith.constant 30 : i32
      %add3A_830 = vector.broadcast %add3A_829 : i32 to vector<16xi32>
      %add3A_831 = arith.addi %broadcast_in_dim3A_50, %add3A_830 : vector<16xi32>
      %gather3A_832 = tpu.vector_load_idx %arg14[%add3A_527, %add3A_831] : memref<128x128xf32, #tpu.memory_space<vmem>>[vector<16xi32>, vector<16xi32>], vector<16xf32>,
      %add3A_833 = arith.constant 30 : i32
      %add3A_834 = vector.broadcast %add3A_833 : i32 to vector<16xi32>
      %add3A_835 = arith.addi %broadcast_in_dim3A_50, %add3A_834 : vector<16xi32>
      %gather3A_836 = tpu.vector_load_idx %arg16[%add3A_527, %add3A_835] : memref<128x128xf32, #tpu.memory_space<vmem>>[vector<16xi32>, vector<16xi32>], vector<16xf32>,
      %mul3A_837 = arith.mulf %gather3A_832, %gather3A_836 : vector<16xf32>
      %add3A_838 = arith.addf %add3A_828, %mul3A_837 : vector<16xf32>
      %add3A_839 = arith.constant 31 : i32
      %add3A_840 = vector.broadcast %add3A_839 : i32 to vector<16xi32>
      %add3A_841 = arith.addi %broadcast_in_dim3A_50, %add3A_840 : vector<16xi32>
      %gather3A_842 = tpu.vector_load_idx %arg14[%add3A_527, %add3A_841] : memref<128x128xf32, #tpu.memory_space<vmem>>[vector<16xi32>, vector<16xi32>], vector<16xf32>,
      %add3A_843 = arith.constant 31 : i32
      %add3A_844 = vector.broadcast %add3A_843 : i32 to vector<16xi32>
      %add3A_845 = arith.addi %broadcast_in_dim3A_50, %add3A_844 : vector<16xi32>
      %gather3A_846 = tpu.vector_load_idx %arg16[%add3A_527, %add3A_845] : memref<128x128xf32, #tpu.memory_space<vmem>>[vector<16xi32>, vector<16xi32>], vector<16xf32>,
      %mul3A_847 = arith.mulf %gather3A_842, %gather3A_846 : vector<16xf32>
      %add3A_848 = arith.addf %add3A_838, %mul3A_847 : vector<16xf32>
      %swap3A_849 = arith.index_cast %add3A_523 : i32 to index
      %swap3A_850 = tpu.vector_load %arg17[%swap3A_849] {strides = array<i32>} : memref<512xf32, #tpu.memory_space<vmem>>, vector<16xf32>,
      tpu.vector_store %arg17[%swap3A_849], %add3A_848 {strides = array<i32>} : memref<512xf32, #tpu.memory_space<vmem>>, vector<16xf32>,
    }
    %scan3A_152 = arith.constant 8 : i32
    %dma_wait3A_153 = arith.constant 0 : i32
    %dma_wait3A_154 = tpu.memref_slice %arg11[%dma_wait3A_153] : memref<512xf32, #tpu.memory_space<vmem>> -> memref<128xf32, #tpu.memory_space<vmem>>
    %dma_wait3A_155 = arith.constant 0 : i32
    %dma_wait3A_156 = tpu.memref_slice %arg9[%dma_wait3A_155] : memref<512xi32, #tpu.memory_space<vmem>> -> memref<128xi32, #tpu.memory_space<vmem>>
    %dma_wait3A_157 = arith.constant 0 : i32
    %dma_wait3A_158 = tpu.memref_slice %arg4[%dma_wait3A_157] : memref<1000000xf32, #tpu.memory_space<hbm>> -> memref<1000000xf32, #tpu.memory_space<hbm>>
    tpu.wait_indirect_dma semaphore(%arg18 : memref<!tpu.dma_semaphore, #tpu.memory_space<semaphore_mem>>) src(%dma_wait3A_158 : memref<1000000xf32, #tpu.memory_space<hbm>>) dst(%dma_wait3A_154 : memref<128xf32, #tpu.memory_space<vmem>>)
    %dma_wait3A_159 = arith.constant 0 : i32
    %dma_wait3A_160 = tpu.memref_slice %arg12[%dma_wait3A_159] : memref<512xf32, #tpu.memory_space<vmem>> -> memref<128xf32, #tpu.memory_space<vmem>>
    %dma_wait3A_161 = arith.constant 0 : i32
    %dma_wait3A_162 = tpu.memref_slice %arg10[%dma_wait3A_161] : memref<512xi32, #tpu.memory_space<vmem>> -> memref<128xi32, #tpu.memory_space<vmem>>
    %dma_wait3A_163 = arith.constant 0 : i32
    %dma_wait3A_164 = tpu.memref_slice %arg5[%dma_wait3A_163] : memref<100000xf32, #tpu.memory_space<hbm>> -> memref<100000xf32, #tpu.memory_space<hbm>>
    tpu.wait_indirect_dma semaphore(%arg18 : memref<!tpu.dma_semaphore, #tpu.memory_space<semaphore_mem>>) src(%dma_wait3A_164 : memref<100000xf32, #tpu.memory_space<hbm>>) dst(%dma_wait3A_160 : memref<128xf32, #tpu.memory_space<vmem>>)
    %dma_wait3A_165 = arith.constant 128 : i32
    %dma_wait3A_166 = tpu.memref_slice %arg11[%dma_wait3A_165] : memref<512xf32, #tpu.memory_space<vmem>> -> memref<128xf32, #tpu.memory_space<vmem>>
    %dma_wait3A_167 = arith.constant 128 : i32
    %dma_wait3A_168 = tpu.memref_slice %arg9[%dma_wait3A_167] : memref<512xi32, #tpu.memory_space<vmem>> -> memref<128xi32, #tpu.memory_space<vmem>>
    %dma_wait3A_169 = arith.constant 0 : i32
    %dma_wait3A_170 = tpu.memref_slice %arg4[%dma_wait3A_169] : memref<1000000xf32, #tpu.memory_space<hbm>> -> memref<1000000xf32, #tpu.memory_space<hbm>>
    tpu.wait_indirect_dma semaphore(%arg18 : memref<!tpu.dma_semaphore, #tpu.memory_space<semaphore_mem>>) src(%dma_wait3A_170 : memref<1000000xf32, #tpu.memory_space<hbm>>) dst(%dma_wait3A_166 : memref<128xf32, #tpu.memory_space<vmem>>)
    %dma_wait3A_171 = arith.constant 128 : i32
    %dma_wait3A_172 = tpu.memref_slice %arg12[%dma_wait3A_171] : memref<512xf32, #tpu.memory_space<vmem>> -> memref<128xf32, #tpu.memory_space<vmem>>
    %dma_wait3A_173 = arith.constant 128 : i32
    %dma_wait3A_174 = tpu.memref_slice %arg10[%dma_wait3A_173] : memref<512xi32, #tpu.memory_space<vmem>> -> memref<128xi32, #tpu.memory_space<vmem>>
    %dma_wait3A_175 = arith.constant 0 : i32
    %dma_wait3A_176 = tpu.memref_slice %arg5[%dma_wait3A_175] : memref<100000xf32, #tpu.memory_space<hbm>> -> memref<100000xf32, #tpu.memory_space<hbm>>
    tpu.wait_indirect_dma semaphore(%arg18 : memref<!tpu.dma_semaphore, #tpu.memory_space<semaphore_mem>>) src(%dma_wait3A_176 : memref<100000xf32, #tpu.memory_space<hbm>>) dst(%dma_wait3A_172 : memref<128xf32, #tpu.memory_space<vmem>>)
    %dma_wait3A_177 = arith.constant 256 : i32
    %dma_wait3A_178 = tpu.memref_slice %arg11[%dma_wait3A_177] : memref<512xf32, #tpu.memory_space<vmem>> -> memref<128xf32, #tpu.memory_space<vmem>>
    %dma_wait3A_179 = arith.constant 256 : i32
    %dma_wait3A_180 = tpu.memref_slice %arg9[%dma_wait3A_179] : memref<512xi32, #tpu.memory_space<vmem>> -> memref<128xi32, #tpu.memory_space<vmem>>
    %dma_wait3A_181 = arith.constant 0 : i32
    %dma_wait3A_182 = tpu.memref_slice %arg4[%dma_wait3A_181] : memref<1000000xf32, #tpu.memory_space<hbm>> -> memref<1000000xf32, #tpu.memory_space<hbm>>
    tpu.wait_indirect_dma semaphore(%arg18 : memref<!tpu.dma_semaphore, #tpu.memory_space<semaphore_mem>>) src(%dma_wait3A_182 : memref<1000000xf32, #tpu.memory_space<hbm>>) dst(%dma_wait3A_178 : memref<128xf32, #tpu.memory_space<vmem>>)
    %dma_wait3A_183 = arith.constant 256 : i32
    %dma_wait3A_184 = tpu.memref_slice %arg12[%dma_wait3A_183] : memref<512xf32, #tpu.memory_space<vmem>> -> memref<128xf32, #tpu.memory_space<vmem>>
    %dma_wait3A_185 = arith.constant 256 : i32
    %dma_wait3A_186 = tpu.memref_slice %arg10[%dma_wait3A_185] : memref<512xi32, #tpu.memory_space<vmem>> -> memref<128xi32, #tpu.memory_space<vmem>>
    %dma_wait3A_187 = arith.constant 0 : i32
    %dma_wait3A_188 = tpu.memref_slice %arg5[%dma_wait3A_187] : memref<100000xf32, #tpu.memory_space<hbm>> -> memref<100000xf32, #tpu.memory_space<hbm>>
    tpu.wait_indirect_dma semaphore(%arg18 : memref<!tpu.dma_semaphore, #tpu.memory_space<semaphore_mem>>) src(%dma_wait3A_188 : memref<100000xf32, #tpu.memory_space<hbm>>) dst(%dma_wait3A_184 : memref<128xf32, #tpu.memory_space<vmem>>)
    %dma_wait3A_189 = arith.constant 384 : i32
    %dma_wait3A_190 = tpu.memref_slice %arg11[%dma_wait3A_189] : memref<512xf32, #tpu.memory_space<vmem>> -> memref<128xf32, #tpu.memory_space<vmem>>
    %dma_wait3A_191 = arith.constant 384 : i32
    %dma_wait3A_192 = tpu.memref_slice %arg9[%dma_wait3A_191] : memref<512xi32, #tpu.memory_space<vmem>> -> memref<128xi32, #tpu.memory_space<vmem>>
    %dma_wait3A_193 = arith.constant 0 : i32
    %dma_wait3A_194 = tpu.memref_slice %arg4[%dma_wait3A_193] : memref<1000000xf32, #tpu.memory_space<hbm>> -> memref<1000000xf32, #tpu.memory_space<hbm>>
    tpu.wait_indirect_dma semaphore(%arg18 : memref<!tpu.dma_semaphore, #tpu.memory_space<semaphore_mem>>) src(%dma_wait3A_194 : memref<1000000xf32, #tpu.memory_space<hbm>>) dst(%dma_wait3A_190 : memref<128xf32, #tpu.memory_space<vmem>>)
    %dma_wait3A_195 = arith.constant 384 : i32
    %dma_wait3A_196 = tpu.memref_slice %arg12[%dma_wait3A_195] : memref<512xf32, #tpu.memory_space<vmem>> -> memref<128xf32, #tpu.memory_space<vmem>>
    %dma_wait3A_197 = arith.constant 384 : i32
    %dma_wait3A_198 = tpu.memref_slice %arg10[%dma_wait3A_197] : memref<512xi32, #tpu.memory_space<vmem>> -> memref<128xi32, #tpu.memory_space<vmem>>
    %dma_wait3A_199 = arith.constant 0 : i32
    %dma_wait3A_200 = tpu.memref_slice %arg5[%dma_wait3A_199] : memref<100000xf32, #tpu.memory_space<hbm>> -> memref<100000xf32, #tpu.memory_space<hbm>>
    tpu.wait_indirect_dma semaphore(%arg18 : memref<!tpu.dma_semaphore, #tpu.memory_space<semaphore_mem>>) src(%dma_wait3A_200 : memref<100000xf32, #tpu.memory_space<hbm>>) dst(%dma_wait3A_196 : memref<128xf32, #tpu.memory_space<vmem>>)
    %get3A = arith.constant 0 : index
    %get3A_201 = tpu.vector_load %arg17[%get3A] {strides = array<i32>} : memref<512xf32, #tpu.memory_space<vmem>>, vector<16xf32>,
    %get3A_202 = arith.constant 0 : index
    %get3A_203 = tpu.vector_load %arg11[%get3A_202] {strides = array<i32>} : memref<512xf32, #tpu.memory_space<vmem>>, vector<16xf32>,
    %add3A_204 = arith.addf %get3A_201, %get3A_203 : vector<16xf32>
    %get3A_205 = arith.constant 0 : index
    %get3A_206 = tpu.vector_load %arg12[%get3A_205] {strides = array<i32>} : memref<512xf32, #tpu.memory_space<vmem>>, vector<16xf32>,
    %add3A_207 = arith.addf %add3A_204, %get3A_206 : vector<16xf32>
    %swap3A = arith.constant 0 : index
    %swap3A_208 = tpu.vector_load %arg17[%swap3A] {strides = array<i32>} : memref<512xf32, #tpu.memory_space<vmem>>, vector<16xf32>,
    tpu.vector_store %arg17[%swap3A], %add3A_207 {strides = array<i32>} : memref<512xf32, #tpu.memory_space<vmem>>, vector<16xf32>,
    %get3A_209 = arith.constant 16 : index
    %get3A_210 = tpu.vector_load %arg17[%get3A_209] {strides = array<i32>} : memref<512xf32, #tpu.memory_space<vmem>>, vector<16xf32>,
    %get3A_211 = arith.constant 16 : index
    %get3A_212 = tpu.vector_load %arg11[%get3A_211] {strides = array<i32>} : memref<512xf32, #tpu.memory_space<vmem>>, vector<16xf32>,
    %add3A_213 = arith.addf %get3A_210, %get3A_212 : vector<16xf32>
    %get3A_214 = arith.constant 16 : index
    %get3A_215 = tpu.vector_load %arg12[%get3A_214] {strides = array<i32>} : memref<512xf32, #tpu.memory_space<vmem>>, vector<16xf32>,
    %add3A_216 = arith.addf %add3A_213, %get3A_215 : vector<16xf32>
    %swap3A_217 = arith.constant 16 : index
    %swap3A_218 = tpu.vector_load %arg17[%swap3A_217] {strides = array<i32>} : memref<512xf32, #tpu.memory_space<vmem>>, vector<16xf32>,
    tpu.vector_store %arg17[%swap3A_217], %add3A_216 {strides = array<i32>} : memref<512xf32, #tpu.memory_space<vmem>>, vector<16xf32>,
    %get3A_219 = arith.constant 32 : index
    %get3A_220 = tpu.vector_load %arg17[%get3A_219] {strides = array<i32>} : memref<512xf32, #tpu.memory_space<vmem>>, vector<16xf32>,
    %get3A_221 = arith.constant 32 : index
    %get3A_222 = tpu.vector_load %arg11[%get3A_221] {strides = array<i32>} : memref<512xf32, #tpu.memory_space<vmem>>, vector<16xf32>,
    %add3A_223 = arith.addf %get3A_220, %get3A_222 : vector<16xf32>
    %get3A_224 = arith.constant 32 : index
    %get3A_225 = tpu.vector_load %arg12[%get3A_224] {strides = array<i32>} : memref<512xf32, #tpu.memory_space<vmem>>, vector<16xf32>,
    %add3A_226 = arith.addf %add3A_223, %get3A_225 : vector<16xf32>
    %swap3A_227 = arith.constant 32 : index
    %swap3A_228 = tpu.vector_load %arg17[%swap3A_227] {strides = array<i32>} : memref<512xf32, #tpu.memory_space<vmem>>, vector<16xf32>,
    tpu.vector_store %arg17[%swap3A_227], %add3A_226 {strides = array<i32>} : memref<512xf32, #tpu.memory_space<vmem>>, vector<16xf32>,
    %get3A_229 = arith.constant 48 : index
    %get3A_230 = tpu.vector_load %arg17[%get3A_229] {strides = array<i32>} : memref<512xf32, #tpu.memory_space<vmem>>, vector<16xf32>,
    %get3A_231 = arith.constant 48 : index
    %get3A_232 = tpu.vector_load %arg11[%get3A_231] {strides = array<i32>} : memref<512xf32, #tpu.memory_space<vmem>>, vector<16xf32>,
    %add3A_233 = arith.addf %get3A_230, %get3A_232 : vector<16xf32>
    %get3A_234 = arith.constant 48 : index
    %get3A_235 = tpu.vector_load %arg12[%get3A_234] {strides = array<i32>} : memref<512xf32, #tpu.memory_space<vmem>>, vector<16xf32>,
    %add3A_236 = arith.addf %add3A_233, %get3A_235 : vector<16xf32>
    %swap3A_237 = arith.constant 48 : index
    %swap3A_238 = tpu.vector_load %arg17[%swap3A_237] {strides = array<i32>} : memref<512xf32, #tpu.memory_space<vmem>>, vector<16xf32>,
    tpu.vector_store %arg17[%swap3A_237], %add3A_236 {strides = array<i32>} : memref<512xf32, #tpu.memory_space<vmem>>, vector<16xf32>,
    %get3A_239 = arith.constant 64 : index
    %get3A_240 = tpu.vector_load %arg17[%get3A_239] {strides = array<i32>} : memref<512xf32, #tpu.memory_space<vmem>>, vector<16xf32>,
    %get3A_241 = arith.constant 64 : index
    %get3A_242 = tpu.vector_load %arg11[%get3A_241] {strides = array<i32>} : memref<512xf32, #tpu.memory_space<vmem>>, vector<16xf32>,
    %add3A_243 = arith.addf %get3A_240, %get3A_242 : vector<16xf32>
    %get3A_244 = arith.constant 64 : index
    %get3A_245 = tpu.vector_load %arg12[%get3A_244] {strides = array<i32>} : memref<512xf32, #tpu.memory_space<vmem>>, vector<16xf32>,
    %add3A_246 = arith.addf %add3A_243, %get3A_245 : vector<16xf32>
    %swap3A_247 = arith.constant 64 : index
    %swap3A_248 = tpu.vector_load %arg17[%swap3A_247] {strides = array<i32>} : memref<512xf32, #tpu.memory_space<vmem>>, vector<16xf32>,
    tpu.vector_store %arg17[%swap3A_247], %add3A_246 {strides = array<i32>} : memref<512xf32, #tpu.memory_space<vmem>>, vector<16xf32>,
    %get3A_249 = arith.constant 80 : index
    %get3A_250 = tpu.vector_load %arg17[%get3A_249] {strides = array<i32>} : memref<512xf32, #tpu.memory_space<vmem>>, vector<16xf32>,
    %get3A_251 = arith.constant 80 : index
    %get3A_252 = tpu.vector_load %arg11[%get3A_251] {strides = array<i32>} : memref<512xf32, #tpu.memory_space<vmem>>, vector<16xf32>,
    %add3A_253 = arith.addf %get3A_250, %get3A_252 : vector<16xf32>
    %get3A_254 = arith.constant 80 : index
    %get3A_255 = tpu.vector_load %arg12[%get3A_254] {strides = array<i32>} : memref<512xf32, #tpu.memory_space<vmem>>, vector<16xf32>,
    %add3A_256 = arith.addf %add3A_253, %get3A_255 : vector<16xf32>
    %swap3A_257 = arith.constant 80 : index
    %swap3A_258 = tpu.vector_load %arg17[%swap3A_257] {strides = array<i32>} : memref<512xf32, #tpu.memory_space<vmem>>, vector<16xf32>,
    tpu.vector_store %arg17[%swap3A_257], %add3A_256 {strides = array<i32>} : memref<512xf32, #tpu.memory_space<vmem>>, vector<16xf32>,
    %get3A_259 = arith.constant 96 : index
    %get3A_260 = tpu.vector_load %arg17[%get3A_259] {strides = array<i32>} : memref<512xf32, #tpu.memory_space<vmem>>, vector<16xf32>,
    %get3A_261 = arith.constant 96 : index
    %get3A_262 = tpu.vector_load %arg11[%get3A_261] {strides = array<i32>} : memref<512xf32, #tpu.memory_space<vmem>>, vector<16xf32>,
    %add3A_263 = arith.addf %get3A_260, %get3A_262 : vector<16xf32>
    %get3A_264 = arith.constant 96 : index
    %get3A_265 = tpu.vector_load %arg12[%get3A_264] {strides = array<i32>} : memref<512xf32, #tpu.memory_space<vmem>>, vector<16xf32>,
    %add3A_266 = arith.addf %add3A_263, %get3A_265 : vector<16xf32>
    %swap3A_267 = arith.constant 96 : index
    %swap3A_268 = tpu.vector_load %arg17[%swap3A_267] {strides = array<i32>} : memref<512xf32, #tpu.memory_space<vmem>>, vector<16xf32>,
    tpu.vector_store %arg17[%swap3A_267], %add3A_266 {strides = array<i32>} : memref<512xf32, #tpu.memory_space<vmem>>, vector<16xf32>,
    %get3A_269 = arith.constant 112 : index
    %get3A_270 = tpu.vector_load %arg17[%get3A_269] {strides = array<i32>} : memref<512xf32, #tpu.memory_space<vmem>>, vector<16xf32>,
    %get3A_271 = arith.constant 112 : index
    %get3A_272 = tpu.vector_load %arg11[%get3A_271] {strides = array<i32>} : memref<512xf32, #tpu.memory_space<vmem>>, vector<16xf32>,
    %add3A_273 = arith.addf %get3A_270, %get3A_272 : vector<16xf32>
    %get3A_274 = arith.constant 112 : index
    %get3A_275 = tpu.vector_load %arg12[%get3A_274] {strides = array<i32>} : memref<512xf32, #tpu.memory_space<vmem>>, vector<16xf32>,
    %add3A_276 = arith.addf %add3A_273, %get3A_275 : vector<16xf32>
    %swap3A_277 = arith.constant 112 : index
    %swap3A_278 = tpu.vector_load %arg17[%swap3A_277] {strides = array<i32>} : memref<512xf32, #tpu.memory_space<vmem>>, vector<16xf32>,
    tpu.vector_store %arg17[%swap3A_277], %add3A_276 {strides = array<i32>} : memref<512xf32, #tpu.memory_space<vmem>>, vector<16xf32>,
    %get3A_279 = arith.constant 128 : index
    %get3A_280 = tpu.vector_load %arg17[%get3A_279] {strides = array<i32>} : memref<512xf32, #tpu.memory_space<vmem>>, vector<16xf32>,
    %get3A_281 = arith.constant 128 : index
    %get3A_282 = tpu.vector_load %arg11[%get3A_281] {strides = array<i32>} : memref<512xf32, #tpu.memory_space<vmem>>, vector<16xf32>,
    %add3A_283 = arith.addf %get3A_280, %get3A_282 : vector<16xf32>
    %get3A_284 = arith.constant 128 : index
    %get3A_285 = tpu.vector_load %arg12[%get3A_284] {strides = array<i32>} : memref<512xf32, #tpu.memory_space<vmem>>, vector<16xf32>,
    %add3A_286 = arith.addf %add3A_283, %get3A_285 : vector<16xf32>
    %swap3A_287 = arith.constant 128 : index
    %swap3A_288 = tpu.vector_load %arg17[%swap3A_287] {strides = array<i32>} : memref<512xf32, #tpu.memory_space<vmem>>, vector<16xf32>,
    tpu.vector_store %arg17[%swap3A_287], %add3A_286 {strides = array<i32>} : memref<512xf32, #tpu.memory_space<vmem>>, vector<16xf32>,
    %get3A_289 = arith.constant 144 : index
    %get3A_290 = tpu.vector_load %arg17[%get3A_289] {strides = array<i32>} : memref<512xf32, #tpu.memory_space<vmem>>, vector<16xf32>,
    %get3A_291 = arith.constant 144 : index
    %get3A_292 = tpu.vector_load %arg11[%get3A_291] {strides = array<i32>} : memref<512xf32, #tpu.memory_space<vmem>>, vector<16xf32>,
    %add3A_293 = arith.addf %get3A_290, %get3A_292 : vector<16xf32>
    %get3A_294 = arith.constant 144 : index
    %get3A_295 = tpu.vector_load %arg12[%get3A_294] {strides = array<i32>} : memref<512xf32, #tpu.memory_space<vmem>>, vector<16xf32>,
    %add3A_296 = arith.addf %add3A_293, %get3A_295 : vector<16xf32>
    %swap3A_297 = arith.constant 144 : index
    %swap3A_298 = tpu.vector_load %arg17[%swap3A_297] {strides = array<i32>} : memref<512xf32, #tpu.memory_space<vmem>>, vector<16xf32>,
    tpu.vector_store %arg17[%swap3A_297], %add3A_296 {strides = array<i32>} : memref<512xf32, #tpu.memory_space<vmem>>, vector<16xf32>,
    %get3A_299 = arith.constant 160 : index
    %get3A_300 = tpu.vector_load %arg17[%get3A_299] {strides = array<i32>} : memref<512xf32, #tpu.memory_space<vmem>>, vector<16xf32>,
    %get3A_301 = arith.constant 160 : index
    %get3A_302 = tpu.vector_load %arg11[%get3A_301] {strides = array<i32>} : memref<512xf32, #tpu.memory_space<vmem>>, vector<16xf32>,
    %add3A_303 = arith.addf %get3A_300, %get3A_302 : vector<16xf32>
    %get3A_304 = arith.constant 160 : index
    %get3A_305 = tpu.vector_load %arg12[%get3A_304] {strides = array<i32>} : memref<512xf32, #tpu.memory_space<vmem>>, vector<16xf32>,
    %add3A_306 = arith.addf %add3A_303, %get3A_305 : vector<16xf32>
    %swap3A_307 = arith.constant 160 : index
    %swap3A_308 = tpu.vector_load %arg17[%swap3A_307] {strides = array<i32>} : memref<512xf32, #tpu.memory_space<vmem>>, vector<16xf32>,
    tpu.vector_store %arg17[%swap3A_307], %add3A_306 {strides = array<i32>} : memref<512xf32, #tpu.memory_space<vmem>>, vector<16xf32>,
    %get3A_309 = arith.constant 176 : index
    %get3A_310 = tpu.vector_load %arg17[%get3A_309] {strides = array<i32>} : memref<512xf32, #tpu.memory_space<vmem>>, vector<16xf32>,
    %get3A_311 = arith.constant 176 : index
    %get3A_312 = tpu.vector_load %arg11[%get3A_311] {strides = array<i32>} : memref<512xf32, #tpu.memory_space<vmem>>, vector<16xf32>,
    %add3A_313 = arith.addf %get3A_310, %get3A_312 : vector<16xf32>
    %get3A_314 = arith.constant 176 : index
    %get3A_315 = tpu.vector_load %arg12[%get3A_314] {strides = array<i32>} : memref<512xf32, #tpu.memory_space<vmem>>, vector<16xf32>,
    %add3A_316 = arith.addf %add3A_313, %get3A_315 : vector<16xf32>
    %swap3A_317 = arith.constant 176 : index
    %swap3A_318 = tpu.vector_load %arg17[%swap3A_317] {strides = array<i32>} : memref<512xf32, #tpu.memory_space<vmem>>, vector<16xf32>,
    tpu.vector_store %arg17[%swap3A_317], %add3A_316 {strides = array<i32>} : memref<512xf32, #tpu.memory_space<vmem>>, vector<16xf32>,
    %get3A_319 = arith.constant 192 : index
    %get3A_320 = tpu.vector_load %arg17[%get3A_319] {strides = array<i32>} : memref<512xf32, #tpu.memory_space<vmem>>, vector<16xf32>,
    %get3A_321 = arith.constant 192 : index
    %get3A_322 = tpu.vector_load %arg11[%get3A_321] {strides = array<i32>} : memref<512xf32, #tpu.memory_space<vmem>>, vector<16xf32>,
    %add3A_323 = arith.addf %get3A_320, %get3A_322 : vector<16xf32>
    %get3A_324 = arith.constant 192 : index
    %get3A_325 = tpu.vector_load %arg12[%get3A_324] {strides = array<i32>} : memref<512xf32, #tpu.memory_space<vmem>>, vector<16xf32>,
    %add3A_326 = arith.addf %add3A_323, %get3A_325 : vector<16xf32>
    %swap3A_327 = arith.constant 192 : index
    %swap3A_328 = tpu.vector_load %arg17[%swap3A_327] {strides = array<i32>} : memref<512xf32, #tpu.memory_space<vmem>>, vector<16xf32>,
    tpu.vector_store %arg17[%swap3A_327], %add3A_326 {strides = array<i32>} : memref<512xf32, #tpu.memory_space<vmem>>, vector<16xf32>,
    %get3A_329 = arith.constant 208 : index
    %get3A_330 = tpu.vector_load %arg17[%get3A_329] {strides = array<i32>} : memref<512xf32, #tpu.memory_space<vmem>>, vector<16xf32>,
    %get3A_331 = arith.constant 208 : index
    %get3A_332 = tpu.vector_load %arg11[%get3A_331] {strides = array<i32>} : memref<512xf32, #tpu.memory_space<vmem>>, vector<16xf32>,
    %add3A_333 = arith.addf %get3A_330, %get3A_332 : vector<16xf32>
    %get3A_334 = arith.constant 208 : index
    %get3A_335 = tpu.vector_load %arg12[%get3A_334] {strides = array<i32>} : memref<512xf32, #tpu.memory_space<vmem>>, vector<16xf32>,
    %add3A_336 = arith.addf %add3A_333, %get3A_335 : vector<16xf32>
    %swap3A_337 = arith.constant 208 : index
    %swap3A_338 = tpu.vector_load %arg17[%swap3A_337] {strides = array<i32>} : memref<512xf32, #tpu.memory_space<vmem>>, vector<16xf32>,
    tpu.vector_store %arg17[%swap3A_337], %add3A_336 {strides = array<i32>} : memref<512xf32, #tpu.memory_space<vmem>>, vector<16xf32>,
    %get3A_339 = arith.constant 224 : index
    %get3A_340 = tpu.vector_load %arg17[%get3A_339] {strides = array<i32>} : memref<512xf32, #tpu.memory_space<vmem>>, vector<16xf32>,
    %get3A_341 = arith.constant 224 : index
    %get3A_342 = tpu.vector_load %arg11[%get3A_341] {strides = array<i32>} : memref<512xf32, #tpu.memory_space<vmem>>, vector<16xf32>,
    %add3A_343 = arith.addf %get3A_340, %get3A_342 : vector<16xf32>
    %get3A_344 = arith.constant 224 : index
    %get3A_345 = tpu.vector_load %arg12[%get3A_344] {strides = array<i32>} : memref<512xf32, #tpu.memory_space<vmem>>, vector<16xf32>,
    %add3A_346 = arith.addf %add3A_343, %get3A_345 : vector<16xf32>
    %swap3A_347 = arith.constant 224 : index
    %swap3A_348 = tpu.vector_load %arg17[%swap3A_347] {strides = array<i32>} : memref<512xf32, #tpu.memory_space<vmem>>, vector<16xf32>,
    tpu.vector_store %arg17[%swap3A_347], %add3A_346 {strides = array<i32>} : memref<512xf32, #tpu.memory_space<vmem>>, vector<16xf32>,
    %get3A_349 = arith.constant 240 : index
    %get3A_350 = tpu.vector_load %arg17[%get3A_349] {strides = array<i32>} : memref<512xf32, #tpu.memory_space<vmem>>, vector<16xf32>,
    %get3A_351 = arith.constant 240 : index
    %get3A_352 = tpu.vector_load %arg11[%get3A_351] {strides = array<i32>} : memref<512xf32, #tpu.memory_space<vmem>>, vector<16xf32>,
    %add3A_353 = arith.addf %get3A_350, %get3A_352 : vector<16xf32>
    %get3A_354 = arith.constant 240 : index
    %get3A_355 = tpu.vector_load %arg12[%get3A_354] {strides = array<i32>} : memref<512xf32, #tpu.memory_space<vmem>>, vector<16xf32>,
    %add3A_356 = arith.addf %add3A_353, %get3A_355 : vector<16xf32>
    %swap3A_357 = arith.constant 240 : index
    %swap3A_358 = tpu.vector_load %arg17[%swap3A_357] {strides = array<i32>} : memref<512xf32, #tpu.memory_space<vmem>>, vector<16xf32>,
    tpu.vector_store %arg17[%swap3A_357], %add3A_356 {strides = array<i32>} : memref<512xf32, #tpu.memory_space<vmem>>, vector<16xf32>,
    %get3A_359 = arith.constant 256 : index
    %get3A_360 = tpu.vector_load %arg17[%get3A_359] {strides = array<i32>} : memref<512xf32, #tpu.memory_space<vmem>>, vector<16xf32>,
    %get3A_361 = arith.constant 256 : index
    %get3A_362 = tpu.vector_load %arg11[%get3A_361] {strides = array<i32>} : memref<512xf32, #tpu.memory_space<vmem>>, vector<16xf32>,
    %add3A_363 = arith.addf %get3A_360, %get3A_362 : vector<16xf32>
    %get3A_364 = arith.constant 256 : index
    %get3A_365 = tpu.vector_load %arg12[%get3A_364] {strides = array<i32>} : memref<512xf32, #tpu.memory_space<vmem>>, vector<16xf32>,
    %add3A_366 = arith.addf %add3A_363, %get3A_365 : vector<16xf32>
    %swap3A_367 = arith.constant 256 : index
    %swap3A_368 = tpu.vector_load %arg17[%swap3A_367] {strides = array<i32>} : memref<512xf32, #tpu.memory_space<vmem>>, vector<16xf32>,
    tpu.vector_store %arg17[%swap3A_367], %add3A_366 {strides = array<i32>} : memref<512xf32, #tpu.memory_space<vmem>>, vector<16xf32>,
    %get3A_369 = arith.constant 272 : index
    %get3A_370 = tpu.vector_load %arg17[%get3A_369] {strides = array<i32>} : memref<512xf32, #tpu.memory_space<vmem>>, vector<16xf32>,
    %get3A_371 = arith.constant 272 : index
    %get3A_372 = tpu.vector_load %arg11[%get3A_371] {strides = array<i32>} : memref<512xf32, #tpu.memory_space<vmem>>, vector<16xf32>,
    %add3A_373 = arith.addf %get3A_370, %get3A_372 : vector<16xf32>
    %get3A_374 = arith.constant 272 : index
    %get3A_375 = tpu.vector_load %arg12[%get3A_374] {strides = array<i32>} : memref<512xf32, #tpu.memory_space<vmem>>, vector<16xf32>,
    %add3A_376 = arith.addf %add3A_373, %get3A_375 : vector<16xf32>
    %swap3A_377 = arith.constant 272 : index
    %swap3A_378 = tpu.vector_load %arg17[%swap3A_377] {strides = array<i32>} : memref<512xf32, #tpu.memory_space<vmem>>, vector<16xf32>,
    tpu.vector_store %arg17[%swap3A_377], %add3A_376 {strides = array<i32>} : memref<512xf32, #tpu.memory_space<vmem>>, vector<16xf32>,
    %get3A_379 = arith.constant 288 : index
    %get3A_380 = tpu.vector_load %arg17[%get3A_379] {strides = array<i32>} : memref<512xf32, #tpu.memory_space<vmem>>, vector<16xf32>,
    %get3A_381 = arith.constant 288 : index
    %get3A_382 = tpu.vector_load %arg11[%get3A_381] {strides = array<i32>} : memref<512xf32, #tpu.memory_space<vmem>>, vector<16xf32>,
    %add3A_383 = arith.addf %get3A_380, %get3A_382 : vector<16xf32>
    %get3A_384 = arith.constant 288 : index
    %get3A_385 = tpu.vector_load %arg12[%get3A_384] {strides = array<i32>} : memref<512xf32, #tpu.memory_space<vmem>>, vector<16xf32>,
    %add3A_386 = arith.addf %add3A_383, %get3A_385 : vector<16xf32>
    %swap3A_387 = arith.constant 288 : index
    %swap3A_388 = tpu.vector_load %arg17[%swap3A_387] {strides = array<i32>} : memref<512xf32, #tpu.memory_space<vmem>>, vector<16xf32>,
    tpu.vector_store %arg17[%swap3A_387], %add3A_386 {strides = array<i32>} : memref<512xf32, #tpu.memory_space<vmem>>, vector<16xf32>,
    %get3A_389 = arith.constant 304 : index
    %get3A_390 = tpu.vector_load %arg17[%get3A_389] {strides = array<i32>} : memref<512xf32, #tpu.memory_space<vmem>>, vector<16xf32>,
    %get3A_391 = arith.constant 304 : index
    %get3A_392 = tpu.vector_load %arg11[%get3A_391] {strides = array<i32>} : memref<512xf32, #tpu.memory_space<vmem>>, vector<16xf32>,
    %add3A_393 = arith.addf %get3A_390, %get3A_392 : vector<16xf32>
    %get3A_394 = arith.constant 304 : index
    %get3A_395 = tpu.vector_load %arg12[%get3A_394] {strides = array<i32>} : memref<512xf32, #tpu.memory_space<vmem>>, vector<16xf32>,
    %add3A_396 = arith.addf %add3A_393, %get3A_395 : vector<16xf32>
    %swap3A_397 = arith.constant 304 : index
    %swap3A_398 = tpu.vector_load %arg17[%swap3A_397] {strides = array<i32>} : memref<512xf32, #tpu.memory_space<vmem>>, vector<16xf32>,
    tpu.vector_store %arg17[%swap3A_397], %add3A_396 {strides = array<i32>} : memref<512xf32, #tpu.memory_space<vmem>>, vector<16xf32>,
    %get3A_399 = arith.constant 320 : index
    %get3A_400 = tpu.vector_load %arg17[%get3A_399] {strides = array<i32>} : memref<512xf32, #tpu.memory_space<vmem>>, vector<16xf32>,
    %get3A_401 = arith.constant 320 : index
    %get3A_402 = tpu.vector_load %arg11[%get3A_401] {strides = array<i32>} : memref<512xf32, #tpu.memory_space<vmem>>, vector<16xf32>,
    %add3A_403 = arith.addf %get3A_400, %get3A_402 : vector<16xf32>
    %get3A_404 = arith.constant 320 : index
    %get3A_405 = tpu.vector_load %arg12[%get3A_404] {strides = array<i32>} : memref<512xf32, #tpu.memory_space<vmem>>, vector<16xf32>,
    %add3A_406 = arith.addf %add3A_403, %get3A_405 : vector<16xf32>
    %swap3A_407 = arith.constant 320 : index
    %swap3A_408 = tpu.vector_load %arg17[%swap3A_407] {strides = array<i32>} : memref<512xf32, #tpu.memory_space<vmem>>, vector<16xf32>,
    tpu.vector_store %arg17[%swap3A_407], %add3A_406 {strides = array<i32>} : memref<512xf32, #tpu.memory_space<vmem>>, vector<16xf32>,
    %get3A_409 = arith.constant 336 : index
    %get3A_410 = tpu.vector_load %arg17[%get3A_409] {strides = array<i32>} : memref<512xf32, #tpu.memory_space<vmem>>, vector<16xf32>,
    %get3A_411 = arith.constant 336 : index
    %get3A_412 = tpu.vector_load %arg11[%get3A_411] {strides = array<i32>} : memref<512xf32, #tpu.memory_space<vmem>>, vector<16xf32>,
    %add3A_413 = arith.addf %get3A_410, %get3A_412 : vector<16xf32>
    %get3A_414 = arith.constant 336 : index
    %get3A_415 = tpu.vector_load %arg12[%get3A_414] {strides = array<i32>} : memref<512xf32, #tpu.memory_space<vmem>>, vector<16xf32>,
    %add3A_416 = arith.addf %add3A_413, %get3A_415 : vector<16xf32>
    %swap3A_417 = arith.constant 336 : index
    %swap3A_418 = tpu.vector_load %arg17[%swap3A_417] {strides = array<i32>} : memref<512xf32, #tpu.memory_space<vmem>>, vector<16xf32>,
    tpu.vector_store %arg17[%swap3A_417], %add3A_416 {strides = array<i32>} : memref<512xf32, #tpu.memory_space<vmem>>, vector<16xf32>,
    %get3A_419 = arith.constant 352 : index
    %get3A_420 = tpu.vector_load %arg17[%get3A_419] {strides = array<i32>} : memref<512xf32, #tpu.memory_space<vmem>>, vector<16xf32>,
    %get3A_421 = arith.constant 352 : index
    %get3A_422 = tpu.vector_load %arg11[%get3A_421] {strides = array<i32>} : memref<512xf32, #tpu.memory_space<vmem>>, vector<16xf32>,
    %add3A_423 = arith.addf %get3A_420, %get3A_422 : vector<16xf32>
    %get3A_424 = arith.constant 352 : index
    %get3A_425 = tpu.vector_load %arg12[%get3A_424] {strides = array<i32>} : memref<512xf32, #tpu.memory_space<vmem>>, vector<16xf32>,
    %add3A_426 = arith.addf %add3A_423, %get3A_425 : vector<16xf32>
    %swap3A_427 = arith.constant 352 : index
    %swap3A_428 = tpu.vector_load %arg17[%swap3A_427] {strides = array<i32>} : memref<512xf32, #tpu.memory_space<vmem>>, vector<16xf32>,
    tpu.vector_store %arg17[%swap3A_427], %add3A_426 {strides = array<i32>} : memref<512xf32, #tpu.memory_space<vmem>>, vector<16xf32>,
    %get3A_429 = arith.constant 368 : index
    %get3A_430 = tpu.vector_load %arg17[%get3A_429] {strides = array<i32>} : memref<512xf32, #tpu.memory_space<vmem>>, vector<16xf32>,
    %get3A_431 = arith.constant 368 : index
    %get3A_432 = tpu.vector_load %arg11[%get3A_431] {strides = array<i32>} : memref<512xf32, #tpu.memory_space<vmem>>, vector<16xf32>,
    %add3A_433 = arith.addf %get3A_430, %get3A_432 : vector<16xf32>
    %get3A_434 = arith.constant 368 : index
    %get3A_435 = tpu.vector_load %arg12[%get3A_434] {strides = array<i32>} : memref<512xf32, #tpu.memory_space<vmem>>, vector<16xf32>,
    %add3A_436 = arith.addf %add3A_433, %get3A_435 : vector<16xf32>
    %swap3A_437 = arith.constant 368 : index
    %swap3A_438 = tpu.vector_load %arg17[%swap3A_437] {strides = array<i32>} : memref<512xf32, #tpu.memory_space<vmem>>, vector<16xf32>,
    tpu.vector_store %arg17[%swap3A_437], %add3A_436 {strides = array<i32>} : memref<512xf32, #tpu.memory_space<vmem>>, vector<16xf32>,
    %get3A_439 = arith.constant 384 : index
    %get3A_440 = tpu.vector_load %arg17[%get3A_439] {strides = array<i32>} : memref<512xf32, #tpu.memory_space<vmem>>, vector<16xf32>,
    %get3A_441 = arith.constant 384 : index
    %get3A_442 = tpu.vector_load %arg11[%get3A_441] {strides = array<i32>} : memref<512xf32, #tpu.memory_space<vmem>>, vector<16xf32>,
    %add3A_443 = arith.addf %get3A_440, %get3A_442 : vector<16xf32>
    %get3A_444 = arith.constant 384 : index
    %get3A_445 = tpu.vector_load %arg12[%get3A_444] {strides = array<i32>} : memref<512xf32, #tpu.memory_space<vmem>>, vector<16xf32>,
    %add3A_446 = arith.addf %add3A_443, %get3A_445 : vector<16xf32>
    %swap3A_447 = arith.constant 384 : index
    %swap3A_448 = tpu.vector_load %arg17[%swap3A_447] {strides = array<i32>} : memref<512xf32, #tpu.memory_space<vmem>>, vector<16xf32>,
    tpu.vector_store %arg17[%swap3A_447], %add3A_446 {strides = array<i32>} : memref<512xf32, #tpu.memory_space<vmem>>, vector<16xf32>,
    %get3A_449 = arith.constant 400 : index
    %get3A_450 = tpu.vector_load %arg17[%get3A_449] {strides = array<i32>} : memref<512xf32, #tpu.memory_space<vmem>>, vector<16xf32>,
    %get3A_451 = arith.constant 400 : index
    %get3A_452 = tpu.vector_load %arg11[%get3A_451] {strides = array<i32>} : memref<512xf32, #tpu.memory_space<vmem>>, vector<16xf32>,
    %add3A_453 = arith.addf %get3A_450, %get3A_452 : vector<16xf32>
    %get3A_454 = arith.constant 400 : index
    %get3A_455 = tpu.vector_load %arg12[%get3A_454] {strides = array<i32>} : memref<512xf32, #tpu.memory_space<vmem>>, vector<16xf32>,
    %add3A_456 = arith.addf %add3A_453, %get3A_455 : vector<16xf32>
    %swap3A_457 = arith.constant 400 : index
    %swap3A_458 = tpu.vector_load %arg17[%swap3A_457] {strides = array<i32>} : memref<512xf32, #tpu.memory_space<vmem>>, vector<16xf32>,
    tpu.vector_store %arg17[%swap3A_457], %add3A_456 {strides = array<i32>} : memref<512xf32, #tpu.memory_space<vmem>>, vector<16xf32>,
    %get3A_459 = arith.constant 416 : index
    %get3A_460 = tpu.vector_load %arg17[%get3A_459] {strides = array<i32>} : memref<512xf32, #tpu.memory_space<vmem>>, vector<16xf32>,
    %get3A_461 = arith.constant 416 : index
    %get3A_462 = tpu.vector_load %arg11[%get3A_461] {strides = array<i32>} : memref<512xf32, #tpu.memory_space<vmem>>, vector<16xf32>,
    %add3A_463 = arith.addf %get3A_460, %get3A_462 : vector<16xf32>
    %get3A_464 = arith.constant 416 : index
    %get3A_465 = tpu.vector_load %arg12[%get3A_464] {strides = array<i32>} : memref<512xf32, #tpu.memory_space<vmem>>, vector<16xf32>,
    %add3A_466 = arith.addf %add3A_463, %get3A_465 : vector<16xf32>
    %swap3A_467 = arith.constant 416 : index
    %swap3A_468 = tpu.vector_load %arg17[%swap3A_467] {strides = array<i32>} : memref<512xf32, #tpu.memory_space<vmem>>, vector<16xf32>,
    tpu.vector_store %arg17[%swap3A_467], %add3A_466 {strides = array<i32>} : memref<512xf32, #tpu.memory_space<vmem>>, vector<16xf32>,
    %get3A_469 = arith.constant 432 : index
    %get3A_470 = tpu.vector_load %arg17[%get3A_469] {strides = array<i32>} : memref<512xf32, #tpu.memory_space<vmem>>, vector<16xf32>,
    %get3A_471 = arith.constant 432 : index
    %get3A_472 = tpu.vector_load %arg11[%get3A_471] {strides = array<i32>} : memref<512xf32, #tpu.memory_space<vmem>>, vector<16xf32>,
    %add3A_473 = arith.addf %get3A_470, %get3A_472 : vector<16xf32>
    %get3A_474 = arith.constant 432 : index
    %get3A_475 = tpu.vector_load %arg12[%get3A_474] {strides = array<i32>} : memref<512xf32, #tpu.memory_space<vmem>>, vector<16xf32>,
    %add3A_476 = arith.addf %add3A_473, %get3A_475 : vector<16xf32>
    %swap3A_477 = arith.constant 432 : index
    %swap3A_478 = tpu.vector_load %arg17[%swap3A_477] {strides = array<i32>} : memref<512xf32, #tpu.memory_space<vmem>>, vector<16xf32>,
    tpu.vector_store %arg17[%swap3A_477], %add3A_476 {strides = array<i32>} : memref<512xf32, #tpu.memory_space<vmem>>, vector<16xf32>,
    %get3A_479 = arith.constant 448 : index
    %get3A_480 = tpu.vector_load %arg17[%get3A_479] {strides = array<i32>} : memref<512xf32, #tpu.memory_space<vmem>>, vector<16xf32>,
    %get3A_481 = arith.constant 448 : index
    %get3A_482 = tpu.vector_load %arg11[%get3A_481] {strides = array<i32>} : memref<512xf32, #tpu.memory_space<vmem>>, vector<16xf32>,
    %add3A_483 = arith.addf %get3A_480, %get3A_482 : vector<16xf32>
    %get3A_484 = arith.constant 448 : index
    %get3A_485 = tpu.vector_load %arg12[%get3A_484] {strides = array<i32>} : memref<512xf32, #tpu.memory_space<vmem>>, vector<16xf32>,
    %add3A_486 = arith.addf %add3A_483, %get3A_485 : vector<16xf32>
    %swap3A_487 = arith.constant 448 : index
    %swap3A_488 = tpu.vector_load %arg17[%swap3A_487] {strides = array<i32>} : memref<512xf32, #tpu.memory_space<vmem>>, vector<16xf32>,
    tpu.vector_store %arg17[%swap3A_487], %add3A_486 {strides = array<i32>} : memref<512xf32, #tpu.memory_space<vmem>>, vector<16xf32>,
    %get3A_489 = arith.constant 464 : index
    %get3A_490 = tpu.vector_load %arg17[%get3A_489] {strides = array<i32>} : memref<512xf32, #tpu.memory_space<vmem>>, vector<16xf32>,
    %get3A_491 = arith.constant 464 : index
    %get3A_492 = tpu.vector_load %arg11[%get3A_491] {strides = array<i32>} : memref<512xf32, #tpu.memory_space<vmem>>, vector<16xf32>,
    %add3A_493 = arith.addf %get3A_490, %get3A_492 : vector<16xf32>
    %get3A_494 = arith.constant 464 : index
    %get3A_495 = tpu.vector_load %arg12[%get3A_494] {strides = array<i32>} : memref<512xf32, #tpu.memory_space<vmem>>, vector<16xf32>,
    %add3A_496 = arith.addf %add3A_493, %get3A_495 : vector<16xf32>
    %swap3A_497 = arith.constant 464 : index
    %swap3A_498 = tpu.vector_load %arg17[%swap3A_497] {strides = array<i32>} : memref<512xf32, #tpu.memory_space<vmem>>, vector<16xf32>,
    tpu.vector_store %arg17[%swap3A_497], %add3A_496 {strides = array<i32>} : memref<512xf32, #tpu.memory_space<vmem>>, vector<16xf32>,
    %get3A_499 = arith.constant 480 : index
    %get3A_500 = tpu.vector_load %arg17[%get3A_499] {strides = array<i32>} : memref<512xf32, #tpu.memory_space<vmem>>, vector<16xf32>,
    %get3A_501 = arith.constant 480 : index
    %get3A_502 = tpu.vector_load %arg11[%get3A_501] {strides = array<i32>} : memref<512xf32, #tpu.memory_space<vmem>>, vector<16xf32>,
    %add3A_503 = arith.addf %get3A_500, %get3A_502 : vector<16xf32>
    %get3A_504 = arith.constant 480 : index
    %get3A_505 = tpu.vector_load %arg12[%get3A_504] {strides = array<i32>} : memref<512xf32, #tpu.memory_space<vmem>>, vector<16xf32>,
    %add3A_506 = arith.addf %add3A_503, %get3A_505 : vector<16xf32>
    %swap3A_507 = arith.constant 480 : index
    %swap3A_508 = tpu.vector_load %arg17[%swap3A_507] {strides = array<i32>} : memref<512xf32, #tpu.memory_space<vmem>>, vector<16xf32>,
    tpu.vector_store %arg17[%swap3A_507], %add3A_506 {strides = array<i32>} : memref<512xf32, #tpu.memory_space<vmem>>, vector<16xf32>,
    %get3A_509 = arith.constant 496 : index
    %get3A_510 = tpu.vector_load %arg17[%get3A_509] {strides = array<i32>} : memref<512xf32, #tpu.memory_space<vmem>>, vector<16xf32>,
    %get3A_511 = arith.constant 496 : index
    %get3A_512 = tpu.vector_load %arg11[%get3A_511] {strides = array<i32>} : memref<512xf32, #tpu.memory_space<vmem>>, vector<16xf32>,
    %add3A_513 = arith.addf %get3A_510, %get3A_512 : vector<16xf32>
    %get3A_514 = arith.constant 496 : index
    %get3A_515 = tpu.vector_load %arg12[%get3A_514] {strides = array<i32>} : memref<512xf32, #tpu.memory_space<vmem>>, vector<16xf32>,
    %add3A_516 = arith.addf %add3A_513, %get3A_515 : vector<16xf32>
    %swap3A_517 = arith.constant 496 : index
    %swap3A_518 = tpu.vector_load %arg17[%swap3A_517] {strides = array<i32>} : memref<512xf32, #tpu.memory_space<vmem>>, vector<16xf32>,
    tpu.vector_store %arg17[%swap3A_517], %add3A_516 {strides = array<i32>} : memref<512xf32, #tpu.memory_space<vmem>>, vector<16xf32>,
    "tpu.region"() ({
      %run_scoped3A = tpu.sem_alloc : memref<!tpu.dma_semaphore, #tpu.memory_space<semaphore_mem>>
      %dma_start3A_519 = tpu.memref_slice %arg8[%mul3A_2] : memref<16384xf32, #tpu.memory_space<hbm>> -> memref<512xf32, #tpu.memory_space<hbm>>
      %dma_start3A_520 = tpu.memref_slice %arg8[%mul3A_2] : memref<16384xf32, #tpu.memory_space<hbm>> -> memref<512xf32, #tpu.memory_space<hbm>>
      tpu.enqueue_dma source(%arg17 : memref<512xf32, #tpu.memory_space<vmem>>) target(%dma_start3A_520 : memref<512xf32, #tpu.memory_space<hbm>>) target_semaphore(%run_scoped3A : memref<!tpu.dma_semaphore, #tpu.memory_space<semaphore_mem>>)
      %dma_wait3A_521 = tpu.memref_slice %arg8[%mul3A_2] : memref<16384xf32, #tpu.memory_space<hbm>> -> memref<512xf32, #tpu.memory_space<hbm>>
      %dma_wait3A_522 = tpu.memref_slice %arg8[%mul3A_2] : memref<16384xf32, #tpu.memory_space<hbm>> -> memref<512xf32, #tpu.memory_space<hbm>>
      tpu.wait_dma2 semaphore(%run_scoped3A : memref<!tpu.dma_semaphore, #tpu.memory_space<semaphore_mem>>) src(%arg17 : memref<512xf32, #tpu.memory_space<vmem>>) dst(%dma_wait3A_522 : memref<512xf32, #tpu.memory_space<hbm>>)
      tpu.yield
    }) : () -> ()
    return
  }
}

</mosaic_0001>

<sc_bundles>
// kernel: kernel.3.cloned.1.call-start
scs
__scs_entry_jumppad:
0x0: {  	(pc) =	sbr.rel $0x88, $3  }
0x1: {  	(tag) =	ssettag $0x0;
	lr =	simm.s32 $0x1  }
0x2: {  	[smem:$0x3F9B] =	sst lr;
	_ =	strace $0xD0000000  }
0x3: {  	_ = 	snop  }
0x4: {  	_ = 	snop  }
0x5: {  	_ = 	snop  }
0x6: {  	_ = 	snop  }
0x7: {  	_ = 	snop  }
__scs_overlays_trampoline_lowered:
0x8: {  	[smem:$0x3FAA] =	sst s0  }
0x9: {  	[smem:$0x3FAB] =	sst s1  }
0xa: {  	[smem:$0x3FAC] =	sst s2  }
0xb: {  	[smem:$0x3FAD] =	sst s3  }
0xc: {  	[smem:$0x3FAE] =	sst s4  }
0xd: {  	[smem:$0x3FAF] =	sst s5  }
0xe: {  	[smem:$0x3FB0] =	sst s6  }
0xf: {  	[smem:$0x3FB1] =	sst s7  }
0x10: {  	[smem:$0x3FB2] =	sst s8  }
0x11: {  	[smem:$0x3FB3] =	sst s9;
	s0 =	simm.s32 @!p0 $0x0  }
0x12: {  	s1 =	sld [smem:$0x3F99];
	s0 =	simm.s32 @p0 $0x1  }
0x13: {  	[smem:$0x3FB4] =	sst s0;
	s0 =	simm.s32 @!p1 $0x0  }
0x14: {  	s2 =	sld [smem:$0x3F98];
	s0 =	simm.s32 @p1 $0x1  }
0x15: {  	[smem:$0x3FB5] =	sst s0;
	s0 =	simm.s32 @!p2 $0x0  }
0x16: {  	s3 =	sld [smem:$0x3FDB];
	s0 =	simm.s32 @p2 $0x1  }
0x17: {  	s4 =	simm.s32 $0x1BF5;
	[smem:$0x3FB7] =	sst s0  }
0x18: {  	s0 =	sld [smem:$0x3F9A];
	_ =	swait.ge [sflag:s4], $0x0  }
0x19: {  	s7 =	sld [smem:$0x3F9B]  }
0x1a: {  	s8 =	sadd.s32 $0xFFFFE003, lr  }
0x1b: {  	s9 =	sadd.s32 $0xFFFFFEF7, lr;
	s5 =	simm.s32 $0xFFFFFFFF;
	p2 =	slt.u32 s8, $0xFFFFF086  }
0x1c: {  	p1 =	slt.u32 s9, $0xF7A;
	s5 =	simm.s32 @!p2 $0x0  }
0x1d: {  	s5 =	simm.s32 @p1 $0x1;
	p0 =	seq.s32 s7, s2  }
0x1e: {  	s7 =	smul.u32 @!p0 $0xF7A, s2;
	p2 =	seq.s32 @!p0 s5, $0x0  }
0x1f: {  	s9 =	smul.u32 $0xF7A, s1;
	s8 =	simm.s32 @!p0 $0x1BF5;
	p2 =	por !p2, p0  }
0x20: {  	[sflag:s8] =	ssyncset.s32 @!p0 $0xFFFFF086;
	s6 =	sadd.s32 @!p0 s3, s7;
	s7 =	simm.s32 @!p0 $0x108  }
0x21: {  	s3 =	sadd.s32 s3, s9;
	s6 =	sadd.s32 @!p0 $0x88, s6;
	s7 =	simm.s32 @p2 $0x1082  }
0x22: {  	[simem:s7], [sflag:s8] =	dma.local @!p0 [hbm:s6], $0xF7A  }
0x23: {  	s9 =	sor.u32 $0xD0000000, s2;
	s6 =	simm.s32 $0x108;
	_ =	swait.ge @!p0 [sflag:s8], $0x0  }
0x24: {  	s3 =	sadd.s32 $0x88, s3;
	s6 =	simm.s32 @!p1 $0x1082;
	[sflag:s4] =	ssyncset.s32 $0xFFFFF086  }
0x25: {  	[simem:s6], [sflag:s4] =	dma.local [hbm:s3], $0xF7A  }
0x26: {  	[smem:$0x3F9B] =	sst s1;
	(tag) =	ssettag s2;
	_ =	strace s9  }
0x27: {  	s1 =	sld [smem:$0x3FAB]  }
0x28: {  	s2 =	sld [smem:$0x3FAC]  }
0x29: {  	s4 =	sld [smem:$0x3FAE]  }
0x2a: {  	p0 =	seq.s32 s5, $0x0;
	s5 =	sld [smem:$0x3FAF]  }
0x2b: {  	s6 =	sld [smem:$0x3FB0]  }
0x2c: {  	s7 =	sld [smem:$0x3FB1]  }
0x2d: {  	s3 =	simm.s32 $0x108;
	s8 =	sld [smem:$0x3FB2]  }
0x2e: {  	s3 =	simm.s32 @!p0 $0x1082;
	s9 =	sld [smem:$0x3FB3]  }
0x2f: {  	lr =	sadd.s32 s0, s3;
	s0 =	sld [smem:$0x3FAA]  }
0x30: {  	s3 =	sld [smem:$0x3FAD]  }
0x31: {  	[smem:$0x3FB6] =	sst s10  }
0x32: {  	s10 =	sld [smem:$0x3FB4];
	_ =	sdelay $0x3  }
0x33: {  	p0 =	seq.s32 s10, $0x1;
	s10 =	sld [smem:$0x3FB6];
	_ =	sdelay $0x3  }
0x34: {  	[smem:$0x3FB6] =	sst s10  }
0x35: {  	s10 =	sld [smem:$0x3FB5];
	_ =	sdelay $0x3  }
0x36: {  	p1 =	seq.s32 s10, $0x1;
	s10 =	sld [smem:$0x3FB6];
	_ =	sdelay $0x3  }
0x37: {  	[smem:$0x3FB6] =	sst s10  }
0x38: {  	s10 =	sld [smem:$0x3FB7]  }
0x39: {  	_ = 	snop;
	(pc) =	sbr.ind lr, $3  }
0x3a: {  	_ = 	snop  }
0x3b: {  	_ = 	snop  }
0x3c: {  	p2 =	seq.s32 s10, $0x1;
	s10 =	sld [smem:$0x3FB6]  }
0x3d: {  	_ =	shalt  }
0x3e: {  	_ =	shalt  }
0x3f: {  	_ =	shalt  }
0x40: {  	_ =	shalt  }
0x41: {  	_ =	shalt  }
0x42: {  	_ =	shalt  }
0x43: {  	_ =	shalt  }
0x44: {  	_ =	shalt  }
0x45: {  	_ =	shalt  }
0x46: {  	_ =	shalt  }
0x47: {  	_ =	shalt  }
0x48: {  	_ =	shalt  }
0x49: {  	_ =	shalt  }
0x4a: {  	_ =	shalt  }
0x4b: {  	_ =	shalt  }
0x4c: {  	_ =	shalt  }
0x4d: {  	_ =	shalt  }
0x4e: {  	_ =	shalt  }
0x4f: {  	_ =	shalt  }
0x50: {  	_ =	shalt  }
0x51: {  	_ =	shalt  }
0x52: {  	_ =	shalt  }
0x53: {  	_ =	shalt  }
0x54: {  	_ =	shalt  }
0x55: {  	_ =	shalt  }
0x56: {  	_ =	shalt  }
0x57: {  	_ =	shalt  }
0x58: {  	_ =	shalt  }
0x59: {  	_ =	shalt  }
0x5a: {  	_ =	shalt  }
0x5b: {  	_ =	shalt  }
0x5c: {  	_ =	shalt  }
0x5d: {  	_ =	shalt  }
0x5e: {  	_ =	shalt  }
0x5f: {  	_ =	shalt  }
0x60: {  	_ =	shalt  }
0x61: {  	_ =	shalt  }
0x62: {  	_ =	shalt  }
0x63: {  	_ =	shalt  }
0x64: {  	_ =	shalt  }
0x65: {  	_ =	shalt  }
0x66: {  	_ =	shalt  }
0x67: {  	_ =	shalt  }
0x68: {  	_ =	shalt  }
0x69: {  	_ =	shalt  }
0x6a: {  	_ =	shalt  }
0x6b: {  	_ =	shalt  }
0x6c: {  	_ =	shalt  }
0x6d: {  	_ =	shalt  }
0x6e: {  	_ =	shalt  }
0x6f: {  	_ =	shalt  }
0x70: {  	_ =	shalt  }
0x71: {  	_ =	shalt  }
0x72: {  	_ =	shalt  }
0x73: {  	_ =	shalt  }
0x74: {  	_ =	shalt  }
0x75: {  	_ =	shalt  }
0x76: {  	_ =	shalt  }
0x77: {  	_ =	shalt  }
0x78: {  	_ =	shalt  }
0x79: {  	_ =	shalt  }
0x7a: {  	_ =	shalt  }
0x7b: {  	_ =	shalt  }
0x7c: {  	_ =	shalt  }
0x7d: {  	_ =	shalt  }
0x7e: {  	_ =	shalt  }
0x7f: {  	_ =	shalt  }
0x80: {  	_ =	shalt  }
0x81: {  	_ =	shalt  }
0x82: {  	_ =	shalt  }
0x83: {  	_ =	shalt  }
0x84: {  	_ =	shalt  }
0x85: {  	_ =	shalt  }
0x86: {  	_ =	shalt  }
0x87: {  	_ =	shalt  }
.Lfunc_end0:
.L_simem_size_0:
called_computation_lowered:
.L_overlay_start_0:
0x88: {  	s2 =	sld [smem:$0x3FD9]  }
0x89: {  	s3 =	sld [smem:$0x3FFE];
	_ =	sdelay $0x1  }
0x8a: {  	s1 =	srdreg.scid  }
0x8b: {  	s0 =	sand.u32 $0x1, s1  }
0x8c: {  	s17 =	sshll.u32 s0, $0xA;
	s2 =	sadd.s32 s3, s2  }
0x8d: {  	s2 =	sadd.s32 s2, s17  }
0x8e: {  	[smem:$0x3FC2] =	sst s2  }
0x8f: {  	_ = 	snop  }
0x90: {  	s2 =	sld [smem:$0x3FC9]  }
0x91: {  	s18 =	sld [smem:$0x3FC8]  }
0x92: {  	s4 =	sld [smem:$0x3FD0];
	(tm) =	ssettm $0x1  }
0x93: {  	s5 =	sld [smem:$0x3FFB];
	_ =	sdelay $0x3  }
0x94: {  	_ =	strace s5  }
0x95: {  	s5 =	sld [smem:$0x3FFC];
	_ =	sdelay $0x3  }
0x96: {  	_ =	strace s5  }
0x97: {  	s5 =	sld [smem:$0x3FFD];
	_ =	sdelay $0x3  }
0x98: {  	_ =	strace s5  }
0x99: {  	_ =	strace $0x8FFFFFFF  }
0x9a: {  	s19 =	sld [smem:$0x3FDB];
	_ =	sdelay $0x1  }
0x9b: {  	s6 =	simm.s32 $_scs_section_size  }
0x9c: {  	s7 =	simm.s32 $_size__tile_overlayer_lowered;
	s8 =	simm.s32 $_tile_overlayer_lowered  }
0x9d: {  	s22 =	simm.s32 $0x1BFF;
	s21 =	sshll.u32 s8, $0x1;
	s5 =	sadd.s32 s6, s19  }
0x9e: {  	s9 =	simm.s32 $0x0;
	s20 =	sshll.u32 s7, $0x1;
	s7 =	sadd.s32 s21, s5  }
0x9f: {  	[timem:s9], [sflag:s22] =	dma.local [hbm:s7], s20  }
0xa0: {  	_ =	swait.ge [sflag:s22], s20  }
0xa1: {  	s6 =	ssub.s32 $0x0, s20;
	[sflag:s22] =	ssyncset.done $0x0  }
0xa2: {  	[sflag:s22] =	ssyncadd.s32 s6;
	_ =	sdelay $0x1  }
0xa3: {  	s23 =	simm.s32 $0x1B8B  }
0xa4: {  	_ =	swait.ge [sflag:s23], $0x1  }
0xa5: {  	[sflag:s23] =	ssyncset.done $0x0  }
0xa6: {  	s25 =	simm.s32 $0x1B8E;
	s24 =	sld [smem:$0x3FFE];
	[sflag:s23] =	ssyncadd.s32 $0xFFFFFFFF  }
0xa7: {  	s26 =	simm.s32 $execute0_lowered;
	[smem:$0x3FD2] =	sst s25  }
0xa8: {  	s7 =	sshll.u32 s26, $0x1;
	_ =	strace $0x80000046;
	[dreg:$0x1] =	wrdreg $0xFFFFFFFF  }
0xa9: {  	s28 =	simm.s32 $_size_execute0_lowered;
	s5 =	sadd.s32 s5, s7;
	[dreg:$0x0] =	wrdreg $0x0  }
0xaa: {  	s7 =	sshll.u32 s28, $0x1;
	[dreg:$0x2] =	wrdreg s5  }
0xab: {  	[dreg:$0x3] =	wrdreg s7  }
0xac: {  	[dreg:$0x4] =	wrdreg $0xC0  }
0xad: {  	_ =	task [dreg:s9], $0x5FFFF  }
0xae: {  	[dreg:$0x1] =	wrdreg $0xFFFFFFFF  }
0xaf: {  	[dreg:$0x0] =	wrdreg $0x60  }
0xb0: {  	[dreg:$0x2] =	wrdreg s2  }
0xb1: {  	[dreg:$0x3] =	wrdreg s18  }
0xb2: {  	[dreg:$0x4] =	wrdreg s24  }
0xb3: {  	[dreg:$0x5] =	wrdreg s4  }
0xb4: {  	[dreg:$0x6] =	wrdreg $0x9  }
0xb5: {  	_ =	task.clear_ibuf [dreg:s9], $0x7FFFF;
	_ =	strace $0x90000046  }
0xb6: {  	s29 =	simm.s32 $0x9;
	_ =	strace $0x80000048  }
0xb7: {  	_ =	swait.ge [sflag:s29], $0x1  }
0xb8: {  	[sflag:s29] =	ssyncadd.s32 $0xFFFFFFFF  }
0xb9: {  	_ =	strace $0x90000048  }
0xba: {  	_ =	sfence  }
0xbb: {  	s30 =	sld [smem:$0x0];
	_ =	sdelay $0x2  }
0xbc: {  	s31 =	sshll.u32 s1, $0xD;
	s1 =	sshrl.u32 s1, $0x2  }
0xbd: {  	s3 =	sand.u32 $0x4000, s31;
	s1 =	sadd.s32 s1, s30  }
0xbe: {  	s0 =	sor.u32 s3, s0;
	s1 =	sshll.u32 s1, $0x11  }
0xbf: {  	s0 =	sor.u32 s1, s0  }
0xc0: {  	s0 =	sadd.s32 $0x8F2B, s0  }
0xc1: {  	[sflag:s0] =	ssyncadd.remote.s32 $0x1  }
0xc2: {  	_ =	sfence.sel $0xFFFF  }
0xc3: {  	[dreg:$0x0] =	wrdreg $0xFFFFFFFF;
	(pc) =	sbr.abs _section_cstart, $3  }
0xc4: {  	[dreg:$0x1] =	wrdreg $0xFFFFFFFF  }
0xc5: {  	_ =	task.clear_ibuf [dreg:s9], $0x2FFFF;
	_ =	strace $0x9FFFFFFF  }
0xc6: {  	(tm) =	ssettm $0x7FFFFFFF  }
0xc7: {  	_ =	shalt  }
tec
execute0_lowered:
.L_overlay_start_1:
0x0: {  	(tag) =	ssettag $0x1  }
0x1: {  	s0 =	rddreg [dreg:$0x0]  }
0x2: {  	s3 =	rddreg [dreg:$0x1]  }
0x3: {  	s1 =	rddreg [dreg:$0x2]  }
0x4: {  	s9 =	rddreg [dreg:$0x3]  }
0x5: {  	s2 =	simm.s32 $0x0;
	s5 =	srdreg.scid;
	s6 =	stileid.u32  }
0x6: {  	s12 =	simm.s32 $0x200;
	s13 =	simm.s32 $0x80;
	s17 =	simm.s32 $0x280  }
0x7: {  	s19 =	simm.s32 $0x100;
	s21 =	simm.s32 $0x300;
	s23 =	simm.s32 $0x180  }
0x8: {  	s25 =	simm.s32 $0x380;
	s26 =	simm.s32 $0x780;
	s28 =	simm.s32 $0x800  }
0x9: {  	s29 =	simm.s32 $0x8800;
	s30 =	simm.s32 $0x4800;
	s31 =	simm.s32 $0xC800  }
0xa: {  	s14 =	simm.s32 $0x3;
	s15 =	simm.s32 $0x5;
	s16 =	simm.s32 $0x1  }
0xb: {  	s18 =	simm.s32 $0x10800;
	s20 =	simm.s32 $0x0;
	[smem:$0x7FF] =	sst s2  }
0xc: {  	s4 =	sadd.s32 $0x186A00, s1;
	s5 =	sand.u32 $0x1, s5;
	s6 =	sshll.u32 s6, $0x7  }
0xd: {  	_ =	strace $0x80000047;
	s7 =	ssub.s32 $0x2, s5;
	s8 =	sshll.u32 s5, $0x6  }
0xe: {  	s5 =	sadd.s32 $0x1A5400, s1;
	s10 =	sshrl.u32 s7, $0x1;
	s11 =	sor.u32 s8, s6  }
0xf: {  	v0 =	vlaneseq.u32;
	s6 =	sadd.s32 $0x10C8E00, s1;
	s10 =	ssub.s32 s7, s10;
	s7 =	sadd.s32 s0, s11  }
0x10: {  	v0 =	vmul.u32 $0x80, v0;
	s8 =	sadd.s32 s3, s11;
	s9 =	sadd.s32 s9, s11;
	s11 =	simm.s32 $0x6  }
0x11: {  	s0 =	simm.s32 $0x2;
	s3 =	simm.s32 $0x4;
	s10 =	smax.u32 s10, $0x1  }
.LBB2_1:
0x12: {  	[tilespmem:s2], [sflag:$0x6] =	stream.linear.gather [hbm4b:s7+s2], $0x200, $0x38;
	[tilespmem:$0x10A00] =	vst v63  }
0x13: {  	_ =	swait.ge [sflag:s11], $0x200  }
0x14: {  	[sflag:s11] =	ssyncset.done $0x0  }
0x15: {  	[sflag:s11] =	ssyncadd.s32 $0xFFFFFE00  }
0x16: {  	[tilespmem:s12], [sflag:$0x6] =	stream.linear.gather [hbm4b:s8+s2], $0x200, $0x38;
	[tilespmem:$0x10A00] =	vst v63  }
0x17: {  	_ =	swait.ge [sflag:s11], $0x200  }
0x18: {  	[sflag:s11] =	ssyncset.done $0x0  }
0x19: {  	s22 =	simm.s32 $0x400;
	[sflag:s11] =	ssyncadd.s32 $0xFFFFFE00  }
0x1a: {  	[tilespmem:s22], [sflag:$0x1] =	stream.indirect.gather [hbm4b:s4+s13], $0x1, s2, s13, $0xb8;
	[tilespmem:$0x10A00] =	vst v63  }
0x1b: {  	s24 =	simm.s32 $0x600  }
0x1c: {  	[tilespmem:s24], [sflag:$0x1] =	stream.indirect.gather [hbm4b:s5+s13], $0x1, s12, s13, $0xb8;
	[tilespmem:$0x10A00] =	vst v63  }
0x1d: {  	s24 =	simm.s32 $0x480  }
0x1e: {  	[tilespmem:s24], [sflag:$0x1] =	stream.indirect.gather [hbm4b:s4+s13], $0x1, s13, s13, $0xb8;
	[tilespmem:$0x10A00] =	vst v63  }
0x1f: {  	s24 =	simm.s32 $0x680  }
0x20: {  	[tilespmem:s24], [sflag:$0x1] =	stream.indirect.gather [hbm4b:s5+s13], $0x1, s17, s13, $0xb8;
	[tilespmem:$0x10A00] =	vst v63  }
0x21: {  	s24 =	simm.s32 $0x500  }
0x22: {  	[tilespmem:s24], [sflag:$0x1] =	stream.indirect.gather [hbm4b:s4+s13], $0x1, s19, s13, $0xb8;
	[tilespmem:$0x10A00] =	vst v63  }
0x23: {  	s24 =	simm.s32 $0x700  }
0x24: {  	[tilespmem:s24], [sflag:$0x1] =	stream.indirect.gather [hbm4b:s5+s13], $0x1, s21, s13, $0xb8;
	[tilespmem:$0x10A00] =	vst v63  }
0x25: {  	s24 =	simm.s32 $0x580  }
0x26: {  	[tilespmem:s24], [sflag:$0x1] =	stream.indirect.gather [hbm4b:s4+s13], $0x1, s23, s13, $0xb8;
	[tilespmem:$0x10A00] =	vst v63  }
0x27: {  	_ = 	snop  }
0x28: {  	[tilespmem:s26], [sflag:$0x1] =	stream.indirect.gather [hbm4b:s5+s13], $0x1, s25, s13, $0xb8;
	[tilespmem:$0x10A00] =	vst v63  }
0x29: {  	_ = 	snop  }
0x2a: {  	[tilespmem:s28], [sflag:$0x2] =	stream.indirect.gather [hbm4b:s6+s13], $0x80, s2, s13, $0xb8;
	[tilespmem:$0x10A00] =	vst v63  }
0x2b: {  	_ = 	snop  }
0x2c: {  	[tilespmem:s29], [sflag:$0x4] =	stream.indirect.gather [hbm4b:s1+s13], $0x80, s12, s13, $0xb8;
	[tilespmem:$0x10A00] =	vst v63  }
0x2d: {  	_ = 	snop  }
0x2e: {  	[tilespmem:s30], [sflag:$0x3] =	stream.indirect.gather [hbm4b:s6+s13], $0x80, s13, s13, $0xb8;
	[tilespmem:$0x10A00] =	vst v63  }
0x2f: {  	_ = 	snop  }
0x30: {  	v1 =	vmov s2;
	[tilespmem:s31], [sflag:$0x5] =	stream.indirect.gather [hbm4b:s1+s13], $0x80, s17, s13, $0xb8;
	[tilespmem:$0x10A00] =	vst v63  }
0x31: {  	v1 =	vshll.u32 v1, $0x7;
	_ =	swait.ge [sflag:s0], $0x4000  }
0x32: {  	v1 =	vor.u32 v0, v1;
	[sflag:s0] =	ssyncset.done $0x0  }
0x33: {  	[sflag:s0] =	ssyncadd.s32 $0xFFFFC000  }
0x34: {  	v2 =	vor.u32 $0x1, v1;
	_ =	swait.ge [sflag:s3], $0x4000  }
0x35: {  	[sflag:s3] =	ssyncset.done $0x0  }
0x36: {  	v3 =	vor.u32 $0x2, v1;
	[sflag:s3] =	ssyncadd.s32 $0xFFFFC000  }
0x37: {  	v4 =	vld.idx.msk [tilespmem:v1+s29+$0x0], $0xffff  }
0x38: {  	v6 =	vor.u32 $0x3, v1;
	v5 =	vld.idx.msk [tilespmem:v1+s28+$0x0], $0xffff  }
0x39: {  	v7 =	vld.idx.msk [tilespmem:v2+s28+$0x0], $0xffff  }
0x3a: {  	v8 =	vor.u32 $0x4, v1;
	v2 =	vld.idx.msk [tilespmem:v2+s29+$0x0], $0xffff  }
0x3b: {  	v9 =	vld.idx.msk [tilespmem:v3+s28+$0x0], $0xffff  }
0x3c: {  	v10 =	vor.u32 $0x5, v1;
	v3 =	vld.idx.msk [tilespmem:v3+s29+$0x0], $0xffff  }
0x3d: {  	v11 =	vld.idx.msk [tilespmem:v6+s28+$0x0], $0xffff;
	v4 =	vmul.f32 v4, v5  }
0x3e: {  	v5 =	vld.idx.msk [tilespmem:v6+s29+$0x0], $0xffff;
	v6 =	vor.u32 $0x6, v1  }
0x3f: {  	v12 =	vld.idx.msk [tilespmem:v8+s28+$0x0], $0xffff;
	v2 =	vmul.f32 v2, v7;
	v4 =	vadd.f32 $0.0e+00, v4  }
0x40: {  	v25 =	vor.u32 $0x7, v1;
	v7 =	vld.idx.msk [tilespmem:v8+s29+$0x0], $0xffff  }
0x41: {  	v13 =	vld.idx.msk [tilespmem:v10+s28+$0x0], $0xffff;
	v3 =	vmul.f32 v3, v9;
	v2 =	vadd.f32 v2, v4  }
0x42: {  	v26 =	vor.u32 $0x8, v1;
	v4 =	vld.idx.msk [tilespmem:v10+s29+$0x0], $0xffff  }
0x43: {  	v27 =	vld.idx.msk [tilespmem:v6+s28+$0x0], $0xffff;
	v2 =	vadd.f32 v3, v2;
	v3 =	vmul.f32 v5, v11  }
0x44: {  	v5 =	vld.idx.msk [tilespmem:v6+s29+$0x0], $0xffff;
	v6 =	vor.u32 $0x9, v1  }
0x45: {  	v28 =	vld.idx.msk [tilespmem:v25+s28+$0x0], $0xffff;
	v2 =	vadd.f32 v3, v2;
	v3 =	vmul.f32 v7, v12  }
0x46: {  	v29 =	vor.u32 $0xA, v1;
	v7 =	vld.idx.msk [tilespmem:v25+s29+$0x0], $0xffff  }
0x47: {  	v30 =	vld.idx.msk [tilespmem:v26+s28+$0x0], $0xffff;
	v2 =	vadd.f32 v3, v2;
	v3 =	vmul.f32 v4, v13  }
0x48: {  	v31 =	vor.u32 $0xB, v1;
	v4 =	vld.idx.msk [tilespmem:v26+s29+$0x0], $0xffff  }
0x49: {  	v32 =	vld.idx.msk [tilespmem:v6+s28+$0x0], $0xffff;
	v2 =	vadd.f32 v3, v2;
	v3 =	vmul.f32 v5, v27  }
0x4a: {  	v5 =	vld.idx.msk [tilespmem:v6+s29+$0x0], $0xffff;
	v6 =	vor.u32 $0xC, v1  }
0x4b: {  	v33 =	vld.idx.msk [tilespmem:v29+s28+$0x0], $0xffff;
	v2 =	vadd.f32 v3, v2;
	v3 =	vmul.f32 v7, v28  }
0x4c: {  	v34 =	vor.u32 $0xD, v1;
	v7 =	vld.idx.msk [tilespmem:v29+s29+$0x0], $0xffff  }
0x4d: {  	v35 =	vld.idx.msk [tilespmem:v31+s28+$0x0], $0xffff;
	v2 =	vadd.f32 v3, v2;
	v3 =	vmul.f32 v4, v30  }
0x4e: {  	v36 =	vor.u32 $0xE, v1;
	v4 =	vld.idx.msk [tilespmem:v31+s29+$0x0], $0xffff  }
0x4f: {  	v37 =	vld.idx.msk [tilespmem:v6+s28+$0x0], $0xffff;
	v2 =	vadd.f32 v3, v2;
	v3 =	vmul.f32 v5, v32  }
0x50: {  	v5 =	vld.idx.msk [tilespmem:v6+s29+$0x0], $0xffff;
	v6 =	vor.u32 $0xF, v1  }
0x51: {  	v38 =	vld.idx.msk [tilespmem:v34+s28+$0x0], $0xffff;
	v2 =	vadd.f32 v3, v2;
	v3 =	vmul.f32 v7, v33  }
0x52: {  	v39 =	vor.u32 $0x10, v1;
	v7 =	vld.idx.msk [tilespmem:v34+s29+$0x0], $0xffff  }
0x53: {  	v40 =	vld.idx.msk [tilespmem:v36+s28+$0x0], $0xffff;
	v2 =	vadd.f32 v3, v2;
	v3 =	vmul.f32 v4, v35  }
0x54: {  	v41 =	vor.u32 $0x11, v1;
	v4 =	vld.idx.msk [tilespmem:v36+s29+$0x0], $0xffff  }
0x55: {  	v42 =	vld.idx.msk [tilespmem:v6+s28+$0x0], $0xffff;
	v2 =	vadd.f32 v3, v2;
	v3 =	vmul.f32 v5, v37  }
0x56: {  	v5 =	vld.idx.msk [tilespmem:v6+s29+$0x0], $0xffff;
	v6 =	vor.u32 $0x12, v1  }
0x57: {  	v43 =	vld.idx.msk [tilespmem:v39+s28+$0x0], $0xffff;
	v2 =	vadd.f32 v3, v2;
	v3 =	vmul.f32 v7, v38  }
0x58: {  	v44 =	vor.u32 $0x13, v1;
	v7 =	vld.idx.msk [tilespmem:v39+s29+$0x0], $0xffff  }
0x59: {  	v45 =	vld.idx.msk [tilespmem:v41+s28+$0x0], $0xffff;
	v2 =	vadd.f32 v3, v2;
	v3 =	vmul.f32 v4, v40  }
0x5a: {  	v46 =	vor.u32 $0x14, v1;
	v4 =	vld.idx.msk [tilespmem:v41+s29+$0x0], $0xffff  }
0x5b: {  	v47 =	vld.idx.msk [tilespmem:v6+s28+$0x0], $0xffff;
	v2 =	vadd.f32 v3, v2;
	v3 =	vmul.f32 v5, v42  }
0x5c: {  	v5 =	vld.idx.msk [tilespmem:v6+s29+$0x0], $0xffff;
	v6 =	vor.u32 $0x15, v1  }
0x5d: {  	v48 =	vld.idx.msk [tilespmem:v44+s28+$0x0], $0xffff;
	v2 =	vadd.f32 v3, v2;
	v3 =	vmul.f32 v7, v43  }
0x5e: {  	v49 =	vor.u32 $0x16, v1;
	v7 =	vld.idx.msk [tilespmem:v44+s29+$0x0], $0xffff  }
0x5f: {  	v50 =	vld.idx.msk [tilespmem:v46+s28+$0x0], $0xffff;
	v2 =	vadd.f32 v3, v2;
	v3 =	vmul.f32 v4, v45  }
0x60: {  	v51 =	vor.u32 $0x17, v1;
	v4 =	vld.idx.msk [tilespmem:v46+s29+$0x0], $0xffff  }
0x61: {  	v52 =	vld.idx.msk [tilespmem:v6+s28+$0x0], $0xffff;
	v2 =	vadd.f32 v3, v2;
	v3 =	vmul.f32 v5, v47  }
0x62: {  	v5 =	vld.idx.msk [tilespmem:v6+s29+$0x0], $0xffff;
	v6 =	vor.u32 $0x18, v1  }
0x63: {  	v53 =	vld.idx.msk [tilespmem:v49+s28+$0x0], $0xffff;
	v2 =	vadd.f32 v3, v2;
	v3 =	vmul.f32 v7, v48  }
0x64: {  	v54 =	vor.u32 $0x19, v1;
	v7 =	vld.idx.msk [tilespmem:v49+s29+$0x0], $0xffff  }
0x65: {  	v55 =	vld.idx.msk [tilespmem:v51+s28+$0x0], $0xffff;
	v2 =	vadd.f32 v3, v2;
	v3 =	vmul.f32 v4, v50  }
0x66: {  	v56 =	vor.u32 $0x1A, v1;
	v4 =	vld.idx.msk [tilespmem:v51+s29+$0x0], $0xffff  }
0x67: {  	v57 =	vld.idx.msk [tilespmem:v6+s28+$0x0], $0xffff;
	v2 =	vadd.f32 v3, v2;
	v3 =	vmul.f32 v5, v52  }
0x68: {  	v5 =	vld.idx.msk [tilespmem:v6+s29+$0x0], $0xffff;
	v6 =	vor.u32 $0x1B, v1  }
0x69: {  	v58 =	vld.idx.msk [tilespmem:v54+s28+$0x0], $0xffff;
	v2 =	vadd.f32 v3, v2;
	v3 =	vmul.f32 v7, v53  }
0x6a: {  	v59 =	vor.u32 $0x1C, v1;
	v7 =	vld.idx.msk [tilespmem:v54+s29+$0x0], $0xffff  }
0x6b: {  	v60 =	vld.idx.msk [tilespmem:v56+s28+$0x0], $0xffff;
	v2 =	vadd.f32 v3, v2;
	v3 =	vmul.f32 v4, v55  }
0x6c: {  	v61 =	vor.u32 $0x1D, v1;
	v4 =	vld.idx.msk [tilespmem:v56+s29+$0x0], $0xffff  }
0x6d: {  	v62 =	vld.idx.msk [tilespmem:v6+s28+$0x0], $0xffff;
	v2 =	vadd.f32 v3, v2;
	v3 =	vmul.f32 v5, v57  }
0x6e: {  	v5 =	vld.idx.msk [tilespmem:v6+s29+$0x0], $0xffff;
	v6 =	vor.u32 $0x1E, v1  }
0x6f: {  	v63 =	vld.idx.msk [tilespmem:v59+s28+$0x0], $0xffff;
	v2 =	vadd.f32 v3, v2;
	v3 =	vmul.f32 v7, v58  }
0x70: {  	v1 =	vor.u32 $0x1F, v1;
	v7 =	vld.idx.msk [tilespmem:v59+s29+$0x0], $0xffff  }
0x71: {  	v15 =	vld.idx.msk [tilespmem:v61+s28+$0x0], $0xffff;
	v2 =	vadd.f32 v3, v2;
	v3 =	vmul.f32 v4, v60  }
0x72: {  	v4 =	vld.idx.msk [tilespmem:v61+s29+$0x0], $0xffff  }
0x73: {  	v16 =	vld.idx.msk [tilespmem:v6+s28+$0x0], $0xffff;
	v2 =	vadd.f32 v3, v2;
	v3 =	vmul.f32 v5, v62  }
0x74: {  	v5 =	vld.idx.msk [tilespmem:v6+s29+$0x0], $0xffff  }
0x75: {  	v6 =	vld.idx.msk [tilespmem:v1+s28+$0x0], $0xffff;
	v2 =	vadd.f32 v3, v2;
	v3 =	vmul.f32 v7, v63  }
0x76: {  	v7 =	vld.idx.msk [tilespmem:v1+s29+$0x0], $0xffff  }
0x77: {  	v1 =	vadd.f32 v3, v2;
	v2 =	vmul.f32 v4, v15  }
0x78: {  	s24 =	simm.s32 $0x10  }
0x79: {  	v3 =	vmov s24;
	v4 =	vmul.f32 v5, v16;
	v2 =	vadd.f32 v2, v1  }
0x7a: {  	v1 =	vshll.u32 v3, $0x7  }
0x7b: {  	v1 =	vor.u32 v0, v1;
	v3 =	vmul.f32 v7, v6;
	v2 =	vadd.f32 v4, v2;
	_ =	sdelay $0x1  }
0x7c: {  	v4 =	vor.u32 $0x1, v1;
	v2 =	vadd.f32 v3, v2;
	_ =	sdelay $0x1  }
0x7d: {  	v3 =	vor.u32 $0x2, v1;
	[tilespmem:s18+$0x0] =	vst v2  }
0x7e: {  	v2 =	vld.idx.msk [tilespmem:v1+s29+$0x0], $0xffff  }
0x7f: {  	v6 =	vor.u32 $0x3, v1;
	v5 =	vld.idx.msk [tilespmem:v1+s28+$0x0], $0xffff  }
0x80: {  	v7 =	vld.idx.msk [tilespmem:v4+s28+$0x0], $0xffff  }
0x81: {  	v17 =	vor.u32 $0x4, v1;
	v4 =	vld.idx.msk [tilespmem:v4+s29+$0x0], $0xffff  }
0x82: {  	v18 =	vld.idx.msk [tilespmem:v3+s28+$0x0], $0xffff  }
0x83: {  	v19 =	vor.u32 $0x5, v1;
	v3 =	vld.idx.msk [tilespmem:v3+s29+$0x0], $0xffff  }
0x84: {  	v20 =	vld.idx.msk [tilespmem:v6+s28+$0x0], $0xffff;
	v2 =	vmul.f32 v2, v5  }
0x85: {  	v5 =	vld.idx.msk [tilespmem:v6+s29+$0x0], $0xffff;
	v6 =	vor.u32 $0x6, v1  }
0x86: {  	v21 =	vld.idx.msk [tilespmem:v17+s28+$0x0], $0xffff;
	v4 =	vmul.f32 v4, v7;
	v2 =	vadd.f32 $0.0e+00, v2  }
0x87: {  	v22 =	vor.u32 $0x7, v1;
	v7 =	vld.idx.msk [tilespmem:v17+s29+$0x0], $0xffff  }
0x88: {  	v23 =	vld.idx.msk [tilespmem:v19+s28+$0x0], $0xffff;
	v3 =	vmul.f32 v3, v18;
	v2 =	vadd.f32 v4, v2  }
0x89: {  	v24 =	vor.u32 $0x8, v1;
	v4 =	vld.idx.msk [tilespmem:v19+s29+$0x0], $0xffff  }
0x8a: {  	v25 =	vld.idx.msk [tilespmem:v6+s28+$0x0], $0xffff;
	v2 =	vadd.f32 v3, v2;
	v3 =	vmul.f32 v5, v20  }
0x8b: {  	v5 =	vld.idx.msk [tilespmem:v6+s29+$0x0], $0xffff;
	v6 =	vor.u32 $0x9, v1  }
0x8c: {  	v26 =	vld.idx.msk [tilespmem:v22+s28+$0x0], $0xffff;
	v2 =	vadd.f32 v3, v2;
	v3 =	vmul.f32 v7, v21  }
0x8d: {  	v27 =	vor.u32 $0xA, v1;
	v7 =	vld.idx.msk [tilespmem:v22+s29+$0x0], $0xffff  }
0x8e: {  	v28 =	vld.idx.msk [tilespmem:v24+s28+$0x0], $0xffff;
	v2 =	vadd.f32 v3, v2;
	v3 =	vmul.f32 v4, v23  }
0x8f: {  	v29 =	vor.u32 $0xB, v1;
	v4 =	vld.idx.msk [tilespmem:v24+s29+$0x0], $0xffff  }
0x90: {  	v30 =	vld.idx.msk [tilespmem:v6+s28+$0x0], $0xffff;
	v2 =	vadd.f32 v3, v2;
	v3 =	vmul.f32 v5, v25  }
0x91: {  	v5 =	vld.idx.msk [tilespmem:v6+s29+$0x0], $0xffff;
	v6 =	vor.u32 $0xC, v1  }
0x92: {  	v31 =	vld.idx.msk [tilespmem:v27+s28+$0x0], $0xffff;
	v2 =	vadd.f32 v3, v2;
	v3 =	vmul.f32 v7, v26  }
0x93: {  	v32 =	vor.u32 $0xD, v1;
	v7 =	vld.idx.msk [tilespmem:v27+s29+$0x0], $0xffff  }
0x94: {  	v33 =	vld.idx.msk [tilespmem:v29+s28+$0x0], $0xffff;
	v2 =	vadd.f32 v3, v2;
	v3 =	vmul.f32 v4, v28  }
0x95: {  	v34 =	vor.u32 $0xE, v1;
	v4 =	vld.idx.msk [tilespmem:v29+s29+$0x0], $0xffff  }
0x96: {  	v35 =	vld.idx.msk [tilespmem:v6+s28+$0x0], $0xffff;
	v2 =	vadd.f32 v3, v2;
	v3 =	vmul.f32 v5, v30  }
0x97: {  	v5 =	vld.idx.msk [tilespmem:v6+s29+$0x0], $0xffff;
	v6 =	vor.u32 $0xF, v1  }
0x98: {  	v36 =	vld.idx.msk [tilespmem:v32+s28+$0x0], $0xffff;
	v2 =	vadd.f32 v3, v2;
	v3 =	vmul.f32 v7, v31  }
0x99: {  	v37 =	vor.u32 $0x10, v1;
	v7 =	vld.idx.msk [tilespmem:v32+s29+$0x0], $0xffff  }
0x9a: {  	v38 =	vld.idx.msk [tilespmem:v34+s28+$0x0], $0xffff;
	v2 =	vadd.f32 v3, v2;
	v3 =	vmul.f32 v4, v33  }
0x9b: {  	v39 =	vor.u32 $0x11, v1;
	v4 =	vld.idx.msk [tilespmem:v34+s29+$0x0], $0xffff  }
0x9c: {  	v40 =	vld.idx.msk [tilespmem:v6+s28+$0x0], $0xffff;
	v2 =	vadd.f32 v3, v2;
	v3 =	vmul.f32 v5, v35  }
0x9d: {  	v5 =	vld.idx.msk [tilespmem:v6+s29+$0x0], $0xffff;
	v6 =	vor.u32 $0x12, v1  }
0x9e: {  	v41 =	vld.idx.msk [tilespmem:v37+s28+$0x0], $0xffff;
	v2 =	vadd.f32 v3, v2;
	v3 =	vmul.f32 v7, v36  }
0x9f: {  	v42 =	vor.u32 $0x13, v1;
	v7 =	vld.idx.msk [tilespmem:v37+s29+$0x0], $0xffff  }
0xa0: {  	v43 =	vld.idx.msk [tilespmem:v39+s28+$0x0], $0xffff;
	v2 =	vadd.f32 v3, v2;
	v3 =	vmul.f32 v4, v38  }
0xa1: {  	v44 =	vor.u32 $0x14, v1;
	v4 =	vld.idx.msk [tilespmem:v39+s29+$0x0], $0xffff  }
0xa2: {  	v45 =	vld.idx.msk [tilespmem:v6+s28+$0x0], $0xffff;
	v2 =	vadd.f32 v3, v2;
	v3 =	vmul.f32 v5, v40  }
0xa3: {  	v5 =	vld.idx.msk [tilespmem:v6+s29+$0x0], $0xffff;
	v6 =	vor.u32 $0x15, v1  }
0xa4: {  	v46 =	vld.idx.msk [tilespmem:v42+s28+$0x0], $0xffff;
	v2 =	vadd.f32 v3, v2;
	v3 =	vmul.f32 v7, v41  }
0xa5: {  	v47 =	vor.u32 $0x16, v1;
	v7 =	vld.idx.msk [tilespmem:v42+s29+$0x0], $0xffff  }
0xa6: {  	v48 =	vld.idx.msk [tilespmem:v44+s28+$0x0], $0xffff;
	v2 =	vadd.f32 v3, v2;
	v3 =	vmul.f32 v4, v43  }
0xa7: {  	v49 =	vor.u32 $0x17, v1;
	v4 =	vld.idx.msk [tilespmem:v44+s29+$0x0], $0xffff  }
0xa8: {  	v50 =	vld.idx.msk [tilespmem:v6+s28+$0x0], $0xffff;
	v2 =	vadd.f32 v3, v2;
	v3 =	vmul.f32 v5, v45  }
0xa9: {  	v5 =	vld.idx.msk [tilespmem:v6+s29+$0x0], $0xffff;
	v6 =	vor.u32 $0x18, v1  }
0xaa: {  	v51 =	vld.idx.msk [tilespmem:v47+s28+$0x0], $0xffff;
	v2 =	vadd.f32 v3, v2;
	v3 =	vmul.f32 v7, v46  }
0xab: {  	v52 =	vor.u32 $0x19, v1;
	v7 =	vld.idx.msk [tilespmem:v47+s29+$0x0], $0xffff  }
0xac: {  	v53 =	vld.idx.msk [tilespmem:v49+s28+$0x0], $0xffff;
	v2 =	vadd.f32 v3, v2;
	v3 =	vmul.f32 v4, v48  }
0xad: {  	v54 =	vor.u32 $0x1A, v1;
	v4 =	vld.idx.msk [tilespmem:v49+s29+$0x0], $0xffff  }
0xae: {  	v55 =	vld.idx.msk [tilespmem:v6+s28+$0x0], $0xffff;
	v2 =	vadd.f32 v3, v2;
	v3 =	vmul.f32 v5, v50  }
0xaf: {  	v5 =	vld.idx.msk [tilespmem:v6+s29+$0x0], $0xffff;
	v6 =	vor.u32 $0x1B, v1  }
0xb0: {  	v56 =	vld.idx.msk [tilespmem:v52+s28+$0x0], $0xffff;
	v2 =	vadd.f32 v3, v2;
	v3 =	vmul.f32 v7, v51  }
0xb1: {  	v57 =	vor.u32 $0x1C, v1;
	v7 =	vld.idx.msk [tilespmem:v52+s29+$0x0], $0xffff  }
0xb2: {  	v58 =	vld.idx.msk [tilespmem:v54+s28+$0x0], $0xffff;
	v2 =	vadd.f32 v3, v2;
	v3 =	vmul.f32 v4, v53  }
0xb3: {  	v4 =	vld.idx.msk [tilespmem:v54+s29+$0x0], $0xffff  }
0xb4: {  	v60 =	vld.idx.msk [tilespmem:v6+s28+$0x0], $0xffff;
	v2 =	vadd.f32 v3, v2;
	v3 =	vmul.f32 v5, v55  }
0xb5: {  	v59 =	vor.u32 $0x1D, v1;
	v5 =	vld.idx.msk [tilespmem:v6+s29+$0x0], $0xffff  }
0xb6: {  	v61 =	vld.idx.msk [tilespmem:v57+s28+$0x0], $0xffff;
	v2 =	vadd.f32 v3, v2;
	v3 =	vmul.f32 v7, v56  }
0xb7: {  	v6 =	vor.u32 $0x1E, v1;
	v7 =	vld.idx.msk [tilespmem:v57+s29+$0x0], $0xffff  }
0xb8: {  	v2 =	vadd.f32 v3, v2;
	v3 =	vmul.f32 v4, v58  }
0xb9: {  	v1 =	vor.u32 $0x1F, v1  }
0xba: {  	v62 =	vld.idx.msk [tilespmem:v59+s28+$0x0], $0xffff;
	v2 =	vadd.f32 v3, v2;
	v3 =	vmul.f32 v5, v60  }
0xbb: {  	v4 =	vld.idx.msk [tilespmem:v59+s29+$0x0], $0xffff  }
0xbc: {  	v63 =	vld.idx.msk [tilespmem:v6+s28+$0x0], $0xffff;
	v2 =	vadd.f32 v3, v2;
	v3 =	vmul.f32 v7, v61  }
0xbd: {  	v5 =	vld.idx.msk [tilespmem:v6+s29+$0x0], $0xffff  }
0xbe: {  	v6 =	vadd.f32 v3, v2;
	v2 =	vld.idx.msk [tilespmem:v1+s28+$0x0], $0xffff  }
0xbf: {  	v3 =	vld.idx.msk [tilespmem:v1+s29+$0x0], $0xffff  }
0xc0: {  	v4 =	vmul.f32 v4, v62  }
0xc1: {  	s24 =	simm.s32 $0x20  }
0xc2: {  	v7 =	vmov s24;
	v5 =	vmul.f32 v5, v63;
	v4 =	vadd.f32 v4, v6  }
0xc3: {  	s22 =	simm.s32 $0x10800;
	s24 =	simm.s32 $0x30;
	v1 =	vshll.u32 v7, $0x7  }
.LBB2_2:
0xc4: {  	p0 =	sne.s32 s24, $0x70;
	v1 =	vor.u32 v0, v1;
	v4 =	vadd.f32 v5, v4;
	v2 =	vmul.f32 v3, v2;
	_ =	sdelay $0x1  }
0xc5: {  	v3 =	vor.u32 $0x1, v1;
	v2 =	vadd.f32 v2, v4  }
0xc6: {  	s22 =	sadd.s32 $0x10, s22  }
0xc7: {  	v4 =	vor.u32 $0x2, v1;
	[tilespmem:s22+$0x0] =	vst v2  }
0xc8: {  	v2 =	vld.idx.msk [tilespmem:v1+s29+$0x0], $0xffff  }
0xc9: {  	v6 =	vor.u32 $0x3, v1;
	v5 =	vld.idx.msk [tilespmem:v1+s28+$0x0], $0xffff  }
0xca: {  	v7 =	vld.idx.msk [tilespmem:v3+s28+$0x0], $0xffff  }
0xcb: {  	v8 =	vor.u32 $0x4, v1;
	v3 =	vld.idx.msk [tilespmem:v3+s29+$0x0], $0xffff  }
0xcc: {  	v9 =	vld.idx.msk [tilespmem:v4+s28+$0x0], $0xffff  }
0xcd: {  	v10 =	vor.u32 $0x5, v1;
	v4 =	vld.idx.msk [tilespmem:v4+s29+$0x0], $0xffff  }
0xce: {  	v11 =	vld.idx.msk [tilespmem:v6+s28+$0x0], $0xffff  }
0xcf: {  	v2 =	vmul.f32 v2, v5;
	v5 =	vld.idx.msk [tilespmem:v6+s29+$0x0], $0xffff;
	v6 =	vor.u32 $0x6, v1  }
0xd0: {  	v12 =	vld.idx.msk [tilespmem:v8+s28+$0x0], $0xffff  }
0xd1: {  	v2 =	vadd.f32 $0.0e+00, v2;
	v3 =	vmul.f32 v3, v7;
	v7 =	vld.idx.msk [tilespmem:v8+s29+$0x0], $0xffff;
	v8 =	vor.u32 $0x7, v1  }
0xd2: {  	v13 =	vld.idx.msk [tilespmem:v10+s28+$0x0], $0xffff  }
0xd3: {  	v2 =	vadd.f32 v3, v2;
	v3 =	vmul.f32 v4, v9;
	v9 =	vor.u32 $0x8, v1;
	v4 =	vld.idx.msk [tilespmem:v10+s29+$0x0], $0xffff  }
0xd4: {  	v10 =	vld.idx.msk [tilespmem:v6+s28+$0x0], $0xffff  }
0xd5: {  	v2 =	vadd.f32 v3, v2;
	v3 =	vmul.f32 v5, v11;
	v5 =	vld.idx.msk [tilespmem:v6+s29+$0x0], $0xffff;
	v6 =	vor.u32 $0x9, v1  }
0xd6: {  	v11 =	vld.idx.msk [tilespmem:v8+s28+$0x0], $0xffff  }
0xd7: {  	v2 =	vadd.f32 v3, v2;
	v3 =	vmul.f32 v7, v12;
	v7 =	vld.idx.msk [tilespmem:v8+s29+$0x0], $0xffff;
	v8 =	vor.u32 $0xA, v1  }
0xd8: {  	v12 =	vld.idx.msk [tilespmem:v9+s28+$0x0], $0xffff  }
0xd9: {  	v2 =	vadd.f32 v3, v2;
	v3 =	vmul.f32 v4, v13;
	v4 =	vld.idx.msk [tilespmem:v9+s29+$0x0], $0xffff;
	v9 =	vor.u32 $0xB, v1  }
0xda: {  	v13 =	vld.idx.msk [tilespmem:v6+s28+$0x0], $0xffff  }
0xdb: {  	v2 =	vadd.f32 v3, v2;
	v3 =	vmul.f32 v5, v10;
	v5 =	vld.idx.msk [tilespmem:v6+s29+$0x0], $0xffff;
	v6 =	vor.u32 $0xC, v1  }
0xdc: {  	v10 =	vld.idx.msk [tilespmem:v8+s28+$0x0], $0xffff  }
0xdd: {  	v2 =	vadd.f32 v3, v2;
	v3 =	vmul.f32 v7, v11;
	v7 =	vld.idx.msk [tilespmem:v8+s29+$0x0], $0xffff;
	v8 =	vor.u32 $0xD, v1  }
0xde: {  	v11 =	vld.idx.msk [tilespmem:v9+s28+$0x0], $0xffff  }
0xdf: {  	v2 =	vadd.f32 v3, v2;
	v3 =	vmul.f32 v4, v12;
	v4 =	vld.idx.msk [tilespmem:v9+s29+$0x0], $0xffff;
	v9 =	vor.u32 $0xE, v1  }
0xe0: {  	v12 =	vld.idx.msk [tilespmem:v6+s28+$0x0], $0xffff  }
0xe1: {  	v2 =	vadd.f32 v3, v2;
	v3 =	vmul.f32 v5, v13;
	v5 =	vld.idx.msk [tilespmem:v6+s29+$0x0], $0xffff;
	v6 =	vor.u32 $0xF, v1  }
0xe2: {  	v13 =	vld.idx.msk [tilespmem:v8+s28+$0x0], $0xffff  }
0xe3: {  	v2 =	vadd.f32 v3, v2;
	v3 =	vmul.f32 v7, v10;
	v7 =	vld.idx.msk [tilespmem:v8+s29+$0x0], $0xffff;
	v8 =	vor.u32 $0x10, v1  }
0xe4: {  	v10 =	vld.idx.msk [tilespmem:v9+s28+$0x0], $0xffff  }
0xe5: {  	v2 =	vadd.f32 v3, v2;
	v3 =	vmul.f32 v4, v11;
	v4 =	vld.idx.msk [tilespmem:v9+s29+$0x0], $0xffff;
	v9 =	vor.u32 $0x11, v1  }
0xe6: {  	v11 =	vld.idx.msk [tilespmem:v6+s28+$0x0], $0xffff  }
0xe7: {  	v2 =	vadd.f32 v3, v2;
	v3 =	vmul.f32 v5, v12;
	v5 =	vld.idx.msk [tilespmem:v6+s29+$0x0], $0xffff;
	v6 =	vor.u32 $0x12, v1  }
0xe8: {  	v12 =	vld.idx.msk [tilespmem:v8+s28+$0x0], $0xffff  }
0xe9: {  	v2 =	vadd.f32 v3, v2;
	v3 =	vmul.f32 v7, v13;
	v7 =	vld.idx.msk [tilespmem:v8+s29+$0x0], $0xffff;
	v8 =	vor.u32 $0x13, v1  }
0xea: {  	v13 =	vld.idx.msk [tilespmem:v9+s28+$0x0], $0xffff  }
0xeb: {  	v2 =	vadd.f32 v3, v2;
	v3 =	vmul.f32 v4, v10;
	v4 =	vld.idx.msk [tilespmem:v9+s29+$0x0], $0xffff;
	v9 =	vor.u32 $0x14, v1  }
0xec: {  	v10 =	vld.idx.msk [tilespmem:v6+s28+$0x0], $0xffff  }
0xed: {  	v2 =	vadd.f32 v3, v2;
	v3 =	vmul.f32 v5, v11;
	v5 =	vld.idx.msk [tilespmem:v6+s29+$0x0], $0xffff;
	v6 =	vor.u32 $0x15, v1  }
0xee: {  	v11 =	vld.idx.msk [tilespmem:v8+s28+$0x0], $0xffff  }
0xef: {  	v2 =	vadd.f32 v3, v2;
	v3 =	vmul.f32 v7, v12;
	v7 =	vld.idx.msk [tilespmem:v8+s29+$0x0], $0xffff;
	v8 =	vor.u32 $0x16, v1  }
0xf0: {  	v12 =	vld.idx.msk [tilespmem:v9+s28+$0x0], $0xffff  }
0xf1: {  	v2 =	vadd.f32 v3, v2;
	v3 =	vmul.f32 v4, v13;
	v4 =	vld.idx.msk [tilespmem:v9+s29+$0x0], $0xffff;
	v9 =	vor.u32 $0x17, v1  }
0xf2: {  	v13 =	vld.idx.msk [tilespmem:v6+s28+$0x0], $0xffff  }
0xf3: {  	v2 =	vadd.f32 v3, v2;
	v3 =	vmul.f32 v5, v10;
	v5 =	vld.idx.msk [tilespmem:v6+s29+$0x0], $0xffff;
	v6 =	vor.u32 $0x18, v1  }
0xf4: {  	v10 =	vld.idx.msk [tilespmem:v8+s28+$0x0], $0xffff  }
0xf5: {  	v2 =	vadd.f32 v3, v2;
	v3 =	vmul.f32 v7, v11;
	v7 =	vld.idx.msk [tilespmem:v8+s29+$0x0], $0xffff;
	v8 =	vor.u32 $0x19, v1  }
0xf6: {  	v11 =	vld.idx.msk [tilespmem:v9+s28+$0x0], $0xffff  }
0xf7: {  	v2 =	vadd.f32 v3, v2;
	v3 =	vmul.f32 v4, v12;
	v4 =	vld.idx.msk [tilespmem:v9+s29+$0x0], $0xffff;
	v9 =	vor.u32 $0x1A, v1  }
0xf8: {  	v12 =	vld.idx.msk [tilespmem:v6+s28+$0x0], $0xffff  }
0xf9: {  	v2 =	vadd.f32 v3, v2;
	v3 =	vmul.f32 v5, v13;
	v5 =	vld.idx.msk [tilespmem:v6+s29+$0x0], $0xffff;
	v6 =	vor.u32 $0x1B, v1  }
0xfa: {  	v13 =	vld.idx.msk [tilespmem:v8+s28+$0x0], $0xffff  }
0xfb: {  	v2 =	vadd.f32 v3, v2;
	v3 =	vmul.f32 v7, v10;
	v7 =	vld.idx.msk [tilespmem:v8+s29+$0x0], $0xffff;
	v8 =	vor.u32 $0x1C, v1  }
0xfc: {  	v10 =	vld.idx.msk [tilespmem:v9+s28+$0x0], $0xffff  }
0xfd: {  	v2 =	vadd.f32 v3, v2;
	v3 =	vmul.f32 v4, v11;
	v4 =	vld.idx.msk [tilespmem:v9+s29+$0x0], $0xffff;
	v9 =	vor.u32 $0x1D, v1  }
0xfe: {  	v11 =	vld.idx.msk [tilespmem:v6+s28+$0x0], $0xffff  }
0xff: {  	v2 =	vadd.f32 v3, v2;
	v3 =	vmul.f32 v5, v12;
	v5 =	vld.idx.msk [tilespmem:v6+s29+$0x0], $0xffff;
	v6 =	vor.u32 $0x1E, v1  }
0x100: {  	v12 =	vld.idx.msk [tilespmem:v8+s28+$0x0], $0xffff  }
0x101: {  	v1 =	vor.u32 $0x1F, v1;
	v2 =	vadd.f32 v3, v2;
	v3 =	vmul.f32 v7, v13;
	v7 =	vld.idx.msk [tilespmem:v8+s29+$0x0], $0xffff  }
0x102: {  	v8 =	vld.idx.msk [tilespmem:v9+s28+$0x0], $0xffff  }
0x103: {  	v2 =	vadd.f32 v3, v2;
	v3 =	vmul.f32 v4, v10;
	v4 =	vld.idx.msk [tilespmem:v9+s29+$0x0], $0xffff  }
0x104: {  	v9 =	vld.idx.msk [tilespmem:v6+s28+$0x0], $0xffff  }
0x105: {  	v3 =	vadd.f32 v3, v2;
	v5 =	vmul.f32 v5, v11;
	v6 =	vld.idx.msk [tilespmem:v6+s29+$0x0], $0xffff  }
0x106: {  	v2 =	vld.idx.msk [tilespmem:v1+s28+$0x0], $0xffff  }
0x107: {  	v5 =	vadd.f32 v5, v3;
	v7 =	vmul.f32 v7, v12;
	v3 =	vld.idx.msk [tilespmem:v1+s29+$0x0], $0xffff  }
.Ltmp0:
0x108: {  	(pc) =	sbr.rel @p0 .LBB2_2-.Ltmp0, $3  }
0x109: {  	v1 =	vadd.f32 v7, v5;
	v4 =	vmul.f32 v4, v8;
	_ =	sdelay $0x1  }
0x10a: {  	v7 =	vmov s24;
	v4 =	vadd.f32 v4, v1;
	v5 =	vmul.f32 v6, v9  }
0x10b: {  	s24 =	sadd.s32 $0x10, s24;
	v1 =	vshll.u32 v7, $0x7  }
0x10c: {  	v1 =	vor.u32 v0, v1;
	v4 =	vadd.f32 v5, v4;
	v2 =	vmul.f32 v3, v2;
	_ =	sdelay $0x1  }
0x10d: {  	v3 =	vor.u32 $0x1, v1;
	v2 =	vadd.f32 v2, v4  }
0x10e: {  	s22 =	sadd.s32 $0x10, s22  }
0x10f: {  	v4 =	vor.u32 $0x2, v1;
	[tilespmem:s22+$0x0] =	vst v2  }
0x110: {  	v2 =	vld.idx.msk [tilespmem:v1+s29+$0x0], $0xffff  }
0x111: {  	v6 =	vor.u32 $0x3, v1;
	v5 =	vld.idx.msk [tilespmem:v1+s28+$0x0], $0xffff  }
0x112: {  	v7 =	vld.idx.msk [tilespmem:v3+s28+$0x0], $0xffff  }
0x113: {  	v8 =	vor.u32 $0x4, v1;
	v3 =	vld.idx.msk [tilespmem:v3+s29+$0x0], $0xffff  }
0x114: {  	v9 =	vld.idx.msk [tilespmem:v4+s28+$0x0], $0xffff  }
0x115: {  	v10 =	vor.u32 $0x5, v1;
	v4 =	vld.idx.msk [tilespmem:v4+s29+$0x0], $0xffff  }
0x116: {  	v11 =	vld.idx.msk [tilespmem:v6+s28+$0x0], $0xffff;
	v2 =	vmul.f32 v2, v5  }
0x117: {  	v5 =	vld.idx.msk [tilespmem:v6+s29+$0x0], $0xffff;
	v6 =	vor.u32 $0x6, v1  }
0x118: {  	v12 =	vld.idx.msk [tilespmem:v8+s28+$0x0], $0xffff;
	v3 =	vmul.f32 v3, v7;
	v2 =	vadd.f32 $0.0e+00, v2  }
0x119: {  	v26 =	vor.u32 $0x7, v1;
	v7 =	vld.idx.msk [tilespmem:v8+s29+$0x0], $0xffff  }
0x11a: {  	v13 =	vld.idx.msk [tilespmem:v10+s28+$0x0], $0xffff;
	v2 =	vadd.f32 v3, v2;
	v3 =	vmul.f32 v4, v9  }
0x11b: {  	v27 =	vor.u32 $0x8, v1;
	v4 =	vld.idx.msk [tilespmem:v10+s29+$0x0], $0xffff  }
0x11c: {  	v28 =	vld.idx.msk [tilespmem:v6+s28+$0x0], $0xffff;
	v2 =	vadd.f32 v3, v2;
	v3 =	vmul.f32 v5, v11  }
0x11d: {  	v5 =	vld.idx.msk [tilespmem:v6+s29+$0x0], $0xffff;
	v6 =	vor.u32 $0x9, v1  }
0x11e: {  	v29 =	vld.idx.msk [tilespmem:v26+s28+$0x0], $0xffff;
	v2 =	vadd.f32 v3, v2;
	v3 =	vmul.f32 v7, v12  }
0x11f: {  	v30 =	vor.u32 $0xA, v1;
	v7 =	vld.idx.msk [tilespmem:v26+s29+$0x0], $0xffff  }
0x120: {  	v31 =	vld.idx.msk [tilespmem:v27+s28+$0x0], $0xffff;
	v2 =	vadd.f32 v3, v2;
	v3 =	vmul.f32 v4, v13  }
0x121: {  	v32 =	vor.u32 $0xB, v1;
	v4 =	vld.idx.msk [tilespmem:v27+s29+$0x0], $0xffff  }
0x122: {  	v33 =	vld.idx.msk [tilespmem:v6+s28+$0x0], $0xffff;
	v2 =	vadd.f32 v3, v2;
	v3 =	vmul.f32 v5, v28  }
0x123: {  	v5 =	vld.idx.msk [tilespmem:v6+s29+$0x0], $0xffff;
	v6 =	vor.u32 $0xC, v1  }
0x124: {  	v34 =	vld.idx.msk [tilespmem:v30+s28+$0x0], $0xffff;
	v2 =	vadd.f32 v3, v2;
	v3 =	vmul.f32 v7, v29  }
0x125: {  	v35 =	vor.u32 $0xD, v1;
	v7 =	vld.idx.msk [tilespmem:v30+s29+$0x0], $0xffff  }
0x126: {  	v36 =	vld.idx.msk [tilespmem:v32+s28+$0x0], $0xffff;
	v2 =	vadd.f32 v3, v2;
	v3 =	vmul.f32 v4, v31  }
0x127: {  	v37 =	vor.u32 $0xE, v1;
	v4 =	vld.idx.msk [tilespmem:v32+s29+$0x0], $0xffff  }
0x128: {  	v38 =	vld.idx.msk [tilespmem:v6+s28+$0x0], $0xffff;
	v2 =	vadd.f32 v3, v2;
	v3 =	vmul.f32 v5, v33  }
0x129: {  	v5 =	vld.idx.msk [tilespmem:v6+s29+$0x0], $0xffff;
	v6 =	vor.u32 $0xF, v1  }
0x12a: {  	v39 =	vld.idx.msk [tilespmem:v35+s28+$0x0], $0xffff;
	v2 =	vadd.f32 v3, v2;
	v3 =	vmul.f32 v7, v34  }
0x12b: {  	v40 =	vor.u32 $0x10, v1;
	v7 =	vld.idx.msk [tilespmem:v35+s29+$0x0], $0xffff  }
0x12c: {  	v41 =	vld.idx.msk [tilespmem:v37+s28+$0x0], $0xffff;
	v2 =	vadd.f32 v3, v2;
	v3 =	vmul.f32 v4, v36  }
0x12d: {  	v42 =	vor.u32 $0x11, v1;
	v4 =	vld.idx.msk [tilespmem:v37+s29+$0x0], $0xffff  }
0x12e: {  	v43 =	vld.idx.msk [tilespmem:v6+s28+$0x0], $0xffff;
	v2 =	vadd.f32 v3, v2;
	v3 =	vmul.f32 v5, v38  }
0x12f: {  	v5 =	vld.idx.msk [tilespmem:v6+s29+$0x0], $0xffff;
	v6 =	vor.u32 $0x12, v1  }
0x130: {  	v44 =	vld.idx.msk [tilespmem:v40+s28+$0x0], $0xffff;
	v2 =	vadd.f32 v3, v2;
	v3 =	vmul.f32 v7, v39  }
0x131: {  	v45 =	vor.u32 $0x13, v1;
	v7 =	vld.idx.msk [tilespmem:v40+s29+$0x0], $0xffff  }
0x132: {  	v46 =	vld.idx.msk [tilespmem:v42+s28+$0x0], $0xffff;
	v2 =	vadd.f32 v3, v2;
	v3 =	vmul.f32 v4, v41  }
0x133: {  	v47 =	vor.u32 $0x14, v1;
	v4 =	vld.idx.msk [tilespmem:v42+s29+$0x0], $0xffff  }
0x134: {  	v48 =	vld.idx.msk [tilespmem:v6+s28+$0x0], $0xffff;
	v2 =	vadd.f32 v3, v2;
	v3 =	vmul.f32 v5, v43  }
0x135: {  	v5 =	vld.idx.msk [tilespmem:v6+s29+$0x0], $0xffff;
	v6 =	vor.u32 $0x15, v1  }
0x136: {  	v49 =	vld.idx.msk [tilespmem:v45+s28+$0x0], $0xffff;
	v2 =	vadd.f32 v3, v2;
	v3 =	vmul.f32 v7, v44  }
0x137: {  	v50 =	vor.u32 $0x16, v1;
	v7 =	vld.idx.msk [tilespmem:v45+s29+$0x0], $0xffff  }
0x138: {  	v51 =	vld.idx.msk [tilespmem:v47+s28+$0x0], $0xffff;
	v2 =	vadd.f32 v3, v2;
	v3 =	vmul.f32 v4, v46  }
0x139: {  	v52 =	vor.u32 $0x17, v1;
	v4 =	vld.idx.msk [tilespmem:v47+s29+$0x0], $0xffff  }
0x13a: {  	v53 =	vld.idx.msk [tilespmem:v6+s28+$0x0], $0xffff;
	v2 =	vadd.f32 v3, v2;
	v3 =	vmul.f32 v5, v48  }
0x13b: {  	v5 =	vld.idx.msk [tilespmem:v6+s29+$0x0], $0xffff;
	v6 =	vor.u32 $0x18, v1  }
0x13c: {  	v54 =	vld.idx.msk [tilespmem:v50+s28+$0x0], $0xffff;
	v2 =	vadd.f32 v3, v2;
	v3 =	vmul.f32 v7, v49  }
0x13d: {  	v55 =	vor.u32 $0x19, v1;
	v7 =	vld.idx.msk [tilespmem:v50+s29+$0x0], $0xffff  }
0x13e: {  	v56 =	vld.idx.msk [tilespmem:v52+s28+$0x0], $0xffff;
	v2 =	vadd.f32 v3, v2;
	v3 =	vmul.f32 v4, v51  }
0x13f: {  	v57 =	vor.u32 $0x1A, v1;
	v4 =	vld.idx.msk [tilespmem:v52+s29+$0x0], $0xffff  }
0x140: {  	v58 =	vld.idx.msk [tilespmem:v6+s28+$0x0], $0xffff;
	v2 =	vadd.f32 v3, v2;
	v3 =	vmul.f32 v5, v53  }
0x141: {  	v5 =	vld.idx.msk [tilespmem:v6+s29+$0x0], $0xffff;
	v6 =	vor.u32 $0x1B, v1  }
0x142: {  	v59 =	vld.idx.msk [tilespmem:v55+s28+$0x0], $0xffff;
	v2 =	vadd.f32 v3, v2;
	v3 =	vmul.f32 v7, v54  }
0x143: {  	v60 =	vor.u32 $0x1C, v1;
	v7 =	vld.idx.msk [tilespmem:v55+s29+$0x0], $0xffff  }
0x144: {  	v61 =	vld.idx.msk [tilespmem:v57+s28+$0x0], $0xffff;
	v2 =	vadd.f32 v3, v2;
	v3 =	vmul.f32 v4, v56  }
0x145: {  	v62 =	vor.u32 $0x1D, v1;
	v4 =	vld.idx.msk [tilespmem:v57+s29+$0x0], $0xffff  }
0x146: {  	v63 =	vld.idx.msk [tilespmem:v6+s28+$0x0], $0xffff;
	v2 =	vadd.f32 v3, v2;
	v3 =	vmul.f32 v5, v58  }
0x147: {  	v5 =	vld.idx.msk [tilespmem:v6+s29+$0x0], $0xffff;
	v6 =	vor.u32 $0x1E, v1  }
0x148: {  	v16 =	vld.idx.msk [tilespmem:v60+s28+$0x0], $0xffff;
	v2 =	vadd.f32 v3, v2;
	v3 =	vmul.f32 v7, v59  }
0x149: {  	v1 =	vor.u32 $0x1F, v1;
	v7 =	vld.idx.msk [tilespmem:v60+s29+$0x0], $0xffff  }
0x14a: {  	v17 =	vld.idx.msk [tilespmem:v62+s28+$0x0], $0xffff;
	v2 =	vadd.f32 v3, v2;
	v3 =	vmul.f32 v4, v61  }
0x14b: {  	v4 =	vld.idx.msk [tilespmem:v62+s29+$0x0], $0xffff  }
0x14c: {  	v18 =	vld.idx.msk [tilespmem:v6+s28+$0x0], $0xffff;
	v2 =	vadd.f32 v3, v2;
	v3 =	vmul.f32 v5, v63  }
0x14d: {  	v5 =	vld.idx.msk [tilespmem:v6+s29+$0x0], $0xffff  }
0x14e: {  	v6 =	vld.idx.msk [tilespmem:v1+s28+$0x0], $0xffff;
	v2 =	vadd.f32 v3, v2;
	v3 =	vmul.f32 v7, v16  }
0x14f: {  	v1 =	vld.idx.msk [tilespmem:v1+s29+$0x0], $0xffff  }
0x150: {  	v2 =	vadd.f32 v3, v2;
	v3 =	vmul.f32 v4, v17;
	_ =	sdelay $0x1  }
0x151: {  	v2 =	vadd.f32 v3, v2;
	v3 =	vmul.f32 v5, v18;
	_ =	sdelay $0x1  }
0x152: {  	v1 =	vmul.f32 v1, v6;
	v2 =	vadd.f32 v3, v2;
	_ =	sdelay $0x1  }
0x153: {  	v1 =	vadd.f32 v1, v2  }
0x154: {  	s22 =	sadd.s32 $0x10, s22  }
0x155: {  	[tilespmem:s22+$0x0] =	vst v1  }
0x156: {  	[tilespmem:s28], [sflag:$0x2] =	stream.indirect.gather [hbm4b:s6+s13], $0x80, s19, s13, $0xb8;
	[tilespmem:$0x10A00] =	vst v63  }
0x157: {  	s24 =	simm.s32 $0x0  }
0x158: {  	v1 =	vmov s24;
	[tilespmem:s29], [sflag:$0x4] =	stream.indirect.gather [hbm4b:s1+s13], $0x80, s21, s13, $0xb8;
	[tilespmem:$0x10A00] =	vst v63  }
0x159: {  	v1 =	vshll.u32 v1, $0x7;
	_ =	swait.ge [sflag:s14], $0x4000  }
0x15a: {  	v1 =	vor.u32 v0, v1;
	[sflag:s14] =	ssyncset.done $0x0  }
0x15b: {  	[sflag:s14] =	ssyncadd.s32 $0xFFFFC000  }
0x15c: {  	v2 =	vor.u32 $0x1, v1;
	_ =	swait.ge [sflag:s15], $0x4000  }
0x15d: {  	[sflag:s15] =	ssyncset.done $0x0  }
0x15e: {  	v3 =	vor.u32 $0x2, v1;
	[sflag:s15] =	ssyncadd.s32 $0xFFFFC000  }
0x15f: {  	v4 =	vld.idx.msk [tilespmem:v1+s31+$0x0], $0xffff  }
0x160: {  	v6 =	vor.u32 $0x3, v1;
	v5 =	vld.idx.msk [tilespmem:v1+s30+$0x0], $0xffff  }
0x161: {  	v7 =	vld.idx.msk [tilespmem:v2+s30+$0x0], $0xffff  }
0x162: {  	v19 =	vor.u32 $0x4, v1;
	v2 =	vld.idx.msk [tilespmem:v2+s31+$0x0], $0xffff  }
0x163: {  	v20 =	vld.idx.msk [tilespmem:v3+s30+$0x0], $0xffff  }
0x164: {  	v21 =	vor.u32 $0x5, v1;
	v3 =	vld.idx.msk [tilespmem:v3+s31+$0x0], $0xffff  }
0x165: {  	v22 =	vld.idx.msk [tilespmem:v6+s30+$0x0], $0xffff;
	v4 =	vmul.f32 v4, v5  }
0x166: {  	v5 =	vld.idx.msk [tilespmem:v6+s31+$0x0], $0xffff;
	v6 =	vor.u32 $0x6, v1  }
0x167: {  	v23 =	vld.idx.msk [tilespmem:v19+s30+$0x0], $0xffff;
	v2 =	vmul.f32 v2, v7;
	v4 =	vadd.f32 $0.0e+00, v4  }
0x168: {  	v24 =	vor.u32 $0x7, v1;
	v7 =	vld.idx.msk [tilespmem:v19+s31+$0x0], $0xffff  }
0x169: {  	v25 =	vld.idx.msk [tilespmem:v21+s30+$0x0], $0xffff;
	v3 =	vmul.f32 v3, v20;
	v2 =	vadd.f32 v2, v4  }
0x16a: {  	v26 =	vor.u32 $0x8, v1;
	v4 =	vld.idx.msk [tilespmem:v21+s31+$0x0], $0xffff  }
0x16b: {  	v27 =	vld.idx.msk [tilespmem:v6+s30+$0x0], $0xffff;
	v2 =	vadd.f32 v3, v2;
	v3 =	vmul.f32 v5, v22  }
0x16c: {  	v5 =	vld.idx.msk [tilespmem:v6+s31+$0x0], $0xffff;
	v6 =	vor.u32 $0x9, v1  }
0x16d: {  	v28 =	vld.idx.msk [tilespmem:v24+s30+$0x0], $0xffff;
	v2 =	vadd.f32 v3, v2;
	v3 =	vmul.f32 v7, v23  }
0x16e: {  	v29 =	vor.u32 $0xA, v1;
	v7 =	vld.idx.msk [tilespmem:v24+s31+$0x0], $0xffff  }
0x16f: {  	v30 =	vld.idx.msk [tilespmem:v26+s30+$0x0], $0xffff;
	v2 =	vadd.f32 v3, v2;
	v3 =	vmul.f32 v4, v25  }
0x170: {  	v31 =	vor.u32 $0xB, v1;
	v4 =	vld.idx.msk [tilespmem:v26+s31+$0x0], $0xffff  }
0x171: {  	v32 =	vld.idx.msk [tilespmem:v6+s30+$0x0], $0xffff;
	v2 =	vadd.f32 v3, v2;
	v3 =	vmul.f32 v5, v27  }
0x172: {  	v5 =	vld.idx.msk [tilespmem:v6+s31+$0x0], $0xffff;
	v6 =	vor.u32 $0xC, v1  }
0x173: {  	v33 =	vld.idx.msk [tilespmem:v29+s30+$0x0], $0xffff;
	v2 =	vadd.f32 v3, v2;
	v3 =	vmul.f32 v7, v28  }
0x174: {  	v34 =	vor.u32 $0xD, v1;
	v7 =	vld.idx.msk [tilespmem:v29+s31+$0x0], $0xffff  }
0x175: {  	v35 =	vld.idx.msk [tilespmem:v31+s30+$0x0], $0xffff;
	v2 =	vadd.f32 v3, v2;
	v3 =	vmul.f32 v4, v30  }
0x176: {  	v36 =	vor.u32 $0xE, v1;
	v4 =	vld.idx.msk [tilespmem:v31+s31+$0x0], $0xffff  }
0x177: {  	v37 =	vld.idx.msk [tilespmem:v6+s30+$0x0], $0xffff;
	v2 =	vadd.f32 v3, v2;
	v3 =	vmul.f32 v5, v32  }
0x178: {  	v5 =	vld.idx.msk [tilespmem:v6+s31+$0x0], $0xffff;
	v6 =	vor.u32 $0xF, v1  }
0x179: {  	v38 =	vld.idx.msk [tilespmem:v34+s30+$0x0], $0xffff;
	v2 =	vadd.f32 v3, v2;
	v3 =	vmul.f32 v7, v33  }
0x17a: {  	v39 =	vor.u32 $0x10, v1;
	v7 =	vld.idx.msk [tilespmem:v34+s31+$0x0], $0xffff  }
0x17b: {  	v40 =	vld.idx.msk [tilespmem:v36+s30+$0x0], $0xffff;
	v2 =	vadd.f32 v3, v2;
	v3 =	vmul.f32 v4, v35  }
0x17c: {  	v41 =	vor.u32 $0x11, v1;
	v4 =	vld.idx.msk [tilespmem:v36+s31+$0x0], $0xffff  }
0x17d: {  	v42 =	vld.idx.msk [tilespmem:v6+s30+$0x0], $0xffff;
	v2 =	vadd.f32 v3, v2;
	v3 =	vmul.f32 v5, v37  }
0x17e: {  	v5 =	vld.idx.msk [tilespmem:v6+s31+$0x0], $0xffff;
	v6 =	vor.u32 $0x12, v1  }
0x17f: {  	v43 =	vld.idx.msk [tilespmem:v39+s30+$0x0], $0xffff;
	v2 =	vadd.f32 v3, v2;
	v3 =	vmul.f32 v7, v38  }
0x180: {  	v44 =	vor.u32 $0x13, v1;
	v7 =	vld.idx.msk [tilespmem:v39+s31+$0x0], $0xffff  }
0x181: {  	v45 =	vld.idx.msk [tilespmem:v41+s30+$0x0], $0xffff;
	v2 =	vadd.f32 v3, v2;
	v3 =	vmul.f32 v4, v40  }
0x182: {  	v46 =	vor.u32 $0x14, v1;
	v4 =	vld.idx.msk [tilespmem:v41+s31+$0x0], $0xffff  }
0x183: {  	v47 =	vld.idx.msk [tilespmem:v6+s30+$0x0], $0xffff;
	v2 =	vadd.f32 v3, v2;
	v3 =	vmul.f32 v5, v42  }
0x184: {  	v5 =	vld.idx.msk [tilespmem:v6+s31+$0x0], $0xffff;
	v6 =	vor.u32 $0x15, v1  }
0x185: {  	v48 =	vld.idx.msk [tilespmem:v44+s30+$0x0], $0xffff;
	v2 =	vadd.f32 v3, v2;
	v3 =	vmul.f32 v7, v43  }
0x186: {  	v49 =	vor.u32 $0x16, v1;
	v7 =	vld.idx.msk [tilespmem:v44+s31+$0x0], $0xffff  }
0x187: {  	v50 =	vld.idx.msk [tilespmem:v46+s30+$0x0], $0xffff;
	v2 =	vadd.f32 v3, v2;
	v3 =	vmul.f32 v4, v45  }
0x188: {  	v51 =	vor.u32 $0x17, v1;
	v4 =	vld.idx.msk [tilespmem:v46+s31+$0x0], $0xffff  }
0x189: {  	v52 =	vld.idx.msk [tilespmem:v6+s30+$0x0], $0xffff;
	v2 =	vadd.f32 v3, v2;
	v3 =	vmul.f32 v5, v47  }
0x18a: {  	v5 =	vld.idx.msk [tilespmem:v6+s31+$0x0], $0xffff;
	v6 =	vor.u32 $0x18, v1  }
0x18b: {  	v53 =	vld.idx.msk [tilespmem:v49+s30+$0x0], $0xffff;
	v2 =	vadd.f32 v3, v2;
	v3 =	vmul.f32 v7, v48  }
0x18c: {  	v54 =	vor.u32 $0x19, v1;
	v7 =	vld.idx.msk [tilespmem:v49+s31+$0x0], $0xffff  }
0x18d: {  	v55 =	vld.idx.msk [tilespmem:v51+s30+$0x0], $0xffff;
	v2 =	vadd.f32 v3, v2;
	v3 =	vmul.f32 v4, v50  }
0x18e: {  	v56 =	vor.u32 $0x1A, v1;
	v4 =	vld.idx.msk [tilespmem:v51+s31+$0x0], $0xffff  }
0x18f: {  	v57 =	vld.idx.msk [tilespmem:v6+s30+$0x0], $0xffff;
	v2 =	vadd.f32 v3, v2;
	v3 =	vmul.f32 v5, v52  }
0x190: {  	v5 =	vld.idx.msk [tilespmem:v6+s31+$0x0], $0xffff;
	v6 =	vor.u32 $0x1B, v1  }
0x191: {  	v58 =	vld.idx.msk [tilespmem:v54+s30+$0x0], $0xffff;
	v2 =	vadd.f32 v3, v2;
	v3 =	vmul.f32 v7, v53  }
0x192: {  	v59 =	vor.u32 $0x1C, v1;
	v7 =	vld.idx.msk [tilespmem:v54+s31+$0x0], $0xffff  }
0x193: {  	v60 =	vld.idx.msk [tilespmem:v56+s30+$0x0], $0xffff;
	v2 =	vadd.f32 v3, v2;
	v3 =	vmul.f32 v4, v55  }
0x194: {  	v61 =	vor.u32 $0x1D, v1;
	v4 =	vld.idx.msk [tilespmem:v56+s31+$0x0], $0xffff  }
0x195: {  	v62 =	vld.idx.msk [tilespmem:v6+s30+$0x0], $0xffff;
	v2 =	vadd.f32 v3, v2;
	v3 =	vmul.f32 v5, v57  }
0x196: {  	v5 =	vld.idx.msk [tilespmem:v6+s31+$0x0], $0xffff;
	v6 =	vor.u32 $0x1E, v1  }
0x197: {  	v63 =	vld.idx.msk [tilespmem:v59+s30+$0x0], $0xffff;
	v2 =	vadd.f32 v3, v2;
	v3 =	vmul.f32 v7, v58  }
0x198: {  	v1 =	vor.u32 $0x1F, v1;
	v7 =	vld.idx.msk [tilespmem:v59+s31+$0x0], $0xffff  }
0x199: {  	v15 =	vld.idx.msk [tilespmem:v61+s30+$0x0], $0xffff;
	v2 =	vadd.f32 v3, v2;
	v3 =	vmul.f32 v4, v60  }
0x19a: {  	v4 =	vld.idx.msk [tilespmem:v61+s31+$0x0], $0xffff  }
0x19b: {  	v16 =	vld.idx.msk [tilespmem:v6+s30+$0x0], $0xffff;
	v2 =	vadd.f32 v3, v2;
	v3 =	vmul.f32 v5, v62  }
0x19c: {  	v5 =	vld.idx.msk [tilespmem:v6+s31+$0x0], $0xffff  }
0x19d: {  	v6 =	vld.idx.msk [tilespmem:v1+s30+$0x0], $0xffff;
	v2 =	vadd.f32 v3, v2;
	v3 =	vmul.f32 v7, v63  }
0x19e: {  	v7 =	vld.idx.msk [tilespmem:v1+s31+$0x0], $0xffff  }
0x19f: {  	v1 =	vadd.f32 v3, v2;
	v2 =	vmul.f32 v4, v15  }
0x1a0: {  	s24 =	simm.s32 $0x10  }
0x1a1: {  	v3 =	vmov s24;
	v4 =	vmul.f32 v5, v16;
	v2 =	vadd.f32 v2, v1  }
0x1a2: {  	v1 =	vshll.u32 v3, $0x7  }
0x1a3: {  	v1 =	vor.u32 v0, v1;
	v3 =	vmul.f32 v7, v6;
	v2 =	vadd.f32 v4, v2;
	_ =	sdelay $0x1  }
0x1a4: {  	v4 =	vor.u32 $0x1, v1;
	v2 =	vadd.f32 v3, v2  }
0x1a5: {  	s22 =	simm.s32 $0x10880  }
0x1a6: {  	v3 =	vor.u32 $0x2, v1;
	[tilespmem:s22+$0x0] =	vst v2  }
0x1a7: {  	v2 =	vld.idx.msk [tilespmem:v1+s31+$0x0], $0xffff  }
0x1a8: {  	v6 =	vor.u32 $0x3, v1;
	v5 =	vld.idx.msk [tilespmem:v1+s30+$0x0], $0xffff  }
0x1a9: {  	v7 =	vld.idx.msk [tilespmem:v4+s30+$0x0], $0xffff  }
0x1aa: {  	v17 =	vor.u32 $0x4, v1;
	v4 =	vld.idx.msk [tilespmem:v4+s31+$0x0], $0xffff  }
0x1ab: {  	v18 =	vld.idx.msk [tilespmem:v3+s30+$0x0], $0xffff  }
0x1ac: {  	v19 =	vor.u32 $0x5, v1;
	v3 =	vld.idx.msk [tilespmem:v3+s31+$0x0], $0xffff  }
0x1ad: {  	v20 =	vld.idx.msk [tilespmem:v6+s30+$0x0], $0xffff;
	v2 =	vmul.f32 v2, v5  }
0x1ae: {  	v5 =	vld.idx.msk [tilespmem:v6+s31+$0x0], $0xffff;
	v6 =	vor.u32 $0x6, v1  }
0x1af: {  	v21 =	vld.idx.msk [tilespmem:v17+s30+$0x0], $0xffff;
	v4 =	vmul.f32 v4, v7;
	v2 =	vadd.f32 $0.0e+00, v2  }
0x1b0: {  	v22 =	vor.u32 $0x7, v1;
	v7 =	vld.idx.msk [tilespmem:v17+s31+$0x0], $0xffff  }
0x1b1: {  	v23 =	vld.idx.msk [tilespmem:v19+s30+$0x0], $0xffff;
	v3 =	vmul.f32 v3, v18;
	v2 =	vadd.f32 v4, v2  }
0x1b2: {  	v24 =	vor.u32 $0x8, v1;
	v4 =	vld.idx.msk [tilespmem:v19+s31+$0x0], $0xffff  }
0x1b3: {  	v25 =	vld.idx.msk [tilespmem:v6+s30+$0x0], $0xffff;
	v2 =	vadd.f32 v3, v2;
	v3 =	vmul.f32 v5, v20  }
0x1b4: {  	v5 =	vld.idx.msk [tilespmem:v6+s31+$0x0], $0xffff;
	v6 =	vor.u32 $0x9, v1  }
0x1b5: {  	v26 =	vld.idx.msk [tilespmem:v22+s30+$0x0], $0xffff;
	v2 =	vadd.f32 v3, v2;
	v3 =	vmul.f32 v7, v21  }
0x1b6: {  	v27 =	vor.u32 $0xA, v1;
	v7 =	vld.idx.msk [tilespmem:v22+s31+$0x0], $0xffff  }
0x1b7: {  	v28 =	vld.idx.msk [tilespmem:v24+s30+$0x0], $0xffff;
	v2 =	vadd.f32 v3, v2;
	v3 =	vmul.f32 v4, v23  }
0x1b8: {  	v29 =	vor.u32 $0xB, v1;
	v4 =	vld.idx.msk [tilespmem:v24+s31+$0x0], $0xffff  }
0x1b9: {  	v30 =	vld.idx.msk [tilespmem:v6+s30+$0x0], $0xffff;
	v2 =	vadd.f32 v3, v2;
	v3 =	vmul.f32 v5, v25  }
0x1ba: {  	v5 =	vld.idx.msk [tilespmem:v6+s31+$0x0], $0xffff;
	v6 =	vor.u32 $0xC, v1  }
0x1bb: {  	v31 =	vld.idx.msk [tilespmem:v27+s30+$0x0], $0xffff;
	v2 =	vadd.f32 v3, v2;
	v3 =	vmul.f32 v7, v26  }
0x1bc: {  	v32 =	vor.u32 $0xD, v1;
	v7 =	vld.idx.msk [tilespmem:v27+s31+$0x0], $0xffff  }
0x1bd: {  	v33 =	vld.idx.msk [tilespmem:v29+s30+$0x0], $0xffff;
	v2 =	vadd.f32 v3, v2;
	v3 =	vmul.f32 v4, v28  }
0x1be: {  	v34 =	vor.u32 $0xE, v1;
	v4 =	vld.idx.msk [tilespmem:v29+s31+$0x0], $0xffff  }
0x1bf: {  	v35 =	vld.idx.msk [tilespmem:v6+s30+$0x0], $0xffff;
	v2 =	vadd.f32 v3, v2;
	v3 =	vmul.f32 v5, v30  }
0x1c0: {  	v5 =	vld.idx.msk [tilespmem:v6+s31+$0x0], $0xffff;
	v6 =	vor.u32 $0xF, v1  }
0x1c1: {  	v36 =	vld.idx.msk [tilespmem:v32+s30+$0x0], $0xffff;
	v2 =	vadd.f32 v3, v2;
	v3 =	vmul.f32 v7, v31  }
0x1c2: {  	v37 =	vor.u32 $0x10, v1;
	v7 =	vld.idx.msk [tilespmem:v32+s31+$0x0], $0xffff  }
0x1c3: {  	v38 =	vld.idx.msk [tilespmem:v34+s30+$0x0], $0xffff;
	v2 =	vadd.f32 v3, v2;
	v3 =	vmul.f32 v4, v33  }
0x1c4: {  	v39 =	vor.u32 $0x11, v1;
	v4 =	vld.idx.msk [tilespmem:v34+s31+$0x0], $0xffff  }
0x1c5: {  	v40 =	vld.idx.msk [tilespmem:v6+s30+$0x0], $0xffff;
	v2 =	vadd.f32 v3, v2;
	v3 =	vmul.f32 v5, v35  }
0x1c6: {  	v5 =	vld.idx.msk [tilespmem:v6+s31+$0x0], $0xffff;
	v6 =	vor.u32 $0x12, v1  }
0x1c7: {  	v41 =	vld.idx.msk [tilespmem:v37+s30+$0x0], $0xffff;
	v2 =	vadd.f32 v3, v2;
	v3 =	vmul.f32 v7, v36  }
0x1c8: {  	v42 =	vor.u32 $0x13, v1;
	v7 =	vld.idx.msk [tilespmem:v37+s31+$0x0], $0xffff  }
0x1c9: {  	v43 =	vld.idx.msk [tilespmem:v39+s30+$0x0], $0xffff;
	v2 =	vadd.f32 v3, v2;
	v3 =	vmul.f32 v4, v38  }
0x1ca: {  	v44 =	vor.u32 $0x14, v1;
	v4 =	vld.idx.msk [tilespmem:v39+s31+$0x0], $0xffff  }
0x1cb: {  	v45 =	vld.idx.msk [tilespmem:v6+s30+$0x0], $0xffff;
	v2 =	vadd.f32 v3, v2;
	v3 =	vmul.f32 v5, v40  }
0x1cc: {  	v5 =	vld.idx.msk [tilespmem:v6+s31+$0x0], $0xffff;
	v6 =	vor.u32 $0x15, v1  }
0x1cd: {  	v46 =	vld.idx.msk [tilespmem:v42+s30+$0x0], $0xffff;
	v2 =	vadd.f32 v3, v2;
	v3 =	vmul.f32 v7, v41  }
0x1ce: {  	v47 =	vor.u32 $0x16, v1;
	v7 =	vld.idx.msk [tilespmem:v42+s31+$0x0], $0xffff  }
0x1cf: {  	v48 =	vld.idx.msk [tilespmem:v44+s30+$0x0], $0xffff;
	v2 =	vadd.f32 v3, v2;
	v3 =	vmul.f32 v4, v43  }
0x1d0: {  	v49 =	vor.u32 $0x17, v1;
	v4 =	vld.idx.msk [tilespmem:v44+s31+$0x0], $0xffff  }
0x1d1: {  	v50 =	vld.idx.msk [tilespmem:v6+s30+$0x0], $0xffff;
	v2 =	vadd.f32 v3, v2;
	v3 =	vmul.f32 v5, v45  }
0x1d2: {  	v5 =	vld.idx.msk [tilespmem:v6+s31+$0x0], $0xffff;
	v6 =	vor.u32 $0x18, v1  }
0x1d3: {  	v51 =	vld.idx.msk [tilespmem:v47+s30+$0x0], $0xffff;
	v2 =	vadd.f32 v3, v2;
	v3 =	vmul.f32 v7, v46  }
0x1d4: {  	v52 =	vor.u32 $0x19, v1;
	v7 =	vld.idx.msk [tilespmem:v47+s31+$0x0], $0xffff  }
0x1d5: {  	v53 =	vld.idx.msk [tilespmem:v49+s30+$0x0], $0xffff;
	v2 =	vadd.f32 v3, v2;
	v3 =	vmul.f32 v4, v48  }
0x1d6: {  	v54 =	vor.u32 $0x1A, v1;
	v4 =	vld.idx.msk [tilespmem:v49+s31+$0x0], $0xffff  }
0x1d7: {  	v55 =	vld.idx.msk [tilespmem:v6+s30+$0x0], $0xffff;
	v2 =	vadd.f32 v3, v2;
	v3 =	vmul.f32 v5, v50  }
0x1d8: {  	v5 =	vld.idx.msk [tilespmem:v6+s31+$0x0], $0xffff;
	v6 =	vor.u32 $0x1B, v1  }
0x1d9: {  	v56 =	vld.idx.msk [tilespmem:v52+s30+$0x0], $0xffff;
	v2 =	vadd.f32 v3, v2;
	v3 =	vmul.f32 v7, v51  }
0x1da: {  	v57 =	vor.u32 $0x1C, v1;
	v7 =	vld.idx.msk [tilespmem:v52+s31+$0x0], $0xffff  }
0x1db: {  	v58 =	vld.idx.msk [tilespmem:v54+s30+$0x0], $0xffff;
	v2 =	vadd.f32 v3, v2;
	v3 =	vmul.f32 v4, v53  }
0x1dc: {  	v4 =	vld.idx.msk [tilespmem:v54+s31+$0x0], $0xffff  }
0x1dd: {  	v60 =	vld.idx.msk [tilespmem:v6+s30+$0x0], $0xffff;
	v2 =	vadd.f32 v3, v2;
	v3 =	vmul.f32 v5, v55  }
0x1de: {  	v59 =	vor.u32 $0x1D, v1;
	v5 =	vld.idx.msk [tilespmem:v6+s31+$0x0], $0xffff  }
0x1df: {  	v61 =	vld.idx.msk [tilespmem:v57+s30+$0x0], $0xffff;
	v2 =	vadd.f32 v3, v2;
	v3 =	vmul.f32 v7, v56  }
0x1e0: {  	v6 =	vor.u32 $0x1E, v1;
	v7 =	vld.idx.msk [tilespmem:v57+s31+$0x0], $0xffff  }
0x1e1: {  	v2 =	vadd.f32 v3, v2;
	v3 =	vmul.f32 v4, v58  }
0x1e2: {  	v1 =	vor.u32 $0x1F, v1  }
0x1e3: {  	v62 =	vld.idx.msk [tilespmem:v59+s30+$0x0], $0xffff;
	v2 =	vadd.f32 v3, v2;
	v3 =	vmul.f32 v5, v60  }
0x1e4: {  	v4 =	vld.idx.msk [tilespmem:v59+s31+$0x0], $0xffff  }
0x1e5: {  	v63 =	vld.idx.msk [tilespmem:v6+s30+$0x0], $0xffff;
	v2 =	vadd.f32 v3, v2;
	v3 =	vmul.f32 v7, v61  }
0x1e6: {  	v5 =	vld.idx.msk [tilespmem:v6+s31+$0x0], $0xffff  }
0x1e7: {  	v6 =	vadd.f32 v3, v2;
	v2 =	vld.idx.msk [tilespmem:v1+s30+$0x0], $0xffff  }
0x1e8: {  	v3 =	vld.idx.msk [tilespmem:v1+s31+$0x0], $0xffff  }
0x1e9: {  	v4 =	vmul.f32 v4, v62  }
0x1ea: {  	s24 =	simm.s32 $0x20  }
0x1eb: {  	v7 =	vmov s24;
	v5 =	vmul.f32 v5, v63;
	v4 =	vadd.f32 v4, v6  }
0x1ec: {  	s24 =	simm.s32 $0x30;
	v1 =	vshll.u32 v7, $0x7  }
.LBB2_4:
0x1ed: {  	p0 =	sne.s32 s24, $0x70;
	v1 =	vor.u32 v0, v1;
	v4 =	vadd.f32 v5, v4;
	v2 =	vmul.f32 v3, v2;
	_ =	sdelay $0x1  }
0x1ee: {  	v3 =	vor.u32 $0x1, v1;
	v2 =	vadd.f32 v2, v4  }
0x1ef: {  	s22 =	sadd.s32 $0x10, s22  }
0x1f0: {  	v4 =	vor.u32 $0x2, v1;
	[tilespmem:s22+$0x0] =	vst v2  }
0x1f1: {  	v2 =	vld.idx.msk [tilespmem:v1+s31+$0x0], $0xffff  }
0x1f2: {  	v6 =	vor.u32 $0x3, v1;
	v5 =	vld.idx.msk [tilespmem:v1+s30+$0x0], $0xffff  }
0x1f3: {  	v7 =	vld.idx.msk [tilespmem:v3+s30+$0x0], $0xffff  }
0x1f4: {  	v8 =	vor.u32 $0x4, v1;
	v3 =	vld.idx.msk [tilespmem:v3+s31+$0x0], $0xffff  }
0x1f5: {  	v9 =	vld.idx.msk [tilespmem:v4+s30+$0x0], $0xffff  }
0x1f6: {  	v10 =	vor.u32 $0x5, v1;
	v4 =	vld.idx.msk [tilespmem:v4+s31+$0x0], $0xffff  }
0x1f7: {  	v11 =	vld.idx.msk [tilespmem:v6+s30+$0x0], $0xffff  }
0x1f8: {  	v2 =	vmul.f32 v2, v5;
	v5 =	vld.idx.msk [tilespmem:v6+s31+$0x0], $0xffff;
	v6 =	vor.u32 $0x6, v1  }
0x1f9: {  	v12 =	vld.idx.msk [tilespmem:v8+s30+$0x0], $0xffff  }
0x1fa: {  	v2 =	vadd.f32 $0.0e+00, v2;
	v3 =	vmul.f32 v3, v7;
	v7 =	vld.idx.msk [tilespmem:v8+s31+$0x0], $0xffff;
	v8 =	vor.u32 $0x7, v1  }
0x1fb: {  	v13 =	vld.idx.msk [tilespmem:v10+s30+$0x0], $0xffff  }
0x1fc: {  	v2 =	vadd.f32 v3, v2;
	v3 =	vmul.f32 v4, v9;
	v9 =	vor.u32 $0x8, v1;
	v4 =	vld.idx.msk [tilespmem:v10+s31+$0x0], $0xffff  }
0x1fd: {  	v10 =	vld.idx.msk [tilespmem:v6+s30+$0x0], $0xffff  }
0x1fe: {  	v2 =	vadd.f32 v3, v2;
	v3 =	vmul.f32 v5, v11;
	v5 =	vld.idx.msk [tilespmem:v6+s31+$0x0], $0xffff;
	v6 =	vor.u32 $0x9, v1  }
0x1ff: {  	v11 =	vld.idx.msk [tilespmem:v8+s30+$0x0], $0xffff  }
0x200: {  	v2 =	vadd.f32 v3, v2;
	v3 =	vmul.f32 v7, v12;
	v7 =	vld.idx.msk [tilespmem:v8+s31+$0x0], $0xffff;
	v8 =	vor.u32 $0xA, v1  }
0x201: {  	v12 =	vld.idx.msk [tilespmem:v9+s30+$0x0], $0xffff  }
0x202: {  	v2 =	vadd.f32 v3, v2;
	v3 =	vmul.f32 v4, v13;
	v4 =	vld.idx.msk [tilespmem:v9+s31+$0x0], $0xffff;
	v9 =	vor.u32 $0xB, v1  }
0x203: {  	v13 =	vld.idx.msk [tilespmem:v6+s30+$0x0], $0xffff  }
0x204: {  	v2 =	vadd.f32 v3, v2;
	v3 =	vmul.f32 v5, v10;
	v5 =	vld.idx.msk [tilespmem:v6+s31+$0x0], $0xffff;
	v6 =	vor.u32 $0xC, v1  }
0x205: {  	v10 =	vld.idx.msk [tilespmem:v8+s30+$0x0], $0xffff  }
0x206: {  	v2 =	vadd.f32 v3, v2;
	v3 =	vmul.f32 v7, v11;
	v7 =	vld.idx.msk [tilespmem:v8+s31+$0x0], $0xffff;
	v8 =	vor.u32 $0xD, v1  }
0x207: {  	v11 =	vld.idx.msk [tilespmem:v9+s30+$0x0], $0xffff  }
0x208: {  	v2 =	vadd.f32 v3, v2;
	v3 =	vmul.f32 v4, v12;
	v4 =	vld.idx.msk [tilespmem:v9+s31+$0x0], $0xffff;
	v9 =	vor.u32 $0xE, v1  }
0x209: {  	v12 =	vld.idx.msk [tilespmem:v6+s30+$0x0], $0xffff  }
0x20a: {  	v2 =	vadd.f32 v3, v2;
	v3 =	vmul.f32 v5, v13;
	v5 =	vld.idx.msk [tilespmem:v6+s31+$0x0], $0xffff;
	v6 =	vor.u32 $0xF, v1  }
0x20b: {  	v13 =	vld.idx.msk [tilespmem:v8+s30+$0x0], $0xffff  }
0x20c: {  	v2 =	vadd.f32 v3, v2;
	v3 =	vmul.f32 v7, v10;
	v7 =	vld.idx.msk [tilespmem:v8+s31+$0x0], $0xffff;
	v8 =	vor.u32 $0x10, v1  }
0x20d: {  	v10 =	vld.idx.msk [tilespmem:v9+s30+$0x0], $0xffff  }
0x20e: {  	v2 =	vadd.f32 v3, v2;
	v3 =	vmul.f32 v4, v11;
	v4 =	vld.idx.msk [tilespmem:v9+s31+$0x0], $0xffff;
	v9 =	vor.u32 $0x11, v1  }
0x20f: {  	v11 =	vld.idx.msk [tilespmem:v6+s30+$0x0], $0xffff  }
0x210: {  	v2 =	vadd.f32 v3, v2;
	v3 =	vmul.f32 v5, v12;
	v5 =	vld.idx.msk [tilespmem:v6+s31+$0x0], $0xffff;
	v6 =	vor.u32 $0x12, v1  }
0x211: {  	v12 =	vld.idx.msk [tilespmem:v8+s30+$0x0], $0xffff  }
0x212: {  	v2 =	vadd.f32 v3, v2;
	v3 =	vmul.f32 v7, v13;
	v7 =	vld.idx.msk [tilespmem:v8+s31+$0x0], $0xffff;
	v8 =	vor.u32 $0x13, v1  }
0x213: {  	v13 =	vld.idx.msk [tilespmem:v9+s30+$0x0], $0xffff  }
0x214: {  	v2 =	vadd.f32 v3, v2;
	v3 =	vmul.f32 v4, v10;
	v4 =	vld.idx.msk [tilespmem:v9+s31+$0x0], $0xffff;
	v9 =	vor.u32 $0x14, v1  }
0x215: {  	v10 =	vld.idx.msk [tilespmem:v6+s30+$0x0], $0xffff  }
0x216: {  	v2 =	vadd.f32 v3, v2;
	v3 =	vmul.f32 v5, v11;
	v5 =	vld.idx.msk [tilespmem:v6+s31+$0x0], $0xffff;
	v6 =	vor.u32 $0x15, v1  }
0x217: {  	v11 =	vld.idx.msk [tilespmem:v8+s30+$0x0], $0xffff  }
0x218: {  	v2 =	vadd.f32 v3, v2;
	v3 =	vmul.f32 v7, v12;
	v7 =	vld.idx.msk [tilespmem:v8+s31+$0x0], $0xffff;
	v8 =	vor.u32 $0x16, v1  }
0x219: {  	v12 =	vld.idx.msk [tilespmem:v9+s30+$0x0], $0xffff  }
0x21a: {  	v2 =	vadd.f32 v3, v2;
	v3 =	vmul.f32 v4, v13;
	v4 =	vld.idx.msk [tilespmem:v9+s31+$0x0], $0xffff;
	v9 =	vor.u32 $0x17, v1  }
0x21b: {  	v13 =	vld.idx.msk [tilespmem:v6+s30+$0x0], $0xffff  }
0x21c: {  	v2 =	vadd.f32 v3, v2;
	v3 =	vmul.f32 v5, v10;
	v5 =	vld.idx.msk [tilespmem:v6+s31+$0x0], $0xffff;
	v6 =	vor.u32 $0x18, v1  }
0x21d: {  	v10 =	vld.idx.msk [tilespmem:v8+s30+$0x0], $0xffff  }
0x21e: {  	v2 =	vadd.f32 v3, v2;
	v3 =	vmul.f32 v7, v11;
	v7 =	vld.idx.msk [tilespmem:v8+s31+$0x0], $0xffff;
	v8 =	vor.u32 $0x19, v1  }
0x21f: {  	v11 =	vld.idx.msk [tilespmem:v9+s30+$0x0], $0xffff  }
0x220: {  	v2 =	vadd.f32 v3, v2;
	v3 =	vmul.f32 v4, v12;
	v4 =	vld.idx.msk [tilespmem:v9+s31+$0x0], $0xffff;
	v9 =	vor.u32 $0x1A, v1  }
0x221: {  	v12 =	vld.idx.msk [tilespmem:v6+s30+$0x0], $0xffff  }
0x222: {  	v2 =	vadd.f32 v3, v2;
	v3 =	vmul.f32 v5, v13;
	v5 =	vld.idx.msk [tilespmem:v6+s31+$0x0], $0xffff;
	v6 =	vor.u32 $0x1B, v1  }
0x223: {  	v13 =	vld.idx.msk [tilespmem:v8+s30+$0x0], $0xffff  }
0x224: {  	v2 =	vadd.f32 v3, v2;
	v3 =	vmul.f32 v7, v10;
	v7 =	vld.idx.msk [tilespmem:v8+s31+$0x0], $0xffff;
	v8 =	vor.u32 $0x1C, v1  }
0x225: {  	v10 =	vld.idx.msk [tilespmem:v9+s30+$0x0], $0xffff  }
0x226: {  	v2 =	vadd.f32 v3, v2;
	v3 =	vmul.f32 v4, v11;
	v4 =	vld.idx.msk [tilespmem:v9+s31+$0x0], $0xffff;
	v9 =	vor.u32 $0x1D, v1  }
0x227: {  	v11 =	vld.idx.msk [tilespmem:v6+s30+$0x0], $0xffff  }
0x228: {  	v2 =	vadd.f32 v3, v2;
	v3 =	vmul.f32 v5, v12;
	v5 =	vld.idx.msk [tilespmem:v6+s31+$0x0], $0xffff;
	v6 =	vor.u32 $0x1E, v1  }
0x229: {  	v12 =	vld.idx.msk [tilespmem:v8+s30+$0x0], $0xffff  }
0x22a: {  	v1 =	vor.u32 $0x1F, v1;
	v2 =	vadd.f32 v3, v2;
	v3 =	vmul.f32 v7, v13;
	v7 =	vld.idx.msk [tilespmem:v8+s31+$0x0], $0xffff  }
0x22b: {  	v8 =	vld.idx.msk [tilespmem:v9+s30+$0x0], $0xffff  }
0x22c: {  	v2 =	vadd.f32 v3, v2;
	v3 =	vmul.f32 v4, v10;
	v4 =	vld.idx.msk [tilespmem:v9+s31+$0x0], $0xffff  }
0x22d: {  	v9 =	vld.idx.msk [tilespmem:v6+s30+$0x0], $0xffff  }
0x22e: {  	v3 =	vadd.f32 v3, v2;
	v5 =	vmul.f32 v5, v11;
	v6 =	vld.idx.msk [tilespmem:v6+s31+$0x0], $0xffff  }
0x22f: {  	v2 =	vld.idx.msk [tilespmem:v1+s30+$0x0], $0xffff  }
0x230: {  	v5 =	vadd.f32 v5, v3;
	v7 =	vmul.f32 v7, v12;
	v3 =	vld.idx.msk [tilespmem:v1+s31+$0x0], $0xffff  }
.Ltmp1:
0x231: {  	(pc) =	sbr.rel @p0 .LBB2_4-.Ltmp1, $3  }
0x232: {  	v1 =	vadd.f32 v7, v5;
	v4 =	vmul.f32 v4, v8;
	_ =	sdelay $0x1  }
0x233: {  	v7 =	vmov s24;
	v4 =	vadd.f32 v4, v1;
	v5 =	vmul.f32 v6, v9  }
0x234: {  	s24 =	sadd.s32 $0x10, s24;
	v1 =	vshll.u32 v7, $0x7  }
0x235: {  	v1 =	vor.u32 v0, v1;
	v4 =	vadd.f32 v5, v4;
	v2 =	vmul.f32 v3, v2;
	_ =	sdelay $0x1  }
0x236: {  	v3 =	vor.u32 $0x1, v1;
	v2 =	vadd.f32 v2, v4  }
0x237: {  	s22 =	sadd.s32 $0x10, s22  }
0x238: {  	v4 =	vor.u32 $0x2, v1;
	[tilespmem:s22+$0x0] =	vst v2  }
0x239: {  	v2 =	vld.idx.msk [tilespmem:v1+s31+$0x0], $0xffff  }
0x23a: {  	v6 =	vor.u32 $0x3, v1;
	v5 =	vld.idx.msk [tilespmem:v1+s30+$0x0], $0xffff  }
0x23b: {  	v7 =	vld.idx.msk [tilespmem:v3+s30+$0x0], $0xffff  }
0x23c: {  	v8 =	vor.u32 $0x4, v1;
	v3 =	vld.idx.msk [tilespmem:v3+s31+$0x0], $0xffff  }
0x23d: {  	v9 =	vld.idx.msk [tilespmem:v4+s30+$0x0], $0xffff  }
0x23e: {  	v10 =	vor.u32 $0x5, v1;
	v4 =	vld.idx.msk [tilespmem:v4+s31+$0x0], $0xffff  }
0x23f: {  	v11 =	vld.idx.msk [tilespmem:v6+s30+$0x0], $0xffff;
	v2 =	vmul.f32 v2, v5  }
0x240: {  	v5 =	vld.idx.msk [tilespmem:v6+s31+$0x0], $0xffff;
	v6 =	vor.u32 $0x6, v1  }
0x241: {  	v12 =	vld.idx.msk [tilespmem:v8+s30+$0x0], $0xffff;
	v3 =	vmul.f32 v3, v7;
	v2 =	vadd.f32 $0.0e+00, v2  }
0x242: {  	v26 =	vor.u32 $0x7, v1;
	v7 =	vld.idx.msk [tilespmem:v8+s31+$0x0], $0xffff  }
0x243: {  	v13 =	vld.idx.msk [tilespmem:v10+s30+$0x0], $0xffff;
	v2 =	vadd.f32 v3, v2;
	v3 =	vmul.f32 v4, v9  }
0x244: {  	v27 =	vor.u32 $0x8, v1;
	v4 =	vld.idx.msk [tilespmem:v10+s31+$0x0], $0xffff  }
0x245: {  	v28 =	vld.idx.msk [tilespmem:v6+s30+$0x0], $0xffff;
	v2 =	vadd.f32 v3, v2;
	v3 =	vmul.f32 v5, v11  }
0x246: {  	v5 =	vld.idx.msk [tilespmem:v6+s31+$0x0], $0xffff;
	v6 =	vor.u32 $0x9, v1  }
0x247: {  	v29 =	vld.idx.msk [tilespmem:v26+s30+$0x0], $0xffff;
	v2 =	vadd.f32 v3, v2;
	v3 =	vmul.f32 v7, v12  }
0x248: {  	v30 =	vor.u32 $0xA, v1;
	v7 =	vld.idx.msk [tilespmem:v26+s31+$0x0], $0xffff  }
0x249: {  	v31 =	vld.idx.msk [tilespmem:v27+s30+$0x0], $0xffff;
	v2 =	vadd.f32 v3, v2;
	v3 =	vmul.f32 v4, v13  }
0x24a: {  	v32 =	vor.u32 $0xB, v1;
	v4 =	vld.idx.msk [tilespmem:v27+s31+$0x0], $0xffff  }
0x24b: {  	v33 =	vld.idx.msk [tilespmem:v6+s30+$0x0], $0xffff;
	v2 =	vadd.f32 v3, v2;
	v3 =	vmul.f32 v5, v28  }
0x24c: {  	v5 =	vld.idx.msk [tilespmem:v6+s31+$0x0], $0xffff;
	v6 =	vor.u32 $0xC, v1  }
0x24d: {  	v34 =	vld.idx.msk [tilespmem:v30+s30+$0x0], $0xffff;
	v2 =	vadd.f32 v3, v2;
	v3 =	vmul.f32 v7, v29  }
0x24e: {  	v35 =	vor.u32 $0xD, v1;
	v7 =	vld.idx.msk [tilespmem:v30+s31+$0x0], $0xffff  }
0x24f: {  	v36 =	vld.idx.msk [tilespmem:v32+s30+$0x0], $0xffff;
	v2 =	vadd.f32 v3, v2;
	v3 =	vmul.f32 v4, v31  }
0x250: {  	v37 =	vor.u32 $0xE, v1;
	v4 =	vld.idx.msk [tilespmem:v32+s31+$0x0], $0xffff  }
0x251: {  	v38 =	vld.idx.msk [tilespmem:v6+s30+$0x0], $0xffff;
	v2 =	vadd.f32 v3, v2;
	v3 =	vmul.f32 v5, v33  }
0x252: {  	v5 =	vld.idx.msk [tilespmem:v6+s31+$0x0], $0xffff;
	v6 =	vor.u32 $0xF, v1  }
0x253: {  	v39 =	vld.idx.msk [tilespmem:v35+s30+$0x0], $0xffff;
	v2 =	vadd.f32 v3, v2;
	v3 =	vmul.f32 v7, v34  }
0x254: {  	v40 =	vor.u32 $0x10, v1;
	v7 =	vld.idx.msk [tilespmem:v35+s31+$0x0], $0xffff  }
0x255: {  	v41 =	vld.idx.msk [tilespmem:v37+s30+$0x0], $0xffff;
	v2 =	vadd.f32 v3, v2;
	v3 =	vmul.f32 v4, v36  }
0x256: {  	v42 =	vor.u32 $0x11, v1;
	v4 =	vld.idx.msk [tilespmem:v37+s31+$0x0], $0xffff  }
0x257: {  	v43 =	vld.idx.msk [tilespmem:v6+s30+$0x0], $0xffff;
	v2 =	vadd.f32 v3, v2;
	v3 =	vmul.f32 v5, v38  }
0x258: {  	v5 =	vld.idx.msk [tilespmem:v6+s31+$0x0], $0xffff;
	v6 =	vor.u32 $0x12, v1  }
0x259: {  	v44 =	vld.idx.msk [tilespmem:v40+s30+$0x0], $0xffff;
	v2 =	vadd.f32 v3, v2;
	v3 =	vmul.f32 v7, v39  }
0x25a: {  	v45 =	vor.u32 $0x13, v1;
	v7 =	vld.idx.msk [tilespmem:v40+s31+$0x0], $0xffff  }
0x25b: {  	v46 =	vld.idx.msk [tilespmem:v42+s30+$0x0], $0xffff;
	v2 =	vadd.f32 v3, v2;
	v3 =	vmul.f32 v4, v41  }
0x25c: {  	v47 =	vor.u32 $0x14, v1;
	v4 =	vld.idx.msk [tilespmem:v42+s31+$0x0], $0xffff  }
0x25d: {  	v48 =	vld.idx.msk [tilespmem:v6+s30+$0x0], $0xffff;
	v2 =	vadd.f32 v3, v2;
	v3 =	vmul.f32 v5, v43  }
0x25e: {  	v5 =	vld.idx.msk [tilespmem:v6+s31+$0x0], $0xffff;
	v6 =	vor.u32 $0x15, v1  }
0x25f: {  	v49 =	vld.idx.msk [tilespmem:v45+s30+$0x0], $0xffff;
	v2 =	vadd.f32 v3, v2;
	v3 =	vmul.f32 v7, v44  }
0x260: {  	v50 =	vor.u32 $0x16, v1;
	v7 =	vld.idx.msk [tilespmem:v45+s31+$0x0], $0xffff  }
0x261: {  	v51 =	vld.idx.msk [tilespmem:v47+s30+$0x0], $0xffff;
	v2 =	vadd.f32 v3, v2;
	v3 =	vmul.f32 v4, v46  }
0x262: {  	v52 =	vor.u32 $0x17, v1;
	v4 =	vld.idx.msk [tilespmem:v47+s31+$0x0], $0xffff  }
0x263: {  	v53 =	vld.idx.msk [tilespmem:v6+s30+$0x0], $0xffff;
	v2 =	vadd.f32 v3, v2;
	v3 =	vmul.f32 v5, v48  }
0x264: {  	v5 =	vld.idx.msk [tilespmem:v6+s31+$0x0], $0xffff;
	v6 =	vor.u32 $0x18, v1  }
0x265: {  	v54 =	vld.idx.msk [tilespmem:v50+s30+$0x0], $0xffff;
	v2 =	vadd.f32 v3, v2;
	v3 =	vmul.f32 v7, v49  }
0x266: {  	v55 =	vor.u32 $0x19, v1;
	v7 =	vld.idx.msk [tilespmem:v50+s31+$0x0], $0xffff  }
0x267: {  	v56 =	vld.idx.msk [tilespmem:v52+s30+$0x0], $0xffff;
	v2 =	vadd.f32 v3, v2;
	v3 =	vmul.f32 v4, v51  }
0x268: {  	v57 =	vor.u32 $0x1A, v1;
	v4 =	vld.idx.msk [tilespmem:v52+s31+$0x0], $0xffff  }
0x269: {  	v58 =	vld.idx.msk [tilespmem:v6+s30+$0x0], $0xffff;
	v2 =	vadd.f32 v3, v2;
	v3 =	vmul.f32 v5, v53  }
0x26a: {  	v5 =	vld.idx.msk [tilespmem:v6+s31+$0x0], $0xffff;
	v6 =	vor.u32 $0x1B, v1  }
0x26b: {  	v59 =	vld.idx.msk [tilespmem:v55+s30+$0x0], $0xffff;
	v2 =	vadd.f32 v3, v2;
	v3 =	vmul.f32 v7, v54  }
0x26c: {  	v60 =	vor.u32 $0x1C, v1;
	v7 =	vld.idx.msk [tilespmem:v55+s31+$0x0], $0xffff  }
0x26d: {  	v61 =	vld.idx.msk [tilespmem:v57+s30+$0x0], $0xffff;
	v2 =	vadd.f32 v3, v2;
	v3 =	vmul.f32 v4, v56  }
0x26e: {  	v62 =	vor.u32 $0x1D, v1;
	v4 =	vld.idx.msk [tilespmem:v57+s31+$0x0], $0xffff  }
0x26f: {  	v63 =	vld.idx.msk [tilespmem:v6+s30+$0x0], $0xffff;
	v2 =	vadd.f32 v3, v2;
	v3 =	vmul.f32 v5, v58  }
0x270: {  	v5 =	vld.idx.msk [tilespmem:v6+s31+$0x0], $0xffff;
	v6 =	vor.u32 $0x1E, v1  }
0x271: {  	v16 =	vld.idx.msk [tilespmem:v60+s30+$0x0], $0xffff;
	v2 =	vadd.f32 v3, v2;
	v3 =	vmul.f32 v7, v59  }
0x272: {  	v1 =	vor.u32 $0x1F, v1;
	v7 =	vld.idx.msk [tilespmem:v60+s31+$0x0], $0xffff  }
0x273: {  	v17 =	vld.idx.msk [tilespmem:v62+s30+$0x0], $0xffff;
	v2 =	vadd.f32 v3, v2;
	v3 =	vmul.f32 v4, v61  }
0x274: {  	v4 =	vld.idx.msk [tilespmem:v62+s31+$0x0], $0xffff  }
0x275: {  	v18 =	vld.idx.msk [tilespmem:v6+s30+$0x0], $0xffff;
	v2 =	vadd.f32 v3, v2;
	v3 =	vmul.f32 v5, v63  }
0x276: {  	v5 =	vld.idx.msk [tilespmem:v6+s31+$0x0], $0xffff  }
0x277: {  	v6 =	vld.idx.msk [tilespmem:v1+s30+$0x0], $0xffff;
	v2 =	vadd.f32 v3, v2;
	v3 =	vmul.f32 v7, v16  }
0x278: {  	v1 =	vld.idx.msk [tilespmem:v1+s31+$0x0], $0xffff  }
0x279: {  	v2 =	vadd.f32 v3, v2;
	v3 =	vmul.f32 v4, v17;
	_ =	sdelay $0x1  }
0x27a: {  	v2 =	vadd.f32 v3, v2;
	v3 =	vmul.f32 v5, v18;
	_ =	sdelay $0x1  }
0x27b: {  	v1 =	vmul.f32 v1, v6;
	v2 =	vadd.f32 v3, v2;
	_ =	sdelay $0x1  }
0x27c: {  	v1 =	vadd.f32 v1, v2  }
0x27d: {  	s22 =	sadd.s32 $0x10, s22  }
0x27e: {  	[tilespmem:s22+$0x0] =	vst v1  }
0x27f: {  	[tilespmem:s30], [sflag:$0x3] =	stream.indirect.gather [hbm4b:s6+s13], $0x80, s23, s13, $0xb8;
	[tilespmem:$0x10A00] =	vst v63  }
0x280: {  	s24 =	simm.s32 $0x0  }
0x281: {  	v1 =	vmov s24;
	[tilespmem:s31], [sflag:$0x5] =	stream.indirect.gather [hbm4b:s1+s13], $0x80, s25, s13, $0xb8;
	[tilespmem:$0x10A00] =	vst v63  }
0x282: {  	v1 =	vshll.u32 v1, $0x7;
	_ =	swait.ge [sflag:s0], $0x4000  }
0x283: {  	v1 =	vor.u32 v0, v1;
	[sflag:s0] =	ssyncset.done $0x0  }
0x284: {  	[sflag:s0] =	ssyncadd.s32 $0xFFFFC000  }
0x285: {  	v2 =	vor.u32 $0x1, v1;
	_ =	swait.ge [sflag:s3], $0x4000  }
0x286: {  	[sflag:s3] =	ssyncset.done $0x0  }
0x287: {  	v3 =	vor.u32 $0x2, v1;
	[sflag:s3] =	ssyncadd.s32 $0xFFFFC000  }
0x288: {  	v4 =	vld.idx.msk [tilespmem:v1+s29+$0x0], $0xffff  }
0x289: {  	v6 =	vor.u32 $0x3, v1;
	v5 =	vld.idx.msk [tilespmem:v1+s28+$0x0], $0xffff  }
0x28a: {  	v7 =	vld.idx.msk [tilespmem:v2+s28+$0x0], $0xffff  }
0x28b: {  	v19 =	vor.u32 $0x4, v1;
	v2 =	vld.idx.msk [tilespmem:v2+s29+$0x0], $0xffff  }
0x28c: {  	v20 =	vld.idx.msk [tilespmem:v3+s28+$0x0], $0xffff  }
0x28d: {  	v21 =	vor.u32 $0x5, v1;
	v3 =	vld.idx.msk [tilespmem:v3+s29+$0x0], $0xffff  }
0x28e: {  	v22 =	vld.idx.msk [tilespmem:v6+s28+$0x0], $0xffff;
	v4 =	vmul.f32 v4, v5  }
0x28f: {  	v5 =	vld.idx.msk [tilespmem:v6+s29+$0x0], $0xffff;
	v6 =	vor.u32 $0x6, v1  }
0x290: {  	v23 =	vld.idx.msk [tilespmem:v19+s28+$0x0], $0xffff;
	v2 =	vmul.f32 v2, v7;
	v4 =	vadd.f32 $0.0e+00, v4  }
0x291: {  	v24 =	vor.u32 $0x7, v1;
	v7 =	vld.idx.msk [tilespmem:v19+s29+$0x0], $0xffff  }
0x292: {  	v25 =	vld.idx.msk [tilespmem:v21+s28+$0x0], $0xffff;
	v3 =	vmul.f32 v3, v20;
	v2 =	vadd.f32 v2, v4  }
0x293: {  	v26 =	vor.u32 $0x8, v1;
	v4 =	vld.idx.msk [tilespmem:v21+s29+$0x0], $0xffff  }
0x294: {  	v27 =	vld.idx.msk [tilespmem:v6+s28+$0x0], $0xffff;
	v2 =	vadd.f32 v3, v2;
	v3 =	vmul.f32 v5, v22  }
0x295: {  	v5 =	vld.idx.msk [tilespmem:v6+s29+$0x0], $0xffff;
	v6 =	vor.u32 $0x9, v1  }
0x296: {  	v28 =	vld.idx.msk [tilespmem:v24+s28+$0x0], $0xffff;
	v2 =	vadd.f32 v3, v2;
	v3 =	vmul.f32 v7, v23  }
0x297: {  	v29 =	vor.u32 $0xA, v1;
	v7 =	vld.idx.msk [tilespmem:v24+s29+$0x0], $0xffff  }
0x298: {  	v30 =	vld.idx.msk [tilespmem:v26+s28+$0x0], $0xffff;
	v2 =	vadd.f32 v3, v2;
	v3 =	vmul.f32 v4, v25  }
0x299: {  	v31 =	vor.u32 $0xB, v1;
	v4 =	vld.idx.msk [tilespmem:v26+s29+$0x0], $0xffff  }
0x29a: {  	v32 =	vld.idx.msk [tilespmem:v6+s28+$0x0], $0xffff;
	v2 =	vadd.f32 v3, v2;
	v3 =	vmul.f32 v5, v27  }
0x29b: {  	v5 =	vld.idx.msk [tilespmem:v6+s29+$0x0], $0xffff;
	v6 =	vor.u32 $0xC, v1  }
0x29c: {  	v33 =	vld.idx.msk [tilespmem:v29+s28+$0x0], $0xffff;
	v2 =	vadd.f32 v3, v2;
	v3 =	vmul.f32 v7, v28  }
0x29d: {  	v34 =	vor.u32 $0xD, v1;
	v7 =	vld.idx.msk [tilespmem:v29+s29+$0x0], $0xffff  }
0x29e: {  	v35 =	vld.idx.msk [tilespmem:v31+s28+$0x0], $0xffff;
	v2 =	vadd.f32 v3, v2;
	v3 =	vmul.f32 v4, v30  }
0x29f: {  	v36 =	vor.u32 $0xE, v1;
	v4 =	vld.idx.msk [tilespmem:v31+s29+$0x0], $0xffff  }
0x2a0: {  	v37 =	vld.idx.msk [tilespmem:v6+s28+$0x0], $0xffff;
	v2 =	vadd.f32 v3, v2;
	v3 =	vmul.f32 v5, v32  }
0x2a1: {  	v5 =	vld.idx.msk [tilespmem:v6+s29+$0x0], $0xffff;
	v6 =	vor.u32 $0xF, v1  }
0x2a2: {  	v38 =	vld.idx.msk [tilespmem:v34+s28+$0x0], $0xffff;
	v2 =	vadd.f32 v3, v2;
	v3 =	vmul.f32 v7, v33  }
0x2a3: {  	v39 =	vor.u32 $0x10, v1;
	v7 =	vld.idx.msk [tilespmem:v34+s29+$0x0], $0xffff  }
0x2a4: {  	v40 =	vld.idx.msk [tilespmem:v36+s28+$0x0], $0xffff;
	v2 =	vadd.f32 v3, v2;
	v3 =	vmul.f32 v4, v35  }
0x2a5: {  	v41 =	vor.u32 $0x11, v1;
	v4 =	vld.idx.msk [tilespmem:v36+s29+$0x0], $0xffff  }
0x2a6: {  	v42 =	vld.idx.msk [tilespmem:v6+s28+$0x0], $0xffff;
	v2 =	vadd.f32 v3, v2;
	v3 =	vmul.f32 v5, v37  }
0x2a7: {  	v5 =	vld.idx.msk [tilespmem:v6+s29+$0x0], $0xffff;
	v6 =	vor.u32 $0x12, v1  }
0x2a8: {  	v43 =	vld.idx.msk [tilespmem:v39+s28+$0x0], $0xffff;
	v2 =	vadd.f32 v3, v2;
	v3 =	vmul.f32 v7, v38  }
0x2a9: {  	v44 =	vor.u32 $0x13, v1;
	v7 =	vld.idx.msk [tilespmem:v39+s29+$0x0], $0xffff  }
0x2aa: {  	v45 =	vld.idx.msk [tilespmem:v41+s28+$0x0], $0xffff;
	v2 =	vadd.f32 v3, v2;
	v3 =	vmul.f32 v4, v40  }
0x2ab: {  	v46 =	vor.u32 $0x14, v1;
	v4 =	vld.idx.msk [tilespmem:v41+s29+$0x0], $0xffff  }
0x2ac: {  	v47 =	vld.idx.msk [tilespmem:v6+s28+$0x0], $0xffff;
	v2 =	vadd.f32 v3, v2;
	v3 =	vmul.f32 v5, v42  }
0x2ad: {  	v5 =	vld.idx.msk [tilespmem:v6+s29+$0x0], $0xffff;
	v6 =	vor.u32 $0x15, v1  }
0x2ae: {  	v48 =	vld.idx.msk [tilespmem:v44+s28+$0x0], $0xffff;
	v2 =	vadd.f32 v3, v2;
	v3 =	vmul.f32 v7, v43  }
0x2af: {  	v49 =	vor.u32 $0x16, v1;
	v7 =	vld.idx.msk [tilespmem:v44+s29+$0x0], $0xffff  }
0x2b0: {  	v50 =	vld.idx.msk [tilespmem:v46+s28+$0x0], $0xffff;
	v2 =	vadd.f32 v3, v2;
	v3 =	vmul.f32 v4, v45  }
0x2b1: {  	v51 =	vor.u32 $0x17, v1;
	v4 =	vld.idx.msk [tilespmem:v46+s29+$0x0], $0xffff  }
0x2b2: {  	v52 =	vld.idx.msk [tilespmem:v6+s28+$0x0], $0xffff;
	v2 =	vadd.f32 v3, v2;
	v3 =	vmul.f32 v5, v47  }
0x2b3: {  	v5 =	vld.idx.msk [tilespmem:v6+s29+$0x0], $0xffff;
	v6 =	vor.u32 $0x18, v1  }
0x2b4: {  	v53 =	vld.idx.msk [tilespmem:v49+s28+$0x0], $0xffff;
	v2 =	vadd.f32 v3, v2;
	v3 =	vmul.f32 v7, v48  }
0x2b5: {  	v54 =	vor.u32 $0x19, v1;
	v7 =	vld.idx.msk [tilespmem:v49+s29+$0x0], $0xffff  }
0x2b6: {  	v55 =	vld.idx.msk [tilespmem:v51+s28+$0x0], $0xffff;
	v2 =	vadd.f32 v3, v2;
	v3 =	vmul.f32 v4, v50  }
0x2b7: {  	v56 =	vor.u32 $0x1A, v1;
	v4 =	vld.idx.msk [tilespmem:v51+s29+$0x0], $0xffff  }
0x2b8: {  	v57 =	vld.idx.msk [tilespmem:v6+s28+$0x0], $0xffff;
	v2 =	vadd.f32 v3, v2;
	v3 =	vmul.f32 v5, v52  }
0x2b9: {  	v5 =	vld.idx.msk [tilespmem:v6+s29+$0x0], $0xffff;
	v6 =	vor.u32 $0x1B, v1  }
0x2ba: {  	v58 =	vld.idx.msk [tilespmem:v54+s28+$0x0], $0xffff;
	v2 =	vadd.f32 v3, v2;
	v3 =	vmul.f32 v7, v53  }
0x2bb: {  	v59 =	vor.u32 $0x1C, v1;
	v7 =	vld.idx.msk [tilespmem:v54+s29+$0x0], $0xffff  }
0x2bc: {  	v60 =	vld.idx.msk [tilespmem:v56+s28+$0x0], $0xffff;
	v2 =	vadd.f32 v3, v2;
	v3 =	vmul.f32 v4, v55  }
0x2bd: {  	v61 =	vor.u32 $0x1D, v1;
	v4 =	vld.idx.msk [tilespmem:v56+s29+$0x0], $0xffff  }
0x2be: {  	v62 =	vld.idx.msk [tilespmem:v6+s28+$0x0], $0xffff;
	v2 =	vadd.f32 v3, v2;
	v3 =	vmul.f32 v5, v57  }
0x2bf: {  	v5 =	vld.idx.msk [tilespmem:v6+s29+$0x0], $0xffff;
	v6 =	vor.u32 $0x1E, v1  }
0x2c0: {  	v63 =	vld.idx.msk [tilespmem:v59+s28+$0x0], $0xffff;
	v2 =	vadd.f32 v3, v2;
	v3 =	vmul.f32 v7, v58  }
0x2c1: {  	v1 =	vor.u32 $0x1F, v1;
	v7 =	vld.idx.msk [tilespmem:v59+s29+$0x0], $0xffff  }
0x2c2: {  	v15 =	vld.idx.msk [tilespmem:v61+s28+$0x0], $0xffff;
	v2 =	vadd.f32 v3, v2;
	v3 =	vmul.f32 v4, v60  }
0x2c3: {  	v4 =	vld.idx.msk [tilespmem:v61+s29+$0x0], $0xffff  }
0x2c4: {  	v16 =	vld.idx.msk [tilespmem:v6+s28+$0x0], $0xffff;
	v2 =	vadd.f32 v3, v2;
	v3 =	vmul.f32 v5, v62  }
0x2c5: {  	v5 =	vld.idx.msk [tilespmem:v6+s29+$0x0], $0xffff  }
0x2c6: {  	v6 =	vld.idx.msk [tilespmem:v1+s28+$0x0], $0xffff;
	v2 =	vadd.f32 v3, v2;
	v3 =	vmul.f32 v7, v63  }
0x2c7: {  	v7 =	vld.idx.msk [tilespmem:v1+s29+$0x0], $0xffff  }
0x2c8: {  	v1 =	vadd.f32 v3, v2;
	v2 =	vmul.f32 v4, v15  }
0x2c9: {  	s24 =	simm.s32 $0x10  }
0x2ca: {  	v3 =	vmov s24;
	v4 =	vmul.f32 v5, v16;
	v2 =	vadd.f32 v2, v1  }
0x2cb: {  	v1 =	vshll.u32 v3, $0x7  }
0x2cc: {  	v1 =	vor.u32 v0, v1;
	v3 =	vmul.f32 v7, v6;
	v2 =	vadd.f32 v4, v2;
	_ =	sdelay $0x1  }
0x2cd: {  	v4 =	vor.u32 $0x1, v1;
	v2 =	vadd.f32 v3, v2  }
0x2ce: {  	s22 =	simm.s32 $0x10900  }
0x2cf: {  	v3 =	vor.u32 $0x2, v1;
	[tilespmem:s22+$0x0] =	vst v2  }
0x2d0: {  	v2 =	vld.idx.msk [tilespmem:v1+s29+$0x0], $0xffff  }
0x2d1: {  	v6 =	vor.u32 $0x3, v1;
	v5 =	vld.idx.msk [tilespmem:v1+s28+$0x0], $0xffff  }
0x2d2: {  	v7 =	vld.idx.msk [tilespmem:v4+s28+$0x0], $0xffff  }
0x2d3: {  	v17 =	vor.u32 $0x4, v1;
	v4 =	vld.idx.msk [tilespmem:v4+s29+$0x0], $0xffff  }
0x2d4: {  	v18 =	vld.idx.msk [tilespmem:v3+s28+$0x0], $0xffff  }
0x2d5: {  	v19 =	vor.u32 $0x5, v1;
	v3 =	vld.idx.msk [tilespmem:v3+s29+$0x0], $0xffff  }
0x2d6: {  	v20 =	vld.idx.msk [tilespmem:v6+s28+$0x0], $0xffff;
	v2 =	vmul.f32 v2, v5  }
0x2d7: {  	v5 =	vld.idx.msk [tilespmem:v6+s29+$0x0], $0xffff;
	v6 =	vor.u32 $0x6, v1  }
0x2d8: {  	v21 =	vld.idx.msk [tilespmem:v17+s28+$0x0], $0xffff;
	v4 =	vmul.f32 v4, v7;
	v2 =	vadd.f32 $0.0e+00, v2  }
0x2d9: {  	v22 =	vor.u32 $0x7, v1;
	v7 =	vld.idx.msk [tilespmem:v17+s29+$0x0], $0xffff  }
0x2da: {  	v23 =	vld.idx.msk [tilespmem:v19+s28+$0x0], $0xffff;
	v3 =	vmul.f32 v3, v18;
	v2 =	vadd.f32 v4, v2  }
0x2db: {  	v24 =	vor.u32 $0x8, v1;
	v4 =	vld.idx.msk [tilespmem:v19+s29+$0x0], $0xffff  }
0x2dc: {  	v25 =	vld.idx.msk [tilespmem:v6+s28+$0x0], $0xffff;
	v2 =	vadd.f32 v3, v2;
	v3 =	vmul.f32 v5, v20  }
0x2dd: {  	v5 =	vld.idx.msk [tilespmem:v6+s29+$0x0], $0xffff;
	v6 =	vor.u32 $0x9, v1  }
0x2de: {  	v26 =	vld.idx.msk [tilespmem:v22+s28+$0x0], $0xffff;
	v2 =	vadd.f32 v3, v2;
	v3 =	vmul.f32 v7, v21  }
0x2df: {  	v27 =	vor.u32 $0xA, v1;
	v7 =	vld.idx.msk [tilespmem:v22+s29+$0x0], $0xffff  }
0x2e0: {  	v28 =	vld.idx.msk [tilespmem:v24+s28+$0x0], $0xffff;
	v2 =	vadd.f32 v3, v2;
	v3 =	vmul.f32 v4, v23  }
0x2e1: {  	v29 =	vor.u32 $0xB, v1;
	v4 =	vld.idx.msk [tilespmem:v24+s29+$0x0], $0xffff  }
0x2e2: {  	v30 =	vld.idx.msk [tilespmem:v6+s28+$0x0], $0xffff;
	v2 =	vadd.f32 v3, v2;
	v3 =	vmul.f32 v5, v25  }
0x2e3: {  	v5 =	vld.idx.msk [tilespmem:v6+s29+$0x0], $0xffff;
	v6 =	vor.u32 $0xC, v1  }
0x2e4: {  	v31 =	vld.idx.msk [tilespmem:v27+s28+$0x0], $0xffff;
	v2 =	vadd.f32 v3, v2;
	v3 =	vmul.f32 v7, v26  }
0x2e5: {  	v32 =	vor.u32 $0xD, v1;
	v7 =	vld.idx.msk [tilespmem:v27+s29+$0x0], $0xffff  }
0x2e6: {  	v33 =	vld.idx.msk [tilespmem:v29+s28+$0x0], $0xffff;
	v2 =	vadd.f32 v3, v2;
	v3 =	vmul.f32 v4, v28  }
0x2e7: {  	v34 =	vor.u32 $0xE, v1;
	v4 =	vld.idx.msk [tilespmem:v29+s29+$0x0], $0xffff  }
0x2e8: {  	v35 =	vld.idx.msk [tilespmem:v6+s28+$0x0], $0xffff;
	v2 =	vadd.f32 v3, v2;
	v3 =	vmul.f32 v5, v30  }
0x2e9: {  	v5 =	vld.idx.msk [tilespmem:v6+s29+$0x0], $0xffff;
	v6 =	vor.u32 $0xF, v1  }
0x2ea: {  	v36 =	vld.idx.msk [tilespmem:v32+s28+$0x0], $0xffff;
	v2 =	vadd.f32 v3, v2;
	v3 =	vmul.f32 v7, v31  }
0x2eb: {  	v37 =	vor.u32 $0x10, v1;
	v7 =	vld.idx.msk [tilespmem:v32+s29+$0x0], $0xffff  }
0x2ec: {  	v38 =	vld.idx.msk [tilespmem:v34+s28+$0x0], $0xffff;
	v2 =	vadd.f32 v3, v2;
	v3 =	vmul.f32 v4, v33  }
0x2ed: {  	v39 =	vor.u32 $0x11, v1;
	v4 =	vld.idx.msk [tilespmem:v34+s29+$0x0], $0xffff  }
0x2ee: {  	v40 =	vld.idx.msk [tilespmem:v6+s28+$0x0], $0xffff;
	v2 =	vadd.f32 v3, v2;
	v3 =	vmul.f32 v5, v35  }
0x2ef: {  	v5 =	vld.idx.msk [tilespmem:v6+s29+$0x0], $0xffff;
	v6 =	vor.u32 $0x12, v1  }
0x2f0: {  	v41 =	vld.idx.msk [tilespmem:v37+s28+$0x0], $0xffff;
	v2 =	vadd.f32 v3, v2;
	v3 =	vmul.f32 v7, v36  }
0x2f1: {  	v42 =	vor.u32 $0x13, v1;
	v7 =	vld.idx.msk [tilespmem:v37+s29+$0x0], $0xffff  }
0x2f2: {  	v43 =	vld.idx.msk [tilespmem:v39+s28+$0x0], $0xffff;
	v2 =	vadd.f32 v3, v2;
	v3 =	vmul.f32 v4, v38  }
0x2f3: {  	v44 =	vor.u32 $0x14, v1;
	v4 =	vld.idx.msk [tilespmem:v39+s29+$0x0], $0xffff  }
0x2f4: {  	v45 =	vld.idx.msk [tilespmem:v6+s28+$0x0], $0xffff;
	v2 =	vadd.f32 v3, v2;
	v3 =	vmul.f32 v5, v40  }
0x2f5: {  	v5 =	vld.idx.msk [tilespmem:v6+s29+$0x0], $0xffff;
	v6 =	vor.u32 $0x15, v1  }
0x2f6: {  	v46 =	vld.idx.msk [tilespmem:v42+s28+$0x0], $0xffff;
	v2 =	vadd.f32 v3, v2;
	v3 =	vmul.f32 v7, v41  }
0x2f7: {  	v47 =	vor.u32 $0x16, v1;
	v7 =	vld.idx.msk [tilespmem:v42+s29+$0x0], $0xffff  }
0x2f8: {  	v48 =	vld.idx.msk [tilespmem:v44+s28+$0x0], $0xffff;
	v2 =	vadd.f32 v3, v2;
	v3 =	vmul.f32 v4, v43  }
0x2f9: {  	v49 =	vor.u32 $0x17, v1;
	v4 =	vld.idx.msk [tilespmem:v44+s29+$0x0], $0xffff  }
0x2fa: {  	v50 =	vld.idx.msk [tilespmem:v6+s28+$0x0], $0xffff;
	v2 =	vadd.f32 v3, v2;
	v3 =	vmul.f32 v5, v45  }
0x2fb: {  	v5 =	vld.idx.msk [tilespmem:v6+s29+$0x0], $0xffff;
	v6 =	vor.u32 $0x18, v1  }
0x2fc: {  	v51 =	vld.idx.msk [tilespmem:v47+s28+$0x0], $0xffff;
	v2 =	vadd.f32 v3, v2;
	v3 =	vmul.f32 v7, v46  }
0x2fd: {  	v52 =	vor.u32 $0x19, v1;
	v7 =	vld.idx.msk [tilespmem:v47+s29+$0x0], $0xffff  }
0x2fe: {  	v53 =	vld.idx.msk [tilespmem:v49+s28+$0x0], $0xffff;
	v2 =	vadd.f32 v3, v2;
	v3 =	vmul.f32 v4, v48  }
0x2ff: {  	v54 =	vor.u32 $0x1A, v1;
	v4 =	vld.idx.msk [tilespmem:v49+s29+$0x0], $0xffff  }
0x300: {  	v55 =	vld.idx.msk [tilespmem:v6+s28+$0x0], $0xffff;
	v2 =	vadd.f32 v3, v2;
	v3 =	vmul.f32 v5, v50  }
0x301: {  	v5 =	vld.idx.msk [tilespmem:v6+s29+$0x0], $0xffff;
	v6 =	vor.u32 $0x1B, v1  }
0x302: {  	v56 =	vld.idx.msk [tilespmem:v52+s28+$0x0], $0xffff;
	v2 =	vadd.f32 v3, v2;
	v3 =	vmul.f32 v7, v51  }
0x303: {  	v57 =	vor.u32 $0x1C, v1;
	v7 =	vld.idx.msk [tilespmem:v52+s29+$0x0], $0xffff  }
0x304: {  	v58 =	vld.idx.msk [tilespmem:v54+s28+$0x0], $0xffff;
	v2 =	vadd.f32 v3, v2;
	v3 =	vmul.f32 v4, v53  }
0x305: {  	v4 =	vld.idx.msk [tilespmem:v54+s29+$0x0], $0xffff  }
0x306: {  	v60 =	vld.idx.msk [tilespmem:v6+s28+$0x0], $0xffff;
	v2 =	vadd.f32 v3, v2;
	v3 =	vmul.f32 v5, v55  }
0x307: {  	v59 =	vor.u32 $0x1D, v1;
	v5 =	vld.idx.msk [tilespmem:v6+s29+$0x0], $0xffff  }
0x308: {  	v61 =	vld.idx.msk [tilespmem:v57+s28+$0x0], $0xffff;
	v2 =	vadd.f32 v3, v2;
	v3 =	vmul.f32 v7, v56  }
0x309: {  	v6 =	vor.u32 $0x1E, v1;
	v7 =	vld.idx.msk [tilespmem:v57+s29+$0x0], $0xffff  }
0x30a: {  	v2 =	vadd.f32 v3, v2;
	v3 =	vmul.f32 v4, v58  }
0x30b: {  	v1 =	vor.u32 $0x1F, v1  }
0x30c: {  	v62 =	vld.idx.msk [tilespmem:v59+s28+$0x0], $0xffff;
	v2 =	vadd.f32 v3, v2;
	v3 =	vmul.f32 v5, v60  }
0x30d: {  	v4 =	vld.idx.msk [tilespmem:v59+s29+$0x0], $0xffff  }
0x30e: {  	v63 =	vld.idx.msk [tilespmem:v6+s28+$0x0], $0xffff;
	v2 =	vadd.f32 v3, v2;
	v3 =	vmul.f32 v7, v61  }
0x30f: {  	v5 =	vld.idx.msk [tilespmem:v6+s29+$0x0], $0xffff  }
0x310: {  	v6 =	vadd.f32 v3, v2;
	v2 =	vld.idx.msk [tilespmem:v1+s28+$0x0], $0xffff  }
0x311: {  	v3 =	vld.idx.msk [tilespmem:v1+s29+$0x0], $0xffff  }
0x312: {  	v4 =	vmul.f32 v4, v62  }
0x313: {  	s24 =	simm.s32 $0x20  }
0x314: {  	v7 =	vmov s24;
	v5 =	vmul.f32 v5, v63;
	v4 =	vadd.f32 v4, v6  }
0x315: {  	s24 =	simm.s32 $0x30;
	v1 =	vshll.u32 v7, $0x7  }
.LBB2_6:
0x316: {  	p0 =	sne.s32 s24, $0x70;
	v1 =	vor.u32 v0, v1;
	v4 =	vadd.f32 v5, v4;
	v2 =	vmul.f32 v3, v2;
	_ =	sdelay $0x1  }
0x317: {  	v3 =	vor.u32 $0x1, v1;
	v2 =	vadd.f32 v2, v4  }
0x318: {  	s22 =	sadd.s32 $0x10, s22  }
0x319: {  	v4 =	vor.u32 $0x2, v1;
	[tilespmem:s22+$0x0] =	vst v2  }
0x31a: {  	v2 =	vld.idx.msk [tilespmem:v1+s29+$0x0], $0xffff  }
0x31b: {  	v6 =	vor.u32 $0x3, v1;
	v5 =	vld.idx.msk [tilespmem:v1+s28+$0x0], $0xffff  }
0x31c: {  	v7 =	vld.idx.msk [tilespmem:v3+s28+$0x0], $0xffff  }
0x31d: {  	v8 =	vor.u32 $0x4, v1;
	v3 =	vld.idx.msk [tilespmem:v3+s29+$0x0], $0xffff  }
0x31e: {  	v9 =	vld.idx.msk [tilespmem:v4+s28+$0x0], $0xffff  }
0x31f: {  	v10 =	vor.u32 $0x5, v1;
	v4 =	vld.idx.msk [tilespmem:v4+s29+$0x0], $0xffff  }
0x320: {  	v11 =	vld.idx.msk [tilespmem:v6+s28+$0x0], $0xffff  }
0x321: {  	v2 =	vmul.f32 v2, v5;
	v5 =	vld.idx.msk [tilespmem:v6+s29+$0x0], $0xffff;
	v6 =	vor.u32 $0x6, v1  }
0x322: {  	v12 =	vld.idx.msk [tilespmem:v8+s28+$0x0], $0xffff  }
0x323: {  	v2 =	vadd.f32 $0.0e+00, v2;
	v3 =	vmul.f32 v3, v7;
	v7 =	vld.idx.msk [tilespmem:v8+s29+$0x0], $0xffff;
	v8 =	vor.u32 $0x7, v1  }
0x324: {  	v13 =	vld.idx.msk [tilespmem:v10+s28+$0x0], $0xffff  }
0x325: {  	v2 =	vadd.f32 v3, v2;
	v3 =	vmul.f32 v4, v9;
	v9 =	vor.u32 $0x8, v1;
	v4 =	vld.idx.msk [tilespmem:v10+s29+$0x0], $0xffff  }
0x326: {  	v10 =	vld.idx.msk [tilespmem:v6+s28+$0x0], $0xffff  }
0x327: {  	v2 =	vadd.f32 v3, v2;
	v3 =	vmul.f32 v5, v11;
	v5 =	vld.idx.msk [tilespmem:v6+s29+$0x0], $0xffff;
	v6 =	vor.u32 $0x9, v1  }
0x328: {  	v11 =	vld.idx.msk [tilespmem:v8+s28+$0x0], $0xffff  }
0x329: {  	v2 =	vadd.f32 v3, v2;
	v3 =	vmul.f32 v7, v12;
	v7 =	vld.idx.msk [tilespmem:v8+s29+$0x0], $0xffff;
	v8 =	vor.u32 $0xA, v1  }
0x32a: {  	v12 =	vld.idx.msk [tilespmem:v9+s28+$0x0], $0xffff  }
0x32b: {  	v2 =	vadd.f32 v3, v2;
	v3 =	vmul.f32 v4, v13;
	v4 =	vld.idx.msk [tilespmem:v9+s29+$0x0], $0xffff;
	v9 =	vor.u32 $0xB, v1  }
0x32c: {  	v13 =	vld.idx.msk [tilespmem:v6+s28+$0x0], $0xffff  }
0x32d: {  	v2 =	vadd.f32 v3, v2;
	v3 =	vmul.f32 v5, v10;
	v5 =	vld.idx.msk [tilespmem:v6+s29+$0x0], $0xffff;
	v6 =	vor.u32 $0xC, v1  }
0x32e: {  	v10 =	vld.idx.msk [tilespmem:v8+s28+$0x0], $0xffff  }
0x32f: {  	v2 =	vadd.f32 v3, v2;
	v3 =	vmul.f32 v7, v11;
	v7 =	vld.idx.msk [tilespmem:v8+s29+$0x0], $0xffff;
	v8 =	vor.u32 $0xD, v1  }
0x330: {  	v11 =	vld.idx.msk [tilespmem:v9+s28+$0x0], $0xffff  }
0x331: {  	v2 =	vadd.f32 v3, v2;
	v3 =	vmul.f32 v4, v12;
	v4 =	vld.idx.msk [tilespmem:v9+s29+$0x0], $0xffff;
	v9 =	vor.u32 $0xE, v1  }
0x332: {  	v12 =	vld.idx.msk [tilespmem:v6+s28+$0x0], $0xffff  }
0x333: {  	v2 =	vadd.f32 v3, v2;
	v3 =	vmul.f32 v5, v13;
	v5 =	vld.idx.msk [tilespmem:v6+s29+$0x0], $0xffff;
	v6 =	vor.u32 $0xF, v1  }
0x334: {  	v13 =	vld.idx.msk [tilespmem:v8+s28+$0x0], $0xffff  }
0x335: {  	v2 =	vadd.f32 v3, v2;
	v3 =	vmul.f32 v7, v10;
	v7 =	vld.idx.msk [tilespmem:v8+s29+$0x0], $0xffff;
	v8 =	vor.u32 $0x10, v1  }
0x336: {  	v10 =	vld.idx.msk [tilespmem:v9+s28+$0x0], $0xffff  }
0x337: {  	v2 =	vadd.f32 v3, v2;
	v3 =	vmul.f32 v4, v11;
	v4 =	vld.idx.msk [tilespmem:v9+s29+$0x0], $0xffff;
	v9 =	vor.u32 $0x11, v1  }
0x338: {  	v11 =	vld.idx.msk [tilespmem:v6+s28+$0x0], $0xffff  }
0x339: {  	v2 =	vadd.f32 v3, v2;
	v3 =	vmul.f32 v5, v12;
	v5 =	vld.idx.msk [tilespmem:v6+s29+$0x0], $0xffff;
	v6 =	vor.u32 $0x12, v1  }
0x33a: {  	v12 =	vld.idx.msk [tilespmem:v8+s28+$0x0], $0xffff  }
0x33b: {  	v2 =	vadd.f32 v3, v2;
	v3 =	vmul.f32 v7, v13;
	v7 =	vld.idx.msk [tilespmem:v8+s29+$0x0], $0xffff;
	v8 =	vor.u32 $0x13, v1  }
0x33c: {  	v13 =	vld.idx.msk [tilespmem:v9+s28+$0x0], $0xffff  }
0x33d: {  	v2 =	vadd.f32 v3, v2;
	v3 =	vmul.f32 v4, v10;
	v4 =	vld.idx.msk [tilespmem:v9+s29+$0x0], $0xffff;
	v9 =	vor.u32 $0x14, v1  }
0x33e: {  	v10 =	vld.idx.msk [tilespmem:v6+s28+$0x0], $0xffff  }
0x33f: {  	v2 =	vadd.f32 v3, v2;
	v3 =	vmul.f32 v5, v11;
	v5 =	vld.idx.msk [tilespmem:v6+s29+$0x0], $0xffff;
	v6 =	vor.u32 $0x15, v1  }
0x340: {  	v11 =	vld.idx.msk [tilespmem:v8+s28+$0x0], $0xffff  }
0x341: {  	v2 =	vadd.f32 v3, v2;
	v3 =	vmul.f32 v7, v12;
	v7 =	vld.idx.msk [tilespmem:v8+s29+$0x0], $0xffff;
	v8 =	vor.u32 $0x16, v1  }
0x342: {  	v12 =	vld.idx.msk [tilespmem:v9+s28+$0x0], $0xffff  }
0x343: {  	v2 =	vadd.f32 v3, v2;
	v3 =	vmul.f32 v4, v13;
	v4 =	vld.idx.msk [tilespmem:v9+s29+$0x0], $0xffff;
	v9 =	vor.u32 $0x17, v1  }
0x344: {  	v13 =	vld.idx.msk [tilespmem:v6+s28+$0x0], $0xffff  }
0x345: {  	v2 =	vadd.f32 v3, v2;
	v3 =	vmul.f32 v5, v10;
	v5 =	vld.idx.msk [tilespmem:v6+s29+$0x0], $0xffff;
	v6 =	vor.u32 $0x18, v1  }
0x346: {  	v10 =	vld.idx.msk [tilespmem:v8+s28+$0x0], $0xffff  }
0x347: {  	v2 =	vadd.f32 v3, v2;
	v3 =	vmul.f32 v7, v11;
	v7 =	vld.idx.msk [tilespmem:v8+s29+$0x0], $0xffff;
	v8 =	vor.u32 $0x19, v1  }
0x348: {  	v11 =	vld.idx.msk [tilespmem:v9+s28+$0x0], $0xffff  }
0x349: {  	v2 =	vadd.f32 v3, v2;
	v3 =	vmul.f32 v4, v12;
	v4 =	vld.idx.msk [tilespmem:v9+s29+$0x0], $0xffff;
	v9 =	vor.u32 $0x1A, v1  }
0x34a: {  	v12 =	vld.idx.msk [tilespmem:v6+s28+$0x0], $0xffff  }
0x34b: {  	v2 =	vadd.f32 v3, v2;
	v3 =	vmul.f32 v5, v13;
	v5 =	vld.idx.msk [tilespmem:v6+s29+$0x0], $0xffff;
	v6 =	vor.u32 $0x1B, v1  }
0x34c: {  	v13 =	vld.idx.msk [tilespmem:v8+s28+$0x0], $0xffff  }
0x34d: {  	v2 =	vadd.f32 v3, v2;
	v3 =	vmul.f32 v7, v10;
	v7 =	vld.idx.msk [tilespmem:v8+s29+$0x0], $0xffff;
	v8 =	vor.u32 $0x1C, v1  }
0x34e: {  	v10 =	vld.idx.msk [tilespmem:v9+s28+$0x0], $0xffff  }
0x34f: {  	v2 =	vadd.f32 v3, v2;
	v3 =	vmul.f32 v4, v11;
	v4 =	vld.idx.msk [tilespmem:v9+s29+$0x0], $0xffff;
	v9 =	vor.u32 $0x1D, v1  }
0x350: {  	v11 =	vld.idx.msk [tilespmem:v6+s28+$0x0], $0xffff  }
0x351: {  	v2 =	vadd.f32 v3, v2;
	v3 =	vmul.f32 v5, v12;
	v5 =	vld.idx.msk [tilespmem:v6+s29+$0x0], $0xffff;
	v6 =	vor.u32 $0x1E, v1  }
0x352: {  	v12 =	vld.idx.msk [tilespmem:v8+s28+$0x0], $0xffff  }
0x353: {  	v1 =	vor.u32 $0x1F, v1;
	v2 =	vadd.f32 v3, v2;
	v3 =	vmul.f32 v7, v13;
	v7 =	vld.idx.msk [tilespmem:v8+s29+$0x0], $0xffff  }
0x354: {  	v8 =	vld.idx.msk [tilespmem:v9+s28+$0x0], $0xffff  }
0x355: {  	v2 =	vadd.f32 v3, v2;
	v3 =	vmul.f32 v4, v10;
	v4 =	vld.idx.msk [tilespmem:v9+s29+$0x0], $0xffff  }
0x356: {  	v9 =	vld.idx.msk [tilespmem:v6+s28+$0x0], $0xffff  }
0x357: {  	v3 =	vadd.f32 v3, v2;
	v5 =	vmul.f32 v5, v11;
	v6 =	vld.idx.msk [tilespmem:v6+s29+$0x0], $0xffff  }
0x358: {  	v2 =	vld.idx.msk [tilespmem:v1+s28+$0x0], $0xffff  }
0x359: {  	v5 =	vadd.f32 v5, v3;
	v7 =	vmul.f32 v7, v12;
	v3 =	vld.idx.msk [tilespmem:v1+s29+$0x0], $0xffff  }
.Ltmp2:
0x35a: {  	(pc) =	sbr.rel @p0 .LBB2_6-.Ltmp2, $3  }
0x35b: {  	v1 =	vadd.f32 v7, v5;
	v4 =	vmul.f32 v4, v8;
	_ =	sdelay $0x1  }
0x35c: {  	v7 =	vmov s24;
	v4 =	vadd.f32 v4, v1;
	v5 =	vmul.f32 v6, v9  }
0x35d: {  	s24 =	sadd.s32 $0x10, s24;
	v1 =	vshll.u32 v7, $0x7  }
0x35e: {  	v1 =	vor.u32 v0, v1;
	v4 =	vadd.f32 v5, v4;
	v2 =	vmul.f32 v3, v2;
	_ =	sdelay $0x1  }
0x35f: {  	v3 =	vor.u32 $0x1, v1;
	v2 =	vadd.f32 v2, v4  }
0x360: {  	s22 =	sadd.s32 $0x10, s22  }
0x361: {  	v4 =	vor.u32 $0x2, v1;
	[tilespmem:s22+$0x0] =	vst v2  }
0x362: {  	v2 =	vld.idx.msk [tilespmem:v1+s29+$0x0], $0xffff  }
0x363: {  	v6 =	vor.u32 $0x3, v1;
	v5 =	vld.idx.msk [tilespmem:v1+s28+$0x0], $0xffff  }
0x364: {  	v7 =	vld.idx.msk [tilespmem:v3+s28+$0x0], $0xffff  }
0x365: {  	v8 =	vor.u32 $0x4, v1;
	v3 =	vld.idx.msk [tilespmem:v3+s29+$0x0], $0xffff  }
0x366: {  	v9 =	vld.idx.msk [tilespmem:v4+s28+$0x0], $0xffff  }
0x367: {  	v10 =	vor.u32 $0x5, v1;
	v4 =	vld.idx.msk [tilespmem:v4+s29+$0x0], $0xffff  }
0x368: {  	v11 =	vld.idx.msk [tilespmem:v6+s28+$0x0], $0xffff;
	v2 =	vmul.f32 v2, v5  }
0x369: {  	v5 =	vld.idx.msk [tilespmem:v6+s29+$0x0], $0xffff;
	v6 =	vor.u32 $0x6, v1  }
0x36a: {  	v12 =	vld.idx.msk [tilespmem:v8+s28+$0x0], $0xffff;
	v3 =	vmul.f32 v3, v7;
	v2 =	vadd.f32 $0.0e+00, v2  }
0x36b: {  	v26 =	vor.u32 $0x7, v1;
	v7 =	vld.idx.msk [tilespmem:v8+s29+$0x0], $0xffff  }
0x36c: {  	v13 =	vld.idx.msk [tilespmem:v10+s28+$0x0], $0xffff;
	v2 =	vadd.f32 v3, v2;
	v3 =	vmul.f32 v4, v9  }
0x36d: {  	v27 =	vor.u32 $0x8, v1;
	v4 =	vld.idx.msk [tilespmem:v10+s29+$0x0], $0xffff  }
0x36e: {  	v28 =	vld.idx.msk [tilespmem:v6+s28+$0x0], $0xffff;
	v2 =	vadd.f32 v3, v2;
	v3 =	vmul.f32 v5, v11  }
0x36f: {  	v5 =	vld.idx.msk [tilespmem:v6+s29+$0x0], $0xffff;
	v6 =	vor.u32 $0x9, v1  }
0x370: {  	v29 =	vld.idx.msk [tilespmem:v26+s28+$0x0], $0xffff;
	v2 =	vadd.f32 v3, v2;
	v3 =	vmul.f32 v7, v12  }
0x371: {  	v30 =	vor.u32 $0xA, v1;
	v7 =	vld.idx.msk [tilespmem:v26+s29+$0x0], $0xffff  }
0x372: {  	v31 =	vld.idx.msk [tilespmem:v27+s28+$0x0], $0xffff;
	v2 =	vadd.f32 v3, v2;
	v3 =	vmul.f32 v4, v13  }
0x373: {  	v32 =	vor.u32 $0xB, v1;
	v4 =	vld.idx.msk [tilespmem:v27+s29+$0x0], $0xffff  }
0x374: {  	v33 =	vld.idx.msk [tilespmem:v6+s28+$0x0], $0xffff;
	v2 =	vadd.f32 v3, v2;
	v3 =	vmul.f32 v5, v28  }
0x375: {  	v5 =	vld.idx.msk [tilespmem:v6+s29+$0x0], $0xffff;
	v6 =	vor.u32 $0xC, v1  }
0x376: {  	v34 =	vld.idx.msk [tilespmem:v30+s28+$0x0], $0xffff;
	v2 =	vadd.f32 v3, v2;
	v3 =	vmul.f32 v7, v29  }
0x377: {  	v35 =	vor.u32 $0xD, v1;
	v7 =	vld.idx.msk [tilespmem:v30+s29+$0x0], $0xffff  }
0x378: {  	v36 =	vld.idx.msk [tilespmem:v32+s28+$0x0], $0xffff;
	v2 =	vadd.f32 v3, v2;
	v3 =	vmul.f32 v4, v31  }
0x379: {  	v37 =	vor.u32 $0xE, v1;
	v4 =	vld.idx.msk [tilespmem:v32+s29+$0x0], $0xffff  }
0x37a: {  	v38 =	vld.idx.msk [tilespmem:v6+s28+$0x0], $0xffff;
	v2 =	vadd.f32 v3, v2;
	v3 =	vmul.f32 v5, v33  }
0x37b: {  	v5 =	vld.idx.msk [tilespmem:v6+s29+$0x0], $0xffff;
	v6 =	vor.u32 $0xF, v1  }
0x37c: {  	v39 =	vld.idx.msk [tilespmem:v35+s28+$0x0], $0xffff;
	v2 =	vadd.f32 v3, v2;
	v3 =	vmul.f32 v7, v34  }
0x37d: {  	v40 =	vor.u32 $0x10, v1;
	v7 =	vld.idx.msk [tilespmem:v35+s29+$0x0], $0xffff  }
0x37e: {  	v41 =	vld.idx.msk [tilespmem:v37+s28+$0x0], $0xffff;
	v2 =	vadd.f32 v3, v2;
	v3 =	vmul.f32 v4, v36  }
0x37f: {  	v42 =	vor.u32 $0x11, v1;
	v4 =	vld.idx.msk [tilespmem:v37+s29+$0x0], $0xffff  }
0x380: {  	v43 =	vld.idx.msk [tilespmem:v6+s28+$0x0], $0xffff;
	v2 =	vadd.f32 v3, v2;
	v3 =	vmul.f32 v5, v38  }
0x381: {  	v5 =	vld.idx.msk [tilespmem:v6+s29+$0x0], $0xffff;
	v6 =	vor.u32 $0x12, v1  }
0x382: {  	v44 =	vld.idx.msk [tilespmem:v40+s28+$0x0], $0xffff;
	v2 =	vadd.f32 v3, v2;
	v3 =	vmul.f32 v7, v39  }
0x383: {  	v45 =	vor.u32 $0x13, v1;
	v7 =	vld.idx.msk [tilespmem:v40+s29+$0x0], $0xffff  }
0x384: {  	v46 =	vld.idx.msk [tilespmem:v42+s28+$0x0], $0xffff;
	v2 =	vadd.f32 v3, v2;
	v3 =	vmul.f32 v4, v41  }
0x385: {  	v47 =	vor.u32 $0x14, v1;
	v4 =	vld.idx.msk [tilespmem:v42+s29+$0x0], $0xffff  }
0x386: {  	v48 =	vld.idx.msk [tilespmem:v6+s28+$0x0], $0xffff;
	v2 =	vadd.f32 v3, v2;
	v3 =	vmul.f32 v5, v43  }
0x387: {  	v5 =	vld.idx.msk [tilespmem:v6+s29+$0x0], $0xffff;
	v6 =	vor.u32 $0x15, v1  }
0x388: {  	v49 =	vld.idx.msk [tilespmem:v45+s28+$0x0], $0xffff;
	v2 =	vadd.f32 v3, v2;
	v3 =	vmul.f32 v7, v44  }
0x389: {  	v50 =	vor.u32 $0x16, v1;
	v7 =	vld.idx.msk [tilespmem:v45+s29+$0x0], $0xffff  }
0x38a: {  	v51 =	vld.idx.msk [tilespmem:v47+s28+$0x0], $0xffff;
	v2 =	vadd.f32 v3, v2;
	v3 =	vmul.f32 v4, v46  }
0x38b: {  	v52 =	vor.u32 $0x17, v1;
	v4 =	vld.idx.msk [tilespmem:v47+s29+$0x0], $0xffff  }
0x38c: {  	v53 =	vld.idx.msk [tilespmem:v6+s28+$0x0], $0xffff;
	v2 =	vadd.f32 v3, v2;
	v3 =	vmul.f32 v5, v48  }
0x38d: {  	v5 =	vld.idx.msk [tilespmem:v6+s29+$0x0], $0xffff;
	v6 =	vor.u32 $0x18, v1  }
0x38e: {  	v54 =	vld.idx.msk [tilespmem:v50+s28+$0x0], $0xffff;
	v2 =	vadd.f32 v3, v2;
	v3 =	vmul.f32 v7, v49  }
0x38f: {  	v55 =	vor.u32 $0x19, v1;
	v7 =	vld.idx.msk [tilespmem:v50+s29+$0x0], $0xffff  }
0x390: {  	v56 =	vld.idx.msk [tilespmem:v52+s28+$0x0], $0xffff;
	v2 =	vadd.f32 v3, v2;
	v3 =	vmul.f32 v4, v51  }
0x391: {  	v57 =	vor.u32 $0x1A, v1;
	v4 =	vld.idx.msk [tilespmem:v52+s29+$0x0], $0xffff  }
0x392: {  	v58 =	vld.idx.msk [tilespmem:v6+s28+$0x0], $0xffff;
	v2 =	vadd.f32 v3, v2;
	v3 =	vmul.f32 v5, v53  }
0x393: {  	v5 =	vld.idx.msk [tilespmem:v6+s29+$0x0], $0xffff;
	v6 =	vor.u32 $0x1B, v1  }
0x394: {  	v59 =	vld.idx.msk [tilespmem:v55+s28+$0x0], $0xffff;
	v2 =	vadd.f32 v3, v2;
	v3 =	vmul.f32 v7, v54  }
0x395: {  	v60 =	vor.u32 $0x1C, v1;
	v7 =	vld.idx.msk [tilespmem:v55+s29+$0x0], $0xffff  }
0x396: {  	v61 =	vld.idx.msk [tilespmem:v57+s28+$0x0], $0xffff;
	v2 =	vadd.f32 v3, v2;
	v3 =	vmul.f32 v4, v56  }
0x397: {  	v62 =	vor.u32 $0x1D, v1;
	v4 =	vld.idx.msk [tilespmem:v57+s29+$0x0], $0xffff  }
0x398: {  	v63 =	vld.idx.msk [tilespmem:v6+s28+$0x0], $0xffff;
	v2 =	vadd.f32 v3, v2;
	v3 =	vmul.f32 v5, v58  }
0x399: {  	v5 =	vld.idx.msk [tilespmem:v6+s29+$0x0], $0xffff;
	v6 =	vor.u32 $0x1E, v1  }
0x39a: {  	v16 =	vld.idx.msk [tilespmem:v60+s28+$0x0], $0xffff;
	v2 =	vadd.f32 v3, v2;
	v3 =	vmul.f32 v7, v59  }
0x39b: {  	v1 =	vor.u32 $0x1F, v1;
	v7 =	vld.idx.msk [tilespmem:v60+s29+$0x0], $0xffff  }
0x39c: {  	v17 =	vld.idx.msk [tilespmem:v62+s28+$0x0], $0xffff;
	v2 =	vadd.f32 v3, v2;
	v3 =	vmul.f32 v4, v61  }
0x39d: {  	v4 =	vld.idx.msk [tilespmem:v62+s29+$0x0], $0xffff  }
0x39e: {  	v18 =	vld.idx.msk [tilespmem:v6+s28+$0x0], $0xffff;
	v2 =	vadd.f32 v3, v2;
	v3 =	vmul.f32 v5, v63  }
0x39f: {  	v5 =	vld.idx.msk [tilespmem:v6+s29+$0x0], $0xffff  }
0x3a0: {  	v6 =	vld.idx.msk [tilespmem:v1+s28+$0x0], $0xffff;
	v2 =	vadd.f32 v3, v2;
	v3 =	vmul.f32 v7, v16  }
0x3a1: {  	v1 =	vld.idx.msk [tilespmem:v1+s29+$0x0], $0xffff  }
0x3a2: {  	v2 =	vadd.f32 v3, v2;
	v3 =	vmul.f32 v4, v17;
	_ =	sdelay $0x1  }
0x3a3: {  	v2 =	vadd.f32 v3, v2;
	v3 =	vmul.f32 v5, v18;
	_ =	sdelay $0x1  }
0x3a4: {  	v1 =	vmul.f32 v1, v6;
	v2 =	vadd.f32 v3, v2;
	_ =	sdelay $0x1  }
0x3a5: {  	v1 =	vadd.f32 v1, v2  }
0x3a6: {  	s24 =	simm.s32 $0x0;
	s22 =	sadd.s32 $0x10, s22  }
0x3a7: {  	[tilespmem:s22+$0x0] =	vst v1;
	v1 =	vmov s24  }
0x3a8: {  	_ =	swait.ge [sflag:s14], $0x4000;
	v1 =	vshll.u32 v1, $0x7  }
0x3a9: {  	[sflag:s14] =	ssyncset.done $0x0;
	v1 =	vor.u32 v0, v1  }
0x3aa: {  	[sflag:s14] =	ssyncadd.s32 $0xFFFFC000  }
0x3ab: {  	v2 =	vor.u32 $0x1, v1;
	_ =	swait.ge [sflag:s15], $0x4000  }
0x3ac: {  	[sflag:s15] =	ssyncset.done $0x0  }
0x3ad: {  	v3 =	vor.u32 $0x2, v1;
	[sflag:s15] =	ssyncadd.s32 $0xFFFFC000  }
0x3ae: {  	v4 =	vld.idx.msk [tilespmem:v1+s31+$0x0], $0xffff  }
0x3af: {  	v6 =	vor.u32 $0x3, v1;
	v5 =	vld.idx.msk [tilespmem:v1+s30+$0x0], $0xffff  }
0x3b0: {  	v7 =	vld.idx.msk [tilespmem:v2+s30+$0x0], $0xffff  }
0x3b1: {  	v19 =	vor.u32 $0x4, v1;
	v2 =	vld.idx.msk [tilespmem:v2+s31+$0x0], $0xffff  }
0x3b2: {  	v20 =	vld.idx.msk [tilespmem:v3+s30+$0x0], $0xffff  }
0x3b3: {  	v21 =	vor.u32 $0x5, v1;
	v3 =	vld.idx.msk [tilespmem:v3+s31+$0x0], $0xffff  }
0x3b4: {  	v22 =	vld.idx.msk [tilespmem:v6+s30+$0x0], $0xffff;
	v4 =	vmul.f32 v4, v5  }
0x3b5: {  	v5 =	vld.idx.msk [tilespmem:v6+s31+$0x0], $0xffff;
	v6 =	vor.u32 $0x6, v1  }
0x3b6: {  	v23 =	vld.idx.msk [tilespmem:v19+s30+$0x0], $0xffff;
	v2 =	vmul.f32 v2, v7;
	v4 =	vadd.f32 $0.0e+00, v4  }
0x3b7: {  	v24 =	vor.u32 $0x7, v1;
	v7 =	vld.idx.msk [tilespmem:v19+s31+$0x0], $0xffff  }
0x3b8: {  	v25 =	vld.idx.msk [tilespmem:v21+s30+$0x0], $0xffff;
	v3 =	vmul.f32 v3, v20;
	v2 =	vadd.f32 v2, v4  }
0x3b9: {  	v26 =	vor.u32 $0x8, v1;
	v4 =	vld.idx.msk [tilespmem:v21+s31+$0x0], $0xffff  }
0x3ba: {  	v27 =	vld.idx.msk [tilespmem:v6+s30+$0x0], $0xffff;
	v2 =	vadd.f32 v3, v2;
	v3 =	vmul.f32 v5, v22  }
0x3bb: {  	v5 =	vld.idx.msk [tilespmem:v6+s31+$0x0], $0xffff;
	v6 =	vor.u32 $0x9, v1  }
0x3bc: {  	v28 =	vld.idx.msk [tilespmem:v24+s30+$0x0], $0xffff;
	v2 =	vadd.f32 v3, v2;
	v3 =	vmul.f32 v7, v23  }
0x3bd: {  	v29 =	vor.u32 $0xA, v1;
	v7 =	vld.idx.msk [tilespmem:v24+s31+$0x0], $0xffff  }
0x3be: {  	v30 =	vld.idx.msk [tilespmem:v26+s30+$0x0], $0xffff;
	v2 =	vadd.f32 v3, v2;
	v3 =	vmul.f32 v4, v25  }
0x3bf: {  	v31 =	vor.u32 $0xB, v1;
	v4 =	vld.idx.msk [tilespmem:v26+s31+$0x0], $0xffff  }
0x3c0: {  	v32 =	vld.idx.msk [tilespmem:v6+s30+$0x0], $0xffff;
	v2 =	vadd.f32 v3, v2;
	v3 =	vmul.f32 v5, v27  }
0x3c1: {  	v5 =	vld.idx.msk [tilespmem:v6+s31+$0x0], $0xffff;
	v6 =	vor.u32 $0xC, v1  }
0x3c2: {  	v33 =	vld.idx.msk [tilespmem:v29+s30+$0x0], $0xffff;
	v2 =	vadd.f32 v3, v2;
	v3 =	vmul.f32 v7, v28  }
0x3c3: {  	v34 =	vor.u32 $0xD, v1;
	v7 =	vld.idx.msk [tilespmem:v29+s31+$0x0], $0xffff  }
0x3c4: {  	v35 =	vld.idx.msk [tilespmem:v31+s30+$0x0], $0xffff;
	v2 =	vadd.f32 v3, v2;
	v3 =	vmul.f32 v4, v30  }
0x3c5: {  	v36 =	vor.u32 $0xE, v1;
	v4 =	vld.idx.msk [tilespmem:v31+s31+$0x0], $0xffff  }
0x3c6: {  	v37 =	vld.idx.msk [tilespmem:v6+s30+$0x0], $0xffff;
	v2 =	vadd.f32 v3, v2;
	v3 =	vmul.f32 v5, v32  }
0x3c7: {  	v5 =	vld.idx.msk [tilespmem:v6+s31+$0x0], $0xffff;
	v6 =	vor.u32 $0xF, v1  }
0x3c8: {  	v38 =	vld.idx.msk [tilespmem:v34+s30+$0x0], $0xffff;
	v2 =	vadd.f32 v3, v2;
	v3 =	vmul.f32 v7, v33  }
0x3c9: {  	v39 =	vor.u32 $0x10, v1;
	v7 =	vld.idx.msk [tilespmem:v34+s31+$0x0], $0xffff  }
0x3ca: {  	v40 =	vld.idx.msk [tilespmem:v36+s30+$0x0], $0xffff;
	v2 =	vadd.f32 v3, v2;
	v3 =	vmul.f32 v4, v35  }
0x3cb: {  	v41 =	vor.u32 $0x11, v1;
	v4 =	vld.idx.msk [tilespmem:v36+s31+$0x0], $0xffff  }
0x3cc: {  	v42 =	vld.idx.msk [tilespmem:v6+s30+$0x0], $0xffff;
	v2 =	vadd.f32 v3, v2;
	v3 =	vmul.f32 v5, v37  }
0x3cd: {  	v5 =	vld.idx.msk [tilespmem:v6+s31+$0x0], $0xffff;
	v6 =	vor.u32 $0x12, v1  }
0x3ce: {  	v43 =	vld.idx.msk [tilespmem:v39+s30+$0x0], $0xffff;
	v2 =	vadd.f32 v3, v2;
	v3 =	vmul.f32 v7, v38  }
0x3cf: {  	v44 =	vor.u32 $0x13, v1;
	v7 =	vld.idx.msk [tilespmem:v39+s31+$0x0], $0xffff  }
0x3d0: {  	v45 =	vld.idx.msk [tilespmem:v41+s30+$0x0], $0xffff;
	v2 =	vadd.f32 v3, v2;
	v3 =	vmul.f32 v4, v40  }
0x3d1: {  	v46 =	vor.u32 $0x14, v1;
	v4 =	vld.idx.msk [tilespmem:v41+s31+$0x0], $0xffff  }
0x3d2: {  	v47 =	vld.idx.msk [tilespmem:v6+s30+$0x0], $0xffff;
	v2 =	vadd.f32 v3, v2;
	v3 =	vmul.f32 v5, v42  }
0x3d3: {  	v5 =	vld.idx.msk [tilespmem:v6+s31+$0x0], $0xffff;
	v6 =	vor.u32 $0x15, v1  }
0x3d4: {  	v48 =	vld.idx.msk [tilespmem:v44+s30+$0x0], $0xffff;
	v2 =	vadd.f32 v3, v2;
	v3 =	vmul.f32 v7, v43  }
0x3d5: {  	v49 =	vor.u32 $0x16, v1;
	v7 =	vld.idx.msk [tilespmem:v44+s31+$0x0], $0xffff  }
0x3d6: {  	v50 =	vld.idx.msk [tilespmem:v46+s30+$0x0], $0xffff;
	v2 =	vadd.f32 v3, v2;
	v3 =	vmul.f32 v4, v45  }
0x3d7: {  	v51 =	vor.u32 $0x17, v1;
	v4 =	vld.idx.msk [tilespmem:v46+s31+$0x0], $0xffff  }
0x3d8: {  	v52 =	vld.idx.msk [tilespmem:v6+s30+$0x0], $0xffff;
	v2 =	vadd.f32 v3, v2;
	v3 =	vmul.f32 v5, v47  }
0x3d9: {  	v5 =	vld.idx.msk [tilespmem:v6+s31+$0x0], $0xffff;
	v6 =	vor.u32 $0x18, v1  }
0x3da: {  	v53 =	vld.idx.msk [tilespmem:v49+s30+$0x0], $0xffff;
	v2 =	vadd.f32 v3, v2;
	v3 =	vmul.f32 v7, v48  }
0x3db: {  	v54 =	vor.u32 $0x19, v1;
	v7 =	vld.idx.msk [tilespmem:v49+s31+$0x0], $0xffff  }
0x3dc: {  	v55 =	vld.idx.msk [tilespmem:v51+s30+$0x0], $0xffff;
	v2 =	vadd.f32 v3, v2;
	v3 =	vmul.f32 v4, v50  }
0x3dd: {  	v56 =	vor.u32 $0x1A, v1;
	v4 =	vld.idx.msk [tilespmem:v51+s31+$0x0], $0xffff  }
0x3de: {  	v57 =	vld.idx.msk [tilespmem:v6+s30+$0x0], $0xffff;
	v2 =	vadd.f32 v3, v2;
	v3 =	vmul.f32 v5, v52  }
0x3df: {  	v5 =	vld.idx.msk [tilespmem:v6+s31+$0x0], $0xffff;
	v6 =	vor.u32 $0x1B, v1  }
0x3e0: {  	v58 =	vld.idx.msk [tilespmem:v54+s30+$0x0], $0xffff;
	v2 =	vadd.f32 v3, v2;
	v3 =	vmul.f32 v7, v53  }
0x3e1: {  	v59 =	vor.u32 $0x1C, v1;
	v7 =	vld.idx.msk [tilespmem:v54+s31+$0x0], $0xffff  }
0x3e2: {  	v60 =	vld.idx.msk [tilespmem:v56+s30+$0x0], $0xffff;
	v2 =	vadd.f32 v3, v2;
	v3 =	vmul.f32 v4, v55  }
0x3e3: {  	v61 =	vor.u32 $0x1D, v1;
	v4 =	vld.idx.msk [tilespmem:v56+s31+$0x0], $0xffff  }
0x3e4: {  	v62 =	vld.idx.msk [tilespmem:v6+s30+$0x0], $0xffff;
	v2 =	vadd.f32 v3, v2;
	v3 =	vmul.f32 v5, v57  }
0x3e5: {  	v5 =	vld.idx.msk [tilespmem:v6+s31+$0x0], $0xffff;
	v6 =	vor.u32 $0x1E, v1  }
0x3e6: {  	v63 =	vld.idx.msk [tilespmem:v59+s30+$0x0], $0xffff;
	v2 =	vadd.f32 v3, v2;
	v3 =	vmul.f32 v7, v58  }
0x3e7: {  	v1 =	vor.u32 $0x1F, v1;
	v7 =	vld.idx.msk [tilespmem:v59+s31+$0x0], $0xffff  }
0x3e8: {  	v15 =	vld.idx.msk [tilespmem:v61+s30+$0x0], $0xffff;
	v2 =	vadd.f32 v3, v2;
	v3 =	vmul.f32 v4, v60  }
0x3e9: {  	v4 =	vld.idx.msk [tilespmem:v61+s31+$0x0], $0xffff  }
0x3ea: {  	v16 =	vld.idx.msk [tilespmem:v6+s30+$0x0], $0xffff;
	v2 =	vadd.f32 v3, v2;
	v3 =	vmul.f32 v5, v62  }
0x3eb: {  	v5 =	vld.idx.msk [tilespmem:v6+s31+$0x0], $0xffff  }
0x3ec: {  	v6 =	vld.idx.msk [tilespmem:v1+s30+$0x0], $0xffff;
	v2 =	vadd.f32 v3, v2;
	v3 =	vmul.f32 v7, v63  }
0x3ed: {  	v7 =	vld.idx.msk [tilespmem:v1+s31+$0x0], $0xffff  }
0x3ee: {  	v1 =	vadd.f32 v3, v2;
	v2 =	vmul.f32 v4, v15  }
0x3ef: {  	s24 =	simm.s32 $0x10  }
0x3f0: {  	v3 =	vmov s24;
	v4 =	vmul.f32 v5, v16;
	v2 =	vadd.f32 v2, v1  }
0x3f1: {  	v1 =	vshll.u32 v3, $0x7  }
0x3f2: {  	v1 =	vor.u32 v0, v1;
	v3 =	vmul.f32 v7, v6;
	v2 =	vadd.f32 v4, v2;
	_ =	sdelay $0x1  }
0x3f3: {  	v4 =	vor.u32 $0x1, v1;
	v2 =	vadd.f32 v3, v2  }
0x3f4: {  	s22 =	simm.s32 $0x10980  }
0x3f5: {  	v3 =	vor.u32 $0x2, v1;
	[tilespmem:s22+$0x0] =	vst v2  }
0x3f6: {  	v2 =	vld.idx.msk [tilespmem:v1+s31+$0x0], $0xffff  }
0x3f7: {  	v6 =	vor.u32 $0x3, v1;
	v5 =	vld.idx.msk [tilespmem:v1+s30+$0x0], $0xffff  }
0x3f8: {  	v7 =	vld.idx.msk [tilespmem:v4+s30+$0x0], $0xffff  }
0x3f9: {  	v17 =	vor.u32 $0x4, v1;
	v4 =	vld.idx.msk [tilespmem:v4+s31+$0x0], $0xffff  }
0x3fa: {  	v18 =	vld.idx.msk [tilespmem:v3+s30+$0x0], $0xffff  }
0x3fb: {  	v19 =	vor.u32 $0x5, v1;
	v3 =	vld.idx.msk [tilespmem:v3+s31+$0x0], $0xffff  }
0x3fc: {  	v20 =	vld.idx.msk [tilespmem:v6+s30+$0x0], $0xffff;
	v2 =	vmul.f32 v2, v5  }
0x3fd: {  	v5 =	vld.idx.msk [tilespmem:v6+s31+$0x0], $0xffff;
	v6 =	vor.u32 $0x6, v1  }
0x3fe: {  	v21 =	vld.idx.msk [tilespmem:v17+s30+$0x0], $0xffff;
	v4 =	vmul.f32 v4, v7;
	v2 =	vadd.f32 $0.0e+00, v2  }
0x3ff: {  	v22 =	vor.u32 $0x7, v1;
	v7 =	vld.idx.msk [tilespmem:v17+s31+$0x0], $0xffff  }
0x400: {  	v23 =	vld.idx.msk [tilespmem:v19+s30+$0x0], $0xffff;
	v3 =	vmul.f32 v3, v18;
	v2 =	vadd.f32 v4, v2  }
0x401: {  	v24 =	vor.u32 $0x8, v1;
	v4 =	vld.idx.msk [tilespmem:v19+s31+$0x0], $0xffff  }
0x402: {  	v25 =	vld.idx.msk [tilespmem:v6+s30+$0x0], $0xffff;
	v2 =	vadd.f32 v3, v2;
	v3 =	vmul.f32 v5, v20  }
0x403: {  	v5 =	vld.idx.msk [tilespmem:v6+s31+$0x0], $0xffff;
	v6 =	vor.u32 $0x9, v1  }
0x404: {  	v26 =	vld.idx.msk [tilespmem:v22+s30+$0x0], $0xffff;
	v2 =	vadd.f32 v3, v2;
	v3 =	vmul.f32 v7, v21  }
0x405: {  	v27 =	vor.u32 $0xA, v1;
	v7 =	vld.idx.msk [tilespmem:v22+s31+$0x0], $0xffff  }
0x406: {  	v28 =	vld.idx.msk [tilespmem:v24+s30+$0x0], $0xffff;
	v2 =	vadd.f32 v3, v2;
	v3 =	vmul.f32 v4, v23  }
0x407: {  	v29 =	vor.u32 $0xB, v1;
	v4 =	vld.idx.msk [tilespmem:v24+s31+$0x0], $0xffff  }
0x408: {  	v30 =	vld.idx.msk [tilespmem:v6+s30+$0x0], $0xffff;
	v2 =	vadd.f32 v3, v2;
	v3 =	vmul.f32 v5, v25  }
0x409: {  	v5 =	vld.idx.msk [tilespmem:v6+s31+$0x0], $0xffff;
	v6 =	vor.u32 $0xC, v1  }
0x40a: {  	v31 =	vld.idx.msk [tilespmem:v27+s30+$0x0], $0xffff;
	v2 =	vadd.f32 v3, v2;
	v3 =	vmul.f32 v7, v26  }
0x40b: {  	v32 =	vor.u32 $0xD, v1;
	v7 =	vld.idx.msk [tilespmem:v27+s31+$0x0], $0xffff  }
0x40c: {  	v33 =	vld.idx.msk [tilespmem:v29+s30+$0x0], $0xffff;
	v2 =	vadd.f32 v3, v2;
	v3 =	vmul.f32 v4, v28  }
0x40d: {  	v34 =	vor.u32 $0xE, v1;
	v4 =	vld.idx.msk [tilespmem:v29+s31+$0x0], $0xffff  }
0x40e: {  	v35 =	vld.idx.msk [tilespmem:v6+s30+$0x0], $0xffff;
	v2 =	vadd.f32 v3, v2;
	v3 =	vmul.f32 v5, v30  }
0x40f: {  	v5 =	vld.idx.msk [tilespmem:v6+s31+$0x0], $0xffff;
	v6 =	vor.u32 $0xF, v1  }
0x410: {  	v36 =	vld.idx.msk [tilespmem:v32+s30+$0x0], $0xffff;
	v2 =	vadd.f32 v3, v2;
	v3 =	vmul.f32 v7, v31  }
0x411: {  	v37 =	vor.u32 $0x10, v1;
	v7 =	vld.idx.msk [tilespmem:v32+s31+$0x0], $0xffff  }
0x412: {  	v38 =	vld.idx.msk [tilespmem:v34+s30+$0x0], $0xffff;
	v2 =	vadd.f32 v3, v2;
	v3 =	vmul.f32 v4, v33  }
0x413: {  	v39 =	vor.u32 $0x11, v1;
	v4 =	vld.idx.msk [tilespmem:v34+s31+$0x0], $0xffff  }
0x414: {  	v40 =	vld.idx.msk [tilespmem:v6+s30+$0x0], $0xffff;
	v2 =	vadd.f32 v3, v2;
	v3 =	vmul.f32 v5, v35  }
0x415: {  	v5 =	vld.idx.msk [tilespmem:v6+s31+$0x0], $0xffff;
	v6 =	vor.u32 $0x12, v1  }
0x416: {  	v41 =	vld.idx.msk [tilespmem:v37+s30+$0x0], $0xffff;
	v2 =	vadd.f32 v3, v2;
	v3 =	vmul.f32 v7, v36  }
0x417: {  	v42 =	vor.u32 $0x13, v1;
	v7 =	vld.idx.msk [tilespmem:v37+s31+$0x0], $0xffff  }
0x418: {  	v43 =	vld.idx.msk [tilespmem:v39+s30+$0x0], $0xffff;
	v2 =	vadd.f32 v3, v2;
	v3 =	vmul.f32 v4, v38  }
0x419: {  	v44 =	vor.u32 $0x14, v1;
	v4 =	vld.idx.msk [tilespmem:v39+s31+$0x0], $0xffff  }
0x41a: {  	v45 =	vld.idx.msk [tilespmem:v6+s30+$0x0], $0xffff;
	v2 =	vadd.f32 v3, v2;
	v3 =	vmul.f32 v5, v40  }
0x41b: {  	v5 =	vld.idx.msk [tilespmem:v6+s31+$0x0], $0xffff;
	v6 =	vor.u32 $0x15, v1  }
0x41c: {  	v46 =	vld.idx.msk [tilespmem:v42+s30+$0x0], $0xffff;
	v2 =	vadd.f32 v3, v2;
	v3 =	vmul.f32 v7, v41  }
0x41d: {  	v47 =	vor.u32 $0x16, v1;
	v7 =	vld.idx.msk [tilespmem:v42+s31+$0x0], $0xffff  }
0x41e: {  	v48 =	vld.idx.msk [tilespmem:v44+s30+$0x0], $0xffff;
	v2 =	vadd.f32 v3, v2;
	v3 =	vmul.f32 v4, v43  }
0x41f: {  	v49 =	vor.u32 $0x17, v1;
	v4 =	vld.idx.msk [tilespmem:v44+s31+$0x0], $0xffff  }
0x420: {  	v50 =	vld.idx.msk [tilespmem:v6+s30+$0x0], $0xffff;
	v2 =	vadd.f32 v3, v2;
	v3 =	vmul.f32 v5, v45  }
0x421: {  	v5 =	vld.idx.msk [tilespmem:v6+s31+$0x0], $0xffff;
	v6 =	vor.u32 $0x18, v1  }
0x422: {  	v51 =	vld.idx.msk [tilespmem:v47+s30+$0x0], $0xffff;
	v2 =	vadd.f32 v3, v2;
	v3 =	vmul.f32 v7, v46  }
0x423: {  	v52 =	vor.u32 $0x19, v1;
	v7 =	vld.idx.msk [tilespmem:v47+s31+$0x0], $0xffff  }
0x424: {  	v53 =	vld.idx.msk [tilespmem:v49+s30+$0x0], $0xffff;
	v2 =	vadd.f32 v3, v2;
	v3 =	vmul.f32 v4, v48  }
0x425: {  	v54 =	vor.u32 $0x1A, v1;
	v4 =	vld.idx.msk [tilespmem:v49+s31+$0x0], $0xffff  }
0x426: {  	v55 =	vld.idx.msk [tilespmem:v6+s30+$0x0], $0xffff;
	v2 =	vadd.f32 v3, v2;
	v3 =	vmul.f32 v5, v50  }
0x427: {  	v5 =	vld.idx.msk [tilespmem:v6+s31+$0x0], $0xffff;
	v6 =	vor.u32 $0x1B, v1  }
0x428: {  	v56 =	vld.idx.msk [tilespmem:v52+s30+$0x0], $0xffff;
	v2 =	vadd.f32 v3, v2;
	v3 =	vmul.f32 v7, v51  }
0x429: {  	v57 =	vor.u32 $0x1C, v1;
	v7 =	vld.idx.msk [tilespmem:v52+s31+$0x0], $0xffff  }
0x42a: {  	v58 =	vld.idx.msk [tilespmem:v54+s30+$0x0], $0xffff;
	v2 =	vadd.f32 v3, v2;
	v3 =	vmul.f32 v4, v53  }
0x42b: {  	v4 =	vld.idx.msk [tilespmem:v54+s31+$0x0], $0xffff  }
0x42c: {  	v60 =	vld.idx.msk [tilespmem:v6+s30+$0x0], $0xffff;
	v2 =	vadd.f32 v3, v2;
	v3 =	vmul.f32 v5, v55  }
0x42d: {  	v59 =	vor.u32 $0x1D, v1;
	v5 =	vld.idx.msk [tilespmem:v6+s31+$0x0], $0xffff  }
0x42e: {  	v61 =	vld.idx.msk [tilespmem:v57+s30+$0x0], $0xffff;
	v2 =	vadd.f32 v3, v2;
	v3 =	vmul.f32 v7, v56  }
0x42f: {  	v6 =	vor.u32 $0x1E, v1;
	v7 =	vld.idx.msk [tilespmem:v57+s31+$0x0], $0xffff  }
0x430: {  	v2 =	vadd.f32 v3, v2;
	v3 =	vmul.f32 v4, v58  }
0x431: {  	v1 =	vor.u32 $0x1F, v1  }
0x432: {  	v62 =	vld.idx.msk [tilespmem:v59+s30+$0x0], $0xffff;
	v2 =	vadd.f32 v3, v2;
	v3 =	vmul.f32 v5, v60  }
0x433: {  	v4 =	vld.idx.msk [tilespmem:v59+s31+$0x0], $0xffff  }
0x434: {  	v63 =	vld.idx.msk [tilespmem:v6+s30+$0x0], $0xffff;
	v2 =	vadd.f32 v3, v2;
	v3 =	vmul.f32 v7, v61  }
0x435: {  	v5 =	vld.idx.msk [tilespmem:v6+s31+$0x0], $0xffff  }
0x436: {  	v6 =	vadd.f32 v3, v2;
	v2 =	vld.idx.msk [tilespmem:v1+s30+$0x0], $0xffff  }
0x437: {  	v3 =	vld.idx.msk [tilespmem:v1+s31+$0x0], $0xffff  }
0x438: {  	v4 =	vmul.f32 v4, v62  }
0x439: {  	s24 =	simm.s32 $0x20  }
0x43a: {  	v7 =	vmov s24;
	v5 =	vmul.f32 v5, v63;
	v4 =	vadd.f32 v4, v6  }
0x43b: {  	s24 =	simm.s32 $0x30;
	v1 =	vshll.u32 v7, $0x7  }
.LBB2_8:
0x43c: {  	p0 =	sne.s32 s24, $0x70;
	v1 =	vor.u32 v0, v1;
	v4 =	vadd.f32 v5, v4;
	v2 =	vmul.f32 v3, v2;
	_ =	sdelay $0x1  }
0x43d: {  	v3 =	vor.u32 $0x1, v1;
	v2 =	vadd.f32 v2, v4  }
0x43e: {  	s22 =	sadd.s32 $0x10, s22  }
0x43f: {  	v4 =	vor.u32 $0x2, v1;
	[tilespmem:s22+$0x0] =	vst v2  }
0x440: {  	v2 =	vld.idx.msk [tilespmem:v1+s31+$0x0], $0xffff  }
0x441: {  	v6 =	vor.u32 $0x3, v1;
	v5 =	vld.idx.msk [tilespmem:v1+s30+$0x0], $0xffff  }
0x442: {  	v7 =	vld.idx.msk [tilespmem:v3+s30+$0x0], $0xffff  }
0x443: {  	v8 =	vor.u32 $0x4, v1;
	v3 =	vld.idx.msk [tilespmem:v3+s31+$0x0], $0xffff  }
0x444: {  	v9 =	vld.idx.msk [tilespmem:v4+s30+$0x0], $0xffff  }
0x445: {  	v10 =	vor.u32 $0x5, v1;
	v4 =	vld.idx.msk [tilespmem:v4+s31+$0x0], $0xffff  }
0x446: {  	v11 =	vld.idx.msk [tilespmem:v6+s30+$0x0], $0xffff  }
0x447: {  	v2 =	vmul.f32 v2, v5;
	v5 =	vld.idx.msk [tilespmem:v6+s31+$0x0], $0xffff;
	v6 =	vor.u32 $0x6, v1  }
0x448: {  	v12 =	vld.idx.msk [tilespmem:v8+s30+$0x0], $0xffff  }
0x449: {  	v2 =	vadd.f32 $0.0e+00, v2;
	v3 =	vmul.f32 v3, v7;
	v7 =	vld.idx.msk [tilespmem:v8+s31+$0x0], $0xffff;
	v8 =	vor.u32 $0x7, v1  }
0x44a: {  	v13 =	vld.idx.msk [tilespmem:v10+s30+$0x0], $0xffff  }
0x44b: {  	v2 =	vadd.f32 v3, v2;
	v3 =	vmul.f32 v4, v9;
	v9 =	vor.u32 $0x8, v1;
	v4 =	vld.idx.msk [tilespmem:v10+s31+$0x0], $0xffff  }
0x44c: {  	v10 =	vld.idx.msk [tilespmem:v6+s30+$0x0], $0xffff  }
0x44d: {  	v2 =	vadd.f32 v3, v2;
	v3 =	vmul.f32 v5, v11;
	v5 =	vld.idx.msk [tilespmem:v6+s31+$0x0], $0xffff;
	v6 =	vor.u32 $0x9, v1  }
0x44e: {  	v11 =	vld.idx.msk [tilespmem:v8+s30+$0x0], $0xffff  }
0x44f: {  	v2 =	vadd.f32 v3, v2;
	v3 =	vmul.f32 v7, v12;
	v7 =	vld.idx.msk [tilespmem:v8+s31+$0x0], $0xffff;
	v8 =	vor.u32 $0xA, v1  }
0x450: {  	v12 =	vld.idx.msk [tilespmem:v9+s30+$0x0], $0xffff  }
0x451: {  	v2 =	vadd.f32 v3, v2;
	v3 =	vmul.f32 v4, v13;
	v4 =	vld.idx.msk [tilespmem:v9+s31+$0x0], $0xffff;
	v9 =	vor.u32 $0xB, v1  }
0x452: {  	v13 =	vld.idx.msk [tilespmem:v6+s30+$0x0], $0xffff  }
0x453: {  	v2 =	vadd.f32 v3, v2;
	v3 =	vmul.f32 v5, v10;
	v5 =	vld.idx.msk [tilespmem:v6+s31+$0x0], $0xffff;
	v6 =	vor.u32 $0xC, v1  }
0x454: {  	v10 =	vld.idx.msk [tilespmem:v8+s30+$0x0], $0xffff  }
0x455: {  	v2 =	vadd.f32 v3, v2;
	v3 =	vmul.f32 v7, v11;
	v7 =	vld.idx.msk [tilespmem:v8+s31+$0x0], $0xffff;
	v8 =	vor.u32 $0xD, v1  }
0x456: {  	v11 =	vld.idx.msk [tilespmem:v9+s30+$0x0], $0xffff  }
0x457: {  	v2 =	vadd.f32 v3, v2;
	v3 =	vmul.f32 v4, v12;
	v4 =	vld.idx.msk [tilespmem:v9+s31+$0x0], $0xffff;
	v9 =	vor.u32 $0xE, v1  }
0x458: {  	v12 =	vld.idx.msk [tilespmem:v6+s30+$0x0], $0xffff  }
0x459: {  	v2 =	vadd.f32 v3, v2;
	v3 =	vmul.f32 v5, v13;
	v5 =	vld.idx.msk [tilespmem:v6+s31+$0x0], $0xffff;
	v6 =	vor.u32 $0xF, v1  }
0x45a: {  	v13 =	vld.idx.msk [tilespmem:v8+s30+$0x0], $0xffff  }
0x45b: {  	v2 =	vadd.f32 v3, v2;
	v3 =	vmul.f32 v7, v10;
	v7 =	vld.idx.msk [tilespmem:v8+s31+$0x0], $0xffff;
	v8 =	vor.u32 $0x10, v1  }
0x45c: {  	v10 =	vld.idx.msk [tilespmem:v9+s30+$0x0], $0xffff  }
0x45d: {  	v2 =	vadd.f32 v3, v2;
	v3 =	vmul.f32 v4, v11;
	v4 =	vld.idx.msk [tilespmem:v9+s31+$0x0], $0xffff;
	v9 =	vor.u32 $0x11, v1  }
0x45e: {  	v11 =	vld.idx.msk [tilespmem:v6+s30+$0x0], $0xffff  }
0x45f: {  	v2 =	vadd.f32 v3, v2;
	v3 =	vmul.f32 v5, v12;
	v5 =	vld.idx.msk [tilespmem:v6+s31+$0x0], $0xffff;
	v6 =	vor.u32 $0x12, v1  }
0x460: {  	v12 =	vld.idx.msk [tilespmem:v8+s30+$0x0], $0xffff  }
0x461: {  	v2 =	vadd.f32 v3, v2;
	v3 =	vmul.f32 v7, v13;
	v7 =	vld.idx.msk [tilespmem:v8+s31+$0x0], $0xffff;
	v8 =	vor.u32 $0x13, v1  }
0x462: {  	v13 =	vld.idx.msk [tilespmem:v9+s30+$0x0], $0xffff  }
0x463: {  	v2 =	vadd.f32 v3, v2;
	v3 =	vmul.f32 v4, v10;
	v4 =	vld.idx.msk [tilespmem:v9+s31+$0x0], $0xffff;
	v9 =	vor.u32 $0x14, v1  }
0x464: {  	v10 =	vld.idx.msk [tilespmem:v6+s30+$0x0], $0xffff  }
0x465: {  	v2 =	vadd.f32 v3, v2;
	v3 =	vmul.f32 v5, v11;
	v5 =	vld.idx.msk [tilespmem:v6+s31+$0x0], $0xffff;
	v6 =	vor.u32 $0x15, v1  }
0x466: {  	v11 =	vld.idx.msk [tilespmem:v8+s30+$0x0], $0xffff  }
0x467: {  	v2 =	vadd.f32 v3, v2;
	v3 =	vmul.f32 v7, v12;
	v7 =	vld.idx.msk [tilespmem:v8+s31+$0x0], $0xffff;
	v8 =	vor.u32 $0x16, v1  }
0x468: {  	v12 =	vld.idx.msk [tilespmem:v9+s30+$0x0], $0xffff  }
0x469: {  	v2 =	vadd.f32 v3, v2;
	v3 =	vmul.f32 v4, v13;
	v4 =	vld.idx.msk [tilespmem:v9+s31+$0x0], $0xffff;
	v9 =	vor.u32 $0x17, v1  }
0x46a: {  	v13 =	vld.idx.msk [tilespmem:v6+s30+$0x0], $0xffff  }
0x46b: {  	v2 =	vadd.f32 v3, v2;
	v3 =	vmul.f32 v5, v10;
	v5 =	vld.idx.msk [tilespmem:v6+s31+$0x0], $0xffff;
	v6 =	vor.u32 $0x18, v1  }
0x46c: {  	v10 =	vld.idx.msk [tilespmem:v8+s30+$0x0], $0xffff  }
0x46d: {  	v2 =	vadd.f32 v3, v2;
	v3 =	vmul.f32 v7, v11;
	v7 =	vld.idx.msk [tilespmem:v8+s31+$0x0], $0xffff;
	v8 =	vor.u32 $0x19, v1  }
0x46e: {  	v11 =	vld.idx.msk [tilespmem:v9+s30+$0x0], $0xffff  }
0x46f: {  	v2 =	vadd.f32 v3, v2;
	v3 =	vmul.f32 v4, v12;
	v4 =	vld.idx.msk [tilespmem:v9+s31+$0x0], $0xffff;
	v9 =	vor.u32 $0x1A, v1  }
0x470: {  	v12 =	vld.idx.msk [tilespmem:v6+s30+$0x0], $0xffff  }
0x471: {  	v2 =	vadd.f32 v3, v2;
	v3 =	vmul.f32 v5, v13;
	v5 =	vld.idx.msk [tilespmem:v6+s31+$0x0], $0xffff;
	v6 =	vor.u32 $0x1B, v1  }
0x472: {  	v13 =	vld.idx.msk [tilespmem:v8+s30+$0x0], $0xffff  }
0x473: {  	v2 =	vadd.f32 v3, v2;
	v3 =	vmul.f32 v7, v10;
	v7 =	vld.idx.msk [tilespmem:v8+s31+$0x0], $0xffff;
	v8 =	vor.u32 $0x1C, v1  }
0x474: {  	v10 =	vld.idx.msk [tilespmem:v9+s30+$0x0], $0xffff  }
0x475: {  	v2 =	vadd.f32 v3, v2;
	v3 =	vmul.f32 v4, v11;
	v4 =	vld.idx.msk [tilespmem:v9+s31+$0x0], $0xffff;
	v9 =	vor.u32 $0x1D, v1  }
0x476: {  	v11 =	vld.idx.msk [tilespmem:v6+s30+$0x0], $0xffff  }
0x477: {  	v2 =	vadd.f32 v3, v2;
	v3 =	vmul.f32 v5, v12;
	v5 =	vld.idx.msk [tilespmem:v6+s31+$0x0], $0xffff;
	v6 =	vor.u32 $0x1E, v1  }
0x478: {  	v12 =	vld.idx.msk [tilespmem:v8+s30+$0x0], $0xffff  }
0x479: {  	v1 =	vor.u32 $0x1F, v1;
	v2 =	vadd.f32 v3, v2;
	v3 =	vmul.f32 v7, v13;
	v7 =	vld.idx.msk [tilespmem:v8+s31+$0x0], $0xffff  }
0x47a: {  	v8 =	vld.idx.msk [tilespmem:v9+s30+$0x0], $0xffff  }
0x47b: {  	v2 =	vadd.f32 v3, v2;
	v3 =	vmul.f32 v4, v10;
	v4 =	vld.idx.msk [tilespmem:v9+s31+$0x0], $0xffff  }
0x47c: {  	v9 =	vld.idx.msk [tilespmem:v6+s30+$0x0], $0xffff  }
0x47d: {  	v3 =	vadd.f32 v3, v2;
	v5 =	vmul.f32 v5, v11;
	v6 =	vld.idx.msk [tilespmem:v6+s31+$0x0], $0xffff  }
0x47e: {  	v2 =	vld.idx.msk [tilespmem:v1+s30+$0x0], $0xffff  }
0x47f: {  	v5 =	vadd.f32 v5, v3;
	v7 =	vmul.f32 v7, v12;
	v3 =	vld.idx.msk [tilespmem:v1+s31+$0x0], $0xffff  }
.Ltmp3:
0x480: {  	(pc) =	sbr.rel @p0 .LBB2_8-.Ltmp3, $3  }
0x481: {  	v1 =	vadd.f32 v7, v5;
	v4 =	vmul.f32 v4, v8;
	_ =	sdelay $0x1  }
0x482: {  	v7 =	vmov s24;
	v4 =	vadd.f32 v4, v1;
	v5 =	vmul.f32 v6, v9  }
0x483: {  	s24 =	sadd.s32 $0x10, s24;
	v1 =	vshll.u32 v7, $0x7  }
0x484: {  	v1 =	vor.u32 v0, v1;
	v4 =	vadd.f32 v5, v4;
	v2 =	vmul.f32 v3, v2;
	_ =	sdelay $0x1  }
0x485: {  	v3 =	vor.u32 $0x1, v1;
	v2 =	vadd.f32 v2, v4  }
0x486: {  	s22 =	sadd.s32 $0x10, s22  }
0x487: {  	v29 =	vor.u32 $0x2, v1;
	[tilespmem:s22+$0x0] =	vst v2  }
0x488: {  	v2 =	vld.idx.msk [tilespmem:v1+s31+$0x0], $0xffff  }
0x489: {  	v6 =	vor.u32 $0x3, v1;
	v30 =	vld.idx.msk [tilespmem:v1+s30+$0x0], $0xffff  }
0x48a: {  	v7 =	vld.idx.msk [tilespmem:v3+s30+$0x0], $0xffff  }
0x48b: {  	v8 =	vor.u32 $0x4, v1;
	v3 =	vld.idx.msk [tilespmem:v3+s31+$0x0], $0xffff  }
0x48c: {  	v9 =	vld.idx.msk [tilespmem:v29+s30+$0x0], $0xffff  }
0x48d: {  	v10 =	vor.u32 $0x5, v1;
	v4 =	vld.idx.msk [tilespmem:v29+s31+$0x0], $0xffff  }
0x48e: {  	v11 =	vld.idx.msk [tilespmem:v6+s30+$0x0], $0xffff;
	v2 =	vmul.f32 v2, v30  }
0x48f: {  	v32 =	vor.u32 $0x6, v1;
	v31 =	vld.idx.msk [tilespmem:v6+s31+$0x0], $0xffff  }
0x490: {  	v12 =	vld.idx.msk [tilespmem:v8+s30+$0x0], $0xffff;
	v3 =	vmul.f32 v3, v7;
	v2 =	vadd.f32 $0.0e+00, v2  }
0x491: {  	v34 =	vor.u32 $0x7, v1;
	v33 =	vld.idx.msk [tilespmem:v8+s31+$0x0], $0xffff  }
0x492: {  	v13 =	vld.idx.msk [tilespmem:v10+s30+$0x0], $0xffff;
	v2 =	vadd.f32 v3, v2;
	v3 =	vmul.f32 v4, v9  }
0x493: {  	v36 =	vor.u32 $0x8, v1;
	v35 =	vld.idx.msk [tilespmem:v10+s31+$0x0], $0xffff  }
0x494: {  	v37 =	vld.idx.msk [tilespmem:v32+s30+$0x0], $0xffff;
	v2 =	vadd.f32 v3, v2;
	v3 =	vmul.f32 v31, v11  }
0x495: {  	v39 =	vor.u32 $0x9, v1;
	v38 =	vld.idx.msk [tilespmem:v32+s31+$0x0], $0xffff  }
0x496: {  	v40 =	vld.idx.msk [tilespmem:v34+s30+$0x0], $0xffff;
	v2 =	vadd.f32 v3, v2;
	v3 =	vmul.f32 v33, v12  }
0x497: {  	v42 =	vor.u32 $0xA, v1;
	v41 =	vld.idx.msk [tilespmem:v34+s31+$0x0], $0xffff  }
0x498: {  	v43 =	vld.idx.msk [tilespmem:v36+s30+$0x0], $0xffff;
	v2 =	vadd.f32 v3, v2;
	v3 =	vmul.f32 v35, v13  }
0x499: {  	v45 =	vor.u32 $0xB, v1;
	v44 =	vld.idx.msk [tilespmem:v36+s31+$0x0], $0xffff  }
0x49a: {  	v46 =	vld.idx.msk [tilespmem:v39+s30+$0x0], $0xffff;
	v2 =	vadd.f32 v3, v2;
	v3 =	vmul.f32 v38, v37  }
0x49b: {  	v48 =	vor.u32 $0xC, v1;
	v47 =	vld.idx.msk [tilespmem:v39+s31+$0x0], $0xffff  }
0x49c: {  	v49 =	vld.idx.msk [tilespmem:v42+s30+$0x0], $0xffff;
	v2 =	vadd.f32 v3, v2;
	v3 =	vmul.f32 v41, v40  }
0x49d: {  	v51 =	vor.u32 $0xD, v1;
	v50 =	vld.idx.msk [tilespmem:v42+s31+$0x0], $0xffff  }
0x49e: {  	v52 =	vld.idx.msk [tilespmem:v45+s30+$0x0], $0xffff;
	v2 =	vadd.f32 v3, v2;
	v3 =	vmul.f32 v44, v43  }
0x49f: {  	v54 =	vor.u32 $0xE, v1;
	v53 =	vld.idx.msk [tilespmem:v45+s31+$0x0], $0xffff  }
0x4a0: {  	v55 =	vld.idx.msk [tilespmem:v48+s30+$0x0], $0xffff;
	v2 =	vadd.f32 v3, v2;
	v3 =	vmul.f32 v47, v46  }
0x4a1: {  	v57 =	vor.u32 $0xF, v1;
	v56 =	vld.idx.msk [tilespmem:v48+s31+$0x0], $0xffff  }
0x4a2: {  	v58 =	vld.idx.msk [tilespmem:v51+s30+$0x0], $0xffff;
	v2 =	vadd.f32 v3, v2;
	v3 =	vmul.f32 v50, v49  }
0x4a3: {  	v60 =	vor.u32 $0x10, v1;
	v59 =	vld.idx.msk [tilespmem:v51+s31+$0x0], $0xffff  }
0x4a4: {  	v61 =	vld.idx.msk [tilespmem:v54+s30+$0x0], $0xffff;
	v2 =	vadd.f32 v3, v2;
	v3 =	vmul.f32 v53, v52  }
0x4a5: {  	v63 =	vor.u32 $0x11, v1;
	v62 =	vld.idx.msk [tilespmem:v54+s31+$0x0], $0xffff  }
0x4a6: {  	v16 =	vld.idx.msk [tilespmem:v57+s30+$0x0], $0xffff;
	v2 =	vadd.f32 v3, v2;
	v3 =	vmul.f32 v56, v55  }
0x4a7: {  	v18 =	vor.u32 $0x12, v1;
	v17 =	vld.idx.msk [tilespmem:v57+s31+$0x0], $0xffff  }
0x4a8: {  	v19 =	vld.idx.msk [tilespmem:v60+s30+$0x0], $0xffff;
	v2 =	vadd.f32 v3, v2;
	v3 =	vmul.f32 v59, v58  }
0x4a9: {  	v21 =	vor.u32 $0x13, v1;
	v20 =	vld.idx.msk [tilespmem:v60+s31+$0x0], $0xffff  }
0x4aa: {  	v22 =	vld.idx.msk [tilespmem:v63+s30+$0x0], $0xffff;
	v2 =	vadd.f32 v3, v2;
	v3 =	vmul.f32 v62, v61  }
0x4ab: {  	v24 =	vor.u32 $0x14, v1;
	v23 =	vld.idx.msk [tilespmem:v63+s31+$0x0], $0xffff  }
0x4ac: {  	v25 =	vld.idx.msk [tilespmem:v18+s30+$0x0], $0xffff;
	v2 =	vadd.f32 v3, v2;
	v3 =	vmul.f32 v17, v16  }
0x4ad: {  	v27 =	vor.u32 $0x15, v1;
	v26 =	vld.idx.msk [tilespmem:v18+s31+$0x0], $0xffff  }
0x4ae: {  	v28 =	vld.idx.msk [tilespmem:v21+s30+$0x0], $0xffff;
	v2 =	vadd.f32 v3, v2;
	v3 =	vmul.f32 v20, v19  }
0x4af: {  	v29 =	vld.idx.msk [tilespmem:v21+s31+$0x0], $0xffff;
	v30 =	vor.u32 $0x16, v1  }
0x4b0: {  	v32 =	vld.idx.msk [tilespmem:v24+s31+$0x0], $0xffff;
	v2 =	vadd.f32 v3, v2;
	v3 =	vmul.f32 v23, v22  }
0x4b1: {  	v31 =	vld.idx.msk [tilespmem:v24+s30+$0x0], $0xffff;
	v33 =	vor.u32 $0x17, v1  }
0x4b2: {  	v34 =	vld.idx.msk [tilespmem:v27+s30+$0x0], $0xffff;
	v2 =	vadd.f32 v3, v2;
	v3 =	vmul.f32 v26, v25  }
0x4b3: {  	v36 =	vor.u32 $0x18, v1;
	v35 =	vld.idx.msk [tilespmem:v27+s31+$0x0], $0xffff  }
0x4b4: {  	v37 =	vld.idx.msk [tilespmem:v30+s30+$0x0], $0xffff;
	v2 =	vadd.f32 v3, v2;
	v3 =	vmul.f32 v29, v28  }
0x4b5: {  	v39 =	vor.u32 $0x19, v1;
	v38 =	vld.idx.msk [tilespmem:v30+s31+$0x0], $0xffff  }
0x4b6: {  	v40 =	vld.idx.msk [tilespmem:v33+s30+$0x0], $0xffff;
	v2 =	vadd.f32 v3, v2;
	v3 =	vmul.f32 v32, v31  }
0x4b7: {  	v42 =	vor.u32 $0x1A, v1;
	v41 =	vld.idx.msk [tilespmem:v33+s31+$0x0], $0xffff  }
0x4b8: {  	v43 =	vld.idx.msk [tilespmem:v36+s30+$0x0], $0xffff;
	v2 =	vadd.f32 v3, v2;
	v3 =	vmul.f32 v35, v34  }
0x4b9: {  	v45 =	vor.u32 $0x1B, v1;
	v44 =	vld.idx.msk [tilespmem:v36+s31+$0x0], $0xffff  }
0x4ba: {  	v46 =	vld.idx.msk [tilespmem:v39+s30+$0x0], $0xffff;
	v2 =	vadd.f32 v3, v2;
	v3 =	vmul.f32 v38, v37  }
0x4bb: {  	v48 =	vor.u32 $0x1C, v1;
	v47 =	vld.idx.msk [tilespmem:v39+s31+$0x0], $0xffff  }
0x4bc: {  	v49 =	vld.idx.msk [tilespmem:v42+s30+$0x0], $0xffff;
	v2 =	vadd.f32 v3, v2;
	v3 =	vmul.f32 v41, v40  }
0x4bd: {  	v51 =	vor.u32 $0x1D, v1;
	v50 =	vld.idx.msk [tilespmem:v42+s31+$0x0], $0xffff  }
0x4be: {  	v52 =	vld.idx.msk [tilespmem:v45+s30+$0x0], $0xffff;
	v2 =	vadd.f32 v3, v2;
	v3 =	vmul.f32 v44, v43  }
0x4bf: {  	v54 =	vor.u32 $0x1E, v1;
	v53 =	vld.idx.msk [tilespmem:v45+s31+$0x0], $0xffff  }
0x4c0: {  	v55 =	vld.idx.msk [tilespmem:v48+s30+$0x0], $0xffff;
	v2 =	vadd.f32 v3, v2;
	v3 =	vmul.f32 v47, v46  }
0x4c1: {  	v1 =	vor.u32 $0x1F, v1;
	v56 =	vld.idx.msk [tilespmem:v48+s31+$0x0], $0xffff  }
0x4c2: {  	v57 =	vld.idx.msk [tilespmem:v51+s30+$0x0], $0xffff;
	v2 =	vadd.f32 v3, v2;
	v3 =	vmul.f32 v50, v49  }
0x4c3: {  	v58 =	vld.idx.msk [tilespmem:v51+s31+$0x0], $0xffff  }
0x4c4: {  	v60 =	vld.idx.msk [tilespmem:v54+s31+$0x0], $0xffff;
	v2 =	vadd.f32 v3, v2;
	v3 =	vmul.f32 v53, v52  }
0x4c5: {  	v59 =	vld.idx.msk [tilespmem:v54+s30+$0x0], $0xffff  }
0x4c6: {  	v61 =	vld.idx.msk [tilespmem:v1+s30+$0x0], $0xffff;
	v2 =	vadd.f32 v3, v2;
	v3 =	vmul.f32 v56, v55  }
0x4c7: {  	v1 =	vld.idx.msk [tilespmem:v1+s31+$0x0], $0xffff  }
0x4c8: {  	v2 =	vadd.f32 v3, v2;
	v3 =	vmul.f32 v58, v57;
	_ =	sdelay $0x1  }
0x4c9: {  	v2 =	vadd.f32 v3, v2;
	v3 =	vmul.f32 v60, v59;
	_ =	sdelay $0x1  }
0x4ca: {  	v1 =	vmul.f32 v1, v61;
	v2 =	vadd.f32 v3, v2;
	_ =	sdelay $0x1  }
0x4cb: {  	v1 =	vadd.f32 v1, v2  }
0x4cc: {  	s22 =	sadd.s32 $0x10, s22  }
0x4cd: {  	[tilespmem:s22+$0x0] =	vst v1  }
0x4ce: {  	_ =	swait.ge [sflag:s16], $0x80  }
0x4cf: {  	[sflag:s16] =	ssyncset.done $0x0  }
0x4d0: {  	[sflag:s16] =	ssyncadd.s32 $0xFFFFFF80  }
0x4d1: {  	_ =	swait.ge [sflag:s16], $0x80  }
0x4d2: {  	[sflag:s16] =	ssyncset.done $0x0  }
0x4d3: {  	[sflag:s16] =	ssyncadd.s32 $0xFFFFFF80  }
0x4d4: {  	_ =	swait.ge [sflag:s16], $0x80  }
0x4d5: {  	[sflag:s16] =	ssyncset.done $0x0  }
0x4d6: {  	[sflag:s16] =	ssyncadd.s32 $0xFFFFFF80  }
0x4d7: {  	_ =	swait.ge [sflag:s16], $0x80  }
0x4d8: {  	[sflag:s16] =	ssyncset.done $0x0  }
0x4d9: {  	[sflag:s16] =	ssyncadd.s32 $0xFFFFFF80  }
0x4da: {  	_ =	swait.ge [sflag:s16], $0x80  }
0x4db: {  	[sflag:s16] =	ssyncset.done $0x0  }
0x4dc: {  	[sflag:s16] =	ssyncadd.s32 $0xFFFFFF80  }
0x4dd: {  	_ =	swait.ge [sflag:s16], $0x80  }
0x4de: {  	[sflag:s16] =	ssyncset.done $0x0  }
0x4df: {  	[sflag:s16] =	ssyncadd.s32 $0xFFFFFF80  }
0x4e0: {  	_ =	swait.ge [sflag:s16], $0x80  }
0x4e1: {  	[sflag:s16] =	ssyncset.done $0x0  }
0x4e2: {  	[sflag:s16] =	ssyncadd.s32 $0xFFFFFF80  }
0x4e3: {  	_ =	swait.ge [sflag:s16], $0x80  }
0x4e4: {  	[sflag:s16] =	ssyncset.done $0x0  }
0x4e5: {  	[sflag:s16] =	ssyncadd.s32 $0xFFFFFF80  }
0x4e6: {  	v1 =	vld [tilespmem:$0x10800]  }
0x4e7: {  	v2 =	vld [tilespmem:$0x400]  }
0x4e8: {  	v3 =	vld [tilespmem:$0x600]  }
0x4e9: {  	v4 =	vld [tilespmem:$0x10810]  }
0x4ea: {  	v5 =	vld [tilespmem:$0x410]  }
0x4eb: {  	v6 =	vld [tilespmem:$0x610]  }
0x4ec: {  	v7 =	vld [tilespmem:$0x10820]  }
0x4ed: {  	v8 =	vld [tilespmem:$0x420]  }
0x4ee: {  	v9 =	vld [tilespmem:$0x620]  }
0x4ef: {  	v10 =	vld [tilespmem:$0x10830]  }
0x4f0: {  	v11 =	vld [tilespmem:$0x430]  }
0x4f1: {  	v12 =	vld [tilespmem:$0x630]  }
0x4f2: {  	v13 =	vld [tilespmem:$0x10840]  }
0x4f3: {  	v14 =	vld [tilespmem:$0x440]  }
0x4f4: {  	v15 =	vld [tilespmem:$0x640]  }
0x4f5: {  	v16 =	vld [tilespmem:$0x10850]  }
0x4f6: {  	v17 =	vld [tilespmem:$0x450]  }
0x4f7: {  	v18 =	vld [tilespmem:$0x650]  }
0x4f8: {  	v19 =	vld [tilespmem:$0x10860]  }
0x4f9: {  	v20 =	vld [tilespmem:$0x460]  }
0x4fa: {  	v21 =	vld [tilespmem:$0x660]  }
0x4fb: {  	v22 =	vld [tilespmem:$0x10870]  }
0x4fc: {  	v23 =	vld [tilespmem:$0x470]  }
0x4fd: {  	v24 =	vld [tilespmem:$0x670]  }
0x4fe: {  	v25 =	vld [tilespmem:$0x10880]  }
0x4ff: {  	v26 =	vld [tilespmem:$0x480]  }
0x500: {  	v27 =	vld [tilespmem:$0x680]  }
0x501: {  	v28 =	vld [tilespmem:$0x10890]  }
0x502: {  	v29 =	vld [tilespmem:$0x490]  }
0x503: {  	v30 =	vld [tilespmem:$0x690]  }
0x504: {  	v31 =	vld [tilespmem:$0x108A0]  }
0x505: {  	v32 =	vld [tilespmem:$0x4A0]  }
0x506: {  	v33 =	vld [tilespmem:$0x6A0]  }
0x507: {  	v34 =	vld [tilespmem:$0x108B0]  }
0x508: {  	v35 =	vld [tilespmem:$0x4B0]  }
0x509: {  	v36 =	vld [tilespmem:$0x6B0]  }
0x50a: {  	v37 =	vld [tilespmem:$0x108C0]  }
0x50b: {  	v38 =	vld [tilespmem:$0x4C0]  }
0x50c: {  	v39 =	vld [tilespmem:$0x6C0]  }
0x50d: {  	v40 =	vld [tilespmem:$0x108D0]  }
0x50e: {  	v41 =	vld [tilespmem:$0x4D0]  }
0x50f: {  	v42 =	vld [tilespmem:$0x6D0]  }
0x510: {  	v43 =	vld [tilespmem:$0x108E0]  }
0x511: {  	v44 =	vld [tilespmem:$0x4E0]  }
0x512: {  	v45 =	vld [tilespmem:$0x6E0]  }
0x513: {  	v46 =	vld [tilespmem:$0x108F0]  }
0x514: {  	v47 =	vld [tilespmem:$0x4F0]  }
0x515: {  	v48 =	vld [tilespmem:$0x6F0]  }
0x516: {  	v49 =	vld [tilespmem:$0x10900]  }
0x517: {  	v50 =	vld [tilespmem:$0x500]  }
0x518: {  	v57 =	vld [tilespmem:$0x700]  }
0x519: {  	v52 =	vld [tilespmem:$0x10910]  }
0x51a: {  	v53 =	vld [tilespmem:$0x510]  }
0x51b: {  	v60 =	vld [tilespmem:$0x710]  }
0x51c: {  	v55 =	vld [tilespmem:$0x10920]  }
0x51d: {  	v56 =	vld [tilespmem:$0x520]  }
0x51e: {  	v51 =	vld [tilespmem:$0x720]  }
0x51f: {  	v58 =	vld [tilespmem:$0x10930]  }
0x520: {  	v62 =	vld [tilespmem:$0x730]  }
0x521: {  	v63 =	vld [tilespmem:$0x740]  }
0x522: {  	v59 =	vld [tilespmem:$0x530]  }
0x523: {  	v61 =	vld [tilespmem:$0x10940];
	v1 =	vadd.f32 v2, v1  }
0x524: {  	v54 =	vld [tilespmem:$0x10950];
	[tilespmem:$0x1FFC0] =	vst v51  }
0x525: {  	[tilespmem:$0x1FFD0] =	vst v62;
	v62 =	vld [tilespmem:$0x540];
	v1 =	vadd.f32 v3, v1;
	v3 =	vadd.f32 v8, v7  }
0x526: {  	[tilespmem:$0x1FFE0] =	vst v63;
	v51 =	vld [tilespmem:$0x550]  }
0x527: {  	v63 =	vld [tilespmem:$0x750];
	[tilespmem:$0x10800] =	vst v1;
	v1 =	vadd.f32 v9, v3;
	v3 =	vadd.f32 v14, v13  }
0x528: {  	v2 =	vld [tilespmem:$0x560];
	v4 =	vadd.f32 v5, v4  }
0x529: {  	v5 =	vld [tilespmem:$0x760];
	[tilespmem:$0x10820] =	vst v1;
	v1 =	vadd.f32 v15, v3;
	v3 =	vadd.f32 v20, v19  }
0x52a: {  	v7 =	vld [tilespmem:$0x10970]  }
0x52b: {  	v8 =	vld [tilespmem:$0x570];
	[tilespmem:$0x10840] =	vst v1;
	v1 =	vadd.f32 v21, v3;
	v3 =	vadd.f32 v26, v25  }
0x52c: {  	v4 =	vadd.f32 v6, v4;
	v6 =	vadd.f32 v11, v10;
	v10 =	vld [tilespmem:$0x10980]  }
0x52d: {  	v11 =	vld [tilespmem:$0x580];
	[tilespmem:$0x10860] =	vst v1;
	v1 =	vadd.f32 v27, v3;
	v3 =	vadd.f32 v32, v31  }
0x52e: {  	v9 =	vld [tilespmem:$0x770];
	v14 =	vadd.f32 v12, v6  }
0x52f: {  	v12 =	vld [tilespmem:$0x780];
	[tilespmem:$0x10880] =	vst v1;
	v1 =	vadd.f32 v33, v3;
	v3 =	vadd.f32 v38, v37  }
0x530: {  	v13 =	vld [tilespmem:$0x10990];
	[tilespmem:$0x1FFF0] =	vst v63  }
0x531: {  	v63 =	vld [tilespmem:$0x10960];
	[tilespmem:$0x108A0] =	vst v1;
	v1 =	vadd.f32 v39, v3;
	v3 =	vadd.f32 v44, v43  }
0x532: {  	[tilespmem:$0x10830] =	vst v14;
	v14 =	vld [tilespmem:$0x590]  }
0x533: {  	v15 =	vld [tilespmem:$0x790];
	[tilespmem:$0x108C0] =	vst v1;
	v1 =	vadd.f32 v45, v3;
	v3 =	vadd.f32 v50, v49  }
0x534: {  	v25 =	vadd.f32 v29, v28;
	v28 =	vld [tilespmem:$0x109A0]  }
0x535: {  	v29 =	vld [tilespmem:$0x5A0];
	[tilespmem:$0x108E0] =	vst v1;
	v1 =	vadd.f32 v57, v3  }
0x536: {  	v32 =	vld [tilespmem:$0x7A0]  }
0x537: {  	v23 =	vadd.f32 v23, v22;
	[tilespmem:$0x10900] =	vst v1;
	v1 =	vld [tilespmem:$0x1FFC0]  }
0x538: {  	v17 =	vadd.f32 v17, v16;
	v31 =	vadd.f32 v41, v40;
	v40 =	vld [tilespmem:$0x109C0]  }
0x539: {  	v24 =	vadd.f32 v24, v23;
	v27 =	vadd.f32 v35, v34;
	v41 =	vld [tilespmem:$0x5C0]  }
0x53a: {  	v35 =	vadd.f32 v47, v46;
	v46 =	vld [tilespmem:$0x1FFD0];
	v3 =	vadd.f32 v56, v55  }
0x53b: {  	[tilespmem:$0x10810] =	vst v4;
	v20 =	vadd.f32 v18, v17;
	v47 =	vadd.f32 v51, v54;
	v51 =	vld [tilespmem:$0x109E0]  }
0x53c: {  	[tilespmem:$0x10870] =	vst v24;
	v33 =	vld [tilespmem:$0x109B0];
	v1 =	vadd.f32 v1, v3  }
0x53d: {  	[tilespmem:$0x10850] =	vst v20;
	v26 =	vadd.f32 v30, v25;
	v30 =	vadd.f32 v36, v27;
	v36 =	vld [tilespmem:$0x5B0]  }
0x53e: {  	[tilespmem:$0x10920] =	vst v1;
	v1 =	vld [tilespmem:$0x1FFE0]  }
0x53f: {  	[tilespmem:$0x10890] =	vst v26;
	v34 =	vadd.f32 v42, v31;
	v37 =	vld [tilespmem:$0x7B0];
	v39 =	vadd.f32 v53, v52  }
0x540: {  	v38 =	vadd.f32 v48, v35;
	v48 =	vld [tilespmem:$0x5D0];
	[tilespmem:$0x108B0] =	vst v30;
	v43 =	vadd.f32 v59, v58  }
0x541: {  	[tilespmem:$0x108D0] =	vst v34;
	v44 =	vld [tilespmem:$0x7C0];
	v42 =	vadd.f32 v60, v39;
	v3 =	vadd.f32 v62, v61  }
0x542: {  	[tilespmem:$0x108F0] =	vst v38;
	v52 =	vld [tilespmem:$0x5E0];
	v4 =	vadd.f32 v46, v43;
	v50 =	vadd.f32 v8, v7  }
0x543: {  	v2 =	vadd.f32 v2, v63;
	v49 =	vld [tilespmem:$0x1FFF0];
	[tilespmem:$0x10910] =	vst v42;
	v1 =	vadd.f32 v1, v3  }
0x544: {  	v54 =	vadd.f32 v14, v13;
	v45 =	vld [tilespmem:$0x109D0];
	[tilespmem:$0x10930] =	vst v4;
	v53 =	vadd.f32 v9, v50  }
0x545: {  	v55 =	vld [tilespmem:$0x109F0];
	[tilespmem:$0x10940] =	vst v1;
	v1 =	vadd.f32 v5, v2;
	v2 =	vadd.f32 v11, v10  }
0x546: {  	v56 =	vld [tilespmem:$0x5F0];
	v57 =	vadd.f32 v15, v54;
	[tilespmem:$0x10970] =	vst v53  }
0x547: {  	v3 =	vld [tilespmem:$0x7D0];
	[tilespmem:$0x10960] =	vst v1;
	v1 =	vadd.f32 v12, v2;
	v2 =	vadd.f32 v29, v28  }
0x548: {  	v59 =	vld [tilespmem:$0x7E0];
	v58 =	vadd.f32 v36, v33;
	[tilespmem:$0x10990] =	vst v57;
	v4 =	vadd.f32 v49, v47  }
0x549: {  	v60 =	vld [tilespmem:$0x7F0];
	[tilespmem:$0x10980] =	vst v1;
	v1 =	vadd.f32 v32, v2;
	v2 =	vadd.f32 v41, v40  }
0x54a: {  	[tilespmem:$0x10950] =	vst v4;
	v61 =	vadd.f32 v37, v58;
	v62 =	vadd.f32 v48, v45  }
0x54b: {  	[tilespmem:$0x109A0] =	vst v1;
	v1 =	vadd.f32 v44, v2;
	v2 =	vadd.f32 v52, v51  }
0x54c: {  	v63 =	vadd.f32 v56, v55;
	[tilespmem:$0x109B0] =	vst v61;
	v3 =	vadd.f32 v3, v62  }
0x54d: {  	[tilespmem:$0x109C0] =	vst v1;
	v1 =	vadd.f32 v59, v2  }
0x54e: {  	s20 =	sadd.s32 $0x1, s20;
	[tilespmem:$0x109D0] =	vst v3;
	v2 =	vadd.f32 v60, v63  }
0x54f: {  	p0 =	sne.s32 s20, s10;
	[tilespmem:$0x109E0] =	vst v1  }
.Ltmp4:
0x550: {  	[tilespmem:$0x109F0] =	vst v2;
	(pc) =	sbr.rel @p0 .LBB2_1-.Ltmp4, $4  }
0x551: {  	[hbm4b:s9+s2] =	stream.linear.scatter [tilespmem:s18], [sflag:$0x6], $0x200, $0x38;
	[tilespmem:$0x10A00] =	vst v63  }
0x552: {  	_ =	swait.ge [sflag:s11], $0x200  }
0x553: {  	[sflag:s11] =	ssyncset.done $0x0  }
0x554: {  	[sflag:s11] =	ssyncadd.s32 $0xFFFFFE00  }
0x555: {  	_ =	sfence.sel $0x180000  }
0x556: {  	[bflag:$0x0] =	sbarrier.arrive $0xFFFF  }
0x557: {  	_ =	strace $0x90000047  }
0x558: {  	s0 =	stileid.u32;
	[bflag:$0x2] =	sbarrier.arrive $0xFFFF  }
0x559: {  	p0 =	sne.s32 s0, $0x0;
	s0 =	rddreg [dreg:$0x4]  }
0x55a: {  	s0 =	sadd.s32 @!p0 $0x100000, s0  }
0x55b: {  	[sflag:s0] =	ssyncadd.tile.s32 @!p0 $0x1;
	_ =	shalt  }
.Lfunc_end2:
_tile_overlayer_lowered:
.L_overlay_start_2:
0x55c: {  	(tag) =	ssettag $0x2  }
0x55d: {  	s0 =	rddreg [dreg:$0x0];
	s2 =	stileid.u32  }
0x55e: {  	s1 =	rddreg [dreg:$0x1];
	p0 =	sne.s32 s2, $0x0  }
0x55f: {  	s3 =	rddreg [dreg:$0x2];
	[bflag:$0x3] =	sbarrier.arrive $0xFFFF;
	s2 =	simm.s32 @!p0 $0x1C06  }
0x560: {  	[timem:s3], [sflag:s2] =	dma.local @!p0 [hbm:s0], s1  }
0x561: {  	s0 =	simm.s32 @!p0 $0x6  }
0x562: {  	_ =	swait.ge @!p0 [sflag:s0], s1  }
0x563: {  	s1 =	ssub.s32 @!p0 $0x0, s1;
	[sflag:s0] =	ssyncset.done @!p0 $0x0  }
0x564: {  	[sflag:s0] =	ssyncadd.s32 @!p0 s1  }
0x565: {  	[bflag:$0x3] =	sbarrier.arrive $0xFFFF  }
0x566: {  	_ =	shalt  }

</sc_bundles>
